<compile_context>
chip_gen: v7x
topology: tpu7x:2x2x1
jax: 0.10.2.dev20260603
libtpu: 0.0.44.dev20260713+nightly
codegen_flags: <defaults>
</compile_context>

<pallas_src>
import functools

import jax
import jax.numpy as jnp
from jax import lax
from jax.experimental import pallas as pl
from jax.experimental.pallas import tpu as pltpu
from jax.experimental.pallas import tpu_sc as plsc

NC = 2
NS = 16
K = 128



def _remap_cols(cidx, base_node, nh):
    for j in range(K // 16):
        v = cidx[pl.ds(j * 16, 16)] - base_node
        ok = (v >= 0) & (v < nh)
        cidx[pl.ds(j * 16, 16)] = jnp.where(ok, v, nh)


def _sc_degree(col, zeros, ones_k, n_nodes, d):
    e = col.shape[0]
    ew = e // NS
    nb = ew // K
    nh = n_nodes // NC
    mesh = plsc.VectorSubcoreMesh(core_axis_name="c", subcore_axis_name="s")

    @functools.partial(
        pl.kernel,
        out_type=jax.ShapeDtypeStruct((NC, nh + 8, d), jnp.float32),
        mesh=mesh,
        scratch_types=[
            pltpu.VMEM((K,), jnp.int32),
            pltpu.VMEM((K, d), jnp.float32),
            pltpu.VMEM_SHARED((nh + 8, d), jnp.float32),
        ],
    )
    def k(col_h, z_h, ones_h, out_h, cidx, onev, acc):
        c = lax.axis_index("c")
        s = lax.axis_index("s")
        base_node = c * nh

        @pl.when(s == 0)
        def _():
            pltpu.sync_copy(z_h, acc)

        pltpu.sync_copy(ones_h, onev)
        plsc.subcore_barrier()

        def body(i, carry):
            b = s * ew + i * K
            pltpu.sync_copy(col_h.at[pl.ds(b, K)], cidx)
            _remap_cols(cidx, base_node, nh)
            pltpu.sync_copy(onev, acc.at[cidx], add=True)
            return carry

        lax.fori_loop(0, nb, body, 0)
        plsc.subcore_barrier()

        @pl.when(s == 0)
        def _():
            pltpu.sync_copy(acc, out_h.at[c])

    return k(col, zeros, ones_k)


def _sc_aggregate(hp, row, col, zeros, n_nodes, d):
    e = row.shape[0]
    ew = e // NS
    nb = ew // K
    nh = n_nodes // NC
    mesh = plsc.VectorSubcoreMesh(core_axis_name="c", subcore_axis_name="s")

    assert nb % 2 == 0

    @functools.partial(
        pl.kernel,
        out_type=jax.ShapeDtypeStruct((NC, nh + 8, d), jnp.float32),
        mesh=mesh,
        scratch_types=[
            pltpu.VMEM((K,), jnp.int32),
            pltpu.VMEM((K,), jnp.int32),
            pltpu.VMEM((K,), jnp.int32),
            pltpu.VMEM((K,), jnp.int32),
            pltpu.VMEM((K, d), jnp.float32),
            pltpu.VMEM((K, d), jnp.float32),
            pltpu.VMEM_SHARED((nh + 8, d), jnp.float32),
            pltpu.SemaphoreType.DMA,
            pltpu.SemaphoreType.DMA,
            pltpu.SemaphoreType.DMA,
        ],
    )
    def k(hp_h, row_h, col_h, z_h, out_h, ridxA, ridxB, cidxA, cidxB,
          rbufA, rbufB, acc, gsemA, gsemB, isem):
        c = lax.axis_index("c")
        s = lax.axis_index("s")
        base_node = c * nh
        b0 = s * ew

        @pl.when(s == 0)
        def _():
            pltpu.sync_copy(z_h, acc)

        pltpu.sync_copy(row_h.at[pl.ds(b0, K)], ridxA)
        pltpu.sync_copy(col_h.at[pl.ds(b0, K)], cidxA)
        pltpu.async_copy(hp_h.at[ridxA], rbufA, gsemA)
        pltpu.async_copy(row_h.at[pl.ds(b0 + K, K)], ridxB, isem)
        pltpu.async_copy(col_h.at[pl.ds(b0 + K, K)], cidxB, isem)
        plsc.subcore_barrier()

        def halfstep(i, ridx, cidx, rbuf, gsem, ridx_o, cidx_o, rbuf_o,
                     gsem_o):
            pltpu.make_async_copy(hp_h.at[ridx], rbuf, gsem).wait()

            @pl.when(i + 1 < nb)
            def _():
                pltpu.make_async_copy(row_h.at[pl.ds(b0, K)], ridx_o,
                                      isem).wait()
                pltpu.make_async_copy(col_h.at[pl.ds(b0, K)], cidx_o,
                                      isem).wait()
                pltpu.async_copy(hp_h.at[ridx_o], rbuf_o, gsem_o)

            _remap_cols(cidx, base_node, nh)
            pltpu.sync_copy(rbuf, acc.at[cidx], add=True)

            @pl.when(i + 2 < nb)
            def _():
                b2 = b0 + (i + 2) * K
                pltpu.async_copy(row_h.at[pl.ds(b2, K)], ridx, isem)
                pltpu.async_copy(col_h.at[pl.ds(b2, K)], cidx, isem)

        def body(m, carry):
            halfstep(2 * m, ridxA, cidxA, rbufA, gsemA,
                     ridxB, cidxB, rbufB, gsemB)
            halfstep(2 * m + 1, ridxB, cidxB, rbufB, gsemB,
                     ridxA, cidxA, rbufA, gsemA)
            return carry

        lax.fori_loop(0, nb // 2, body, 0)
        plsc.subcore_barrier()

        @pl.when(s == 0)
        def _():
            pltpu.sync_copy(acc, out_h.at[c])

    return k(hp, row, col, zeros)



def _knots(gref):
    return [gref[0, j] for j in range(12)]


def _kan_body(x, ts, bwT, swT_ref, scT):
    sig = 1.0 / (1.0 + jnp.exp(-x))
    out = jnp.dot(x * sig, bwT, preferred_element_type=jnp.float32)
    b = [jnp.where((x >= ts[j]) & (x < ts[j + 1]), 1.0, 0.0) for j in range(11)]
    for k in range(1, 4):
        b = [(x - ts[j]) * (1.0 / (ts[j + k] - ts[j])) * b[j]
             + (ts[j + k + 1] - x) * (1.0 / (ts[j + k + 1] - ts[j + 1])) * b[j + 1]
             for j in range(11 - k)]
    for j in range(8):
        out = out + jnp.dot(b[j], swT_ref[:, j, :] * scT,
                            preferred_element_type=jnp.float32)
    return out


def _dinv_block(dref):
    deg = dref[...][0][:, 0:1] + 1.0
    return 1.0 / jnp.sqrt(deg)


def _kan_prescale(x, degp, grow, bwT, swT, scT, blk):
    n, din = x.shape
    h = bwT.shape[1]
    bpp = (n // NC) // blk

    def body(xr, dr, gr, bwr, swr, scr, outr):
        ts = _knots(gr)
        outr[...] = _dinv_block(dr) * _kan_body(xr[...], ts, bwr[...], swr,
                                                scr[...])

    return pl.pallas_call(
        body,
        grid=(n // blk,),
        in_specs=[
            pl.BlockSpec((blk, din), lambda i: (i, 0)),
            pl.BlockSpec((1, blk, h), lambda i: (i // bpp, i % bpp, 0)),
            pl.BlockSpec(memory_space=pltpu.SMEM),
            pl.BlockSpec((din, h), lambda i: (0, 0)),
            pl.BlockSpec((din, 8, h), lambda i: (0, 0, 0)),
            pl.BlockSpec((din, h), lambda i: (0, 0)),
        ],
        out_specs=pl.BlockSpec((blk, h), lambda i: (i, 0)),
        out_shape=jax.ShapeDtypeStruct((n, h), jnp.float32),
    )(x, degp, grow, bwT, swT, scT)


def _combine_stats(parts, hp, degp, bias, blk):
    n, h = hp.shape
    bpp = (n // NC) // blk

    def body(pr, hr, dr, br, tr, sr, ssr):
        t = _dinv_block(dr) * (pr[...][0] + hr[...]) + br[...]
        tr[...] = t

        @pl.when(pl.program_id(0) == 0)
        def _():
            sr[...] = jnp.zeros_like(sr)
            ssr[...] = jnp.zeros_like(ssr)

        sr[...] += jnp.sum(t, axis=0, keepdims=True)
        ssr[...] += jnp.sum(t * t, axis=0, keepdims=True)

    return pl.pallas_call(
        body,
        grid=(n // blk,),
        in_specs=[
            pl.BlockSpec((1, blk, h), lambda i: (i // bpp, i % bpp, 0)),
            pl.BlockSpec((blk, h), lambda i: (i, 0)),
            pl.BlockSpec((1, blk, h), lambda i: (i // bpp, i % bpp, 0)),
            pl.BlockSpec((1, h), lambda i: (0, 0)),
        ],
        out_specs=[
            pl.BlockSpec((blk, h), lambda i: (i, 0)),
            pl.BlockSpec((1, h), lambda i: (0, 0)),
            pl.BlockSpec((1, h), lambda i: (0, 0)),
        ],
        out_shape=[
            jax.ShapeDtypeStruct((n, h), jnp.float32),
            jax.ShapeDtypeStruct((1, h), jnp.float32),
            jax.ShapeDtypeStruct((1, h), jnp.float32),
        ],
    )(parts, hp, degp, bias)


def _bn_block(t, sr, ssr, gammar, betar, n):
    mu = sr[...] / n
    var = ssr[...] / n - mu * mu
    return (t - mu) / jnp.sqrt(var + 1e-5) * gammar[...] + betar[...]


def _bn_kan_prescale(t, s, ss, gamma, beta, degp, grow, bwT, swT, scT, blk):
    n, h = t.shape
    hout = bwT.shape[1]
    bpp = (n // NC) // blk

    def body(tr, sr, ssr, gr_g, gr_b, dr, gr, bwr, swr, scr, bnr, hpr):
        bn = _bn_block(tr[...], sr, ssr, gr_g, gr_b, n)
        bnr[...] = bn
        ts = _knots(gr)
        hpr[...] = _dinv_block(dr) * _kan_body(bn, ts, bwr[...], swr, scr[...])

    return pl.pallas_call(
        body,
        grid=(n // blk,),
        in_specs=[
            pl.BlockSpec((blk, h), lambda i: (i, 0)),
            pl.BlockSpec((1, h), lambda i: (0, 0)),
            pl.BlockSpec((1, h), lambda i: (0, 0)),
            pl.BlockSpec((1, h), lambda i: (0, 0)),
            pl.BlockSpec((1, h), lambda i: (0, 0)),
            pl.BlockSpec((1, blk, h), lambda i: (i // bpp, i % bpp, 0)),
            pl.BlockSpec(memory_space=pltpu.SMEM),
            pl.BlockSpec((h, hout), lambda i: (0, 0)),
            pl.BlockSpec((h, 8, hout), lambda i: (0, 0, 0)),
            pl.BlockSpec((h, hout), lambda i: (0, 0)),
        ],
        out_specs=[
            pl.BlockSpec((blk, h), lambda i: (i, 0)),
            pl.BlockSpec((blk, hout), lambda i: (i, 0)),
        ],
        out_shape=[
            jax.ShapeDtypeStruct((n, h), jnp.float32),
            jax.ShapeDtypeStruct((n, hout), jnp.float32),
        ],
    )(t, s, ss, gamma, beta, degp, grow, bwT, swT, scT)


def _final(t1, s1, ss1, gamma, beta, x, bn0, grow, wparts, blk, ncls):
    n, h = t1.shape
    din = x.shape[1]
    (bw_x, sw_x, sc_x), (bw_a, sw_a, sc_a), (bw_b, sw_b, sc_b) = wparts

    def body(tr, sr, ssr, gr_g, gr_b, xr, bn0r, gr,
             bwxr, swxr, scxr, bwar, swar, scar, bwbr, swbr, scbr, outr):
        bn1 = _bn_block(tr[...], sr, ssr, gr_g, gr_b, n)
        ts = _knots(gr)
        z = (_kan_body(xr[...], ts, bwxr[...], swxr, scxr[...])
             + _kan_body(bn0r[...], ts, bwar[...], swar, scar[...])
             + _kan_body(bn1, ts, bwbr[...], swbr, scbr[...]))
        m = jnp.max(z, axis=1, keepdims=True)
        sh = z - m
        outr[...] = sh - jnp.log(jnp.sum(jnp.exp(sh), axis=1, keepdims=True))

    wspec = lambda a, b: pl.BlockSpec((a, b), lambda i: (0, 0))
    wspec3 = lambda a, b: pl.BlockSpec((a, 8, b), lambda i: (0, 0, 0))
    return pl.pallas_call(
        body,
        grid=(n // blk,),
        in_specs=[
            pl.BlockSpec((blk, h), lambda i: (i, 0)),
            pl.BlockSpec((1, h), lambda i: (0, 0)),
            pl.BlockSpec((1, h), lambda i: (0, 0)),
            pl.BlockSpec((1, h), lambda i: (0, 0)),
            pl.BlockSpec((1, h), lambda i: (0, 0)),
            pl.BlockSpec((blk, din), lambda i: (i, 0)),
            pl.BlockSpec((blk, h), lambda i: (i, 0)),
            pl.BlockSpec(memory_space=pltpu.SMEM),
            wspec(din, ncls), wspec3(din, ncls), wspec(din, ncls),
            wspec(h, ncls), wspec3(h, ncls), wspec(h, ncls),
            wspec(h, ncls), wspec3(h, ncls), wspec(h, ncls),
        ],
        out_specs=pl.BlockSpec((blk, ncls), lambda i: (i, 0)),
        out_shape=jax.ShapeDtypeStruct((n, ncls), jnp.float32),
    )(t1, s1, ss1, gamma, beta, x, bn0,
      grow, bw_x, sw_x, sc_x, bw_a, sw_a, sc_a, bw_b, sw_b, sc_b)



def kernel(x, edge_index, grid0, base_w0, spline_w0, scaler0, bias0, gamma0,
           beta0, grid1, base_w1, spline_w1, scaler1, bias1, gamma1, beta1,
           grid_out, base_w_out, spline_w_out, scaler_out):
    n, din = x.shape
    e = edge_index.shape[1]
    hid = base_w0.shape[0]
    ncls = base_w_out.shape[0]
    blk = 1000
    assert n % blk == 0 and (n // NC) % blk == 0 and n % NC == 0

    row = edge_index[0]
    col = edge_index[1]
    nh = n // NC
    chunk = NS * K * 2
    e_pad = ((e + chunk - 1) // chunk) * chunk
    row_p = jnp.concatenate([row, jnp.zeros((e_pad - e,), jnp.int32)])
    col_p = jnp.concatenate([col, jnp.full((e_pad - e,), n, jnp.int32)])
    zeros_pad = jnp.zeros((nh + 8, hid), jnp.float32)
    ones_k = jnp.ones((K, hid), jnp.float32)

    bwT0 = base_w0.T
    swT0 = jnp.transpose(spline_w0, (1, 2, 0))
    scT0 = scaler0.T
    bwT1 = base_w1.T
    swT1 = jnp.transpose(spline_w1, (1, 2, 0))
    scT1 = scaler1.T
    bwTo = base_w_out.T
    swTo = jnp.transpose(spline_w_out, (1, 2, 0))
    scTo = scaler_out.T
    d0, d1 = din, din + hid
    wparts = (
        (bwTo[:d0], swTo[:d0], scTo[:d0]),
        (bwTo[d0:d1], swTo[d0:d1], scTo[d0:d1]),
        (bwTo[d1:], swTo[d1:], scTo[d1:]),
    )
    g0 = grid0[0:1]
    g1 = grid1[0:1]
    go = grid_out[0:1]

    degp = _sc_degree(col_p, zeros_pad, ones_k, n, hid)

    hp0 = _kan_prescale(x, degp, g0, bwT0, swT0, scT0, blk)
    p0 = _sc_aggregate(hp0, row_p, col_p, zeros_pad, n, hid)
    t0, s0, ss0 = _combine_stats(p0, hp0, degp, bias0[None, :], blk)

    bn0, hp1 = _bn_kan_prescale(t0, s0, ss0, gamma0[None, :], beta0[None, :],
                                degp, g1, bwT1, swT1, scT1, blk)
    p1 = _sc_aggregate(hp1, row_p, col_p, zeros_pad, n, hid)
    t1, s1, ss1 = _combine_stats(p1, hp1, degp, bias1[None, :], blk)

    return _final(t1, s1, ss1, gamma1[None, :], beta1[None, :], x, bn0,
                  go, wparts, blk, ncls)

# --- scband reference (transcript-rebuilt; emitter-appended) ---
"""Pipeline reference for scband-gkan-nodes-70609262346476 (READ-ONLY COPY).

The authoritative reference and input builder live on the scoring server;
editing this copy changes nothing except your own understanding.
"""

import jax, jax.numpy as jnp
import numpy as np

SPLINE_ORDER = 3
GRID_SIZE = 5
N_NODES = 10000
N_EDGES = 320000
D_IN = 128
HID = 128
N_CLASSES = 40

def make_grid(in_features):
    h = 2.0 / GRID_SIZE
    g = jnp.arange(-SPLINE_ORDER, GRID_SIZE + SPLINE_ORDER + 1, dtype=jnp.float32) * h - 1.0
    return jnp.tile(g[None, :], (in_features, 1))

def b_splines(x, grid):
    xe = x[:, :, None]
    bases = ((xe >= grid[:, :-1]) & (xe < grid[:, 1:])).astype(x.dtype)
    for k in range(1, SPLINE_ORDER + 1):
        left = (xe - grid[:, :-(k + 1)]) / (grid[:, k:-1] - grid[:, :-(k + 1)]) * bases[:, :, :-1]
        right = (grid[:, k + 1:] - xe) / (grid[:, k + 1:] - grid[:, 1:-k]) * bases[:, :, 1:]
        bases = left + right
    return bases

def kan_linear(x, grid, base_w, spline_w, scaler):
    base_out = jax.nn.silu(x) @ base_w.T
    b = b_splines(x, grid)
    sw = spline_w * scaler[:, :, None]
    spline_out = b.reshape(x.shape[0], -1) @ sw.reshape(sw.shape[0], -1).T
    return base_out + spline_out

def gcn_conv(x, edge_index, grid, base_w, spline_w, scaler, bias):
    n = x.shape[0]
    loops = jnp.arange(n, dtype=edge_index.dtype)
    row = jnp.concatenate([edge_index[0], loops])
    col = jnp.concatenate([edge_index[1], loops])
    deg = jnp.zeros((n,), x.dtype).at[col].add(1.0)
    dinv = jnp.where(deg > 0, 1.0 / jnp.sqrt(deg), 0.0)
    norm = dinv[row] * dinv[col]
    h = kan_linear(x, grid, base_w, spline_w, scaler)
    msg = h[row] * norm[:, None]
    out = jnp.zeros((n, h.shape[1]), x.dtype).at[col].add(msg)
    return out + bias

def batch_norm(x, gamma, beta, eps=1e-5):
    mu = jnp.mean(x, axis=0)
    var = jnp.var(x, axis=0)
    return (x - mu) / jnp.sqrt(var + eps) * gamma + beta

def setup_inputs(seed: int = 0):
    key = jax.random.key(seed)
    ks = jax.random.split(key, 24)
    coeff = GRID_SIZE + SPLINE_ORDER
    d_cat = D_IN + 2 * HID
    inp = {}
    inp["x"] = jax.random.normal(ks[0], (N_NODES, D_IN), jnp.float32)
    inp["edge_index"] = jax.random.randint(ks[1], (2, N_EDGES), 0, N_NODES, jnp.int32)
    inp["grid0"] = make_grid(D_IN)
    inp["base_w0"] = jax.random.normal(ks[2], (HID, D_IN), jnp.float32) * 0.05
    inp["spline_w0"] = jax.random.normal(ks[3], (HID, D_IN, coeff), jnp.float32) * 0.05
    inp["scaler0"] = jnp.ones((HID, D_IN), jnp.float32)
    inp["bias0"] = jnp.zeros((HID,), jnp.float32)
    inp["gamma0"] = jnp.ones((HID,), jnp.float32)
    inp["beta0"] = jnp.zeros((HID,), jnp.float32)
    inp["grid1"] = make_grid(HID)
    inp["base_w1"] = jax.random.normal(ks[4], (HID, HID), jnp.float32) * 0.05
    inp["spline_w1"] = jax.random.normal(ks[5], (HID, HID, coeff), jnp.float32) * 0.05
    inp["scaler1"] = jnp.ones((HID, HID), jnp.float32)
    inp["bias1"] = jnp.zeros((HID,), jnp.float32)
    inp["gamma1"] = jnp.ones((HID,), jnp.float32)
    inp["beta1"] = jnp.zeros((HID,), jnp.float32)
    inp["grid_out"] = make_grid(d_cat)
    inp["base_w_out"] = jax.random.normal(ks[6], (N_CLASSES, d_cat), jnp.float32) * 0.05
    inp["spline_w_out"] = jax.random.normal(ks[7], (N_CLASSES, d_cat, coeff), jnp.float32) * 0.05
    inp["scaler_out"] = jnp.ones((N_CLASSES, d_cat), jnp.float32)
    return inp

def reference(x, edge_index, grid0, base_w0, spline_w0, scaler0, bias0, gamma0, beta0, grid1, base_w1, spline_w1, scaler1, bias1, gamma1, beta1, grid_out, base_w_out, spline_w_out, scaler_out):
    feats = [x]
    h = gcn_conv(x, edge_index, grid0, base_w0, spline_w0, scaler0, bias0)
    h = batch_norm(h, gamma0, beta0)
    feats.append(h)
    h = gcn_conv(h, edge_index, grid1, base_w1, spline_w1, scaler1, bias1)
    h = batch_norm(h, gamma1, beta1)
    feats.append(h)
    h = jnp.concatenate(feats, axis=1)
    h = kan_linear(h, grid_out, base_w_out, spline_w_out, scaler_out)
    return jax.nn.log_softmax(h, axis=1)

if __name__ == "__main__":
    import jax
    _d = setup_inputs()
    print(jax.jit(kernel)(*tuple(_d.values())))

</pallas_src>

<mosaic_0001>
#map = affine_map<(d0, d1) -> (0)>
#map1 = affine_map<(d0, d1) -> (0, 0)>
#map2 = affine_map<(d0, d1) -> (0, 0, 0)>
module attributes {stable_mosaic.version = 14 : i64} {
  func.func @k(%arg0: i32, %arg1: i32, %arg2: memref<323584xi32, #tpu.memory_space<hbm>>, %arg3: memref<5008x128xf32, #tpu.memory_space<hbm>>, %arg4: memref<128x128xf32, #tpu.memory_space<hbm>>, %arg5: memref<2x5008x128xf32, #tpu.memory_space<hbm>>, %arg6: memref<128xi32, #tpu.memory_space<vmem>>, %arg7: memref<128x128xf32, #tpu.memory_space<vmem>>, %arg8: memref<5008x128xf32, #tpu.memory_space<vmem_shared>>) attributes {dimension_semantics = [#tpu.dimension_semantics<core_parallel>, #tpu.dimension_semantics<subcore_parallel>], iteration_bounds = array<i64: 2, 16>, scalar_prefetch = 0 : i64, scratch_operands = 3 : i64, tpu.core_type = #tpu.core_type<sc_vector_subcore>, window_params = [{transform_indices = #map}, {transform_indices = #map1}, {transform_indices = #map1}, {transform_indices = #map2}]} {
    %mul3A = arith.constant 5000 : i32
    %mul3A_0 = arith.muli %arg0, %mul3A : i32
    %eq3A = arith.constant 0 : i32
    %eq3A_1 = arith.cmpi eq, %arg1, %eq3A : i32
    %convert_element_type3A = arith.extui %eq3A_1 : i1 to i32
    %cond3A = arith.constant 0 : i32
    %cond3A_2 = arith.cmpi ne, %convert_element_type3A, %cond3A : i32
    scf.if %cond3A_2 {
      "tpu.region"() ({
        %run_scoped3A = tpu.sem_alloc : memref<!tpu.dma_semaphore, #tpu.memory_space<semaphore_mem>>
        tpu.enqueue_dma source(%arg3 : memref<5008x128xf32, #tpu.memory_space<hbm>>) target(%arg8 : memref<5008x128xf32, #tpu.memory_space<vmem_shared>>) target_semaphore(%run_scoped3A : memref<!tpu.dma_semaphore, #tpu.memory_space<semaphore_mem>>)
        tpu.wait_dma2 semaphore(%run_scoped3A : memref<!tpu.dma_semaphore, #tpu.memory_space<semaphore_mem>>) src(%arg3 : memref<5008x128xf32, #tpu.memory_space<hbm>>) dst(%arg8 : memref<5008x128xf32, #tpu.memory_space<vmem_shared>>)
        tpu.yield
      }) : () -> ()
    } else {
    }
    "tpu.region"() ({
      %run_scoped3A = tpu.sem_alloc : memref<!tpu.dma_semaphore, #tpu.memory_space<semaphore_mem>>
      tpu.enqueue_dma source(%arg4 : memref<128x128xf32, #tpu.memory_space<hbm>>) target(%arg7 : memref<128x128xf32, #tpu.memory_space<vmem>>) target_semaphore(%run_scoped3A : memref<!tpu.dma_semaphore, #tpu.memory_space<semaphore_mem>>)
      tpu.wait_dma2 semaphore(%run_scoped3A : memref<!tpu.dma_semaphore, #tpu.memory_space<semaphore_mem>>) src(%arg4 : memref<128x128xf32, #tpu.memory_space<hbm>>) dst(%arg7 : memref<128x128xf32, #tpu.memory_space<vmem>>)
      tpu.yield
    }) : () -> ()
    %barrier3A = arith.constant 0 : index
    tpu.barrier barrier_id(%barrier3A)
    %scan3A = arith.constant 0 : i32
    %scan3A_3 = arith.constant 0 : i32
    %scan3A_4 = arith.constant 158 : i32
    %scan3A_5 = arith.addi %scan3A_3, %scan3A_4 : i32
    %scan3A_6 = arith.constant 1 : i32
    scf.for %scan3A_14 = %scan3A_3 to %scan3A_5 step %scan3A_6  : i32 {
      %mul3A_15 = arith.constant 20224 : i32
      %mul3A_16 = arith.muli %arg1, %mul3A_15 : i32
      %mul3A_17 = arith.constant 128 : i32
      %mul3A_18 = arith.muli %scan3A_14, %mul3A_17 : i32
      %add3A = arith.addi %mul3A_16, %mul3A_18 : i32
      "tpu.region"() ({
        %run_scoped3A = tpu.sem_alloc : memref<!tpu.dma_semaphore, #tpu.memory_space<semaphore_mem>>
        %dma_start3A = tpu.memref_slice %arg2[%add3A] : memref<323584xi32, #tpu.memory_space<hbm>> -> memref<128xi32, #tpu.memory_space<hbm>>
        %dma_start3A_162 = tpu.memref_slice %arg2[%add3A] : memref<323584xi32, #tpu.memory_space<hbm>> -> memref<128xi32, #tpu.memory_space<hbm>>
        tpu.enqueue_dma source(%dma_start3A_162 : memref<128xi32, #tpu.memory_space<hbm>>) target(%arg6 : memref<128xi32, #tpu.memory_space<vmem>>) target_semaphore(%run_scoped3A : memref<!tpu.dma_semaphore, #tpu.memory_space<semaphore_mem>>)
        %dma_wait3A = tpu.memref_slice %arg2[%add3A] : memref<323584xi32, #tpu.memory_space<hbm>> -> memref<128xi32, #tpu.memory_space<hbm>>
        %dma_wait3A_163 = tpu.memref_slice %arg2[%add3A] : memref<323584xi32, #tpu.memory_space<hbm>> -> memref<128xi32, #tpu.memory_space<hbm>>
        tpu.wait_dma2 semaphore(%run_scoped3A : memref<!tpu.dma_semaphore, #tpu.memory_space<semaphore_mem>>) src(%dma_wait3A_163 : memref<128xi32, #tpu.memory_space<hbm>>) dst(%arg6 : memref<128xi32, #tpu.memory_space<vmem>>)
        tpu.yield
      }) : () -> ()
      %get3A = arith.constant 0 : index
      %get3A_19 = tpu.vector_load %arg6[%get3A] {strides = array<i32>} : memref<128xi32, #tpu.memory_space<vmem>>, vector<16xi32>,
      %get3A_20 = vector.shape_cast %get3A_19 : vector<16xi32> to vector<16xi32>
      %sub3A = vector.broadcast %mul3A_0 : i32 to vector<16xi32>
      %sub3A_21 = arith.subi %get3A_20, %sub3A : vector<16xi32>
      %ge3A = arith.constant 0 : i32
      %ge3A_22 = vector.broadcast %ge3A : i32 to vector<16xi32>
      %ge3A_23 = arith.cmpi sge, %sub3A_21, %ge3A_22 : vector<16xi32>
      %lt3A = arith.constant 5000 : i32
      %lt3A_24 = vector.broadcast %lt3A : i32 to vector<16xi32>
      %lt3A_25 = arith.cmpi slt, %sub3A_21, %lt3A_24 : vector<16xi32>
      %and3A = arith.andi %ge3A_23, %lt3A_25 : vector<16xi1>
      %jit3A = arith.constant 5000 : i32
      %broadcast_in_dim3A = vector.broadcast %jit3A : i32 to vector<16xi32>
      %select_n3A = arith.select %and3A, %sub3A_21, %broadcast_in_dim3A : vector<16xi1>, vector<16xi32>
      %swap3A = arith.constant 0 : index
      %swap3A_26 = tpu.vector_load %arg6[%swap3A] {strides = array<i32>} : memref<128xi32, #tpu.memory_space<vmem>>, vector<16xi32>,
      %swap3A_27 = vector.shape_cast %swap3A_26 : vector<16xi32> to vector<16xi32>
      %swap3A_28 = vector.shape_cast %select_n3A : vector<16xi32> to vector<16xi32>
      tpu.vector_store %arg6[%swap3A], %swap3A_28 {strides = array<i32>} : memref<128xi32, #tpu.memory_space<vmem>>, vector<16xi32>,
      %get3A_29 = arith.constant 16 : index
      %get3A_30 = tpu.vector_load %arg6[%get3A_29] {strides = array<i32>} : memref<128xi32, #tpu.memory_space<vmem>>, vector<16xi32>,
      %get3A_31 = vector.shape_cast %get3A_30 : vector<16xi32> to vector<16xi32>
      %sub3A_32 = vector.broadcast %mul3A_0 : i32 to vector<16xi32>
      %sub3A_33 = arith.subi %get3A_31, %sub3A_32 : vector<16xi32>
      %ge3A_34 = arith.constant 0 : i32
      %ge3A_35 = vector.broadcast %ge3A_34 : i32 to vector<16xi32>
      %ge3A_36 = arith.cmpi sge, %sub3A_33, %ge3A_35 : vector<16xi32>
      %lt3A_37 = arith.constant 5000 : i32
      %lt3A_38 = vector.broadcast %lt3A_37 : i32 to vector<16xi32>
      %lt3A_39 = arith.cmpi slt, %sub3A_33, %lt3A_38 : vector<16xi32>
      %and3A_40 = arith.andi %ge3A_36, %lt3A_39 : vector<16xi1>
      %jit3A_41 = arith.constant 5000 : i32
      %broadcast_in_dim3A_42 = vector.broadcast %jit3A_41 : i32 to vector<16xi32>
      %select_n3A_43 = arith.select %and3A_40, %sub3A_33, %broadcast_in_dim3A_42 : vector<16xi1>, vector<16xi32>
      %swap3A_44 = arith.constant 16 : index
      %swap3A_45 = tpu.vector_load %arg6[%swap3A_44] {strides = array<i32>} : memref<128xi32, #tpu.memory_space<vmem>>, vector<16xi32>,
      %swap3A_46 = vector.shape_cast %swap3A_45 : vector<16xi32> to vector<16xi32>
      %swap3A_47 = vector.shape_cast %select_n3A_43 : vector<16xi32> to vector<16xi32>
      tpu.vector_store %arg6[%swap3A_44], %swap3A_47 {strides = array<i32>} : memref<128xi32, #tpu.memory_space<vmem>>, vector<16xi32>,
      %get3A_48 = arith.constant 32 : index
      %get3A_49 = tpu.vector_load %arg6[%get3A_48] {strides = array<i32>} : memref<128xi32, #tpu.memory_space<vmem>>, vector<16xi32>,
      %get3A_50 = vector.shape_cast %get3A_49 : vector<16xi32> to vector<16xi32>
      %sub3A_51 = vector.broadcast %mul3A_0 : i32 to vector<16xi32>
      %sub3A_52 = arith.subi %get3A_50, %sub3A_51 : vector<16xi32>
      %ge3A_53 = arith.constant 0 : i32
      %ge3A_54 = vector.broadcast %ge3A_53 : i32 to vector<16xi32>
      %ge3A_55 = arith.cmpi sge, %sub3A_52, %ge3A_54 : vector<16xi32>
      %lt3A_56 = arith.constant 5000 : i32
      %lt3A_57 = vector.broadcast %lt3A_56 : i32 to vector<16xi32>
      %lt3A_58 = arith.cmpi slt, %sub3A_52, %lt3A_57 : vector<16xi32>
      %and3A_59 = arith.andi %ge3A_55, %lt3A_58 : vector<16xi1>
      %jit3A_60 = arith.constant 5000 : i32
      %broadcast_in_dim3A_61 = vector.broadcast %jit3A_60 : i32 to vector<16xi32>
      %select_n3A_62 = arith.select %and3A_59, %sub3A_52, %broadcast_in_dim3A_61 : vector<16xi1>, vector<16xi32>
      %swap3A_63 = arith.constant 32 : index
      %swap3A_64 = tpu.vector_load %arg6[%swap3A_63] {strides = array<i32>} : memref<128xi32, #tpu.memory_space<vmem>>, vector<16xi32>,
      %swap3A_65 = vector.shape_cast %swap3A_64 : vector<16xi32> to vector<16xi32>
      %swap3A_66 = vector.shape_cast %select_n3A_62 : vector<16xi32> to vector<16xi32>
      tpu.vector_store %arg6[%swap3A_63], %swap3A_66 {strides = array<i32>} : memref<128xi32, #tpu.memory_space<vmem>>, vector<16xi32>,
      %get3A_67 = arith.constant 48 : index
      %get3A_68 = tpu.vector_load %arg6[%get3A_67] {strides = array<i32>} : memref<128xi32, #tpu.memory_space<vmem>>, vector<16xi32>,
      %get3A_69 = vector.shape_cast %get3A_68 : vector<16xi32> to vector<16xi32>
      %sub3A_70 = vector.broadcast %mul3A_0 : i32 to vector<16xi32>
      %sub3A_71 = arith.subi %get3A_69, %sub3A_70 : vector<16xi32>
      %ge3A_72 = arith.constant 0 : i32
      %ge3A_73 = vector.broadcast %ge3A_72 : i32 to vector<16xi32>
      %ge3A_74 = arith.cmpi sge, %sub3A_71, %ge3A_73 : vector<16xi32>
      %lt3A_75 = arith.constant 5000 : i32
      %lt3A_76 = vector.broadcast %lt3A_75 : i32 to vector<16xi32>
      %lt3A_77 = arith.cmpi slt, %sub3A_71, %lt3A_76 : vector<16xi32>
      %and3A_78 = arith.andi %ge3A_74, %lt3A_77 : vector<16xi1>
      %jit3A_79 = arith.constant 5000 : i32
      %broadcast_in_dim3A_80 = vector.broadcast %jit3A_79 : i32 to vector<16xi32>
      %select_n3A_81 = arith.select %and3A_78, %sub3A_71, %broadcast_in_dim3A_80 : vector<16xi1>, vector<16xi32>
      %swap3A_82 = arith.constant 48 : index
      %swap3A_83 = tpu.vector_load %arg6[%swap3A_82] {strides = array<i32>} : memref<128xi32, #tpu.memory_space<vmem>>, vector<16xi32>,
      %swap3A_84 = vector.shape_cast %swap3A_83 : vector<16xi32> to vector<16xi32>
      %swap3A_85 = vector.shape_cast %select_n3A_81 : vector<16xi32> to vector<16xi32>
      tpu.vector_store %arg6[%swap3A_82], %swap3A_85 {strides = array<i32>} : memref<128xi32, #tpu.memory_space<vmem>>, vector<16xi32>,
      %get3A_86 = arith.constant 64 : index
      %get3A_87 = tpu.vector_load %arg6[%get3A_86] {strides = array<i32>} : memref<128xi32, #tpu.memory_space<vmem>>, vector<16xi32>,
      %get3A_88 = vector.shape_cast %get3A_87 : vector<16xi32> to vector<16xi32>
      %sub3A_89 = vector.broadcast %mul3A_0 : i32 to vector<16xi32>
      %sub3A_90 = arith.subi %get3A_88, %sub3A_89 : vector<16xi32>
      %ge3A_91 = arith.constant 0 : i32
      %ge3A_92 = vector.broadcast %ge3A_91 : i32 to vector<16xi32>
      %ge3A_93 = arith.cmpi sge, %sub3A_90, %ge3A_92 : vector<16xi32>
      %lt3A_94 = arith.constant 5000 : i32
      %lt3A_95 = vector.broadcast %lt3A_94 : i32 to vector<16xi32>
      %lt3A_96 = arith.cmpi slt, %sub3A_90, %lt3A_95 : vector<16xi32>
      %and3A_97 = arith.andi %ge3A_93, %lt3A_96 : vector<16xi1>
      %jit3A_98 = arith.constant 5000 : i32
      %broadcast_in_dim3A_99 = vector.broadcast %jit3A_98 : i32 to vector<16xi32>
      %select_n3A_100 = arith.select %and3A_97, %sub3A_90, %broadcast_in_dim3A_99 : vector<16xi1>, vector<16xi32>
      %swap3A_101 = arith.constant 64 : index
      %swap3A_102 = tpu.vector_load %arg6[%swap3A_101] {strides = array<i32>} : memref<128xi32, #tpu.memory_space<vmem>>, vector<16xi32>,
      %swap3A_103 = vector.shape_cast %swap3A_102 : vector<16xi32> to vector<16xi32>
      %swap3A_104 = vector.shape_cast %select_n3A_100 : vector<16xi32> to vector<16xi32>
      tpu.vector_store %arg6[%swap3A_101], %swap3A_104 {strides = array<i32>} : memref<128xi32, #tpu.memory_space<vmem>>, vector<16xi32>,
      %get3A_105 = arith.constant 80 : index
      %get3A_106 = tpu.vector_load %arg6[%get3A_105] {strides = array<i32>} : memref<128xi32, #tpu.memory_space<vmem>>, vector<16xi32>,
      %get3A_107 = vector.shape_cast %get3A_106 : vector<16xi32> to vector<16xi32>
      %sub3A_108 = vector.broadcast %mul3A_0 : i32 to vector<16xi32>
      %sub3A_109 = arith.subi %get3A_107, %sub3A_108 : vector<16xi32>
      %ge3A_110 = arith.constant 0 : i32
      %ge3A_111 = vector.broadcast %ge3A_110 : i32 to vector<16xi32>
      %ge3A_112 = arith.cmpi sge, %sub3A_109, %ge3A_111 : vector<16xi32>
      %lt3A_113 = arith.constant 5000 : i32
      %lt3A_114 = vector.broadcast %lt3A_113 : i32 to vector<16xi32>
      %lt3A_115 = arith.cmpi slt, %sub3A_109, %lt3A_114 : vector<16xi32>
      %and3A_116 = arith.andi %ge3A_112, %lt3A_115 : vector<16xi1>
      %jit3A_117 = arith.constant 5000 : i32
      %broadcast_in_dim3A_118 = vector.broadcast %jit3A_117 : i32 to vector<16xi32>
      %select_n3A_119 = arith.select %and3A_116, %sub3A_109, %broadcast_in_dim3A_118 : vector<16xi1>, vector<16xi32>
      %swap3A_120 = arith.constant 80 : index
      %swap3A_121 = tpu.vector_load %arg6[%swap3A_120] {strides = array<i32>} : memref<128xi32, #tpu.memory_space<vmem>>, vector<16xi32>,
      %swap3A_122 = vector.shape_cast %swap3A_121 : vector<16xi32> to vector<16xi32>
      %swap3A_123 = vector.shape_cast %select_n3A_119 : vector<16xi32> to vector<16xi32>
      tpu.vector_store %arg6[%swap3A_120], %swap3A_123 {strides = array<i32>} : memref<128xi32, #tpu.memory_space<vmem>>, vector<16xi32>,
      %get3A_124 = arith.constant 96 : index
      %get3A_125 = tpu.vector_load %arg6[%get3A_124] {strides = array<i32>} : memref<128xi32, #tpu.memory_space<vmem>>, vector<16xi32>,
      %get3A_126 = vector.shape_cast %get3A_125 : vector<16xi32> to vector<16xi32>
      %sub3A_127 = vector.broadcast %mul3A_0 : i32 to vector<16xi32>
      %sub3A_128 = arith.subi %get3A_126, %sub3A_127 : vector<16xi32>
      %ge3A_129 = arith.constant 0 : i32
      %ge3A_130 = vector.broadcast %ge3A_129 : i32 to vector<16xi32>
      %ge3A_131 = arith.cmpi sge, %sub3A_128, %ge3A_130 : vector<16xi32>
      %lt3A_132 = arith.constant 5000 : i32
      %lt3A_133 = vector.broadcast %lt3A_132 : i32 to vector<16xi32>
      %lt3A_134 = arith.cmpi slt, %sub3A_128, %lt3A_133 : vector<16xi32>
      %and3A_135 = arith.andi %ge3A_131, %lt3A_134 : vector<16xi1>
      %jit3A_136 = arith.constant 5000 : i32
      %broadcast_in_dim3A_137 = vector.broadcast %jit3A_136 : i32 to vector<16xi32>
      %select_n3A_138 = arith.select %and3A_135, %sub3A_128, %broadcast_in_dim3A_137 : vector<16xi1>, vector<16xi32>
      %swap3A_139 = arith.constant 96 : index
      %swap3A_140 = tpu.vector_load %arg6[%swap3A_139] {strides = array<i32>} : memref<128xi32, #tpu.memory_space<vmem>>, vector<16xi32>,
      %swap3A_141 = vector.shape_cast %swap3A_140 : vector<16xi32> to vector<16xi32>
      %swap3A_142 = vector.shape_cast %select_n3A_138 : vector<16xi32> to vector<16xi32>
      tpu.vector_store %arg6[%swap3A_139], %swap3A_142 {strides = array<i32>} : memref<128xi32, #tpu.memory_space<vmem>>, vector<16xi32>,
      %get3A_143 = arith.constant 112 : index
      %get3A_144 = tpu.vector_load %arg6[%get3A_143] {strides = array<i32>} : memref<128xi32, #tpu.memory_space<vmem>>, vector<16xi32>,
      %get3A_145 = vector.shape_cast %get3A_144 : vector<16xi32> to vector<16xi32>
      %sub3A_146 = vector.broadcast %mul3A_0 : i32 to vector<16xi32>
      %sub3A_147 = arith.subi %get3A_145, %sub3A_146 : vector<16xi32>
      %ge3A_148 = arith.constant 0 : i32
      %ge3A_149 = vector.broadcast %ge3A_148 : i32 to vector<16xi32>
      %ge3A_150 = arith.cmpi sge, %sub3A_147, %ge3A_149 : vector<16xi32>
      %lt3A_151 = arith.constant 5000 : i32
      %lt3A_152 = vector.broadcast %lt3A_151 : i32 to vector<16xi32>
      %lt3A_153 = arith.cmpi slt, %sub3A_147, %lt3A_152 : vector<16xi32>
      %and3A_154 = arith.andi %ge3A_150, %lt3A_153 : vector<16xi1>
      %jit3A_155 = arith.constant 5000 : i32
      %broadcast_in_dim3A_156 = vector.broadcast %jit3A_155 : i32 to vector<16xi32>
      %select_n3A_157 = arith.select %and3A_154, %sub3A_147, %broadcast_in_dim3A_156 : vector<16xi1>, vector<16xi32>
      %swap3A_158 = arith.constant 112 : index
      %swap3A_159 = tpu.vector_load %arg6[%swap3A_158] {strides = array<i32>} : memref<128xi32, #tpu.memory_space<vmem>>, vector<16xi32>,
      %swap3A_160 = vector.shape_cast %swap3A_159 : vector<16xi32> to vector<16xi32>
      %swap3A_161 = vector.shape_cast %select_n3A_157 : vector<16xi32> to vector<16xi32>
      tpu.vector_store %arg6[%swap3A_158], %swap3A_161 {strides = array<i32>} : memref<128xi32, #tpu.memory_space<vmem>>, vector<16xi32>,
      "tpu.region"() ({
        %run_scoped3A = tpu.sem_alloc : memref<!tpu.dma_semaphore, #tpu.memory_space<semaphore_mem>>
        %dma_start3A = arith.constant 0 : i32
        %dma_start3A_162 = arith.constant 0 : i32
        %dma_start3A_163 = tpu.memref_slice %arg8[%dma_start3A, %dma_start3A_162] : memref<5008x128xf32, #tpu.memory_space<vmem_shared>> -> memref<5008x128xf32, #tpu.memory_space<vmem_shared>>
        tpu.enqueue_indirect_dma source(%arg7 : memref<128x128xf32, #tpu.memory_space<vmem>>) target(%dma_start3A_163 : memref<5008x128xf32, #tpu.memory_space<vmem_shared>>) offsets(%arg6 : memref<128xi32, #tpu.memory_space<vmem>>) semaphore(%run_scoped3A : memref<!tpu.dma_semaphore, #tpu.memory_space<semaphore_mem>>) {add = true}
        %dma_wait3A = arith.constant 0 : i32
        %dma_wait3A_164 = arith.constant 0 : i32
        %dma_wait3A_165 = tpu.memref_slice %arg8[%dma_wait3A, %dma_wait3A_164] : memref<5008x128xf32, #tpu.memory_space<vmem_shared>> -> memref<5008x128xf32, #tpu.memory_space<vmem_shared>>
        tpu.wait_indirect_dma semaphore(%run_scoped3A : memref<!tpu.dma_semaphore, #tpu.memory_space<semaphore_mem>>) src(%arg7 : memref<128x128xf32, #tpu.memory_space<vmem>>) dst(%dma_wait3A_165 : memref<5008x128xf32, #tpu.memory_space<vmem_shared>>)
        tpu.yield
      }) : () -> ()
    }
    %scan3A_7 = arith.constant 158 : i32
    %barrier3A_8 = arith.constant 0 : index
    tpu.barrier barrier_id(%barrier3A_8)
    %eq3A_9 = arith.constant 0 : i32
    %eq3A_10 = arith.cmpi eq, %arg1, %eq3A_9 : i32
    %convert_element_type3A_11 = arith.extui %eq3A_10 : i1 to i32
    %cond3A_12 = arith.constant 0 : i32
    %cond3A_13 = arith.cmpi ne, %convert_element_type3A_11, %cond3A_12 : i32
    scf.if %cond3A_13 {
      "tpu.region"() ({
        %run_scoped3A = tpu.sem_alloc : memref<!tpu.dma_semaphore, #tpu.memory_space<semaphore_mem>>
        %dma_start3A = arith.constant 0 : i32
        %dma_start3A_14 = arith.constant 0 : i32
        %dma_start3A_15 = tpu.memref_slice %arg5[%arg0, %dma_start3A, %dma_start3A_14] : memref<2x5008x128xf32, #tpu.memory_space<hbm>> -> memref<1x5008x128xf32, #tpu.memory_space<hbm>>
        %dma_start3A_16 = tpu.memref_squeeze %dma_start3A_15 : memref<1x5008x128xf32, #tpu.memory_space<hbm>> -> memref<5008x128xf32, #tpu.memory_space<hbm>>
        tpu.enqueue_dma source(%arg8 : memref<5008x128xf32, #tpu.memory_space<vmem_shared>>) target(%dma_start3A_16 : memref<5008x128xf32, #tpu.memory_space<hbm>>) target_semaphore(%run_scoped3A : memref<!tpu.dma_semaphore, #tpu.memory_space<semaphore_mem>>)
        %dma_wait3A = arith.constant 0 : i32
        %dma_wait3A_17 = arith.constant 0 : i32
        %dma_wait3A_18 = tpu.memref_slice %arg5[%arg0, %dma_wait3A, %dma_wait3A_17] : memref<2x5008x128xf32, #tpu.memory_space<hbm>> -> memref<1x5008x128xf32, #tpu.memory_space<hbm>>
        %dma_wait3A_19 = tpu.memref_squeeze %dma_wait3A_18 : memref<1x5008x128xf32, #tpu.memory_space<hbm>> -> memref<5008x128xf32, #tpu.memory_space<hbm>>
        tpu.wait_dma2 semaphore(%run_scoped3A : memref<!tpu.dma_semaphore, #tpu.memory_space<semaphore_mem>>) src(%arg8 : memref<5008x128xf32, #tpu.memory_space<vmem_shared>>) dst(%dma_wait3A_19 : memref<5008x128xf32, #tpu.memory_space<hbm>>)
        tpu.yield
      }) : () -> ()
    } else {
    }
    return
  }
}

#map = affine_map<(d0, d1) -> (0, 0)>
#map1 = affine_map<(d0, d1) -> (0)>
#map2 = affine_map<(d0, d1) -> (0, 0, 0)>
module attributes {stable_mosaic.version = 14 : i64} {
  func.func @k(%arg0: i32, %arg1: i32, %arg2: memref<10000x128xf32, #tpu.memory_space<hbm>>, %arg3: memref<323584xi32, #tpu.memory_space<hbm>>, %arg4: memref<323584xi32, #tpu.memory_space<hbm>>, %arg5: memref<5008x128xf32, #tpu.memory_space<hbm>>, %arg6: memref<2x5008x128xf32, #tpu.memory_space<hbm>>, %arg7: memref<128xi32, #tpu.memory_space<vmem>>, %arg8: memref<128xi32, #tpu.memory_space<vmem>>, %arg9: memref<128xi32, #tpu.memory_space<vmem>>, %arg10: memref<128xi32, #tpu.memory_space<vmem>>, %arg11: memref<128x128xf32, #tpu.memory_space<vmem>>, %arg12: memref<128x128xf32, #tpu.memory_space<vmem>>, %arg13: memref<5008x128xf32, #tpu.memory_space<vmem_shared>>, %arg14: memref<!tpu.dma_semaphore, #tpu.memory_space<semaphore_mem>>, %arg15: memref<!tpu.dma_semaphore, #tpu.memory_space<semaphore_mem>>, %arg16: memref<!tpu.dma_semaphore, #tpu.memory_space<semaphore_mem>>) attributes {dimension_semantics = [#tpu.dimension_semantics<core_parallel>, #tpu.dimension_semantics<subcore_parallel>], iteration_bounds = array<i64: 2, 16>, scalar_prefetch = 0 : i64, scratch_operands = 10 : i64, tpu.core_type = #tpu.core_type<sc_vector_subcore>, window_params = [{transform_indices = #map}, {transform_indices = #map1}, {transform_indices = #map1}, {transform_indices = #map}, {transform_indices = #map2}]} {
    %mul3A = arith.constant 5000 : i32
    %mul3A_0 = arith.muli %arg0, %mul3A : i32
    %mul3A_1 = arith.constant 20224 : i32
    %mul3A_2 = arith.muli %arg1, %mul3A_1 : i32
    %eq3A = arith.constant 0 : i32
    %eq3A_3 = arith.cmpi eq, %arg1, %eq3A : i32
    %convert_element_type3A = arith.extui %eq3A_3 : i1 to i32
    %cond3A = arith.constant 0 : i32
    %cond3A_4 = arith.cmpi ne, %convert_element_type3A, %cond3A : i32
    scf.if %cond3A_4 {
      "tpu.region"() ({
        %run_scoped3A = tpu.sem_alloc : memref<!tpu.dma_semaphore, #tpu.memory_space<semaphore_mem>>
        tpu.enqueue_dma source(%arg5 : memref<5008x128xf32, #tpu.memory_space<hbm>>) target(%arg13 : memref<5008x128xf32, #tpu.memory_space<vmem_shared>>) target_semaphore(%run_scoped3A : memref<!tpu.dma_semaphore, #tpu.memory_space<semaphore_mem>>)
        tpu.wait_dma2 semaphore(%run_scoped3A : memref<!tpu.dma_semaphore, #tpu.memory_space<semaphore_mem>>) src(%arg5 : memref<5008x128xf32, #tpu.memory_space<hbm>>) dst(%arg13 : memref<5008x128xf32, #tpu.memory_space<vmem_shared>>)
        tpu.yield
      }) : () -> ()
    } else {
    }
    "tpu.region"() ({
      %run_scoped3A = tpu.sem_alloc : memref<!tpu.dma_semaphore, #tpu.memory_space<semaphore_mem>>
      %dma_start3A_25 = tpu.memref_slice %arg3[%mul3A_2] : memref<323584xi32, #tpu.memory_space<hbm>> -> memref<128xi32, #tpu.memory_space<hbm>>
      %dma_start3A_26 = tpu.memref_slice %arg3[%mul3A_2] : memref<323584xi32, #tpu.memory_space<hbm>> -> memref<128xi32, #tpu.memory_space<hbm>>
      tpu.enqueue_dma source(%dma_start3A_26 : memref<128xi32, #tpu.memory_space<hbm>>) target(%arg7 : memref<128xi32, #tpu.memory_space<vmem>>) target_semaphore(%run_scoped3A : memref<!tpu.dma_semaphore, #tpu.memory_space<semaphore_mem>>)
      %dma_wait3A = tpu.memref_slice %arg3[%mul3A_2] : memref<323584xi32, #tpu.memory_space<hbm>> -> memref<128xi32, #tpu.memory_space<hbm>>
      %dma_wait3A_27 = tpu.memref_slice %arg3[%mul3A_2] : memref<323584xi32, #tpu.memory_space<hbm>> -> memref<128xi32, #tpu.memory_space<hbm>>
      tpu.wait_dma2 semaphore(%run_scoped3A : memref<!tpu.dma_semaphore, #tpu.memory_space<semaphore_mem>>) src(%dma_wait3A_27 : memref<128xi32, #tpu.memory_space<hbm>>) dst(%arg7 : memref<128xi32, #tpu.memory_space<vmem>>)
      tpu.yield
    }) : () -> ()
    "tpu.region"() ({
      %run_scoped3A = tpu.sem_alloc : memref<!tpu.dma_semaphore, #tpu.memory_space<semaphore_mem>>
      %dma_start3A_25 = tpu.memref_slice %arg4[%mul3A_2] : memref<323584xi32, #tpu.memory_space<hbm>> -> memref<128xi32, #tpu.memory_space<hbm>>
      %dma_start3A_26 = tpu.memref_slice %arg4[%mul3A_2] : memref<323584xi32, #tpu.memory_space<hbm>> -> memref<128xi32, #tpu.memory_space<hbm>>
      tpu.enqueue_dma source(%dma_start3A_26 : memref<128xi32, #tpu.memory_space<hbm>>) target(%arg9 : memref<128xi32, #tpu.memory_space<vmem>>) target_semaphore(%run_scoped3A : memref<!tpu.dma_semaphore, #tpu.memory_space<semaphore_mem>>)
      %dma_wait3A = tpu.memref_slice %arg4[%mul3A_2] : memref<323584xi32, #tpu.memory_space<hbm>> -> memref<128xi32, #tpu.memory_space<hbm>>
      %dma_wait3A_27 = tpu.memref_slice %arg4[%mul3A_2] : memref<323584xi32, #tpu.memory_space<hbm>> -> memref<128xi32, #tpu.memory_space<hbm>>
      tpu.wait_dma2 semaphore(%run_scoped3A : memref<!tpu.dma_semaphore, #tpu.memory_space<semaphore_mem>>) src(%dma_wait3A_27 : memref<128xi32, #tpu.memory_space<hbm>>) dst(%arg9 : memref<128xi32, #tpu.memory_space<vmem>>)
      tpu.yield
    }) : () -> ()
    %dma_start3A = arith.constant 0 : i32
    %dma_start3A_5 = arith.constant 0 : i32
    %dma_start3A_6 = tpu.memref_slice %arg2[%dma_start3A, %dma_start3A_5] : memref<10000x128xf32, #tpu.memory_space<hbm>> -> memref<10000x128xf32, #tpu.memory_space<hbm>>
    tpu.enqueue_indirect_dma source(%dma_start3A_6 : memref<10000x128xf32, #tpu.memory_space<hbm>>) target(%arg11 : memref<128x128xf32, #tpu.memory_space<vmem>>) offsets(%arg7 : memref<128xi32, #tpu.memory_space<vmem>>) semaphore(%arg14 : memref<!tpu.dma_semaphore, #tpu.memory_space<semaphore_mem>>)
    %add3A = arith.constant 128 : i32
    %add3A_7 = arith.addi %mul3A_2, %add3A : i32
    %dma_start3A_8 = tpu.memref_slice %arg3[%add3A_7] : memref<323584xi32, #tpu.memory_space<hbm>> -> memref<128xi32, #tpu.memory_space<hbm>>
    %dma_start3A_9 = tpu.memref_slice %arg3[%add3A_7] : memref<323584xi32, #tpu.memory_space<hbm>> -> memref<128xi32, #tpu.memory_space<hbm>>
    tpu.enqueue_dma source(%dma_start3A_9 : memref<128xi32, #tpu.memory_space<hbm>>) target(%arg8 : memref<128xi32, #tpu.memory_space<vmem>>) target_semaphore(%arg16 : memref<!tpu.dma_semaphore, #tpu.memory_space<semaphore_mem>>)
    %add3A_10 = arith.constant 128 : i32
    %add3A_11 = arith.addi %mul3A_2, %add3A_10 : i32
    %dma_start3A_12 = tpu.memref_slice %arg4[%add3A_11] : memref<323584xi32, #tpu.memory_space<hbm>> -> memref<128xi32, #tpu.memory_space<hbm>>
    %dma_start3A_13 = tpu.memref_slice %arg4[%add3A_11] : memref<323584xi32, #tpu.memory_space<hbm>> -> memref<128xi32, #tpu.memory_space<hbm>>
    tpu.enqueue_dma source(%dma_start3A_13 : memref<128xi32, #tpu.memory_space<hbm>>) target(%arg10 : memref<128xi32, #tpu.memory_space<vmem>>) target_semaphore(%arg16 : memref<!tpu.dma_semaphore, #tpu.memory_space<semaphore_mem>>)
    %barrier3A = arith.constant 0 : index
    tpu.barrier barrier_id(%barrier3A)
    %scan3A = arith.constant 0 : i32
    %scan3A_14 = arith.constant 0 : i32
    %scan3A_15 = arith.constant 79 : i32
    %scan3A_16 = arith.addi %scan3A_14, %scan3A_15 : i32
    %scan3A_17 = arith.constant 1 : i32
    scf.for %scan3A_25 = %scan3A_14 to %scan3A_16 step %scan3A_17  : i32 {
      %mul3A_26 = arith.constant 2 : i32
      %mul3A_27 = arith.muli %mul3A_26, %scan3A_25 : i32
      %dma_wait3A = arith.constant 0 : i32
      %dma_wait3A_28 = arith.constant 0 : i32
      %dma_wait3A_29 = tpu.memref_slice %arg2[%dma_wait3A, %dma_wait3A_28] : memref<10000x128xf32, #tpu.memory_space<hbm>> -> memref<10000x128xf32, #tpu.memory_space<hbm>>
      tpu.wait_indirect_dma semaphore(%arg14 : memref<!tpu.dma_semaphore, #tpu.memory_space<semaphore_mem>>) src(%dma_wait3A_29 : memref<10000x128xf32, #tpu.memory_space<hbm>>) dst(%arg11 : memref<128x128xf32, #tpu.memory_space<vmem>>)
      %add3A_30 = arith.constant 1 : i32
      %add3A_31 = arith.addi %mul3A_27, %add3A_30 : i32
      %lt3A = arith.constant 158 : i32
      %lt3A_32 = arith.cmpi slt, %add3A_31, %lt3A : i32
      %convert_element_type3A_33 = arith.extui %lt3A_32 : i1 to i32
      %cond3A_34 = arith.constant 0 : i32
      %cond3A_35 = arith.cmpi ne, %convert_element_type3A_33, %cond3A_34 : i32
      scf.if %cond3A_35 {
        %dma_wait3A_360 = tpu.memref_slice %arg3[%mul3A_2] : memref<323584xi32, #tpu.memory_space<hbm>> -> memref<128xi32, #tpu.memory_space<hbm>>
        %dma_wait3A_361 = tpu.memref_slice %arg3[%mul3A_2] : memref<323584xi32, #tpu.memory_space<hbm>> -> memref<128xi32, #tpu.memory_space<hbm>>
        tpu.wait_dma2 semaphore(%arg16 : memref<!tpu.dma_semaphore, #tpu.memory_space<semaphore_mem>>) src(%dma_wait3A_361 : memref<128xi32, #tpu.memory_space<hbm>>) dst(%arg8 : memref<128xi32, #tpu.memory_space<vmem>>)
        %dma_wait3A_362 = tpu.memref_slice %arg4[%mul3A_2] : memref<323584xi32, #tpu.memory_space<hbm>> -> memref<128xi32, #tpu.memory_space<hbm>>
        %dma_wait3A_363 = tpu.memref_slice %arg4[%mul3A_2] : memref<323584xi32, #tpu.memory_space<hbm>> -> memref<128xi32, #tpu.memory_space<hbm>>
        tpu.wait_dma2 semaphore(%arg16 : memref<!tpu.dma_semaphore, #tpu.memory_space<semaphore_mem>>) src(%dma_wait3A_363 : memref<128xi32, #tpu.memory_space<hbm>>) dst(%arg10 : memref<128xi32, #tpu.memory_space<vmem>>)
        %dma_start3A_364 = arith.constant 0 : i32
        %dma_start3A_365 = arith.constant 0 : i32
        %dma_start3A_366 = tpu.memref_slice %arg2[%dma_start3A_364, %dma_start3A_365] : memref<10000x128xf32, #tpu.memory_space<hbm>> -> memref<10000x128xf32, #tpu.memory_space<hbm>>
        tpu.enqueue_indirect_dma source(%dma_start3A_366 : memref<10000x128xf32, #tpu.memory_space<hbm>>) target(%arg12 : memref<128x128xf32, #tpu.memory_space<vmem>>) offsets(%arg8 : memref<128xi32, #tpu.memory_space<vmem>>) semaphore(%arg15 : memref<!tpu.dma_semaphore, #tpu.memory_space<semaphore_mem>>)
      } else {
      }
      %get3A = arith.constant 0 : index
      %get3A_36 = tpu.vector_load %arg9[%get3A] {strides = array<i32>} : memref<128xi32, #tpu.memory_space<vmem>>, vector<16xi32>,
      %get3A_37 = vector.shape_cast %get3A_36 : vector<16xi32> to vector<16xi32>
      %sub3A = vector.broadcast %mul3A_0 : i32 to vector<16xi32>
      %sub3A_38 = arith.subi %get3A_37, %sub3A : vector<16xi32>
      %ge3A = arith.constant 0 : i32
      %ge3A_39 = vector.broadcast %ge3A : i32 to vector<16xi32>
      %ge3A_40 = arith.cmpi sge, %sub3A_38, %ge3A_39 : vector<16xi32>
      %lt3A_41 = arith.constant 5000 : i32
      %lt3A_42 = vector.broadcast %lt3A_41 : i32 to vector<16xi32>
      %lt3A_43 = arith.cmpi slt, %sub3A_38, %lt3A_42 : vector<16xi32>
      %and3A = arith.andi %ge3A_40, %lt3A_43 : vector<16xi1>
      %jit3A = arith.constant 5000 : i32
      %broadcast_in_dim3A = vector.broadcast %jit3A : i32 to vector<16xi32>
      %select_n3A = arith.select %and3A, %sub3A_38, %broadcast_in_dim3A : vector<16xi1>, vector<16xi32>
      %swap3A = arith.constant 0 : index
      %swap3A_44 = tpu.vector_load %arg9[%swap3A] {strides = array<i32>} : memref<128xi32, #tpu.memory_space<vmem>>, vector<16xi32>,
      %swap3A_45 = vector.shape_cast %swap3A_44 : vector<16xi32> to vector<16xi32>
      %swap3A_46 = vector.shape_cast %select_n3A : vector<16xi32> to vector<16xi32>
      tpu.vector_store %arg9[%swap3A], %swap3A_46 {strides = array<i32>} : memref<128xi32, #tpu.memory_space<vmem>>, vector<16xi32>,
      %get3A_47 = arith.constant 16 : index
      %get3A_48 = tpu.vector_load %arg9[%get3A_47] {strides = array<i32>} : memref<128xi32, #tpu.memory_space<vmem>>, vector<16xi32>,
      %get3A_49 = vector.shape_cast %get3A_48 : vector<16xi32> to vector<16xi32>
      %sub3A_50 = vector.broadcast %mul3A_0 : i32 to vector<16xi32>
      %sub3A_51 = arith.subi %get3A_49, %sub3A_50 : vector<16xi32>
      %ge3A_52 = arith.constant 0 : i32
      %ge3A_53 = vector.broadcast %ge3A_52 : i32 to vector<16xi32>
      %ge3A_54 = arith.cmpi sge, %sub3A_51, %ge3A_53 : vector<16xi32>
      %lt3A_55 = arith.constant 5000 : i32
      %lt3A_56 = vector.broadcast %lt3A_55 : i32 to vector<16xi32>
      %lt3A_57 = arith.cmpi slt, %sub3A_51, %lt3A_56 : vector<16xi32>
      %and3A_58 = arith.andi %ge3A_54, %lt3A_57 : vector<16xi1>
      %jit3A_59 = arith.constant 5000 : i32
      %broadcast_in_dim3A_60 = vector.broadcast %jit3A_59 : i32 to vector<16xi32>
      %select_n3A_61 = arith.select %and3A_58, %sub3A_51, %broadcast_in_dim3A_60 : vector<16xi1>, vector<16xi32>
      %swap3A_62 = arith.constant 16 : index
      %swap3A_63 = tpu.vector_load %arg9[%swap3A_62] {strides = array<i32>} : memref<128xi32, #tpu.memory_space<vmem>>, vector<16xi32>,
      %swap3A_64 = vector.shape_cast %swap3A_63 : vector<16xi32> to vector<16xi32>
      %swap3A_65 = vector.shape_cast %select_n3A_61 : vector<16xi32> to vector<16xi32>
      tpu.vector_store %arg9[%swap3A_62], %swap3A_65 {strides = array<i32>} : memref<128xi32, #tpu.memory_space<vmem>>, vector<16xi32>,
      %get3A_66 = arith.constant 32 : index
      %get3A_67 = tpu.vector_load %arg9[%get3A_66] {strides = array<i32>} : memref<128xi32, #tpu.memory_space<vmem>>, vector<16xi32>,
      %get3A_68 = vector.shape_cast %get3A_67 : vector<16xi32> to vector<16xi32>
      %sub3A_69 = vector.broadcast %mul3A_0 : i32 to vector<16xi32>
      %sub3A_70 = arith.subi %get3A_68, %sub3A_69 : vector<16xi32>
      %ge3A_71 = arith.constant 0 : i32
      %ge3A_72 = vector.broadcast %ge3A_71 : i32 to vector<16xi32>
      %ge3A_73 = arith.cmpi sge, %sub3A_70, %ge3A_72 : vector<16xi32>
      %lt3A_74 = arith.constant 5000 : i32
      %lt3A_75 = vector.broadcast %lt3A_74 : i32 to vector<16xi32>
      %lt3A_76 = arith.cmpi slt, %sub3A_70, %lt3A_75 : vector<16xi32>
      %and3A_77 = arith.andi %ge3A_73, %lt3A_76 : vector<16xi1>
      %jit3A_78 = arith.constant 5000 : i32
      %broadcast_in_dim3A_79 = vector.broadcast %jit3A_78 : i32 to vector<16xi32>
      %select_n3A_80 = arith.select %and3A_77, %sub3A_70, %broadcast_in_dim3A_79 : vector<16xi1>, vector<16xi32>
      %swap3A_81 = arith.constant 32 : index
      %swap3A_82 = tpu.vector_load %arg9[%swap3A_81] {strides = array<i32>} : memref<128xi32, #tpu.memory_space<vmem>>, vector<16xi32>,
      %swap3A_83 = vector.shape_cast %swap3A_82 : vector<16xi32> to vector<16xi32>
      %swap3A_84 = vector.shape_cast %select_n3A_80 : vector<16xi32> to vector<16xi32>
      tpu.vector_store %arg9[%swap3A_81], %swap3A_84 {strides = array<i32>} : memref<128xi32, #tpu.memory_space<vmem>>, vector<16xi32>,
      %get3A_85 = arith.constant 48 : index
      %get3A_86 = tpu.vector_load %arg9[%get3A_85] {strides = array<i32>} : memref<128xi32, #tpu.memory_space<vmem>>, vector<16xi32>,
      %get3A_87 = vector.shape_cast %get3A_86 : vector<16xi32> to vector<16xi32>
      %sub3A_88 = vector.broadcast %mul3A_0 : i32 to vector<16xi32>
      %sub3A_89 = arith.subi %get3A_87, %sub3A_88 : vector<16xi32>
      %ge3A_90 = arith.constant 0 : i32
      %ge3A_91 = vector.broadcast %ge3A_90 : i32 to vector<16xi32>
      %ge3A_92 = arith.cmpi sge, %sub3A_89, %ge3A_91 : vector<16xi32>
      %lt3A_93 = arith.constant 5000 : i32
      %lt3A_94 = vector.broadcast %lt3A_93 : i32 to vector<16xi32>
      %lt3A_95 = arith.cmpi slt, %sub3A_89, %lt3A_94 : vector<16xi32>
      %and3A_96 = arith.andi %ge3A_92, %lt3A_95 : vector<16xi1>
      %jit3A_97 = arith.constant 5000 : i32
      %broadcast_in_dim3A_98 = vector.broadcast %jit3A_97 : i32 to vector<16xi32>
      %select_n3A_99 = arith.select %and3A_96, %sub3A_89, %broadcast_in_dim3A_98 : vector<16xi1>, vector<16xi32>
      %swap3A_100 = arith.constant 48 : index
      %swap3A_101 = tpu.vector_load %arg9[%swap3A_100] {strides = array<i32>} : memref<128xi32, #tpu.memory_space<vmem>>, vector<16xi32>,
      %swap3A_102 = vector.shape_cast %swap3A_101 : vector<16xi32> to vector<16xi32>
      %swap3A_103 = vector.shape_cast %select_n3A_99 : vector<16xi32> to vector<16xi32>
      tpu.vector_store %arg9[%swap3A_100], %swap3A_103 {strides = array<i32>} : memref<128xi32, #tpu.memory_space<vmem>>, vector<16xi32>,
      %get3A_104 = arith.constant 64 : index
      %get3A_105 = tpu.vector_load %arg9[%get3A_104] {strides = array<i32>} : memref<128xi32, #tpu.memory_space<vmem>>, vector<16xi32>,
      %get3A_106 = vector.shape_cast %get3A_105 : vector<16xi32> to vector<16xi32>
      %sub3A_107 = vector.broadcast %mul3A_0 : i32 to vector<16xi32>
      %sub3A_108 = arith.subi %get3A_106, %sub3A_107 : vector<16xi32>
      %ge3A_109 = arith.constant 0 : i32
      %ge3A_110 = vector.broadcast %ge3A_109 : i32 to vector<16xi32>
      %ge3A_111 = arith.cmpi sge, %sub3A_108, %ge3A_110 : vector<16xi32>
      %lt3A_112 = arith.constant 5000 : i32
      %lt3A_113 = vector.broadcast %lt3A_112 : i32 to vector<16xi32>
      %lt3A_114 = arith.cmpi slt, %sub3A_108, %lt3A_113 : vector<16xi32>
      %and3A_115 = arith.andi %ge3A_111, %lt3A_114 : vector<16xi1>
      %jit3A_116 = arith.constant 5000 : i32
      %broadcast_in_dim3A_117 = vector.broadcast %jit3A_116 : i32 to vector<16xi32>
      %select_n3A_118 = arith.select %and3A_115, %sub3A_108, %broadcast_in_dim3A_117 : vector<16xi1>, vector<16xi32>
      %swap3A_119 = arith.constant 64 : index
      %swap3A_120 = tpu.vector_load %arg9[%swap3A_119] {strides = array<i32>} : memref<128xi32, #tpu.memory_space<vmem>>, vector<16xi32>,
      %swap3A_121 = vector.shape_cast %swap3A_120 : vector<16xi32> to vector<16xi32>
      %swap3A_122 = vector.shape_cast %select_n3A_118 : vector<16xi32> to vector<16xi32>
      tpu.vector_store %arg9[%swap3A_119], %swap3A_122 {strides = array<i32>} : memref<128xi32, #tpu.memory_space<vmem>>, vector<16xi32>,
      %get3A_123 = arith.constant 80 : index
      %get3A_124 = tpu.vector_load %arg9[%get3A_123] {strides = array<i32>} : memref<128xi32, #tpu.memory_space<vmem>>, vector<16xi32>,
      %get3A_125 = vector.shape_cast %get3A_124 : vector<16xi32> to vector<16xi32>
      %sub3A_126 = vector.broadcast %mul3A_0 : i32 to vector<16xi32>
      %sub3A_127 = arith.subi %get3A_125, %sub3A_126 : vector<16xi32>
      %ge3A_128 = arith.constant 0 : i32
      %ge3A_129 = vector.broadcast %ge3A_128 : i32 to vector<16xi32>
      %ge3A_130 = arith.cmpi sge, %sub3A_127, %ge3A_129 : vector<16xi32>
      %lt3A_131 = arith.constant 5000 : i32
      %lt3A_132 = vector.broadcast %lt3A_131 : i32 to vector<16xi32>
      %lt3A_133 = arith.cmpi slt, %sub3A_127, %lt3A_132 : vector<16xi32>
      %and3A_134 = arith.andi %ge3A_130, %lt3A_133 : vector<16xi1>
      %jit3A_135 = arith.constant 5000 : i32
      %broadcast_in_dim3A_136 = vector.broadcast %jit3A_135 : i32 to vector<16xi32>
      %select_n3A_137 = arith.select %and3A_134, %sub3A_127, %broadcast_in_dim3A_136 : vector<16xi1>, vector<16xi32>
      %swap3A_138 = arith.constant 80 : index
      %swap3A_139 = tpu.vector_load %arg9[%swap3A_138] {strides = array<i32>} : memref<128xi32, #tpu.memory_space<vmem>>, vector<16xi32>,
      %swap3A_140 = vector.shape_cast %swap3A_139 : vector<16xi32> to vector<16xi32>
      %swap3A_141 = vector.shape_cast %select_n3A_137 : vector<16xi32> to vector<16xi32>
      tpu.vector_store %arg9[%swap3A_138], %swap3A_141 {strides = array<i32>} : memref<128xi32, #tpu.memory_space<vmem>>, vector<16xi32>,
      %get3A_142 = arith.constant 96 : index
      %get3A_143 = tpu.vector_load %arg9[%get3A_142] {strides = array<i32>} : memref<128xi32, #tpu.memory_space<vmem>>, vector<16xi32>,
      %get3A_144 = vector.shape_cast %get3A_143 : vector<16xi32> to vector<16xi32>
      %sub3A_145 = vector.broadcast %mul3A_0 : i32 to vector<16xi32>
      %sub3A_146 = arith.subi %get3A_144, %sub3A_145 : vector<16xi32>
      %ge3A_147 = arith.constant 0 : i32
      %ge3A_148 = vector.broadcast %ge3A_147 : i32 to vector<16xi32>
      %ge3A_149 = arith.cmpi sge, %sub3A_146, %ge3A_148 : vector<16xi32>
      %lt3A_150 = arith.constant 5000 : i32
      %lt3A_151 = vector.broadcast %lt3A_150 : i32 to vector<16xi32>
      %lt3A_152 = arith.cmpi slt, %sub3A_146, %lt3A_151 : vector<16xi32>
      %and3A_153 = arith.andi %ge3A_149, %lt3A_152 : vector<16xi1>
      %jit3A_154 = arith.constant 5000 : i32
      %broadcast_in_dim3A_155 = vector.broadcast %jit3A_154 : i32 to vector<16xi32>
      %select_n3A_156 = arith.select %and3A_153, %sub3A_146, %broadcast_in_dim3A_155 : vector<16xi1>, vector<16xi32>
      %swap3A_157 = arith.constant 96 : index
      %swap3A_158 = tpu.vector_load %arg9[%swap3A_157] {strides = array<i32>} : memref<128xi32, #tpu.memory_space<vmem>>, vector<16xi32>,
      %swap3A_159 = vector.shape_cast %swap3A_158 : vector<16xi32> to vector<16xi32>
      %swap3A_160 = vector.shape_cast %select_n3A_156 : vector<16xi32> to vector<16xi32>
      tpu.vector_store %arg9[%swap3A_157], %swap3A_160 {strides = array<i32>} : memref<128xi32, #tpu.memory_space<vmem>>, vector<16xi32>,
      %get3A_161 = arith.constant 112 : index
      %get3A_162 = tpu.vector_load %arg9[%get3A_161] {strides = array<i32>} : memref<128xi32, #tpu.memory_space<vmem>>, vector<16xi32>,
      %get3A_163 = vector.shape_cast %get3A_162 : vector<16xi32> to vector<16xi32>
      %sub3A_164 = vector.broadcast %mul3A_0 : i32 to vector<16xi32>
      %sub3A_165 = arith.subi %get3A_163, %sub3A_164 : vector<16xi32>
      %ge3A_166 = arith.constant 0 : i32
      %ge3A_167 = vector.broadcast %ge3A_166 : i32 to vector<16xi32>
      %ge3A_168 = arith.cmpi sge, %sub3A_165, %ge3A_167 : vector<16xi32>
      %lt3A_169 = arith.constant 5000 : i32
      %lt3A_170 = vector.broadcast %lt3A_169 : i32 to vector<16xi32>
      %lt3A_171 = arith.cmpi slt, %sub3A_165, %lt3A_170 : vector<16xi32>
      %and3A_172 = arith.andi %ge3A_168, %lt3A_171 : vector<16xi1>
      %jit3A_173 = arith.constant 5000 : i32
      %broadcast_in_dim3A_174 = vector.broadcast %jit3A_173 : i32 to vector<16xi32>
      %select_n3A_175 = arith.select %and3A_172, %sub3A_165, %broadcast_in_dim3A_174 : vector<16xi1>, vector<16xi32>
      %swap3A_176 = arith.constant 112 : index
      %swap3A_177 = tpu.vector_load %arg9[%swap3A_176] {strides = array<i32>} : memref<128xi32, #tpu.memory_space<vmem>>, vector<16xi32>,
      %swap3A_178 = vector.shape_cast %swap3A_177 : vector<16xi32> to vector<16xi32>
      %swap3A_179 = vector.shape_cast %select_n3A_175 : vector<16xi32> to vector<16xi32>
      tpu.vector_store %arg9[%swap3A_176], %swap3A_179 {strides = array<i32>} : memref<128xi32, #tpu.memory_space<vmem>>, vector<16xi32>,
      "tpu.region"() ({
        %run_scoped3A = tpu.sem_alloc : memref<!tpu.dma_semaphore, #tpu.memory_space<semaphore_mem>>
        %dma_start3A_360 = arith.constant 0 : i32
        %dma_start3A_361 = arith.constant 0 : i32
        %dma_start3A_362 = tpu.memref_slice %arg13[%dma_start3A_360, %dma_start3A_361] : memref<5008x128xf32, #tpu.memory_space<vmem_shared>> -> memref<5008x128xf32, #tpu.memory_space<vmem_shared>>
        tpu.enqueue_indirect_dma source(%arg11 : memref<128x128xf32, #tpu.memory_space<vmem>>) target(%dma_start3A_362 : memref<5008x128xf32, #tpu.memory_space<vmem_shared>>) offsets(%arg9 : memref<128xi32, #tpu.memory_space<vmem>>) semaphore(%run_scoped3A : memref<!tpu.dma_semaphore, #tpu.memory_space<semaphore_mem>>) {add = true}
        %dma_wait3A_363 = arith.constant 0 : i32
        %dma_wait3A_364 = arith.constant 0 : i32
        %dma_wait3A_365 = tpu.memref_slice %arg13[%dma_wait3A_363, %dma_wait3A_364] : memref<5008x128xf32, #tpu.memory_space<vmem_shared>> -> memref<5008x128xf32, #tpu.memory_space<vmem_shared>>
        tpu.wait_indirect_dma semaphore(%run_scoped3A : memref<!tpu.dma_semaphore, #tpu.memory_space<semaphore_mem>>) src(%arg11 : memref<128x128xf32, #tpu.memory_space<vmem>>) dst(%dma_wait3A_365 : memref<5008x128xf32, #tpu.memory_space<vmem_shared>>)
        tpu.yield
      }) : () -> ()
      %add3A_180 = arith.constant 2 : i32
      %add3A_181 = arith.addi %mul3A_27, %add3A_180 : i32
      %lt3A_182 = arith.constant 158 : i32
      %lt3A_183 = arith.cmpi slt, %add3A_181, %lt3A_182 : i32
      %convert_element_type3A_184 = arith.extui %lt3A_183 : i1 to i32
      %cond3A_185 = arith.constant 0 : i32
      %cond3A_186 = arith.cmpi ne, %convert_element_type3A_184, %cond3A_185 : i32
      scf.if %cond3A_186 {
        %add3A_360 = arith.constant 2 : i32
        %add3A_361 = arith.addi %mul3A_27, %add3A_360 : i32
        %mul3A_362 = arith.constant 128 : i32
        %mul3A_363 = arith.muli %add3A_361, %mul3A_362 : i32
        %add3A_364 = arith.addi %mul3A_2, %mul3A_363 : i32
        %dma_start3A_365 = tpu.memref_slice %arg3[%add3A_364] : memref<323584xi32, #tpu.memory_space<hbm>> -> memref<128xi32, #tpu.memory_space<hbm>>
        %dma_start3A_366 = tpu.memref_slice %arg3[%add3A_364] : memref<323584xi32, #tpu.memory_space<hbm>> -> memref<128xi32, #tpu.memory_space<hbm>>
        tpu.enqueue_dma source(%dma_start3A_366 : memref<128xi32, #tpu.memory_space<hbm>>) target(%arg7 : memref<128xi32, #tpu.memory_space<vmem>>) target_semaphore(%arg16 : memref<!tpu.dma_semaphore, #tpu.memory_space<semaphore_mem>>)
        %dma_start3A_367 = tpu.memref_slice %arg4[%add3A_364] : memref<323584xi32, #tpu.memory_space<hbm>> -> memref<128xi32, #tpu.memory_space<hbm>>
        %dma_start3A_368 = tpu.memref_slice %arg4[%add3A_364] : memref<323584xi32, #tpu.memory_space<hbm>> -> memref<128xi32, #tpu.memory_space<hbm>>
        tpu.enqueue_dma source(%dma_start3A_368 : memref<128xi32, #tpu.memory_space<hbm>>) target(%arg9 : memref<128xi32, #tpu.memory_space<vmem>>) target_semaphore(%arg16 : memref<!tpu.dma_semaphore, #tpu.memory_space<semaphore_mem>>)
      } else {
      }
      %mul3A_187 = arith.constant 2 : i32
      %mul3A_188 = arith.muli %mul3A_187, %scan3A_25 : i32
      %add3A_189 = arith.constant 1 : i32
      %add3A_190 = arith.addi %mul3A_188, %add3A_189 : i32
      %dma_wait3A_191 = arith.constant 0 : i32
      %dma_wait3A_192 = arith.constant 0 : i32
      %dma_wait3A_193 = tpu.memref_slice %arg2[%dma_wait3A_191, %dma_wait3A_192] : memref<10000x128xf32, #tpu.memory_space<hbm>> -> memref<10000x128xf32, #tpu.memory_space<hbm>>
      tpu.wait_indirect_dma semaphore(%arg15 : memref<!tpu.dma_semaphore, #tpu.memory_space<semaphore_mem>>) src(%dma_wait3A_193 : memref<10000x128xf32, #tpu.memory_space<hbm>>) dst(%arg12 : memref<128x128xf32, #tpu.memory_space<vmem>>)
      %add3A_194 = arith.constant 1 : i32
      %add3A_195 = arith.addi %add3A_190, %add3A_194 : i32
      %lt3A_196 = arith.constant 158 : i32
      %lt3A_197 = arith.cmpi slt, %add3A_195, %lt3A_196 : i32
      %convert_element_type3A_198 = arith.extui %lt3A_197 : i1 to i32
      %cond3A_199 = arith.constant 0 : i32
      %cond3A_200 = arith.cmpi ne, %convert_element_type3A_198, %cond3A_199 : i32
      scf.if %cond3A_200 {
        %dma_wait3A_360 = tpu.memref_slice %arg3[%mul3A_2] : memref<323584xi32, #tpu.memory_space<hbm>> -> memref<128xi32, #tpu.memory_space<hbm>>
        %dma_wait3A_361 = tpu.memref_slice %arg3[%mul3A_2] : memref<323584xi32, #tpu.memory_space<hbm>> -> memref<128xi32, #tpu.memory_space<hbm>>
        tpu.wait_dma2 semaphore(%arg16 : memref<!tpu.dma_semaphore, #tpu.memory_space<semaphore_mem>>) src(%dma_wait3A_361 : memref<128xi32, #tpu.memory_space<hbm>>) dst(%arg7 : memref<128xi32, #tpu.memory_space<vmem>>)
        %dma_wait3A_362 = tpu.memref_slice %arg4[%mul3A_2] : memref<323584xi32, #tpu.memory_space<hbm>> -> memref<128xi32, #tpu.memory_space<hbm>>
        %dma_wait3A_363 = tpu.memref_slice %arg4[%mul3A_2] : memref<323584xi32, #tpu.memory_space<hbm>> -> memref<128xi32, #tpu.memory_space<hbm>>
        tpu.wait_dma2 semaphore(%arg16 : memref<!tpu.dma_semaphore, #tpu.memory_space<semaphore_mem>>) src(%dma_wait3A_363 : memref<128xi32, #tpu.memory_space<hbm>>) dst(%arg9 : memref<128xi32, #tpu.memory_space<vmem>>)
        %dma_start3A_364 = arith.constant 0 : i32
        %dma_start3A_365 = arith.constant 0 : i32
        %dma_start3A_366 = tpu.memref_slice %arg2[%dma_start3A_364, %dma_start3A_365] : memref<10000x128xf32, #tpu.memory_space<hbm>> -> memref<10000x128xf32, #tpu.memory_space<hbm>>
        tpu.enqueue_indirect_dma source(%dma_start3A_366 : memref<10000x128xf32, #tpu.memory_space<hbm>>) target(%arg11 : memref<128x128xf32, #tpu.memory_space<vmem>>) offsets(%arg7 : memref<128xi32, #tpu.memory_space<vmem>>) semaphore(%arg14 : memref<!tpu.dma_semaphore, #tpu.memory_space<semaphore_mem>>)
      } else {
      }
      %get3A_201 = arith.constant 0 : index
      %get3A_202 = tpu.vector_load %arg10[%get3A_201] {strides = array<i32>} : memref<128xi32, #tpu.memory_space<vmem>>, vector<16xi32>,
      %get3A_203 = vector.shape_cast %get3A_202 : vector<16xi32> to vector<16xi32>
      %sub3A_204 = vector.broadcast %mul3A_0 : i32 to vector<16xi32>
      %sub3A_205 = arith.subi %get3A_203, %sub3A_204 : vector<16xi32>
      %ge3A_206 = arith.constant 0 : i32
      %ge3A_207 = vector.broadcast %ge3A_206 : i32 to vector<16xi32>
      %ge3A_208 = arith.cmpi sge, %sub3A_205, %ge3A_207 : vector<16xi32>
      %lt3A_209 = arith.constant 5000 : i32
      %lt3A_210 = vector.broadcast %lt3A_209 : i32 to vector<16xi32>
      %lt3A_211 = arith.cmpi slt, %sub3A_205, %lt3A_210 : vector<16xi32>
      %and3A_212 = arith.andi %ge3A_208, %lt3A_211 : vector<16xi1>
      %jit3A_213 = arith.constant 5000 : i32
      %broadcast_in_dim3A_214 = vector.broadcast %jit3A_213 : i32 to vector<16xi32>
      %select_n3A_215 = arith.select %and3A_212, %sub3A_205, %broadcast_in_dim3A_214 : vector<16xi1>, vector<16xi32>
      %swap3A_216 = arith.constant 0 : index
      %swap3A_217 = tpu.vector_load %arg10[%swap3A_216] {strides = array<i32>} : memref<128xi32, #tpu.memory_space<vmem>>, vector<16xi32>,
      %swap3A_218 = vector.shape_cast %swap3A_217 : vector<16xi32> to vector<16xi32>
      %swap3A_219 = vector.shape_cast %select_n3A_215 : vector<16xi32> to vector<16xi32>
      tpu.vector_store %arg10[%swap3A_216], %swap3A_219 {strides = array<i32>} : memref<128xi32, #tpu.memory_space<vmem>>, vector<16xi32>,
      %get3A_220 = arith.constant 16 : index
      %get3A_221 = tpu.vector_load %arg10[%get3A_220] {strides = array<i32>} : memref<128xi32, #tpu.memory_space<vmem>>, vector<16xi32>,
      %get3A_222 = vector.shape_cast %get3A_221 : vector<16xi32> to vector<16xi32>
      %sub3A_223 = vector.broadcast %mul3A_0 : i32 to vector<16xi32>
      %sub3A_224 = arith.subi %get3A_222, %sub3A_223 : vector<16xi32>
      %ge3A_225 = arith.constant 0 : i32
      %ge3A_226 = vector.broadcast %ge3A_225 : i32 to vector<16xi32>
      %ge3A_227 = arith.cmpi sge, %sub3A_224, %ge3A_226 : vector<16xi32>
      %lt3A_228 = arith.constant 5000 : i32
      %lt3A_229 = vector.broadcast %lt3A_228 : i32 to vector<16xi32>
      %lt3A_230 = arith.cmpi slt, %sub3A_224, %lt3A_229 : vector<16xi32>
      %and3A_231 = arith.andi %ge3A_227, %lt3A_230 : vector<16xi1>
      %jit3A_232 = arith.constant 5000 : i32
      %broadcast_in_dim3A_233 = vector.broadcast %jit3A_232 : i32 to vector<16xi32>
      %select_n3A_234 = arith.select %and3A_231, %sub3A_224, %broadcast_in_dim3A_233 : vector<16xi1>, vector<16xi32>
      %swap3A_235 = arith.constant 16 : index
      %swap3A_236 = tpu.vector_load %arg10[%swap3A_235] {strides = array<i32>} : memref<128xi32, #tpu.memory_space<vmem>>, vector<16xi32>,
      %swap3A_237 = vector.shape_cast %swap3A_236 : vector<16xi32> to vector<16xi32>
      %swap3A_238 = vector.shape_cast %select_n3A_234 : vector<16xi32> to vector<16xi32>
      tpu.vector_store %arg10[%swap3A_235], %swap3A_238 {strides = array<i32>} : memref<128xi32, #tpu.memory_space<vmem>>, vector<16xi32>,
      %get3A_239 = arith.constant 32 : index
      %get3A_240 = tpu.vector_load %arg10[%get3A_239] {strides = array<i32>} : memref<128xi32, #tpu.memory_space<vmem>>, vector<16xi32>,
      %get3A_241 = vector.shape_cast %get3A_240 : vector<16xi32> to vector<16xi32>
      %sub3A_242 = vector.broadcast %mul3A_0 : i32 to vector<16xi32>
      %sub3A_243 = arith.subi %get3A_241, %sub3A_242 : vector<16xi32>
      %ge3A_244 = arith.constant 0 : i32
      %ge3A_245 = vector.broadcast %ge3A_244 : i32 to vector<16xi32>
      %ge3A_246 = arith.cmpi sge, %sub3A_243, %ge3A_245 : vector<16xi32>
      %lt3A_247 = arith.constant 5000 : i32
      %lt3A_248 = vector.broadcast %lt3A_247 : i32 to vector<16xi32>
      %lt3A_249 = arith.cmpi slt, %sub3A_243, %lt3A_248 : vector<16xi32>
      %and3A_250 = arith.andi %ge3A_246, %lt3A_249 : vector<16xi1>
      %jit3A_251 = arith.constant 5000 : i32
      %broadcast_in_dim3A_252 = vector.broadcast %jit3A_251 : i32 to vector<16xi32>
      %select_n3A_253 = arith.select %and3A_250, %sub3A_243, %broadcast_in_dim3A_252 : vector<16xi1>, vector<16xi32>
      %swap3A_254 = arith.constant 32 : index
      %swap3A_255 = tpu.vector_load %arg10[%swap3A_254] {strides = array<i32>} : memref<128xi32, #tpu.memory_space<vmem>>, vector<16xi32>,
      %swap3A_256 = vector.shape_cast %swap3A_255 : vector<16xi32> to vector<16xi32>
      %swap3A_257 = vector.shape_cast %select_n3A_253 : vector<16xi32> to vector<16xi32>
      tpu.vector_store %arg10[%swap3A_254], %swap3A_257 {strides = array<i32>} : memref<128xi32, #tpu.memory_space<vmem>>, vector<16xi32>,
      %get3A_258 = arith.constant 48 : index
      %get3A_259 = tpu.vector_load %arg10[%get3A_258] {strides = array<i32>} : memref<128xi32, #tpu.memory_space<vmem>>, vector<16xi32>,
      %get3A_260 = vector.shape_cast %get3A_259 : vector<16xi32> to vector<16xi32>
      %sub3A_261 = vector.broadcast %mul3A_0 : i32 to vector<16xi32>
      %sub3A_262 = arith.subi %get3A_260, %sub3A_261 : vector<16xi32>
      %ge3A_263 = arith.constant 0 : i32
      %ge3A_264 = vector.broadcast %ge3A_263 : i32 to vector<16xi32>
      %ge3A_265 = arith.cmpi sge, %sub3A_262, %ge3A_264 : vector<16xi32>
      %lt3A_266 = arith.constant 5000 : i32
      %lt3A_267 = vector.broadcast %lt3A_266 : i32 to vector<16xi32>
      %lt3A_268 = arith.cmpi slt, %sub3A_262, %lt3A_267 : vector<16xi32>
      %and3A_269 = arith.andi %ge3A_265, %lt3A_268 : vector<16xi1>
      %jit3A_270 = arith.constant 5000 : i32
      %broadcast_in_dim3A_271 = vector.broadcast %jit3A_270 : i32 to vector<16xi32>
      %select_n3A_272 = arith.select %and3A_269, %sub3A_262, %broadcast_in_dim3A_271 : vector<16xi1>, vector<16xi32>
      %swap3A_273 = arith.constant 48 : index
      %swap3A_274 = tpu.vector_load %arg10[%swap3A_273] {strides = array<i32>} : memref<128xi32, #tpu.memory_space<vmem>>, vector<16xi32>,
      %swap3A_275 = vector.shape_cast %swap3A_274 : vector<16xi32> to vector<16xi32>
      %swap3A_276 = vector.shape_cast %select_n3A_272 : vector<16xi32> to vector<16xi32>
      tpu.vector_store %arg10[%swap3A_273], %swap3A_276 {strides = array<i32>} : memref<128xi32, #tpu.memory_space<vmem>>, vector<16xi32>,
      %get3A_277 = arith.constant 64 : index
      %get3A_278 = tpu.vector_load %arg10[%get3A_277] {strides = array<i32>} : memref<128xi32, #tpu.memory_space<vmem>>, vector<16xi32>,
      %get3A_279 = vector.shape_cast %get3A_278 : vector<16xi32> to vector<16xi32>
      %sub3A_280 = vector.broadcast %mul3A_0 : i32 to vector<16xi32>
      %sub3A_281 = arith.subi %get3A_279, %sub3A_280 : vector<16xi32>
      %ge3A_282 = arith.constant 0 : i32
      %ge3A_283 = vector.broadcast %ge3A_282 : i32 to vector<16xi32>
      %ge3A_284 = arith.cmpi sge, %sub3A_281, %ge3A_283 : vector<16xi32>
      %lt3A_285 = arith.constant 5000 : i32
      %lt3A_286 = vector.broadcast %lt3A_285 : i32 to vector<16xi32>
      %lt3A_287 = arith.cmpi slt, %sub3A_281, %lt3A_286 : vector<16xi32>
      %and3A_288 = arith.andi %ge3A_284, %lt3A_287 : vector<16xi1>
      %jit3A_289 = arith.constant 5000 : i32
      %broadcast_in_dim3A_290 = vector.broadcast %jit3A_289 : i32 to vector<16xi32>
      %select_n3A_291 = arith.select %and3A_288, %sub3A_281, %broadcast_in_dim3A_290 : vector<16xi1>, vector<16xi32>
      %swap3A_292 = arith.constant 64 : index
      %swap3A_293 = tpu.vector_load %arg10[%swap3A_292] {strides = array<i32>} : memref<128xi32, #tpu.memory_space<vmem>>, vector<16xi32>,
      %swap3A_294 = vector.shape_cast %swap3A_293 : vector<16xi32> to vector<16xi32>
      %swap3A_295 = vector.shape_cast %select_n3A_291 : vector<16xi32> to vector<16xi32>
      tpu.vector_store %arg10[%swap3A_292], %swap3A_295 {strides = array<i32>} : memref<128xi32, #tpu.memory_space<vmem>>, vector<16xi32>,
      %get3A_296 = arith.constant 80 : index
      %get3A_297 = tpu.vector_load %arg10[%get3A_296] {strides = array<i32>} : memref<128xi32, #tpu.memory_space<vmem>>, vector<16xi32>,
      %get3A_298 = vector.shape_cast %get3A_297 : vector<16xi32> to vector<16xi32>
      %sub3A_299 = vector.broadcast %mul3A_0 : i32 to vector<16xi32>
      %sub3A_300 = arith.subi %get3A_298, %sub3A_299 : vector<16xi32>
      %ge3A_301 = arith.constant 0 : i32
      %ge3A_302 = vector.broadcast %ge3A_301 : i32 to vector<16xi32>
      %ge3A_303 = arith.cmpi sge, %sub3A_300, %ge3A_302 : vector<16xi32>
      %lt3A_304 = arith.constant 5000 : i32
      %lt3A_305 = vector.broadcast %lt3A_304 : i32 to vector<16xi32>
      %lt3A_306 = arith.cmpi slt, %sub3A_300, %lt3A_305 : vector<16xi32>
      %and3A_307 = arith.andi %ge3A_303, %lt3A_306 : vector<16xi1>
      %jit3A_308 = arith.constant 5000 : i32
      %broadcast_in_dim3A_309 = vector.broadcast %jit3A_308 : i32 to vector<16xi32>
      %select_n3A_310 = arith.select %and3A_307, %sub3A_300, %broadcast_in_dim3A_309 : vector<16xi1>, vector<16xi32>
      %swap3A_311 = arith.constant 80 : index
      %swap3A_312 = tpu.vector_load %arg10[%swap3A_311] {strides = array<i32>} : memref<128xi32, #tpu.memory_space<vmem>>, vector<16xi32>,
      %swap3A_313 = vector.shape_cast %swap3A_312 : vector<16xi32> to vector<16xi32>
      %swap3A_314 = vector.shape_cast %select_n3A_310 : vector<16xi32> to vector<16xi32>
      tpu.vector_store %arg10[%swap3A_311], %swap3A_314 {strides = array<i32>} : memref<128xi32, #tpu.memory_space<vmem>>, vector<16xi32>,
      %get3A_315 = arith.constant 96 : index
      %get3A_316 = tpu.vector_load %arg10[%get3A_315] {strides = array<i32>} : memref<128xi32, #tpu.memory_space<vmem>>, vector<16xi32>,
      %get3A_317 = vector.shape_cast %get3A_316 : vector<16xi32> to vector<16xi32>
      %sub3A_318 = vector.broadcast %mul3A_0 : i32 to vector<16xi32>
      %sub3A_319 = arith.subi %get3A_317, %sub3A_318 : vector<16xi32>
      %ge3A_320 = arith.constant 0 : i32
      %ge3A_321 = vector.broadcast %ge3A_320 : i32 to vector<16xi32>
      %ge3A_322 = arith.cmpi sge, %sub3A_319, %ge3A_321 : vector<16xi32>
      %lt3A_323 = arith.constant 5000 : i32
      %lt3A_324 = vector.broadcast %lt3A_323 : i32 to vector<16xi32>
      %lt3A_325 = arith.cmpi slt, %sub3A_319, %lt3A_324 : vector<16xi32>
      %and3A_326 = arith.andi %ge3A_322, %lt3A_325 : vector<16xi1>
      %jit3A_327 = arith.constant 5000 : i32
      %broadcast_in_dim3A_328 = vector.broadcast %jit3A_327 : i32 to vector<16xi32>
      %select_n3A_329 = arith.select %and3A_326, %sub3A_319, %broadcast_in_dim3A_328 : vector<16xi1>, vector<16xi32>
      %swap3A_330 = arith.constant 96 : index
      %swap3A_331 = tpu.vector_load %arg10[%swap3A_330] {strides = array<i32>} : memref<128xi32, #tpu.memory_space<vmem>>, vector<16xi32>,
      %swap3A_332 = vector.shape_cast %swap3A_331 : vector<16xi32> to vector<16xi32>
      %swap3A_333 = vector.shape_cast %select_n3A_329 : vector<16xi32> to vector<16xi32>
      tpu.vector_store %arg10[%swap3A_330], %swap3A_333 {strides = array<i32>} : memref<128xi32, #tpu.memory_space<vmem>>, vector<16xi32>,
      %get3A_334 = arith.constant 112 : index
      %get3A_335 = tpu.vector_load %arg10[%get3A_334] {strides = array<i32>} : memref<128xi32, #tpu.memory_space<vmem>>, vector<16xi32>,
      %get3A_336 = vector.shape_cast %get3A_335 : vector<16xi32> to vector<16xi32>
      %sub3A_337 = vector.broadcast %mul3A_0 : i32 to vector<16xi32>
      %sub3A_338 = arith.subi %get3A_336, %sub3A_337 : vector<16xi32>
      %ge3A_339 = arith.constant 0 : i32
      %ge3A_340 = vector.broadcast %ge3A_339 : i32 to vector<16xi32>
      %ge3A_341 = arith.cmpi sge, %sub3A_338, %ge3A_340 : vector<16xi32>
      %lt3A_342 = arith.constant 5000 : i32
      %lt3A_343 = vector.broadcast %lt3A_342 : i32 to vector<16xi32>
      %lt3A_344 = arith.cmpi slt, %sub3A_338, %lt3A_343 : vector<16xi32>
      %and3A_345 = arith.andi %ge3A_341, %lt3A_344 : vector<16xi1>
      %jit3A_346 = arith.constant 5000 : i32
      %broadcast_in_dim3A_347 = vector.broadcast %jit3A_346 : i32 to vector<16xi32>
      %select_n3A_348 = arith.select %and3A_345, %sub3A_338, %broadcast_in_dim3A_347 : vector<16xi1>, vector<16xi32>
      %swap3A_349 = arith.constant 112 : index
      %swap3A_350 = tpu.vector_load %arg10[%swap3A_349] {strides = array<i32>} : memref<128xi32, #tpu.memory_space<vmem>>, vector<16xi32>,
      %swap3A_351 = vector.shape_cast %swap3A_350 : vector<16xi32> to vector<16xi32>
      %swap3A_352 = vector.shape_cast %select_n3A_348 : vector<16xi32> to vector<16xi32>
      tpu.vector_store %arg10[%swap3A_349], %swap3A_352 {strides = array<i32>} : memref<128xi32, #tpu.memory_space<vmem>>, vector<16xi32>,
      "tpu.region"() ({
        %run_scoped3A = tpu.sem_alloc : memref<!tpu.dma_semaphore, #tpu.memory_space<semaphore_mem>>
        %dma_start3A_360 = arith.constant 0 : i32
        %dma_start3A_361 = arith.constant 0 : i32
        %dma_start3A_362 = tpu.memref_slice %arg13[%dma_start3A_360, %dma_start3A_361] : memref<5008x128xf32, #tpu.memory_space<vmem_shared>> -> memref<5008x128xf32, #tpu.memory_space<vmem_shared>>
        tpu.enqueue_indirect_dma source(%arg12 : memref<128x128xf32, #tpu.memory_space<vmem>>) target(%dma_start3A_362 : memref<5008x128xf32, #tpu.memory_space<vmem_shared>>) offsets(%arg10 : memref<128xi32, #tpu.memory_space<vmem>>) semaphore(%run_scoped3A : memref<!tpu.dma_semaphore, #tpu.memory_space<semaphore_mem>>) {add = true}
        %dma_wait3A_363 = arith.constant 0 : i32
        %dma_wait3A_364 = arith.constant 0 : i32
        %dma_wait3A_365 = tpu.memref_slice %arg13[%dma_wait3A_363, %dma_wait3A_364] : memref<5008x128xf32, #tpu.memory_space<vmem_shared>> -> memref<5008x128xf32, #tpu.memory_space<vmem_shared>>
        tpu.wait_indirect_dma semaphore(%run_scoped3A : memref<!tpu.dma_semaphore, #tpu.memory_space<semaphore_mem>>) src(%arg12 : memref<128x128xf32, #tpu.memory_space<vmem>>) dst(%dma_wait3A_365 : memref<5008x128xf32, #tpu.memory_space<vmem_shared>>)
        tpu.yield
      }) : () -> ()
      %add3A_353 = arith.constant 2 : i32
      %add3A_354 = arith.addi %add3A_190, %add3A_353 : i32
      %lt3A_355 = arith.constant 158 : i32
      %lt3A_356 = arith.cmpi slt, %add3A_354, %lt3A_355 : i32
      %convert_element_type3A_357 = arith.extui %lt3A_356 : i1 to i32
      %cond3A_358 = arith.constant 0 : i32
      %cond3A_359 = arith.cmpi ne, %convert_element_type3A_357, %cond3A_358 : i32
      scf.if %cond3A_359 {
        %add3A_360 = arith.constant 2 : i32
        %add3A_361 = arith.addi %add3A_190, %add3A_360 : i32
        %mul3A_362 = arith.constant 128 : i32
        %mul3A_363 = arith.muli %add3A_361, %mul3A_362 : i32
        %add3A_364 = arith.addi %mul3A_2, %mul3A_363 : i32
        %dma_start3A_365 = tpu.memref_slice %arg3[%add3A_364] : memref<323584xi32, #tpu.memory_space<hbm>> -> memref<128xi32, #tpu.memory_space<hbm>>
        %dma_start3A_366 = tpu.memref_slice %arg3[%add3A_364] : memref<323584xi32, #tpu.memory_space<hbm>> -> memref<128xi32, #tpu.memory_space<hbm>>
        tpu.enqueue_dma source(%dma_start3A_366 : memref<128xi32, #tpu.memory_space<hbm>>) target(%arg8 : memref<128xi32, #tpu.memory_space<vmem>>) target_semaphore(%arg16 : memref<!tpu.dma_semaphore, #tpu.memory_space<semaphore_mem>>)
        %dma_start3A_367 = tpu.memref_slice %arg4[%add3A_364] : memref<323584xi32, #tpu.memory_space<hbm>> -> memref<128xi32, #tpu.memory_space<hbm>>
        %dma_start3A_368 = tpu.memref_slice %arg4[%add3A_364] : memref<323584xi32, #tpu.memory_space<hbm>> -> memref<128xi32, #tpu.memory_space<hbm>>
        tpu.enqueue_dma source(%dma_start3A_368 : memref<128xi32, #tpu.memory_space<hbm>>) target(%arg10 : memref<128xi32, #tpu.memory_space<vmem>>) target_semaphore(%arg16 : memref<!tpu.dma_semaphore, #tpu.memory_space<semaphore_mem>>)
      } else {
      }
    }
    %scan3A_18 = arith.constant 79 : i32
    %barrier3A_19 = arith.constant 0 : index
    tpu.barrier barrier_id(%barrier3A_19)
    %eq3A_20 = arith.constant 0 : i32
    %eq3A_21 = arith.cmpi eq, %arg1, %eq3A_20 : i32
    %convert_element_type3A_22 = arith.extui %eq3A_21 : i1 to i32
    %cond3A_23 = arith.constant 0 : i32
    %cond3A_24 = arith.cmpi ne, %convert_element_type3A_22, %cond3A_23 : i32
    scf.if %cond3A_24 {
      "tpu.region"() ({
        %run_scoped3A = tpu.sem_alloc : memref<!tpu.dma_semaphore, #tpu.memory_space<semaphore_mem>>
        %dma_start3A_25 = arith.constant 0 : i32
        %dma_start3A_26 = arith.constant 0 : i32
        %dma_start3A_27 = tpu.memref_slice %arg6[%arg0, %dma_start3A_25, %dma_start3A_26] : memref<2x5008x128xf32, #tpu.memory_space<hbm>> -> memref<1x5008x128xf32, #tpu.memory_space<hbm>>
        %dma_start3A_28 = tpu.memref_squeeze %dma_start3A_27 : memref<1x5008x128xf32, #tpu.memory_space<hbm>> -> memref<5008x128xf32, #tpu.memory_space<hbm>>
        tpu.enqueue_dma source(%arg13 : memref<5008x128xf32, #tpu.memory_space<vmem_shared>>) target(%dma_start3A_28 : memref<5008x128xf32, #tpu.memory_space<hbm>>) target_semaphore(%run_scoped3A : memref<!tpu.dma_semaphore, #tpu.memory_space<semaphore_mem>>)
        %dma_wait3A = arith.constant 0 : i32
        %dma_wait3A_29 = arith.constant 0 : i32
        %dma_wait3A_30 = tpu.memref_slice %arg6[%arg0, %dma_wait3A, %dma_wait3A_29] : memref<2x5008x128xf32, #tpu.memory_space<hbm>> -> memref<1x5008x128xf32, #tpu.memory_space<hbm>>
        %dma_wait3A_31 = tpu.memref_squeeze %dma_wait3A_30 : memref<1x5008x128xf32, #tpu.memory_space<hbm>> -> memref<5008x128xf32, #tpu.memory_space<hbm>>
        tpu.wait_dma2 semaphore(%run_scoped3A : memref<!tpu.dma_semaphore, #tpu.memory_space<semaphore_mem>>) src(%arg13 : memref<5008x128xf32, #tpu.memory_space<vmem_shared>>) dst(%dma_wait3A_31 : memref<5008x128xf32, #tpu.memory_space<hbm>>)
        tpu.yield
      }) : () -> ()
    } else {
    }
    return
  }
}

#map = affine_map<(d0, d1) -> (0, 0)>
#map1 = affine_map<(d0, d1) -> (0)>
#map2 = affine_map<(d0, d1) -> (0, 0, 0)>
module attributes {stable_mosaic.version = 14 : i64} {
  func.func @k(%arg0: i32, %arg1: i32, %arg2: memref<10000x128xf32, #tpu.memory_space<hbm>>, %arg3: memref<323584xi32, #tpu.memory_space<hbm>>, %arg4: memref<323584xi32, #tpu.memory_space<hbm>>, %arg5: memref<5008x128xf32, #tpu.memory_space<hbm>>, %arg6: memref<2x5008x128xf32, #tpu.memory_space<hbm>>, %arg7: memref<128xi32, #tpu.memory_space<vmem>>, %arg8: memref<128xi32, #tpu.memory_space<vmem>>, %arg9: memref<128xi32, #tpu.memory_space<vmem>>, %arg10: memref<128xi32, #tpu.memory_space<vmem>>, %arg11: memref<128x128xf32, #tpu.memory_space<vmem>>, %arg12: memref<128x128xf32, #tpu.memory_space<vmem>>, %arg13: memref<5008x128xf32, #tpu.memory_space<vmem_shared>>, %arg14: memref<!tpu.dma_semaphore, #tpu.memory_space<semaphore_mem>>, %arg15: memref<!tpu.dma_semaphore, #tpu.memory_space<semaphore_mem>>, %arg16: memref<!tpu.dma_semaphore, #tpu.memory_space<semaphore_mem>>) attributes {dimension_semantics = [#tpu.dimension_semantics<core_parallel>, #tpu.dimension_semantics<subcore_parallel>], iteration_bounds = array<i64: 2, 16>, scalar_prefetch = 0 : i64, scratch_operands = 10 : i64, tpu.core_type = #tpu.core_type<sc_vector_subcore>, window_params = [{transform_indices = #map}, {transform_indices = #map1}, {transform_indices = #map1}, {transform_indices = #map}, {transform_indices = #map2}]} {
    %mul3A = arith.constant 5000 : i32
    %mul3A_0 = arith.muli %arg0, %mul3A : i32
    %mul3A_1 = arith.constant 20224 : i32
    %mul3A_2 = arith.muli %arg1, %mul3A_1 : i32
    %eq3A = arith.constant 0 : i32
    %eq3A_3 = arith.cmpi eq, %arg1, %eq3A : i32
    %convert_element_type3A = arith.extui %eq3A_3 : i1 to i32
    %cond3A = arith.constant 0 : i32
    %cond3A_4 = arith.cmpi ne, %convert_element_type3A, %cond3A : i32
    scf.if %cond3A_4 {
      "tpu.region"() ({
        %run_scoped3A = tpu.sem_alloc : memref<!tpu.dma_semaphore, #tpu.memory_space<semaphore_mem>>
        tpu.enqueue_dma source(%arg5 : memref<5008x128xf32, #tpu.memory_space<hbm>>) target(%arg13 : memref<5008x128xf32, #tpu.memory_space<vmem_shared>>) target_semaphore(%run_scoped3A : memref<!tpu.dma_semaphore, #tpu.memory_space<semaphore_mem>>)
        tpu.wait_dma2 semaphore(%run_scoped3A : memref<!tpu.dma_semaphore, #tpu.memory_space<semaphore_mem>>) src(%arg5 : memref<5008x128xf32, #tpu.memory_space<hbm>>) dst(%arg13 : memref<5008x128xf32, #tpu.memory_space<vmem_shared>>)
        tpu.yield
      }) : () -> ()
    } else {
    }
    "tpu.region"() ({
      %run_scoped3A = tpu.sem_alloc : memref<!tpu.dma_semaphore, #tpu.memory_space<semaphore_mem>>
      %dma_start3A_25 = tpu.memref_slice %arg3[%mul3A_2] : memref<323584xi32, #tpu.memory_space<hbm>> -> memref<128xi32, #tpu.memory_space<hbm>>
      %dma_start3A_26 = tpu.memref_slice %arg3[%mul3A_2] : memref<323584xi32, #tpu.memory_space<hbm>> -> memref<128xi32, #tpu.memory_space<hbm>>
      tpu.enqueue_dma source(%dma_start3A_26 : memref<128xi32, #tpu.memory_space<hbm>>) target(%arg7 : memref<128xi32, #tpu.memory_space<vmem>>) target_semaphore(%run_scoped3A : memref<!tpu.dma_semaphore, #tpu.memory_space<semaphore_mem>>)
      %dma_wait3A = tpu.memref_slice %arg3[%mul3A_2] : memref<323584xi32, #tpu.memory_space<hbm>> -> memref<128xi32, #tpu.memory_space<hbm>>
      %dma_wait3A_27 = tpu.memref_slice %arg3[%mul3A_2] : memref<323584xi32, #tpu.memory_space<hbm>> -> memref<128xi32, #tpu.memory_space<hbm>>
      tpu.wait_dma2 semaphore(%run_scoped3A : memref<!tpu.dma_semaphore, #tpu.memory_space<semaphore_mem>>) src(%dma_wait3A_27 : memref<128xi32, #tpu.memory_space<hbm>>) dst(%arg7 : memref<128xi32, #tpu.memory_space<vmem>>)
      tpu.yield
    }) : () -> ()
    "tpu.region"() ({
      %run_scoped3A = tpu.sem_alloc : memref<!tpu.dma_semaphore, #tpu.memory_space<semaphore_mem>>
      %dma_start3A_25 = tpu.memref_slice %arg4[%mul3A_2] : memref<323584xi32, #tpu.memory_space<hbm>> -> memref<128xi32, #tpu.memory_space<hbm>>
      %dma_start3A_26 = tpu.memref_slice %arg4[%mul3A_2] : memref<323584xi32, #tpu.memory_space<hbm>> -> memref<128xi32, #tpu.memory_space<hbm>>
      tpu.enqueue_dma source(%dma_start3A_26 : memref<128xi32, #tpu.memory_space<hbm>>) target(%arg9 : memref<128xi32, #tpu.memory_space<vmem>>) target_semaphore(%run_scoped3A : memref<!tpu.dma_semaphore, #tpu.memory_space<semaphore_mem>>)
      %dma_wait3A = tpu.memref_slice %arg4[%mul3A_2] : memref<323584xi32, #tpu.memory_space<hbm>> -> memref<128xi32, #tpu.memory_space<hbm>>
      %dma_wait3A_27 = tpu.memref_slice %arg4[%mul3A_2] : memref<323584xi32, #tpu.memory_space<hbm>> -> memref<128xi32, #tpu.memory_space<hbm>>
      tpu.wait_dma2 semaphore(%run_scoped3A : memref<!tpu.dma_semaphore, #tpu.memory_space<semaphore_mem>>) src(%dma_wait3A_27 : memref<128xi32, #tpu.memory_space<hbm>>) dst(%arg9 : memref<128xi32, #tpu.memory_space<vmem>>)
      tpu.yield
    }) : () -> ()
    %dma_start3A = arith.constant 0 : i32
    %dma_start3A_5 = arith.constant 0 : i32
    %dma_start3A_6 = tpu.memref_slice %arg2[%dma_start3A, %dma_start3A_5] : memref<10000x128xf32, #tpu.memory_space<hbm>> -> memref<10000x128xf32, #tpu.memory_space<hbm>>
    tpu.enqueue_indirect_dma source(%dma_start3A_6 : memref<10000x128xf32, #tpu.memory_space<hbm>>) target(%arg11 : memref<128x128xf32, #tpu.memory_space<vmem>>) offsets(%arg7 : memref<128xi32, #tpu.memory_space<vmem>>) semaphore(%arg14 : memref<!tpu.dma_semaphore, #tpu.memory_space<semaphore_mem>>)
    %add3A = arith.constant 128 : i32
    %add3A_7 = arith.addi %mul3A_2, %add3A : i32
    %dma_start3A_8 = tpu.memref_slice %arg3[%add3A_7] : memref<323584xi32, #tpu.memory_space<hbm>> -> memref<128xi32, #tpu.memory_space<hbm>>
    %dma_start3A_9 = tpu.memref_slice %arg3[%add3A_7] : memref<323584xi32, #tpu.memory_space<hbm>> -> memref<128xi32, #tpu.memory_space<hbm>>
    tpu.enqueue_dma source(%dma_start3A_9 : memref<128xi32, #tpu.memory_space<hbm>>) target(%arg8 : memref<128xi32, #tpu.memory_space<vmem>>) target_semaphore(%arg16 : memref<!tpu.dma_semaphore, #tpu.memory_space<semaphore_mem>>)
    %add3A_10 = arith.constant 128 : i32
    %add3A_11 = arith.addi %mul3A_2, %add3A_10 : i32
    %dma_start3A_12 = tpu.memref_slice %arg4[%add3A_11] : memref<323584xi32, #tpu.memory_space<hbm>> -> memref<128xi32, #tpu.memory_space<hbm>>
    %dma_start3A_13 = tpu.memref_slice %arg4[%add3A_11] : memref<323584xi32, #tpu.memory_space<hbm>> -> memref<128xi32, #tpu.memory_space<hbm>>
    tpu.enqueue_dma source(%dma_start3A_13 : memref<128xi32, #tpu.memory_space<hbm>>) target(%arg10 : memref<128xi32, #tpu.memory_space<vmem>>) target_semaphore(%arg16 : memref<!tpu.dma_semaphore, #tpu.memory_space<semaphore_mem>>)
    %barrier3A = arith.constant 0 : index
    tpu.barrier barrier_id(%barrier3A)
    %scan3A = arith.constant 0 : i32
    %scan3A_14 = arith.constant 0 : i32
    %scan3A_15 = arith.constant 79 : i32
    %scan3A_16 = arith.addi %scan3A_14, %scan3A_15 : i32
    %scan3A_17 = arith.constant 1 : i32
    scf.for %scan3A_25 = %scan3A_14 to %scan3A_16 step %scan3A_17  : i32 {
      %mul3A_26 = arith.constant 2 : i32
      %mul3A_27 = arith.muli %mul3A_26, %scan3A_25 : i32
      %dma_wait3A = arith.constant 0 : i32
      %dma_wait3A_28 = arith.constant 0 : i32
      %dma_wait3A_29 = tpu.memref_slice %arg2[%dma_wait3A, %dma_wait3A_28] : memref<10000x128xf32, #tpu.memory_space<hbm>> -> memref<10000x128xf32, #tpu.memory_space<hbm>>
      tpu.wait_indirect_dma semaphore(%arg14 : memref<!tpu.dma_semaphore, #tpu.memory_space<semaphore_mem>>) src(%dma_wait3A_29 : memref<10000x128xf32, #tpu.memory_space<hbm>>) dst(%arg11 : memref<128x128xf32, #tpu.memory_space<vmem>>)
      %add3A_30 = arith.constant 1 : i32
      %add3A_31 = arith.addi %mul3A_27, %add3A_30 : i32
      %lt3A = arith.constant 158 : i32
      %lt3A_32 = arith.cmpi slt, %add3A_31, %lt3A : i32
      %convert_element_type3A_33 = arith.extui %lt3A_32 : i1 to i32
      %cond3A_34 = arith.constant 0 : i32
      %cond3A_35 = arith.cmpi ne, %convert_element_type3A_33, %cond3A_34 : i32
      scf.if %cond3A_35 {
        %dma_wait3A_360 = tpu.memref_slice %arg3[%mul3A_2] : memref<323584xi32, #tpu.memory_space<hbm>> -> memref<128xi32, #tpu.memory_space<hbm>>
        %dma_wait3A_361 = tpu.memref_slice %arg3[%mul3A_2] : memref<323584xi32, #tpu.memory_space<hbm>> -> memref<128xi32, #tpu.memory_space<hbm>>
        tpu.wait_dma2 semaphore(%arg16 : memref<!tpu.dma_semaphore, #tpu.memory_space<semaphore_mem>>) src(%dma_wait3A_361 : memref<128xi32, #tpu.memory_space<hbm>>) dst(%arg8 : memref<128xi32, #tpu.memory_space<vmem>>)
        %dma_wait3A_362 = tpu.memref_slice %arg4[%mul3A_2] : memref<323584xi32, #tpu.memory_space<hbm>> -> memref<128xi32, #tpu.memory_space<hbm>>
        %dma_wait3A_363 = tpu.memref_slice %arg4[%mul3A_2] : memref<323584xi32, #tpu.memory_space<hbm>> -> memref<128xi32, #tpu.memory_space<hbm>>
        tpu.wait_dma2 semaphore(%arg16 : memref<!tpu.dma_semaphore, #tpu.memory_space<semaphore_mem>>) src(%dma_wait3A_363 : memref<128xi32, #tpu.memory_space<hbm>>) dst(%arg10 : memref<128xi32, #tpu.memory_space<vmem>>)
        %dma_start3A_364 = arith.constant 0 : i32
        %dma_start3A_365 = arith.constant 0 : i32
        %dma_start3A_366 = tpu.memref_slice %arg2[%dma_start3A_364, %dma_start3A_365] : memref<10000x128xf32, #tpu.memory_space<hbm>> -> memref<10000x128xf32, #tpu.memory_space<hbm>>
        tpu.enqueue_indirect_dma source(%dma_start3A_366 : memref<10000x128xf32, #tpu.memory_space<hbm>>) target(%arg12 : memref<128x128xf32, #tpu.memory_space<vmem>>) offsets(%arg8 : memref<128xi32, #tpu.memory_space<vmem>>) semaphore(%arg15 : memref<!tpu.dma_semaphore, #tpu.memory_space<semaphore_mem>>)
      } else {
      }
      %get3A = arith.constant 0 : index
      %get3A_36 = tpu.vector_load %arg9[%get3A] {strides = array<i32>} : memref<128xi32, #tpu.memory_space<vmem>>, vector<16xi32>,
      %get3A_37 = vector.shape_cast %get3A_36 : vector<16xi32> to vector<16xi32>
      %sub3A = vector.broadcast %mul3A_0 : i32 to vector<16xi32>
      %sub3A_38 = arith.subi %get3A_37, %sub3A : vector<16xi32>
      %ge3A = arith.constant 0 : i32
      %ge3A_39 = vector.broadcast %ge3A : i32 to vector<16xi32>
      %ge3A_40 = arith.cmpi sge, %sub3A_38, %ge3A_39 : vector<16xi32>
      %lt3A_41 = arith.constant 5000 : i32
      %lt3A_42 = vector.broadcast %lt3A_41 : i32 to vector<16xi32>
      %lt3A_43 = arith.cmpi slt, %sub3A_38, %lt3A_42 : vector<16xi32>
      %and3A = arith.andi %ge3A_40, %lt3A_43 : vector<16xi1>
      %jit3A = arith.constant 5000 : i32
      %broadcast_in_dim3A = vector.broadcast %jit3A : i32 to vector<16xi32>
      %select_n3A = arith.select %and3A, %sub3A_38, %broadcast_in_dim3A : vector<16xi1>, vector<16xi32>
      %swap3A = arith.constant 0 : index
      %swap3A_44 = tpu.vector_load %arg9[%swap3A] {strides = array<i32>} : memref<128xi32, #tpu.memory_space<vmem>>, vector<16xi32>,
      %swap3A_45 = vector.shape_cast %swap3A_44 : vector<16xi32> to vector<16xi32>
      %swap3A_46 = vector.shape_cast %select_n3A : vector<16xi32> to vector<16xi32>
      tpu.vector_store %arg9[%swap3A], %swap3A_46 {strides = array<i32>} : memref<128xi32, #tpu.memory_space<vmem>>, vector<16xi32>,
      %get3A_47 = arith.constant 16 : index
      %get3A_48 = tpu.vector_load %arg9[%get3A_47] {strides = array<i32>} : memref<128xi32, #tpu.memory_space<vmem>>, vector<16xi32>,
      %get3A_49 = vector.shape_cast %get3A_48 : vector<16xi32> to vector<16xi32>
      %sub3A_50 = vector.broadcast %mul3A_0 : i32 to vector<16xi32>
      %sub3A_51 = arith.subi %get3A_49, %sub3A_50 : vector<16xi32>
      %ge3A_52 = arith.constant 0 : i32
      %ge3A_53 = vector.broadcast %ge3A_52 : i32 to vector<16xi32>
      %ge3A_54 = arith.cmpi sge, %sub3A_51, %ge3A_53 : vector<16xi32>
      %lt3A_55 = arith.constant 5000 : i32
      %lt3A_56 = vector.broadcast %lt3A_55 : i32 to vector<16xi32>
      %lt3A_57 = arith.cmpi slt, %sub3A_51, %lt3A_56 : vector<16xi32>
      %and3A_58 = arith.andi %ge3A_54, %lt3A_57 : vector<16xi1>
      %jit3A_59 = arith.constant 5000 : i32
      %broadcast_in_dim3A_60 = vector.broadcast %jit3A_59 : i32 to vector<16xi32>
      %select_n3A_61 = arith.select %and3A_58, %sub3A_51, %broadcast_in_dim3A_60 : vector<16xi1>, vector<16xi32>
      %swap3A_62 = arith.constant 16 : index
      %swap3A_63 = tpu.vector_load %arg9[%swap3A_62] {strides = array<i32>} : memref<128xi32, #tpu.memory_space<vmem>>, vector<16xi32>,
      %swap3A_64 = vector.shape_cast %swap3A_63 : vector<16xi32> to vector<16xi32>
      %swap3A_65 = vector.shape_cast %select_n3A_61 : vector<16xi32> to vector<16xi32>
      tpu.vector_store %arg9[%swap3A_62], %swap3A_65 {strides = array<i32>} : memref<128xi32, #tpu.memory_space<vmem>>, vector<16xi32>,
      %get3A_66 = arith.constant 32 : index
      %get3A_67 = tpu.vector_load %arg9[%get3A_66] {strides = array<i32>} : memref<128xi32, #tpu.memory_space<vmem>>, vector<16xi32>,
      %get3A_68 = vector.shape_cast %get3A_67 : vector<16xi32> to vector<16xi32>
      %sub3A_69 = vector.broadcast %mul3A_0 : i32 to vector<16xi32>
      %sub3A_70 = arith.subi %get3A_68, %sub3A_69 : vector<16xi32>
      %ge3A_71 = arith.constant 0 : i32
      %ge3A_72 = vector.broadcast %ge3A_71 : i32 to vector<16xi32>
      %ge3A_73 = arith.cmpi sge, %sub3A_70, %ge3A_72 : vector<16xi32>
      %lt3A_74 = arith.constant 5000 : i32
      %lt3A_75 = vector.broadcast %lt3A_74 : i32 to vector<16xi32>
      %lt3A_76 = arith.cmpi slt, %sub3A_70, %lt3A_75 : vector<16xi32>
      %and3A_77 = arith.andi %ge3A_73, %lt3A_76 : vector<16xi1>
      %jit3A_78 = arith.constant 5000 : i32
      %broadcast_in_dim3A_79 = vector.broadcast %jit3A_78 : i32 to vector<16xi32>
      %select_n3A_80 = arith.select %and3A_77, %sub3A_70, %broadcast_in_dim3A_79 : vector<16xi1>, vector<16xi32>
      %swap3A_81 = arith.constant 32 : index
      %swap3A_82 = tpu.vector_load %arg9[%swap3A_81] {strides = array<i32>} : memref<128xi32, #tpu.memory_space<vmem>>, vector<16xi32>,
      %swap3A_83 = vector.shape_cast %swap3A_82 : vector<16xi32> to vector<16xi32>
      %swap3A_84 = vector.shape_cast %select_n3A_80 : vector<16xi32> to vector<16xi32>
      tpu.vector_store %arg9[%swap3A_81], %swap3A_84 {strides = array<i32>} : memref<128xi32, #tpu.memory_space<vmem>>, vector<16xi32>,
      %get3A_85 = arith.constant 48 : index
      %get3A_86 = tpu.vector_load %arg9[%get3A_85] {strides = array<i32>} : memref<128xi32, #tpu.memory_space<vmem>>, vector<16xi32>,
      %get3A_87 = vector.shape_cast %get3A_86 : vector<16xi32> to vector<16xi32>
      %sub3A_88 = vector.broadcast %mul3A_0 : i32 to vector<16xi32>
      %sub3A_89 = arith.subi %get3A_87, %sub3A_88 : vector<16xi32>
      %ge3A_90 = arith.constant 0 : i32
      %ge3A_91 = vector.broadcast %ge3A_90 : i32 to vector<16xi32>
      %ge3A_92 = arith.cmpi sge, %sub3A_89, %ge3A_91 : vector<16xi32>
      %lt3A_93 = arith.constant 5000 : i32
      %lt3A_94 = vector.broadcast %lt3A_93 : i32 to vector<16xi32>
      %lt3A_95 = arith.cmpi slt, %sub3A_89, %lt3A_94 : vector<16xi32>
      %and3A_96 = arith.andi %ge3A_92, %lt3A_95 : vector<16xi1>
      %jit3A_97 = arith.constant 5000 : i32
      %broadcast_in_dim3A_98 = vector.broadcast %jit3A_97 : i32 to vector<16xi32>
      %select_n3A_99 = arith.select %and3A_96, %sub3A_89, %broadcast_in_dim3A_98 : vector<16xi1>, vector<16xi32>
      %swap3A_100 = arith.constant 48 : index
      %swap3A_101 = tpu.vector_load %arg9[%swap3A_100] {strides = array<i32>} : memref<128xi32, #tpu.memory_space<vmem>>, vector<16xi32>,
      %swap3A_102 = vector.shape_cast %swap3A_101 : vector<16xi32> to vector<16xi32>
      %swap3A_103 = vector.shape_cast %select_n3A_99 : vector<16xi32> to vector<16xi32>
      tpu.vector_store %arg9[%swap3A_100], %swap3A_103 {strides = array<i32>} : memref<128xi32, #tpu.memory_space<vmem>>, vector<16xi32>,
      %get3A_104 = arith.constant 64 : index
      %get3A_105 = tpu.vector_load %arg9[%get3A_104] {strides = array<i32>} : memref<128xi32, #tpu.memory_space<vmem>>, vector<16xi32>,
      %get3A_106 = vector.shape_cast %get3A_105 : vector<16xi32> to vector<16xi32>
      %sub3A_107 = vector.broadcast %mul3A_0 : i32 to vector<16xi32>
      %sub3A_108 = arith.subi %get3A_106, %sub3A_107 : vector<16xi32>
      %ge3A_109 = arith.constant 0 : i32
      %ge3A_110 = vector.broadcast %ge3A_109 : i32 to vector<16xi32>
      %ge3A_111 = arith.cmpi sge, %sub3A_108, %ge3A_110 : vector<16xi32>
      %lt3A_112 = arith.constant 5000 : i32
      %lt3A_113 = vector.broadcast %lt3A_112 : i32 to vector<16xi32>
      %lt3A_114 = arith.cmpi slt, %sub3A_108, %lt3A_113 : vector<16xi32>
      %and3A_115 = arith.andi %ge3A_111, %lt3A_114 : vector<16xi1>
      %jit3A_116 = arith.constant 5000 : i32
      %broadcast_in_dim3A_117 = vector.broadcast %jit3A_116 : i32 to vector<16xi32>
      %select_n3A_118 = arith.select %and3A_115, %sub3A_108, %broadcast_in_dim3A_117 : vector<16xi1>, vector<16xi32>
      %swap3A_119 = arith.constant 64 : index
      %swap3A_120 = tpu.vector_load %arg9[%swap3A_119] {strides = array<i32>} : memref<128xi32, #tpu.memory_space<vmem>>, vector<16xi32>,
      %swap3A_121 = vector.shape_cast %swap3A_120 : vector<16xi32> to vector<16xi32>
      %swap3A_122 = vector.shape_cast %select_n3A_118 : vector<16xi32> to vector<16xi32>
      tpu.vector_store %arg9[%swap3A_119], %swap3A_122 {strides = array<i32>} : memref<128xi32, #tpu.memory_space<vmem>>, vector<16xi32>,
      %get3A_123 = arith.constant 80 : index
      %get3A_124 = tpu.vector_load %arg9[%get3A_123] {strides = array<i32>} : memref<128xi32, #tpu.memory_space<vmem>>, vector<16xi32>,
      %get3A_125 = vector.shape_cast %get3A_124 : vector<16xi32> to vector<16xi32>
      %sub3A_126 = vector.broadcast %mul3A_0 : i32 to vector<16xi32>
      %sub3A_127 = arith.subi %get3A_125, %sub3A_126 : vector<16xi32>
      %ge3A_128 = arith.constant 0 : i32
      %ge3A_129 = vector.broadcast %ge3A_128 : i32 to vector<16xi32>
      %ge3A_130 = arith.cmpi sge, %sub3A_127, %ge3A_129 : vector<16xi32>
      %lt3A_131 = arith.constant 5000 : i32
      %lt3A_132 = vector.broadcast %lt3A_131 : i32 to vector<16xi32>
      %lt3A_133 = arith.cmpi slt, %sub3A_127, %lt3A_132 : vector<16xi32>
      %and3A_134 = arith.andi %ge3A_130, %lt3A_133 : vector<16xi1>
      %jit3A_135 = arith.constant 5000 : i32
      %broadcast_in_dim3A_136 = vector.broadcast %jit3A_135 : i32 to vector<16xi32>
      %select_n3A_137 = arith.select %and3A_134, %sub3A_127, %broadcast_in_dim3A_136 : vector<16xi1>, vector<16xi32>
      %swap3A_138 = arith.constant 80 : index
      %swap3A_139 = tpu.vector_load %arg9[%swap3A_138] {strides = array<i32>} : memref<128xi32, #tpu.memory_space<vmem>>, vector<16xi32>,
      %swap3A_140 = vector.shape_cast %swap3A_139 : vector<16xi32> to vector<16xi32>
      %swap3A_141 = vector.shape_cast %select_n3A_137 : vector<16xi32> to vector<16xi32>
      tpu.vector_store %arg9[%swap3A_138], %swap3A_141 {strides = array<i32>} : memref<128xi32, #tpu.memory_space<vmem>>, vector<16xi32>,
      %get3A_142 = arith.constant 96 : index
      %get3A_143 = tpu.vector_load %arg9[%get3A_142] {strides = array<i32>} : memref<128xi32, #tpu.memory_space<vmem>>, vector<16xi32>,
      %get3A_144 = vector.shape_cast %get3A_143 : vector<16xi32> to vector<16xi32>
      %sub3A_145 = vector.broadcast %mul3A_0 : i32 to vector<16xi32>
      %sub3A_146 = arith.subi %get3A_144, %sub3A_145 : vector<16xi32>
      %ge3A_147 = arith.constant 0 : i32
      %ge3A_148 = vector.broadcast %ge3A_147 : i32 to vector<16xi32>
      %ge3A_149 = arith.cmpi sge, %sub3A_146, %ge3A_148 : vector<16xi32>
      %lt3A_150 = arith.constant 5000 : i32
      %lt3A_151 = vector.broadcast %lt3A_150 : i32 to vector<16xi32>
      %lt3A_152 = arith.cmpi slt, %sub3A_146, %lt3A_151 : vector<16xi32>
      %and3A_153 = arith.andi %ge3A_149, %lt3A_152 : vector<16xi1>
      %jit3A_154 = arith.constant 5000 : i32
      %broadcast_in_dim3A_155 = vector.broadcast %jit3A_154 : i32 to vector<16xi32>
      %select_n3A_156 = arith.select %and3A_153, %sub3A_146, %broadcast_in_dim3A_155 : vector<16xi1>, vector<16xi32>
      %swap3A_157 = arith.constant 96 : index
      %swap3A_158 = tpu.vector_load %arg9[%swap3A_157] {strides = array<i32>} : memref<128xi32, #tpu.memory_space<vmem>>, vector<16xi32>,
      %swap3A_159 = vector.shape_cast %swap3A_158 : vector<16xi32> to vector<16xi32>
      %swap3A_160 = vector.shape_cast %select_n3A_156 : vector<16xi32> to vector<16xi32>
      tpu.vector_store %arg9[%swap3A_157], %swap3A_160 {strides = array<i32>} : memref<128xi32, #tpu.memory_space<vmem>>, vector<16xi32>,
      %get3A_161 = arith.constant 112 : index
      %get3A_162 = tpu.vector_load %arg9[%get3A_161] {strides = array<i32>} : memref<128xi32, #tpu.memory_space<vmem>>, vector<16xi32>,
      %get3A_163 = vector.shape_cast %get3A_162 : vector<16xi32> to vector<16xi32>
      %sub3A_164 = vector.broadcast %mul3A_0 : i32 to vector<16xi32>
      %sub3A_165 = arith.subi %get3A_163, %sub3A_164 : vector<16xi32>
      %ge3A_166 = arith.constant 0 : i32
      %ge3A_167 = vector.broadcast %ge3A_166 : i32 to vector<16xi32>
      %ge3A_168 = arith.cmpi sge, %sub3A_165, %ge3A_167 : vector<16xi32>
      %lt3A_169 = arith.constant 5000 : i32
      %lt3A_170 = vector.broadcast %lt3A_169 : i32 to vector<16xi32>
      %lt3A_171 = arith.cmpi slt, %sub3A_165, %lt3A_170 : vector<16xi32>
      %and3A_172 = arith.andi %ge3A_168, %lt3A_171 : vector<16xi1>
      %jit3A_173 = arith.constant 5000 : i32
      %broadcast_in_dim3A_174 = vector.broadcast %jit3A_173 : i32 to vector<16xi32>
      %select_n3A_175 = arith.select %and3A_172, %sub3A_165, %broadcast_in_dim3A_174 : vector<16xi1>, vector<16xi32>
      %swap3A_176 = arith.constant 112 : index
      %swap3A_177 = tpu.vector_load %arg9[%swap3A_176] {strides = array<i32>} : memref<128xi32, #tpu.memory_space<vmem>>, vector<16xi32>,
      %swap3A_178 = vector.shape_cast %swap3A_177 : vector<16xi32> to vector<16xi32>
      %swap3A_179 = vector.shape_cast %select_n3A_175 : vector<16xi32> to vector<16xi32>
      tpu.vector_store %arg9[%swap3A_176], %swap3A_179 {strides = array<i32>} : memref<128xi32, #tpu.memory_space<vmem>>, vector<16xi32>,
      "tpu.region"() ({
        %run_scoped3A = tpu.sem_alloc : memref<!tpu.dma_semaphore, #tpu.memory_space<semaphore_mem>>
        %dma_start3A_360 = arith.constant 0 : i32
        %dma_start3A_361 = arith.constant 0 : i32
        %dma_start3A_362 = tpu.memref_slice %arg13[%dma_start3A_360, %dma_start3A_361] : memref<5008x128xf32, #tpu.memory_space<vmem_shared>> -> memref<5008x128xf32, #tpu.memory_space<vmem_shared>>
        tpu.enqueue_indirect_dma source(%arg11 : memref<128x128xf32, #tpu.memory_space<vmem>>) target(%dma_start3A_362 : memref<5008x128xf32, #tpu.memory_space<vmem_shared>>) offsets(%arg9 : memref<128xi32, #tpu.memory_space<vmem>>) semaphore(%run_scoped3A : memref<!tpu.dma_semaphore, #tpu.memory_space<semaphore_mem>>) {add = true}
        %dma_wait3A_363 = arith.constant 0 : i32
        %dma_wait3A_364 = arith.constant 0 : i32
        %dma_wait3A_365 = tpu.memref_slice %arg13[%dma_wait3A_363, %dma_wait3A_364] : memref<5008x128xf32, #tpu.memory_space<vmem_shared>> -> memref<5008x128xf32, #tpu.memory_space<vmem_shared>>
        tpu.wait_indirect_dma semaphore(%run_scoped3A : memref<!tpu.dma_semaphore, #tpu.memory_space<semaphore_mem>>) src(%arg11 : memref<128x128xf32, #tpu.memory_space<vmem>>) dst(%dma_wait3A_365 : memref<5008x128xf32, #tpu.memory_space<vmem_shared>>)
        tpu.yield
      }) : () -> ()
      %add3A_180 = arith.constant 2 : i32
      %add3A_181 = arith.addi %mul3A_27, %add3A_180 : i32
      %lt3A_182 = arith.constant 158 : i32
      %lt3A_183 = arith.cmpi slt, %add3A_181, %lt3A_182 : i32
      %convert_element_type3A_184 = arith.extui %lt3A_183 : i1 to i32
      %cond3A_185 = arith.constant 0 : i32
      %cond3A_186 = arith.cmpi ne, %convert_element_type3A_184, %cond3A_185 : i32
      scf.if %cond3A_186 {
        %add3A_360 = arith.constant 2 : i32
        %add3A_361 = arith.addi %mul3A_27, %add3A_360 : i32
        %mul3A_362 = arith.constant 128 : i32
        %mul3A_363 = arith.muli %add3A_361, %mul3A_362 : i32
        %add3A_364 = arith.addi %mul3A_2, %mul3A_363 : i32
        %dma_start3A_365 = tpu.memref_slice %arg3[%add3A_364] : memref<323584xi32, #tpu.memory_space<hbm>> -> memref<128xi32, #tpu.memory_space<hbm>>
        %dma_start3A_366 = tpu.memref_slice %arg3[%add3A_364] : memref<323584xi32, #tpu.memory_space<hbm>> -> memref<128xi32, #tpu.memory_space<hbm>>
        tpu.enqueue_dma source(%dma_start3A_366 : memref<128xi32, #tpu.memory_space<hbm>>) target(%arg7 : memref<128xi32, #tpu.memory_space<vmem>>) target_semaphore(%arg16 : memref<!tpu.dma_semaphore, #tpu.memory_space<semaphore_mem>>)
        %dma_start3A_367 = tpu.memref_slice %arg4[%add3A_364] : memref<323584xi32, #tpu.memory_space<hbm>> -> memref<128xi32, #tpu.memory_space<hbm>>
        %dma_start3A_368 = tpu.memref_slice %arg4[%add3A_364] : memref<323584xi32, #tpu.memory_space<hbm>> -> memref<128xi32, #tpu.memory_space<hbm>>
        tpu.enqueue_dma source(%dma_start3A_368 : memref<128xi32, #tpu.memory_space<hbm>>) target(%arg9 : memref<128xi32, #tpu.memory_space<vmem>>) target_semaphore(%arg16 : memref<!tpu.dma_semaphore, #tpu.memory_space<semaphore_mem>>)
      } else {
      }
      %mul3A_187 = arith.constant 2 : i32
      %mul3A_188 = arith.muli %mul3A_187, %scan3A_25 : i32
      %add3A_189 = arith.constant 1 : i32
      %add3A_190 = arith.addi %mul3A_188, %add3A_189 : i32
      %dma_wait3A_191 = arith.constant 0 : i32
      %dma_wait3A_192 = arith.constant 0 : i32
      %dma_wait3A_193 = tpu.memref_slice %arg2[%dma_wait3A_191, %dma_wait3A_192] : memref<10000x128xf32, #tpu.memory_space<hbm>> -> memref<10000x128xf32, #tpu.memory_space<hbm>>
      tpu.wait_indirect_dma semaphore(%arg15 : memref<!tpu.dma_semaphore, #tpu.memory_space<semaphore_mem>>) src(%dma_wait3A_193 : memref<10000x128xf32, #tpu.memory_space<hbm>>) dst(%arg12 : memref<128x128xf32, #tpu.memory_space<vmem>>)
      %add3A_194 = arith.constant 1 : i32
      %add3A_195 = arith.addi %add3A_190, %add3A_194 : i32
      %lt3A_196 = arith.constant 158 : i32
      %lt3A_197 = arith.cmpi slt, %add3A_195, %lt3A_196 : i32
      %convert_element_type3A_198 = arith.extui %lt3A_197 : i1 to i32
      %cond3A_199 = arith.constant 0 : i32
      %cond3A_200 = arith.cmpi ne, %convert_element_type3A_198, %cond3A_199 : i32
      scf.if %cond3A_200 {
        %dma_wait3A_360 = tpu.memref_slice %arg3[%mul3A_2] : memref<323584xi32, #tpu.memory_space<hbm>> -> memref<128xi32, #tpu.memory_space<hbm>>
        %dma_wait3A_361 = tpu.memref_slice %arg3[%mul3A_2] : memref<323584xi32, #tpu.memory_space<hbm>> -> memref<128xi32, #tpu.memory_space<hbm>>
        tpu.wait_dma2 semaphore(%arg16 : memref<!tpu.dma_semaphore, #tpu.memory_space<semaphore_mem>>) src(%dma_wait3A_361 : memref<128xi32, #tpu.memory_space<hbm>>) dst(%arg7 : memref<128xi32, #tpu.memory_space<vmem>>)
        %dma_wait3A_362 = tpu.memref_slice %arg4[%mul3A_2] : memref<323584xi32, #tpu.memory_space<hbm>> -> memref<128xi32, #tpu.memory_space<hbm>>
        %dma_wait3A_363 = tpu.memref_slice %arg4[%mul3A_2] : memref<323584xi32, #tpu.memory_space<hbm>> -> memref<128xi32, #tpu.memory_space<hbm>>
        tpu.wait_dma2 semaphore(%arg16 : memref<!tpu.dma_semaphore, #tpu.memory_space<semaphore_mem>>) src(%dma_wait3A_363 : memref<128xi32, #tpu.memory_space<hbm>>) dst(%arg9 : memref<128xi32, #tpu.memory_space<vmem>>)
        %dma_start3A_364 = arith.constant 0 : i32
        %dma_start3A_365 = arith.constant 0 : i32
        %dma_start3A_366 = tpu.memref_slice %arg2[%dma_start3A_364, %dma_start3A_365] : memref<10000x128xf32, #tpu.memory_space<hbm>> -> memref<10000x128xf32, #tpu.memory_space<hbm>>
        tpu.enqueue_indirect_dma source(%dma_start3A_366 : memref<10000x128xf32, #tpu.memory_space<hbm>>) target(%arg11 : memref<128x128xf32, #tpu.memory_space<vmem>>) offsets(%arg7 : memref<128xi32, #tpu.memory_space<vmem>>) semaphore(%arg14 : memref<!tpu.dma_semaphore, #tpu.memory_space<semaphore_mem>>)
      } else {
      }
      %get3A_201 = arith.constant 0 : index
      %get3A_202 = tpu.vector_load %arg10[%get3A_201] {strides = array<i32>} : memref<128xi32, #tpu.memory_space<vmem>>, vector<16xi32>,
      %get3A_203 = vector.shape_cast %get3A_202 : vector<16xi32> to vector<16xi32>
      %sub3A_204 = vector.broadcast %mul3A_0 : i32 to vector<16xi32>
      %sub3A_205 = arith.subi %get3A_203, %sub3A_204 : vector<16xi32>
      %ge3A_206 = arith.constant 0 : i32
      %ge3A_207 = vector.broadcast %ge3A_206 : i32 to vector<16xi32>
      %ge3A_208 = arith.cmpi sge, %sub3A_205, %ge3A_207 : vector<16xi32>
      %lt3A_209 = arith.constant 5000 : i32
      %lt3A_210 = vector.broadcast %lt3A_209 : i32 to vector<16xi32>
      %lt3A_211 = arith.cmpi slt, %sub3A_205, %lt3A_210 : vector<16xi32>
      %and3A_212 = arith.andi %ge3A_208, %lt3A_211 : vector<16xi1>
      %jit3A_213 = arith.constant 5000 : i32
      %broadcast_in_dim3A_214 = vector.broadcast %jit3A_213 : i32 to vector<16xi32>
      %select_n3A_215 = arith.select %and3A_212, %sub3A_205, %broadcast_in_dim3A_214 : vector<16xi1>, vector<16xi32>
      %swap3A_216 = arith.constant 0 : index
      %swap3A_217 = tpu.vector_load %arg10[%swap3A_216] {strides = array<i32>} : memref<128xi32, #tpu.memory_space<vmem>>, vector<16xi32>,
      %swap3A_218 = vector.shape_cast %swap3A_217 : vector<16xi32> to vector<16xi32>
      %swap3A_219 = vector.shape_cast %select_n3A_215 : vector<16xi32> to vector<16xi32>
      tpu.vector_store %arg10[%swap3A_216], %swap3A_219 {strides = array<i32>} : memref<128xi32, #tpu.memory_space<vmem>>, vector<16xi32>,
      %get3A_220 = arith.constant 16 : index
      %get3A_221 = tpu.vector_load %arg10[%get3A_220] {strides = array<i32>} : memref<128xi32, #tpu.memory_space<vmem>>, vector<16xi32>,
      %get3A_222 = vector.shape_cast %get3A_221 : vector<16xi32> to vector<16xi32>
      %sub3A_223 = vector.broadcast %mul3A_0 : i32 to vector<16xi32>
      %sub3A_224 = arith.subi %get3A_222, %sub3A_223 : vector<16xi32>
      %ge3A_225 = arith.constant 0 : i32
      %ge3A_226 = vector.broadcast %ge3A_225 : i32 to vector<16xi32>
      %ge3A_227 = arith.cmpi sge, %sub3A_224, %ge3A_226 : vector<16xi32>
      %lt3A_228 = arith.constant 5000 : i32
      %lt3A_229 = vector.broadcast %lt3A_228 : i32 to vector<16xi32>
      %lt3A_230 = arith.cmpi slt, %sub3A_224, %lt3A_229 : vector<16xi32>
      %and3A_231 = arith.andi %ge3A_227, %lt3A_230 : vector<16xi1>
      %jit3A_232 = arith.constant 5000 : i32
      %broadcast_in_dim3A_233 = vector.broadcast %jit3A_232 : i32 to vector<16xi32>
      %select_n3A_234 = arith.select %and3A_231, %sub3A_224, %broadcast_in_dim3A_233 : vector<16xi1>, vector<16xi32>
      %swap3A_235 = arith.constant 16 : index
      %swap3A_236 = tpu.vector_load %arg10[%swap3A_235] {strides = array<i32>} : memref<128xi32, #tpu.memory_space<vmem>>, vector<16xi32>,
      %swap3A_237 = vector.shape_cast %swap3A_236 : vector<16xi32> to vector<16xi32>
      %swap3A_238 = vector.shape_cast %select_n3A_234 : vector<16xi32> to vector<16xi32>
      tpu.vector_store %arg10[%swap3A_235], %swap3A_238 {strides = array<i32>} : memref<128xi32, #tpu.memory_space<vmem>>, vector<16xi32>,
      %get3A_239 = arith.constant 32 : index
      %get3A_240 = tpu.vector_load %arg10[%get3A_239] {strides = array<i32>} : memref<128xi32, #tpu.memory_space<vmem>>, vector<16xi32>,
      %get3A_241 = vector.shape_cast %get3A_240 : vector<16xi32> to vector<16xi32>
      %sub3A_242 = vector.broadcast %mul3A_0 : i32 to vector<16xi32>
      %sub3A_243 = arith.subi %get3A_241, %sub3A_242 : vector<16xi32>
      %ge3A_244 = arith.constant 0 : i32
      %ge3A_245 = vector.broadcast %ge3A_244 : i32 to vector<16xi32>
      %ge3A_246 = arith.cmpi sge, %sub3A_243, %ge3A_245 : vector<16xi32>
      %lt3A_247 = arith.constant 5000 : i32
      %lt3A_248 = vector.broadcast %lt3A_247 : i32 to vector<16xi32>
      %lt3A_249 = arith.cmpi slt, %sub3A_243, %lt3A_248 : vector<16xi32>
      %and3A_250 = arith.andi %ge3A_246, %lt3A_249 : vector<16xi1>
      %jit3A_251 = arith.constant 5000 : i32
      %broadcast_in_dim3A_252 = vector.broadcast %jit3A_251 : i32 to vector<16xi32>
      %select_n3A_253 = arith.select %and3A_250, %sub3A_243, %broadcast_in_dim3A_252 : vector<16xi1>, vector<16xi32>
      %swap3A_254 = arith.constant 32 : index
      %swap3A_255 = tpu.vector_load %arg10[%swap3A_254] {strides = array<i32>} : memref<128xi32, #tpu.memory_space<vmem>>, vector<16xi32>,
      %swap3A_256 = vector.shape_cast %swap3A_255 : vector<16xi32> to vector<16xi32>
      %swap3A_257 = vector.shape_cast %select_n3A_253 : vector<16xi32> to vector<16xi32>
      tpu.vector_store %arg10[%swap3A_254], %swap3A_257 {strides = array<i32>} : memref<128xi32, #tpu.memory_space<vmem>>, vector<16xi32>,
      %get3A_258 = arith.constant 48 : index
      %get3A_259 = tpu.vector_load %arg10[%get3A_258] {strides = array<i32>} : memref<128xi32, #tpu.memory_space<vmem>>, vector<16xi32>,
      %get3A_260 = vector.shape_cast %get3A_259 : vector<16xi32> to vector<16xi32>
      %sub3A_261 = vector.broadcast %mul3A_0 : i32 to vector<16xi32>
      %sub3A_262 = arith.subi %get3A_260, %sub3A_261 : vector<16xi32>
      %ge3A_263 = arith.constant 0 : i32
      %ge3A_264 = vector.broadcast %ge3A_263 : i32 to vector<16xi32>
      %ge3A_265 = arith.cmpi sge, %sub3A_262, %ge3A_264 : vector<16xi32>
      %lt3A_266 = arith.constant 5000 : i32
      %lt3A_267 = vector.broadcast %lt3A_266 : i32 to vector<16xi32>
      %lt3A_268 = arith.cmpi slt, %sub3A_262, %lt3A_267 : vector<16xi32>
      %and3A_269 = arith.andi %ge3A_265, %lt3A_268 : vector<16xi1>
      %jit3A_270 = arith.constant 5000 : i32
      %broadcast_in_dim3A_271 = vector.broadcast %jit3A_270 : i32 to vector<16xi32>
      %select_n3A_272 = arith.select %and3A_269, %sub3A_262, %broadcast_in_dim3A_271 : vector<16xi1>, vector<16xi32>
      %swap3A_273 = arith.constant 48 : index
      %swap3A_274 = tpu.vector_load %arg10[%swap3A_273] {strides = array<i32>} : memref<128xi32, #tpu.memory_space<vmem>>, vector<16xi32>,
      %swap3A_275 = vector.shape_cast %swap3A_274 : vector<16xi32> to vector<16xi32>
      %swap3A_276 = vector.shape_cast %select_n3A_272 : vector<16xi32> to vector<16xi32>
      tpu.vector_store %arg10[%swap3A_273], %swap3A_276 {strides = array<i32>} : memref<128xi32, #tpu.memory_space<vmem>>, vector<16xi32>,
      %get3A_277 = arith.constant 64 : index
      %get3A_278 = tpu.vector_load %arg10[%get3A_277] {strides = array<i32>} : memref<128xi32, #tpu.memory_space<vmem>>, vector<16xi32>,
      %get3A_279 = vector.shape_cast %get3A_278 : vector<16xi32> to vector<16xi32>
      %sub3A_280 = vector.broadcast %mul3A_0 : i32 to vector<16xi32>
      %sub3A_281 = arith.subi %get3A_279, %sub3A_280 : vector<16xi32>
      %ge3A_282 = arith.constant 0 : i32
      %ge3A_283 = vector.broadcast %ge3A_282 : i32 to vector<16xi32>
      %ge3A_284 = arith.cmpi sge, %sub3A_281, %ge3A_283 : vector<16xi32>
      %lt3A_285 = arith.constant 5000 : i32
      %lt3A_286 = vector.broadcast %lt3A_285 : i32 to vector<16xi32>
      %lt3A_287 = arith.cmpi slt, %sub3A_281, %lt3A_286 : vector<16xi32>
      %and3A_288 = arith.andi %ge3A_284, %lt3A_287 : vector<16xi1>
      %jit3A_289 = arith.constant 5000 : i32
      %broadcast_in_dim3A_290 = vector.broadcast %jit3A_289 : i32 to vector<16xi32>
      %select_n3A_291 = arith.select %and3A_288, %sub3A_281, %broadcast_in_dim3A_290 : vector<16xi1>, vector<16xi32>
      %swap3A_292 = arith.constant 64 : index
      %swap3A_293 = tpu.vector_load %arg10[%swap3A_292] {strides = array<i32>} : memref<128xi32, #tpu.memory_space<vmem>>, vector<16xi32>,
      %swap3A_294 = vector.shape_cast %swap3A_293 : vector<16xi32> to vector<16xi32>
      %swap3A_295 = vector.shape_cast %select_n3A_291 : vector<16xi32> to vector<16xi32>
      tpu.vector_store %arg10[%swap3A_292], %swap3A_295 {strides = array<i32>} : memref<128xi32, #tpu.memory_space<vmem>>, vector<16xi32>,
      %get3A_296 = arith.constant 80 : index
      %get3A_297 = tpu.vector_load %arg10[%get3A_296] {strides = array<i32>} : memref<128xi32, #tpu.memory_space<vmem>>, vector<16xi32>,
      %get3A_298 = vector.shape_cast %get3A_297 : vector<16xi32> to vector<16xi32>
      %sub3A_299 = vector.broadcast %mul3A_0 : i32 to vector<16xi32>
      %sub3A_300 = arith.subi %get3A_298, %sub3A_299 : vector<16xi32>
      %ge3A_301 = arith.constant 0 : i32
      %ge3A_302 = vector.broadcast %ge3A_301 : i32 to vector<16xi32>
      %ge3A_303 = arith.cmpi sge, %sub3A_300, %ge3A_302 : vector<16xi32>
      %lt3A_304 = arith.constant 5000 : i32
      %lt3A_305 = vector.broadcast %lt3A_304 : i32 to vector<16xi32>
      %lt3A_306 = arith.cmpi slt, %sub3A_300, %lt3A_305 : vector<16xi32>
      %and3A_307 = arith.andi %ge3A_303, %lt3A_306 : vector<16xi1>
      %jit3A_308 = arith.constant 5000 : i32
      %broadcast_in_dim3A_309 = vector.broadcast %jit3A_308 : i32 to vector<16xi32>
      %select_n3A_310 = arith.select %and3A_307, %sub3A_300, %broadcast_in_dim3A_309 : vector<16xi1>, vector<16xi32>
      %swap3A_311 = arith.constant 80 : index
      %swap3A_312 = tpu.vector_load %arg10[%swap3A_311] {strides = array<i32>} : memref<128xi32, #tpu.memory_space<vmem>>, vector<16xi32>,
      %swap3A_313 = vector.shape_cast %swap3A_312 : vector<16xi32> to vector<16xi32>
      %swap3A_314 = vector.shape_cast %select_n3A_310 : vector<16xi32> to vector<16xi32>
      tpu.vector_store %arg10[%swap3A_311], %swap3A_314 {strides = array<i32>} : memref<128xi32, #tpu.memory_space<vmem>>, vector<16xi32>,
      %get3A_315 = arith.constant 96 : index
      %get3A_316 = tpu.vector_load %arg10[%get3A_315] {strides = array<i32>} : memref<128xi32, #tpu.memory_space<vmem>>, vector<16xi32>,
      %get3A_317 = vector.shape_cast %get3A_316 : vector<16xi32> to vector<16xi32>
      %sub3A_318 = vector.broadcast %mul3A_0 : i32 to vector<16xi32>
      %sub3A_319 = arith.subi %get3A_317, %sub3A_318 : vector<16xi32>
      %ge3A_320 = arith.constant 0 : i32
      %ge3A_321 = vector.broadcast %ge3A_320 : i32 to vector<16xi32>
      %ge3A_322 = arith.cmpi sge, %sub3A_319, %ge3A_321 : vector<16xi32>
      %lt3A_323 = arith.constant 5000 : i32
      %lt3A_324 = vector.broadcast %lt3A_323 : i32 to vector<16xi32>
      %lt3A_325 = arith.cmpi slt, %sub3A_319, %lt3A_324 : vector<16xi32>
      %and3A_326 = arith.andi %ge3A_322, %lt3A_325 : vector<16xi1>
      %jit3A_327 = arith.constant 5000 : i32
      %broadcast_in_dim3A_328 = vector.broadcast %jit3A_327 : i32 to vector<16xi32>
      %select_n3A_329 = arith.select %and3A_326, %sub3A_319, %broadcast_in_dim3A_328 : vector<16xi1>, vector<16xi32>
      %swap3A_330 = arith.constant 96 : index
      %swap3A_331 = tpu.vector_load %arg10[%swap3A_330] {strides = array<i32>} : memref<128xi32, #tpu.memory_space<vmem>>, vector<16xi32>,
      %swap3A_332 = vector.shape_cast %swap3A_331 : vector<16xi32> to vector<16xi32>
      %swap3A_333 = vector.shape_cast %select_n3A_329 : vector<16xi32> to vector<16xi32>
      tpu.vector_store %arg10[%swap3A_330], %swap3A_333 {strides = array<i32>} : memref<128xi32, #tpu.memory_space<vmem>>, vector<16xi32>,
      %get3A_334 = arith.constant 112 : index
      %get3A_335 = tpu.vector_load %arg10[%get3A_334] {strides = array<i32>} : memref<128xi32, #tpu.memory_space<vmem>>, vector<16xi32>,
      %get3A_336 = vector.shape_cast %get3A_335 : vector<16xi32> to vector<16xi32>
      %sub3A_337 = vector.broadcast %mul3A_0 : i32 to vector<16xi32>
      %sub3A_338 = arith.subi %get3A_336, %sub3A_337 : vector<16xi32>
      %ge3A_339 = arith.constant 0 : i32
      %ge3A_340 = vector.broadcast %ge3A_339 : i32 to vector<16xi32>
      %ge3A_341 = arith.cmpi sge, %sub3A_338, %ge3A_340 : vector<16xi32>
      %lt3A_342 = arith.constant 5000 : i32
      %lt3A_343 = vector.broadcast %lt3A_342 : i32 to vector<16xi32>
      %lt3A_344 = arith.cmpi slt, %sub3A_338, %lt3A_343 : vector<16xi32>
      %and3A_345 = arith.andi %ge3A_341, %lt3A_344 : vector<16xi1>
      %jit3A_346 = arith.constant 5000 : i32
      %broadcast_in_dim3A_347 = vector.broadcast %jit3A_346 : i32 to vector<16xi32>
      %select_n3A_348 = arith.select %and3A_345, %sub3A_338, %broadcast_in_dim3A_347 : vector<16xi1>, vector<16xi32>
      %swap3A_349 = arith.constant 112 : index
      %swap3A_350 = tpu.vector_load %arg10[%swap3A_349] {strides = array<i32>} : memref<128xi32, #tpu.memory_space<vmem>>, vector<16xi32>,
      %swap3A_351 = vector.shape_cast %swap3A_350 : vector<16xi32> to vector<16xi32>
      %swap3A_352 = vector.shape_cast %select_n3A_348 : vector<16xi32> to vector<16xi32>
      tpu.vector_store %arg10[%swap3A_349], %swap3A_352 {strides = array<i32>} : memref<128xi32, #tpu.memory_space<vmem>>, vector<16xi32>,
      "tpu.region"() ({
        %run_scoped3A = tpu.sem_alloc : memref<!tpu.dma_semaphore, #tpu.memory_space<semaphore_mem>>
        %dma_start3A_360 = arith.constant 0 : i32
        %dma_start3A_361 = arith.constant 0 : i32
        %dma_start3A_362 = tpu.memref_slice %arg13[%dma_start3A_360, %dma_start3A_361] : memref<5008x128xf32, #tpu.memory_space<vmem_shared>> -> memref<5008x128xf32, #tpu.memory_space<vmem_shared>>
        tpu.enqueue_indirect_dma source(%arg12 : memref<128x128xf32, #tpu.memory_space<vmem>>) target(%dma_start3A_362 : memref<5008x128xf32, #tpu.memory_space<vmem_shared>>) offsets(%arg10 : memref<128xi32, #tpu.memory_space<vmem>>) semaphore(%run_scoped3A : memref<!tpu.dma_semaphore, #tpu.memory_space<semaphore_mem>>) {add = true}
        %dma_wait3A_363 = arith.constant 0 : i32
        %dma_wait3A_364 = arith.constant 0 : i32
        %dma_wait3A_365 = tpu.memref_slice %arg13[%dma_wait3A_363, %dma_wait3A_364] : memref<5008x128xf32, #tpu.memory_space<vmem_shared>> -> memref<5008x128xf32, #tpu.memory_space<vmem_shared>>
        tpu.wait_indirect_dma semaphore(%run_scoped3A : memref<!tpu.dma_semaphore, #tpu.memory_space<semaphore_mem>>) src(%arg12 : memref<128x128xf32, #tpu.memory_space<vmem>>) dst(%dma_wait3A_365 : memref<5008x128xf32, #tpu.memory_space<vmem_shared>>)
        tpu.yield
      }) : () -> ()
      %add3A_353 = arith.constant 2 : i32
      %add3A_354 = arith.addi %add3A_190, %add3A_353 : i32
      %lt3A_355 = arith.constant 158 : i32
      %lt3A_356 = arith.cmpi slt, %add3A_354, %lt3A_355 : i32
      %convert_element_type3A_357 = arith.extui %lt3A_356 : i1 to i32
      %cond3A_358 = arith.constant 0 : i32
      %cond3A_359 = arith.cmpi ne, %convert_element_type3A_357, %cond3A_358 : i32
      scf.if %cond3A_359 {
        %add3A_360 = arith.constant 2 : i32
        %add3A_361 = arith.addi %add3A_190, %add3A_360 : i32
        %mul3A_362 = arith.constant 128 : i32
        %mul3A_363 = arith.muli %add3A_361, %mul3A_362 : i32
        %add3A_364 = arith.addi %mul3A_2, %mul3A_363 : i32
        %dma_start3A_365 = tpu.memref_slice %arg3[%add3A_364] : memref<323584xi32, #tpu.memory_space<hbm>> -> memref<128xi32, #tpu.memory_space<hbm>>
        %dma_start3A_366 = tpu.memref_slice %arg3[%add3A_364] : memref<323584xi32, #tpu.memory_space<hbm>> -> memref<128xi32, #tpu.memory_space<hbm>>
        tpu.enqueue_dma source(%dma_start3A_366 : memref<128xi32, #tpu.memory_space<hbm>>) target(%arg8 : memref<128xi32, #tpu.memory_space<vmem>>) target_semaphore(%arg16 : memref<!tpu.dma_semaphore, #tpu.memory_space<semaphore_mem>>)
        %dma_start3A_367 = tpu.memref_slice %arg4[%add3A_364] : memref<323584xi32, #tpu.memory_space<hbm>> -> memref<128xi32, #tpu.memory_space<hbm>>
        %dma_start3A_368 = tpu.memref_slice %arg4[%add3A_364] : memref<323584xi32, #tpu.memory_space<hbm>> -> memref<128xi32, #tpu.memory_space<hbm>>
        tpu.enqueue_dma source(%dma_start3A_368 : memref<128xi32, #tpu.memory_space<hbm>>) target(%arg10 : memref<128xi32, #tpu.memory_space<vmem>>) target_semaphore(%arg16 : memref<!tpu.dma_semaphore, #tpu.memory_space<semaphore_mem>>)
      } else {
      }
    }
    %scan3A_18 = arith.constant 79 : i32
    %barrier3A_19 = arith.constant 0 : index
    tpu.barrier barrier_id(%barrier3A_19)
    %eq3A_20 = arith.constant 0 : i32
    %eq3A_21 = arith.cmpi eq, %arg1, %eq3A_20 : i32
    %convert_element_type3A_22 = arith.extui %eq3A_21 : i1 to i32
    %cond3A_23 = arith.constant 0 : i32
    %cond3A_24 = arith.cmpi ne, %convert_element_type3A_22, %cond3A_23 : i32
    scf.if %cond3A_24 {
      "tpu.region"() ({
        %run_scoped3A = tpu.sem_alloc : memref<!tpu.dma_semaphore, #tpu.memory_space<semaphore_mem>>
        %dma_start3A_25 = arith.constant 0 : i32
        %dma_start3A_26 = arith.constant 0 : i32
        %dma_start3A_27 = tpu.memref_slice %arg6[%arg0, %dma_start3A_25, %dma_start3A_26] : memref<2x5008x128xf32, #tpu.memory_space<hbm>> -> memref<1x5008x128xf32, #tpu.memory_space<hbm>>
        %dma_start3A_28 = tpu.memref_squeeze %dma_start3A_27 : memref<1x5008x128xf32, #tpu.memory_space<hbm>> -> memref<5008x128xf32, #tpu.memory_space<hbm>>
        tpu.enqueue_dma source(%arg13 : memref<5008x128xf32, #tpu.memory_space<vmem_shared>>) target(%dma_start3A_28 : memref<5008x128xf32, #tpu.memory_space<hbm>>) target_semaphore(%run_scoped3A : memref<!tpu.dma_semaphore, #tpu.memory_space<semaphore_mem>>)
        %dma_wait3A = arith.constant 0 : i32
        %dma_wait3A_29 = arith.constant 0 : i32
        %dma_wait3A_30 = tpu.memref_slice %arg6[%arg0, %dma_wait3A, %dma_wait3A_29] : memref<2x5008x128xf32, #tpu.memory_space<hbm>> -> memref<1x5008x128xf32, #tpu.memory_space<hbm>>
        %dma_wait3A_31 = tpu.memref_squeeze %dma_wait3A_30 : memref<1x5008x128xf32, #tpu.memory_space<hbm>> -> memref<5008x128xf32, #tpu.memory_space<hbm>>
        tpu.wait_dma2 semaphore(%run_scoped3A : memref<!tpu.dma_semaphore, #tpu.memory_space<semaphore_mem>>) src(%arg13 : memref<5008x128xf32, #tpu.memory_space<vmem_shared>>) dst(%dma_wait3A_31 : memref<5008x128xf32, #tpu.memory_space<hbm>>)
        tpu.yield
      }) : () -> ()
    } else {
    }
    return
  }
}

module attributes {stable_mosaic.version = 14 : i64} {
  func.func @body(%arg0: i32, %arg1: memref<1x1000x128xf32, #tpu.memory_space<vmem>>, %arg2: memref<1000x128xf32, #tpu.memory_space<vmem>>, %arg3: memref<1x1000x128xf32, #tpu.memory_space<vmem>>, %arg4: memref<1x128xf32, #tpu.memory_space<vmem>>, %arg5: memref<1000x128xf32, #tpu.memory_space<vmem>>, %arg6: memref<1x128xf32, #tpu.memory_space<vmem>>, %arg7: memref<1x128xf32, #tpu.memory_space<vmem>>) attributes {dimension_semantics = [#tpu.dimension_semantics<arbitrary>], iteration_bounds = array<i64: 10>, scalar_prefetch = 0 : i64, scratch_operands = 0 : i64, tpu.core_type = #tpu.core_type<tc>, window_params = [{transform_indices = @transform_0, window_bounds = array<i64: 1, 1000, 128>}, {transform_indices = @transform_1, window_bounds = array<i64: 1000, 128>}, {transform_indices = @transform_2, window_bounds = array<i64: 1, 1000, 128>}, {pipeline_mode = #tpu.pipeline_mode<synchronous>, transform_indices = @transform_3, window_bounds = array<i64: 1, 128>}, {transform_indices = @transform_4, window_bounds = array<i64: 1000, 128>}, {pipeline_mode = #tpu.pipeline_mode<synchronous>, transform_indices = @transform_5, window_bounds = array<i64: 1, 128>}, {pipeline_mode = #tpu.pipeline_mode<synchronous>, transform_indices = @transform_6, window_bounds = array<i64: 1, 128>}]} {
    %get3A = arith.constant 0 : index
    %get3A_0 = arith.constant 0 : index
    %get3A_1 = arith.constant 0 : index
    %get3A_2 = vector.load %arg3[%get3A, %get3A_0, %get3A_1] : memref<1x1000x128xf32, #tpu.memory_space<vmem>>, vector<1x1000x128xf32>
    %squeeze3A = vector.shape_cast %get3A_2 : vector<1x1000x128xf32> to vector<1000x128xf32>
    %slice3A = vector.extract_strided_slice %squeeze3A {offsets = [0, 0], sizes = [1000, 1], strides = [1, 1]} : vector<1000x128xf32> to vector<1000x1xf32>
    %add3A = arith.constant 1.000000e+00 : f32
    %add3A_3 = vector.broadcast %add3A : f32 to vector<1000x1xf32>
    %add3A_4 = arith.addf %slice3A, %add3A_3 : vector<1000x1xf32>
    %sqrt3A = math.sqrt %add3A_4 : vector<1000x1xf32>
    %div3A = arith.constant 1.000000e+00 : f32
    %div3A_5 = vector.broadcast %div3A : f32 to vector<1000x1xf32>
    %div3A_6 = arith.divf %div3A_5, %sqrt3A : vector<1000x1xf32>
    %get3A_7 = arith.constant 0 : index
    %get3A_8 = arith.constant 0 : index
    %get3A_9 = arith.constant 0 : index
    %get3A_10 = vector.load %arg1[%get3A_7, %get3A_8, %get3A_9] : memref<1x1000x128xf32, #tpu.memory_space<vmem>>, vector<1x1000x128xf32>
    %squeeze3A_11 = vector.shape_cast %get3A_10 : vector<1x1000x128xf32> to vector<1000x128xf32>
    %get3A_12 = arith.constant 0 : index
    %get3A_13 = arith.constant 0 : index
    %get3A_14 = vector.load %arg2[%get3A_12, %get3A_13] : memref<1000x128xf32, #tpu.memory_space<vmem>>, vector<1000x128xf32>
    %add3A_15 = arith.addf %squeeze3A_11, %get3A_14 : vector<1000x128xf32>
    %mul3A = vector.broadcast %div3A_6 : vector<1000x1xf32> to vector<1000x128xf32>
    %mul3A_16 = arith.mulf %mul3A, %add3A_15 : vector<1000x128xf32>
    %get3A_17 = arith.constant 0 : index
    %get3A_18 = arith.constant 0 : index
    %get3A_19 = vector.load %arg4[%get3A_17, %get3A_18] : memref<1x128xf32, #tpu.memory_space<vmem>>, vector<1x128xf32>
    %add3A_20 = vector.broadcast %get3A_19 : vector<1x128xf32> to vector<1000x128xf32>
    %add3A_21 = arith.addf %mul3A_16, %add3A_20 : vector<1000x128xf32>
    %swap3A = arith.constant 0 : index
    %swap3A_22 = arith.constant 0 : index
    %swap3A_23 = vector.load %arg5[%swap3A, %swap3A_22] : memref<1000x128xf32, #tpu.memory_space<vmem>>, vector<1000x128xf32>
    tpu.vector_store %arg5[%swap3A, %swap3A_22], %add3A_21 {strides = array<i32>} : memref<1000x128xf32, #tpu.memory_space<vmem>>, vector<1000x128xf32>,
    %eq3A = arith.constant 0 : i32
    %eq3A_24 = arith.cmpi eq, %arg0, %eq3A : i32
    %convert_element_type3A = arith.extui %eq3A_24 : i1 to i32
    %cond3A = arith.constant 0 : i32
    %cond3A_25 = arith.cmpi ne, %convert_element_type3A, %cond3A : i32
    scf.if %cond3A_25 {
      %broadcast_in_dim3A_45 = arith.constant 0.000000e+00 : f32
      %broadcast_in_dim3A_46 = vector.broadcast %broadcast_in_dim3A_45 : f32 to vector<1x128xf32>
      %swap3A_47 = arith.constant 0 : index
      %swap3A_48 = arith.constant 0 : index
      %swap3A_49 = vector.load %arg6[%swap3A_47, %swap3A_48] : memref<1x128xf32, #tpu.memory_space<vmem>>, vector<1x128xf32>
      tpu.vector_store %arg6[%swap3A_47, %swap3A_48], %broadcast_in_dim3A_46 {strides = array<i32>} : memref<1x128xf32, #tpu.memory_space<vmem>>, vector<1x128xf32>,
      %broadcast_in_dim3A_50 = arith.constant 0.000000e+00 : f32
      %broadcast_in_dim3A_51 = vector.broadcast %broadcast_in_dim3A_50 : f32 to vector<1x128xf32>
      %swap3A_52 = arith.constant 0 : index
      %swap3A_53 = arith.constant 0 : index
      %swap3A_54 = vector.load %arg7[%swap3A_52, %swap3A_53] : memref<1x128xf32, #tpu.memory_space<vmem>>, vector<1x128xf32>
      tpu.vector_store %arg7[%swap3A_52, %swap3A_53], %broadcast_in_dim3A_51 {strides = array<i32>} : memref<1x128xf32, #tpu.memory_space<vmem>>, vector<1x128xf32>,
    } else {
    }
    %get3A_26 = arith.constant 0 : index
    %get3A_27 = arith.constant 0 : index
    %get3A_28 = vector.load %arg6[%get3A_26, %get3A_27] : memref<1x128xf32, #tpu.memory_space<vmem>>, vector<1x128xf32>
    %reduce_sum3A = arith.constant dense<0.000000e+00> : vector<128xf32>
    %reduce_sum3A_29 = vector.multi_reduction <add>, %add3A_21, %reduce_sum3A [0] : vector<1000x128xf32> to vector<128xf32>
    %broadcast_in_dim3A = vector.shape_cast %reduce_sum3A_29 : vector<128xf32> to vector<1x128xf32>
    %add3A_30 = arith.addf %get3A_28, %broadcast_in_dim3A : vector<1x128xf32>
    %swap3A_31 = arith.constant 0 : index
    %swap3A_32 = arith.constant 0 : index
    %swap3A_33 = vector.load %arg6[%swap3A_31, %swap3A_32] : memref<1x128xf32, #tpu.memory_space<vmem>>, vector<1x128xf32>
    tpu.vector_store %arg6[%swap3A_31, %swap3A_32], %add3A_30 {strides = array<i32>} : memref<1x128xf32, #tpu.memory_space<vmem>>, vector<1x128xf32>,
    %get3A_34 = arith.constant 0 : index
    %get3A_35 = arith.constant 0 : index
    %get3A_36 = vector.load %arg7[%get3A_34, %get3A_35] : memref<1x128xf32, #tpu.memory_space<vmem>>, vector<1x128xf32>
    %mul3A_37 = arith.mulf %add3A_21, %add3A_21 : vector<1000x128xf32>
    %reduce_sum3A_38 = arith.constant dense<0.000000e+00> : vector<128xf32>
    %reduce_sum3A_39 = vector.multi_reduction <add>, %mul3A_37, %reduce_sum3A_38 [0] : vector<1000x128xf32> to vector<128xf32>
    %broadcast_in_dim3A_40 = vector.shape_cast %reduce_sum3A_39 : vector<128xf32> to vector<1x128xf32>
    %add3A_41 = arith.addf %get3A_36, %broadcast_in_dim3A_40 : vector<1x128xf32>
    %swap3A_42 = arith.constant 0 : index
    %swap3A_43 = arith.constant 0 : index
    %swap3A_44 = vector.load %arg7[%swap3A_42, %swap3A_43] : memref<1x128xf32, #tpu.memory_space<vmem>>, vector<1x128xf32>
    tpu.vector_store %arg7[%swap3A_42, %swap3A_43], %add3A_41 {strides = array<i32>} : memref<1x128xf32, #tpu.memory_space<vmem>>, vector<1x128xf32>,
    return
  }
  func.func @transform_0(%arg0: i32) -> (i32, i32, i32) {
    %jit3A = arith.constant 5 : i32
    %div3A = arith.divsi %arg0, %jit3A : i32
    %sign3A = arith.constant 0 : i32
    %sign3A_0 = arith.cmpi sgt, %arg0, %sign3A : i32
    %sign3A_1 = arith.extui %sign3A_0 : i1 to i32
    %sign3A_2 = arith.constant 0 : i32
    %sign3A_3 = arith.cmpi slt, %arg0, %sign3A_2 : i32
    %sign3A_4 = arith.extui %sign3A_3 : i1 to i32
    %sign3A_5 = arith.subi %sign3A_1, %sign3A_4 : i32
    %sign3A_6 = arith.constant 0 : i32
    %sign3A_7 = arith.cmpi sgt, %jit3A, %sign3A_6 : i32
    %sign3A_8 = arith.extui %sign3A_7 : i1 to i32
    %sign3A_9 = arith.constant 0 : i32
    %sign3A_10 = arith.cmpi slt, %jit3A, %sign3A_9 : i32
    %sign3A_11 = arith.extui %sign3A_10 : i1 to i32
    %sign3A_12 = arith.subi %sign3A_8, %sign3A_11 : i32
    %ne3A = arith.cmpi ne, %sign3A_5, %sign3A_12 : i32
    %rem3A = arith.remsi %arg0, %jit3A : i32
    %ne3A_13 = arith.constant 0 : i32
    %ne3A_14 = arith.cmpi ne, %rem3A, %ne3A_13 : i32
    %and3A = arith.andi %ne3A, %ne3A_14 : i1
    %sub3A = arith.constant 1 : i32
    %sub3A_15 = arith.subi %div3A, %sub3A : i32
    %select_n3A = arith.select %and3A, %sub3A_15, %div3A : i32
    %jit3A_16 = arith.constant 5 : i32
    %eq3A = arith.constant 0 : i32
    %eq3A_17 = arith.cmpi eq, %jit3A_16, %eq3A : i32
    %jit3A_18 = arith.constant 1 : i32
    %select_n3A_19 = arith.select %eq3A_17, %jit3A_18, %jit3A_16 : i32
    %rem3A_20 = arith.remsi %arg0, %select_n3A_19 : i32
    %ne3A_21 = arith.constant 0 : i32
    %ne3A_22 = arith.cmpi ne, %rem3A_20, %ne3A_21 : i32
    %lt3A = arith.constant 0 : i32
    %lt3A_23 = arith.cmpi slt, %rem3A_20, %lt3A : i32
    %lt3A_24 = arith.constant 0 : i32
    %lt3A_25 = arith.cmpi slt, %select_n3A_19, %lt3A_24 : i32
    %ne3A_26 = arith.xori %lt3A_23, %lt3A_25 : i1
    %and3A_27 = arith.andi %ne3A_26, %ne3A_22 : i1
    %add3A = arith.addi %rem3A_20, %select_n3A_19 : i32
    %select_n3A_28 = arith.select %and3A_27, %add3A, %rem3A_20 : i32
    %c0_i32 = arith.constant 0 : i32
    %c0_i32_29 = arith.constant 0 : i32
    return %select_n3A, %select_n3A_28, %c0_i32 : i32, i32, i32
  }
  func.func @transform_1(%arg0: i32) -> (i32, i32) {
    %c0_i32 = arith.constant 0 : i32
    %c0_i32_0 = arith.constant 0 : i32
    return %arg0, %c0_i32 : i32, i32
  }
  func.func @transform_2(%arg0: i32) -> (i32, i32, i32) {
    %jit3A = arith.constant 5 : i32
    %div3A = arith.divsi %arg0, %jit3A : i32
    %sign3A = arith.constant 0 : i32
    %sign3A_0 = arith.cmpi sgt, %arg0, %sign3A : i32
    %sign3A_1 = arith.extui %sign3A_0 : i1 to i32
    %sign3A_2 = arith.constant 0 : i32
    %sign3A_3 = arith.cmpi slt, %arg0, %sign3A_2 : i32
    %sign3A_4 = arith.extui %sign3A_3 : i1 to i32
    %sign3A_5 = arith.subi %sign3A_1, %sign3A_4 : i32
    %sign3A_6 = arith.constant 0 : i32
    %sign3A_7 = arith.cmpi sgt, %jit3A, %sign3A_6 : i32
    %sign3A_8 = arith.extui %sign3A_7 : i1 to i32
    %sign3A_9 = arith.constant 0 : i32
    %sign3A_10 = arith.cmpi slt, %jit3A, %sign3A_9 : i32
    %sign3A_11 = arith.extui %sign3A_10 : i1 to i32
    %sign3A_12 = arith.subi %sign3A_8, %sign3A_11 : i32
    %ne3A = arith.cmpi ne, %sign3A_5, %sign3A_12 : i32
    %rem3A = arith.remsi %arg0, %jit3A : i32
    %ne3A_13 = arith.constant 0 : i32
    %ne3A_14 = arith.cmpi ne, %rem3A, %ne3A_13 : i32
    %and3A = arith.andi %ne3A, %ne3A_14 : i1
    %sub3A = arith.constant 1 : i32
    %sub3A_15 = arith.subi %div3A, %sub3A : i32
    %select_n3A = arith.select %and3A, %sub3A_15, %div3A : i32
    %jit3A_16 = arith.constant 5 : i32
    %eq3A = arith.constant 0 : i32
    %eq3A_17 = arith.cmpi eq, %jit3A_16, %eq3A : i32
    %jit3A_18 = arith.constant 1 : i32
    %select_n3A_19 = arith.select %eq3A_17, %jit3A_18, %jit3A_16 : i32
    %rem3A_20 = arith.remsi %arg0, %select_n3A_19 : i32
    %ne3A_21 = arith.constant 0 : i32
    %ne3A_22 = arith.cmpi ne, %rem3A_20, %ne3A_21 : i32
    %lt3A = arith.constant 0 : i32
    %lt3A_23 = arith.cmpi slt, %rem3A_20, %lt3A : i32
    %lt3A_24 = arith.constant 0 : i32
    %lt3A_25 = arith.cmpi slt, %select_n3A_19, %lt3A_24 : i32
    %ne3A_26 = arith.xori %lt3A_23, %lt3A_25 : i1
    %and3A_27 = arith.andi %ne3A_26, %ne3A_22 : i1
    %add3A = arith.addi %rem3A_20, %select_n3A_19 : i32
    %select_n3A_28 = arith.select %and3A_27, %add3A, %rem3A_20 : i32
    %c0_i32 = arith.constant 0 : i32
    %c0_i32_29 = arith.constant 0 : i32
    return %select_n3A, %select_n3A_28, %c0_i32 : i32, i32, i32
  }
  func.func @transform_3(%arg0: i32) -> (i32, i32) {
    %c0_i32 = arith.constant 0 : i32
    %c0_i32_0 = arith.constant 0 : i32
    %c0_i32_1 = arith.constant 0 : i32
    return %c0_i32, %c0_i32_0 : i32, i32
  }
  func.func @transform_4(%arg0: i32) -> (i32, i32) {
    %c0_i32 = arith.constant 0 : i32
    %c0_i32_0 = arith.constant 0 : i32
    return %arg0, %c0_i32 : i32, i32
  }
  func.func @transform_5(%arg0: i32) -> (i32, i32) {
    %c0_i32 = arith.constant 0 : i32
    %c0_i32_0 = arith.constant 0 : i32
    %c0_i32_1 = arith.constant 0 : i32
    return %c0_i32, %c0_i32_0 : i32, i32
  }
  func.func @transform_6(%arg0: i32) -> (i32, i32) {
    %c0_i32 = arith.constant 0 : i32
    %c0_i32_0 = arith.constant 0 : i32
    %c0_i32_1 = arith.constant 0 : i32
    return %c0_i32, %c0_i32_0 : i32, i32
  }
}

module attributes {stable_mosaic.version = 14 : i64} {
  func.func @body(%arg0: i32, %arg1: memref<1000x128xf32, #tpu.memory_space<vmem>>, %arg2: memref<1x128xf32, #tpu.memory_space<vmem>>, %arg3: memref<1x128xf32, #tpu.memory_space<vmem>>, %arg4: memref<1x128xf32, #tpu.memory_space<vmem>>, %arg5: memref<1x128xf32, #tpu.memory_space<vmem>>, %arg6: memref<1x1000x128xf32, #tpu.memory_space<vmem>>, %arg7: memref<1x12xf32, #tpu.memory_space<smem>>, %arg8: memref<128x128xf32, #tpu.memory_space<vmem>>, %arg9: memref<128x8x128xf32, #tpu.memory_space<vmem>>, %arg10: memref<128x128xf32, #tpu.memory_space<vmem>>, %arg11: memref<1000x128xf32, #tpu.memory_space<vmem>>, %arg12: memref<1000x128xf32, #tpu.memory_space<vmem>>) attributes {dimension_semantics = [#tpu.dimension_semantics<arbitrary>], iteration_bounds = array<i64: 10>, scalar_prefetch = 0 : i64, scratch_operands = 0 : i64, tpu.core_type = #tpu.core_type<tc>, window_params = [{transform_indices = @transform_0, window_bounds = array<i64: 1000, 128>}, {pipeline_mode = #tpu.pipeline_mode<synchronous>, transform_indices = @transform_1, window_bounds = array<i64: 1, 128>}, {pipeline_mode = #tpu.pipeline_mode<synchronous>, transform_indices = @transform_2, window_bounds = array<i64: 1, 128>}, {pipeline_mode = #tpu.pipeline_mode<synchronous>, transform_indices = @transform_3, window_bounds = array<i64: 1, 128>}, {pipeline_mode = #tpu.pipeline_mode<synchronous>, transform_indices = @transform_4, window_bounds = array<i64: 1, 128>}, {transform_indices = @transform_5, window_bounds = array<i64: 1, 1000, 128>}, {transform_indices = @transform_6, window_bounds = array<i64: 1, 12>}, {pipeline_mode = #tpu.pipeline_mode<synchronous>, transform_indices = @transform_7, window_bounds = array<i64: 128, 128>}, {pipeline_mode = #tpu.pipeline_mode<synchronous>, transform_indices = @transform_8, window_bounds = array<i64: 128, 8, 128>}, {pipeline_mode = #tpu.pipeline_mode<synchronous>, transform_indices = @transform_9, window_bounds = array<i64: 128, 128>}, {transform_indices = @transform_10, window_bounds = array<i64: 1000, 128>}, {transform_indices = @transform_11, window_bounds = array<i64: 1000, 128>}]} {
    %get3A = arith.constant 0 : index
    %get3A_0 = arith.constant 0 : index
    %get3A_1 = vector.load %arg1[%get3A, %get3A_0] : memref<1000x128xf32, #tpu.memory_space<vmem>>, vector<1000x128xf32>
    %get3A_2 = arith.constant 0 : index
    %get3A_3 = arith.constant 0 : index
    %get3A_4 = vector.load %arg2[%get3A_2, %get3A_3] : memref<1x128xf32, #tpu.memory_space<vmem>>, vector<1x128xf32>
    %div3A = arith.constant 1.000000e+04 : f32
    %div3A_5 = vector.broadcast %div3A : f32 to vector<1x128xf32>
    %div3A_6 = arith.divf %get3A_4, %div3A_5 : vector<1x128xf32>
    %get3A_7 = arith.constant 0 : index
    %get3A_8 = arith.constant 0 : index
    %get3A_9 = vector.load %arg3[%get3A_7, %get3A_8] : memref<1x128xf32, #tpu.memory_space<vmem>>, vector<1x128xf32>
    %div3A_10 = arith.constant 1.000000e+04 : f32
    %div3A_11 = vector.broadcast %div3A_10 : f32 to vector<1x128xf32>
    %div3A_12 = arith.divf %get3A_9, %div3A_11 : vector<1x128xf32>
    %mul3A = arith.mulf %div3A_6, %div3A_6 : vector<1x128xf32>
    %sub3A = arith.subf %div3A_12, %mul3A : vector<1x128xf32>
    %sub3A_13 = vector.broadcast %div3A_6 : vector<1x128xf32> to vector<1000x128xf32>
    %sub3A_14 = arith.subf %get3A_1, %sub3A_13 : vector<1000x128xf32>
    %add3A = arith.constant 9.99999974E-6 : f32
    %add3A_15 = vector.broadcast %add3A : f32 to vector<1x128xf32>
    %add3A_16 = arith.addf %sub3A, %add3A_15 : vector<1x128xf32>
    %sqrt3A = math.sqrt %add3A_16 : vector<1x128xf32>
    %div3A_17 = vector.broadcast %sqrt3A : vector<1x128xf32> to vector<1000x128xf32>
    %div3A_18 = arith.divf %sub3A_14, %div3A_17 : vector<1000x128xf32>
    %get3A_19 = arith.constant 0 : index
    %get3A_20 = arith.constant 0 : index
    %get3A_21 = vector.load %arg4[%get3A_19, %get3A_20] : memref<1x128xf32, #tpu.memory_space<vmem>>, vector<1x128xf32>
    %mul3A_22 = vector.broadcast %get3A_21 : vector<1x128xf32> to vector<1000x128xf32>
    %mul3A_23 = arith.mulf %div3A_18, %mul3A_22 : vector<1000x128xf32>
    %get3A_24 = arith.constant 0 : index
    %get3A_25 = arith.constant 0 : index
    %get3A_26 = vector.load %arg5[%get3A_24, %get3A_25] : memref<1x128xf32, #tpu.memory_space<vmem>>, vector<1x128xf32>
    %add3A_27 = vector.broadcast %get3A_26 : vector<1x128xf32> to vector<1000x128xf32>
    %add3A_28 = arith.addf %mul3A_23, %add3A_27 : vector<1000x128xf32>
    %swap3A = arith.constant 0 : index
    %swap3A_29 = arith.constant 0 : index
    %swap3A_30 = vector.load %arg11[%swap3A, %swap3A_29] : memref<1000x128xf32, #tpu.memory_space<vmem>>, vector<1000x128xf32>
    tpu.vector_store %arg11[%swap3A, %swap3A_29], %add3A_28 {strides = array<i32>} : memref<1000x128xf32, #tpu.memory_space<vmem>>, vector<1000x128xf32>,
    %get3A_31 = arith.constant 0 : index
    %get3A_32 = arith.constant 0 : index
    %get3A_33 = memref.load %arg7[%get3A_31, %get3A_32] : memref<1x12xf32, #tpu.memory_space<smem>>
    %get3A_34 = arith.constant 0 : index
    %get3A_35 = arith.constant 1 : index
    %get3A_36 = memref.load %arg7[%get3A_34, %get3A_35] : memref<1x12xf32, #tpu.memory_space<smem>>
    %get3A_37 = arith.constant 0 : index
    %get3A_38 = arith.constant 2 : index
    %get3A_39 = memref.load %arg7[%get3A_37, %get3A_38] : memref<1x12xf32, #tpu.memory_space<smem>>
    %get3A_40 = arith.constant 0 : index
    %get3A_41 = arith.constant 3 : index
    %get3A_42 = memref.load %arg7[%get3A_40, %get3A_41] : memref<1x12xf32, #tpu.memory_space<smem>>
    %get3A_43 = arith.constant 0 : index
    %get3A_44 = arith.constant 4 : index
    %get3A_45 = memref.load %arg7[%get3A_43, %get3A_44] : memref<1x12xf32, #tpu.memory_space<smem>>
    %get3A_46 = arith.constant 0 : index
    %get3A_47 = arith.constant 5 : index
    %get3A_48 = memref.load %arg7[%get3A_46, %get3A_47] : memref<1x12xf32, #tpu.memory_space<smem>>
    %get3A_49 = arith.constant 0 : index
    %get3A_50 = arith.constant 6 : index
    %get3A_51 = memref.load %arg7[%get3A_49, %get3A_50] : memref<1x12xf32, #tpu.memory_space<smem>>
    %get3A_52 = arith.constant 0 : index
    %get3A_53 = arith.constant 7 : index
    %get3A_54 = memref.load %arg7[%get3A_52, %get3A_53] : memref<1x12xf32, #tpu.memory_space<smem>>
    %get3A_55 = arith.constant 0 : index
    %get3A_56 = arith.constant 8 : index
    %get3A_57 = memref.load %arg7[%get3A_55, %get3A_56] : memref<1x12xf32, #tpu.memory_space<smem>>
    %get3A_58 = arith.constant 0 : index
    %get3A_59 = arith.constant 9 : index
    %get3A_60 = memref.load %arg7[%get3A_58, %get3A_59] : memref<1x12xf32, #tpu.memory_space<smem>>
    %get3A_61 = arith.constant 0 : index
    %get3A_62 = arith.constant 10 : index
    %get3A_63 = memref.load %arg7[%get3A_61, %get3A_62] : memref<1x12xf32, #tpu.memory_space<smem>>
    %get3A_64 = arith.constant 0 : index
    %get3A_65 = arith.constant 11 : index
    %get3A_66 = memref.load %arg7[%get3A_64, %get3A_65] : memref<1x12xf32, #tpu.memory_space<smem>>
    %get3A_67 = arith.constant 0 : index
    %get3A_68 = arith.constant 0 : index
    %get3A_69 = arith.constant 0 : index
    %get3A_70 = vector.load %arg6[%get3A_67, %get3A_68, %get3A_69] : memref<1x1000x128xf32, #tpu.memory_space<vmem>>, vector<1x1000x128xf32>
    %squeeze3A = vector.shape_cast %get3A_70 : vector<1x1000x128xf32> to vector<1000x128xf32>
    %slice3A = vector.extract_strided_slice %squeeze3A {offsets = [0, 0], sizes = [1000, 1], strides = [1, 1]} : vector<1000x128xf32> to vector<1000x1xf32>
    %add3A_71 = arith.constant 1.000000e+00 : f32
    %add3A_72 = vector.broadcast %add3A_71 : f32 to vector<1000x1xf32>
    %add3A_73 = arith.addf %slice3A, %add3A_72 : vector<1000x1xf32>
    %sqrt3A_74 = math.sqrt %add3A_73 : vector<1000x1xf32>
    %div3A_75 = arith.constant 1.000000e+00 : f32
    %div3A_76 = vector.broadcast %div3A_75 : f32 to vector<1000x1xf32>
    %div3A_77 = arith.divf %div3A_76, %sqrt3A_74 : vector<1000x1xf32>
    %get3A_78 = arith.constant 0 : index
    %get3A_79 = arith.constant 0 : index
    %get3A_80 = vector.load %arg8[%get3A_78, %get3A_79] : memref<128x128xf32, #tpu.memory_space<vmem>>, vector<128x128xf32>
    %get3A_81 = arith.constant 0 : index
    %get3A_82 = arith.constant 0 : index
    %get3A_83 = vector.load %arg10[%get3A_81, %get3A_82] : memref<128x128xf32, #tpu.memory_space<vmem>>, vector<128x128xf32>
    %neg3A = arith.constant 0.000000e+00 : f32
    %neg3A_84 = vector.broadcast %neg3A : f32 to vector<1000x128xf32>
    %neg3A_85 = arith.subf %neg3A_84, %add3A_28 : vector<1000x128xf32>
    %exp3A = math.exp %neg3A_85 : vector<1000x128xf32>
    %add3A_86 = arith.constant 1.000000e+00 : f32
    %add3A_87 = vector.broadcast %add3A_86 : f32 to vector<1000x128xf32>
    %add3A_88 = arith.addf %add3A_87, %exp3A : vector<1000x128xf32>
    %div3A_89 = arith.constant 1.000000e+00 : f32
    %div3A_90 = vector.broadcast %div3A_89 : f32 to vector<1000x128xf32>
    %div3A_91 = arith.divf %div3A_90, %add3A_88 : vector<1000x128xf32>
    %mul3A_92 = arith.mulf %add3A_28, %div3A_91 : vector<1000x128xf32>
    %dot_general3A = arith.constant dense<0.000000e+00> : vector<1000x128xf32>
    %dot_general3A_93 = tpu.matmul %mul3A_92, %get3A_80, %dot_general3A {dimension_numbers = #tpu.dot_dimension_numbers<[1], [0], [0], [1], [0, 0, 1, 1], [], []>, transpose_lhs_hint = false} : vector<1000x128xf32>, vector<128x128xf32>, vector<1000x128xf32> -> vector<1000x128xf32>
    %ge3A = vector.broadcast %get3A_33 : f32 to vector<1000x128xf32>
    %ge3A_94 = arith.cmpf oge, %add3A_28, %ge3A : vector<1000x128xf32>
    %lt3A = vector.broadcast %get3A_36 : f32 to vector<1000x128xf32>
    %lt3A_95 = arith.cmpf olt, %add3A_28, %lt3A : vector<1000x128xf32>
    %and3A = arith.andi %ge3A_94, %lt3A_95 : vector<1000x128xi1>
    %jit3A = arith.constant 1.000000e+00 : f32
    %jit3A_96 = arith.constant 0.000000e+00 : f32
    %broadcast_in_dim3A = vector.broadcast %jit3A : f32 to vector<1000x128xf32>
    %broadcast_in_dim3A_97 = vector.broadcast %jit3A_96 : f32 to vector<1000x128xf32>
    %select_n3A = arith.select %and3A, %broadcast_in_dim3A, %broadcast_in_dim3A_97 : vector<1000x128xi1>, vector<1000x128xf32>
    %ge3A_98 = vector.broadcast %get3A_36 : f32 to vector<1000x128xf32>
    %ge3A_99 = arith.cmpf oge, %add3A_28, %ge3A_98 : vector<1000x128xf32>
    %lt3A_100 = vector.broadcast %get3A_39 : f32 to vector<1000x128xf32>
    %lt3A_101 = arith.cmpf olt, %add3A_28, %lt3A_100 : vector<1000x128xf32>
    %and3A_102 = arith.andi %ge3A_99, %lt3A_101 : vector<1000x128xi1>
    %jit3A_103 = arith.constant 1.000000e+00 : f32
    %jit3A_104 = arith.constant 0.000000e+00 : f32
    %broadcast_in_dim3A_105 = vector.broadcast %jit3A_103 : f32 to vector<1000x128xf32>
    %broadcast_in_dim3A_106 = vector.broadcast %jit3A_104 : f32 to vector<1000x128xf32>
    %select_n3A_107 = arith.select %and3A_102, %broadcast_in_dim3A_105, %broadcast_in_dim3A_106 : vector<1000x128xi1>, vector<1000x128xf32>
    %ge3A_108 = vector.broadcast %get3A_39 : f32 to vector<1000x128xf32>
    %ge3A_109 = arith.cmpf oge, %add3A_28, %ge3A_108 : vector<1000x128xf32>
    %lt3A_110 = vector.broadcast %get3A_42 : f32 to vector<1000x128xf32>
    %lt3A_111 = arith.cmpf olt, %add3A_28, %lt3A_110 : vector<1000x128xf32>
    %and3A_112 = arith.andi %ge3A_109, %lt3A_111 : vector<1000x128xi1>
    %jit3A_113 = arith.constant 1.000000e+00 : f32
    %jit3A_114 = arith.constant 0.000000e+00 : f32
    %broadcast_in_dim3A_115 = vector.broadcast %jit3A_113 : f32 to vector<1000x128xf32>
    %broadcast_in_dim3A_116 = vector.broadcast %jit3A_114 : f32 to vector<1000x128xf32>
    %select_n3A_117 = arith.select %and3A_112, %broadcast_in_dim3A_115, %broadcast_in_dim3A_116 : vector<1000x128xi1>, vector<1000x128xf32>
    %ge3A_118 = vector.broadcast %get3A_42 : f32 to vector<1000x128xf32>
    %ge3A_119 = arith.cmpf oge, %add3A_28, %ge3A_118 : vector<1000x128xf32>
    %lt3A_120 = vector.broadcast %get3A_45 : f32 to vector<1000x128xf32>
    %lt3A_121 = arith.cmpf olt, %add3A_28, %lt3A_120 : vector<1000x128xf32>
    %and3A_122 = arith.andi %ge3A_119, %lt3A_121 : vector<1000x128xi1>
    %jit3A_123 = arith.constant 1.000000e+00 : f32
    %jit3A_124 = arith.constant 0.000000e+00 : f32
    %broadcast_in_dim3A_125 = vector.broadcast %jit3A_123 : f32 to vector<1000x128xf32>
    %broadcast_in_dim3A_126 = vector.broadcast %jit3A_124 : f32 to vector<1000x128xf32>
    %select_n3A_127 = arith.select %and3A_122, %broadcast_in_dim3A_125, %broadcast_in_dim3A_126 : vector<1000x128xi1>, vector<1000x128xf32>
    %ge3A_128 = vector.broadcast %get3A_45 : f32 to vector<1000x128xf32>
    %ge3A_129 = arith.cmpf oge, %add3A_28, %ge3A_128 : vector<1000x128xf32>
    %lt3A_130 = vector.broadcast %get3A_48 : f32 to vector<1000x128xf32>
    %lt3A_131 = arith.cmpf olt, %add3A_28, %lt3A_130 : vector<1000x128xf32>
    %and3A_132 = arith.andi %ge3A_129, %lt3A_131 : vector<1000x128xi1>
    %jit3A_133 = arith.constant 1.000000e+00 : f32
    %jit3A_134 = arith.constant 0.000000e+00 : f32
    %broadcast_in_dim3A_135 = vector.broadcast %jit3A_133 : f32 to vector<1000x128xf32>
    %broadcast_in_dim3A_136 = vector.broadcast %jit3A_134 : f32 to vector<1000x128xf32>
    %select_n3A_137 = arith.select %and3A_132, %broadcast_in_dim3A_135, %broadcast_in_dim3A_136 : vector<1000x128xi1>, vector<1000x128xf32>
    %ge3A_138 = vector.broadcast %get3A_48 : f32 to vector<1000x128xf32>
    %ge3A_139 = arith.cmpf oge, %add3A_28, %ge3A_138 : vector<1000x128xf32>
    %lt3A_140 = vector.broadcast %get3A_51 : f32 to vector<1000x128xf32>
    %lt3A_141 = arith.cmpf olt, %add3A_28, %lt3A_140 : vector<1000x128xf32>
    %and3A_142 = arith.andi %ge3A_139, %lt3A_141 : vector<1000x128xi1>
    %jit3A_143 = arith.constant 1.000000e+00 : f32
    %jit3A_144 = arith.constant 0.000000e+00 : f32
    %broadcast_in_dim3A_145 = vector.broadcast %jit3A_143 : f32 to vector<1000x128xf32>
    %broadcast_in_dim3A_146 = vector.broadcast %jit3A_144 : f32 to vector<1000x128xf32>
    %select_n3A_147 = arith.select %and3A_142, %broadcast_in_dim3A_145, %broadcast_in_dim3A_146 : vector<1000x128xi1>, vector<1000x128xf32>
    %ge3A_148 = vector.broadcast %get3A_51 : f32 to vector<1000x128xf32>
    %ge3A_149 = arith.cmpf oge, %add3A_28, %ge3A_148 : vector<1000x128xf32>
    %lt3A_150 = vector.broadcast %get3A_54 : f32 to vector<1000x128xf32>
    %lt3A_151 = arith.cmpf olt, %add3A_28, %lt3A_150 : vector<1000x128xf32>
    %and3A_152 = arith.andi %ge3A_149, %lt3A_151 : vector<1000x128xi1>
    %jit3A_153 = arith.constant 1.000000e+00 : f32
    %jit3A_154 = arith.constant 0.000000e+00 : f32
    %broadcast_in_dim3A_155 = vector.broadcast %jit3A_153 : f32 to vector<1000x128xf32>
    %broadcast_in_dim3A_156 = vector.broadcast %jit3A_154 : f32 to vector<1000x128xf32>
    %select_n3A_157 = arith.select %and3A_152, %broadcast_in_dim3A_155, %broadcast_in_dim3A_156 : vector<1000x128xi1>, vector<1000x128xf32>
    %ge3A_158 = vector.broadcast %get3A_54 : f32 to vector<1000x128xf32>
    %ge3A_159 = arith.cmpf oge, %add3A_28, %ge3A_158 : vector<1000x128xf32>
    %lt3A_160 = vector.broadcast %get3A_57 : f32 to vector<1000x128xf32>
    %lt3A_161 = arith.cmpf olt, %add3A_28, %lt3A_160 : vector<1000x128xf32>
    %and3A_162 = arith.andi %ge3A_159, %lt3A_161 : vector<1000x128xi1>
    %jit3A_163 = arith.constant 1.000000e+00 : f32
    %jit3A_164 = arith.constant 0.000000e+00 : f32
    %broadcast_in_dim3A_165 = vector.broadcast %jit3A_163 : f32 to vector<1000x128xf32>
    %broadcast_in_dim3A_166 = vector.broadcast %jit3A_164 : f32 to vector<1000x128xf32>
    %select_n3A_167 = arith.select %and3A_162, %broadcast_in_dim3A_165, %broadcast_in_dim3A_166 : vector<1000x128xi1>, vector<1000x128xf32>
    %ge3A_168 = vector.broadcast %get3A_57 : f32 to vector<1000x128xf32>
    %ge3A_169 = arith.cmpf oge, %add3A_28, %ge3A_168 : vector<1000x128xf32>
    %lt3A_170 = vector.broadcast %get3A_60 : f32 to vector<1000x128xf32>
    %lt3A_171 = arith.cmpf olt, %add3A_28, %lt3A_170 : vector<1000x128xf32>
    %and3A_172 = arith.andi %ge3A_169, %lt3A_171 : vector<1000x128xi1>
    %jit3A_173 = arith.constant 1.000000e+00 : f32
    %jit3A_174 = arith.constant 0.000000e+00 : f32
    %broadcast_in_dim3A_175 = vector.broadcast %jit3A_173 : f32 to vector<1000x128xf32>
    %broadcast_in_dim3A_176 = vector.broadcast %jit3A_174 : f32 to vector<1000x128xf32>
    %select_n3A_177 = arith.select %and3A_172, %broadcast_in_dim3A_175, %broadcast_in_dim3A_176 : vector<1000x128xi1>, vector<1000x128xf32>
    %ge3A_178 = vector.broadcast %get3A_60 : f32 to vector<1000x128xf32>
    %ge3A_179 = arith.cmpf oge, %add3A_28, %ge3A_178 : vector<1000x128xf32>
    %lt3A_180 = vector.broadcast %get3A_63 : f32 to vector<1000x128xf32>
    %lt3A_181 = arith.cmpf olt, %add3A_28, %lt3A_180 : vector<1000x128xf32>
    %and3A_182 = arith.andi %ge3A_179, %lt3A_181 : vector<1000x128xi1>
    %jit3A_183 = arith.constant 1.000000e+00 : f32
    %jit3A_184 = arith.constant 0.000000e+00 : f32
    %broadcast_in_dim3A_185 = vector.broadcast %jit3A_183 : f32 to vector<1000x128xf32>
    %broadcast_in_dim3A_186 = vector.broadcast %jit3A_184 : f32 to vector<1000x128xf32>
    %select_n3A_187 = arith.select %and3A_182, %broadcast_in_dim3A_185, %broadcast_in_dim3A_186 : vector<1000x128xi1>, vector<1000x128xf32>
    %ge3A_188 = vector.broadcast %get3A_63 : f32 to vector<1000x128xf32>
    %ge3A_189 = arith.cmpf oge, %add3A_28, %ge3A_188 : vector<1000x128xf32>
    %lt3A_190 = vector.broadcast %get3A_66 : f32 to vector<1000x128xf32>
    %lt3A_191 = arith.cmpf olt, %add3A_28, %lt3A_190 : vector<1000x128xf32>
    %and3A_192 = arith.andi %ge3A_189, %lt3A_191 : vector<1000x128xi1>
    %jit3A_193 = arith.constant 1.000000e+00 : f32
    %jit3A_194 = arith.constant 0.000000e+00 : f32
    %broadcast_in_dim3A_195 = vector.broadcast %jit3A_193 : f32 to vector<1000x128xf32>
    %broadcast_in_dim3A_196 = vector.broadcast %jit3A_194 : f32 to vector<1000x128xf32>
    %select_n3A_197 = arith.select %and3A_192, %broadcast_in_dim3A_195, %broadcast_in_dim3A_196 : vector<1000x128xi1>, vector<1000x128xf32>
    %sub3A_198 = vector.broadcast %get3A_33 : f32 to vector<1000x128xf32>
    %sub3A_199 = arith.subf %add3A_28, %sub3A_198 : vector<1000x128xf32>
    %sub3A_200 = arith.subf %get3A_36, %get3A_33 : f32
    %div3A_201 = arith.constant 1.000000e+00 : f32
    %div3A_202 = arith.divf %div3A_201, %sub3A_200 : f32
    %mul3A_203 = vector.broadcast %div3A_202 : f32 to vector<1000x128xf32>
    %mul3A_204 = arith.mulf %sub3A_199, %mul3A_203 : vector<1000x128xf32>
    %mul3A_205 = arith.mulf %mul3A_204, %select_n3A : vector<1000x128xf32>
    %sub3A_206 = vector.broadcast %get3A_39 : f32 to vector<1000x128xf32>
    %sub3A_207 = arith.subf %sub3A_206, %add3A_28 : vector<1000x128xf32>
    %sub3A_208 = arith.subf %get3A_39, %get3A_36 : f32
    %div3A_209 = arith.constant 1.000000e+00 : f32
    %div3A_210 = arith.divf %div3A_209, %sub3A_208 : f32
    %mul3A_211 = vector.broadcast %div3A_210 : f32 to vector<1000x128xf32>
    %mul3A_212 = arith.mulf %sub3A_207, %mul3A_211 : vector<1000x128xf32>
    %mul3A_213 = arith.mulf %mul3A_212, %select_n3A_107 : vector<1000x128xf32>
    %add3A_214 = arith.addf %mul3A_205, %mul3A_213 : vector<1000x128xf32>
    %sub3A_215 = vector.broadcast %get3A_36 : f32 to vector<1000x128xf32>
    %sub3A_216 = arith.subf %add3A_28, %sub3A_215 : vector<1000x128xf32>
    %sub3A_217 = arith.subf %get3A_39, %get3A_36 : f32
    %div3A_218 = arith.constant 1.000000e+00 : f32
    %div3A_219 = arith.divf %div3A_218, %sub3A_217 : f32
    %mul3A_220 = vector.broadcast %div3A_219 : f32 to vector<1000x128xf32>
    %mul3A_221 = arith.mulf %sub3A_216, %mul3A_220 : vector<1000x128xf32>
    %mul3A_222 = arith.mulf %mul3A_221, %select_n3A_107 : vector<1000x128xf32>
    %sub3A_223 = vector.broadcast %get3A_42 : f32 to vector<1000x128xf32>
    %sub3A_224 = arith.subf %sub3A_223, %add3A_28 : vector<1000x128xf32>
    %sub3A_225 = arith.subf %get3A_42, %get3A_39 : f32
    %div3A_226 = arith.constant 1.000000e+00 : f32
    %div3A_227 = arith.divf %div3A_226, %sub3A_225 : f32
    %mul3A_228 = vector.broadcast %div3A_227 : f32 to vector<1000x128xf32>
    %mul3A_229 = arith.mulf %sub3A_224, %mul3A_228 : vector<1000x128xf32>
    %mul3A_230 = arith.mulf %mul3A_229, %select_n3A_117 : vector<1000x128xf32>
    %add3A_231 = arith.addf %mul3A_222, %mul3A_230 : vector<1000x128xf32>
    %sub3A_232 = vector.broadcast %get3A_39 : f32 to vector<1000x128xf32>
    %sub3A_233 = arith.subf %add3A_28, %sub3A_232 : vector<1000x128xf32>
    %sub3A_234 = arith.subf %get3A_42, %get3A_39 : f32
    %div3A_235 = arith.constant 1.000000e+00 : f32
    %div3A_236 = arith.divf %div3A_235, %sub3A_234 : f32
    %mul3A_237 = vector.broadcast %div3A_236 : f32 to vector<1000x128xf32>
    %mul3A_238 = arith.mulf %sub3A_233, %mul3A_237 : vector<1000x128xf32>
    %mul3A_239 = arith.mulf %mul3A_238, %select_n3A_117 : vector<1000x128xf32>
    %sub3A_240 = vector.broadcast %get3A_45 : f32 to vector<1000x128xf32>
    %sub3A_241 = arith.subf %sub3A_240, %add3A_28 : vector<1000x128xf32>
    %sub3A_242 = arith.subf %get3A_45, %get3A_42 : f32
    %div3A_243 = arith.constant 1.000000e+00 : f32
    %div3A_244 = arith.divf %div3A_243, %sub3A_242 : f32
    %mul3A_245 = vector.broadcast %div3A_244 : f32 to vector<1000x128xf32>
    %mul3A_246 = arith.mulf %sub3A_241, %mul3A_245 : vector<1000x128xf32>
    %mul3A_247 = arith.mulf %mul3A_246, %select_n3A_127 : vector<1000x128xf32>
    %add3A_248 = arith.addf %mul3A_239, %mul3A_247 : vector<1000x128xf32>
    %sub3A_249 = vector.broadcast %get3A_42 : f32 to vector<1000x128xf32>
    %sub3A_250 = arith.subf %add3A_28, %sub3A_249 : vector<1000x128xf32>
    %sub3A_251 = arith.subf %get3A_45, %get3A_42 : f32
    %div3A_252 = arith.constant 1.000000e+00 : f32
    %div3A_253 = arith.divf %div3A_252, %sub3A_251 : f32
    %mul3A_254 = vector.broadcast %div3A_253 : f32 to vector<1000x128xf32>
    %mul3A_255 = arith.mulf %sub3A_250, %mul3A_254 : vector<1000x128xf32>
    %mul3A_256 = arith.mulf %mul3A_255, %select_n3A_127 : vector<1000x128xf32>
    %sub3A_257 = vector.broadcast %get3A_48 : f32 to vector<1000x128xf32>
    %sub3A_258 = arith.subf %sub3A_257, %add3A_28 : vector<1000x128xf32>
    %sub3A_259 = arith.subf %get3A_48, %get3A_45 : f32
    %div3A_260 = arith.constant 1.000000e+00 : f32
    %div3A_261 = arith.divf %div3A_260, %sub3A_259 : f32
    %mul3A_262 = vector.broadcast %div3A_261 : f32 to vector<1000x128xf32>
    %mul3A_263 = arith.mulf %sub3A_258, %mul3A_262 : vector<1000x128xf32>
    %mul3A_264 = arith.mulf %mul3A_263, %select_n3A_137 : vector<1000x128xf32>
    %add3A_265 = arith.addf %mul3A_256, %mul3A_264 : vector<1000x128xf32>
    %sub3A_266 = vector.broadcast %get3A_45 : f32 to vector<1000x128xf32>
    %sub3A_267 = arith.subf %add3A_28, %sub3A_266 : vector<1000x128xf32>
    %sub3A_268 = arith.subf %get3A_48, %get3A_45 : f32
    %div3A_269 = arith.constant 1.000000e+00 : f32
    %div3A_270 = arith.divf %div3A_269, %sub3A_268 : f32
    %mul3A_271 = vector.broadcast %div3A_270 : f32 to vector<1000x128xf32>
    %mul3A_272 = arith.mulf %sub3A_267, %mul3A_271 : vector<1000x128xf32>
    %mul3A_273 = arith.mulf %mul3A_272, %select_n3A_137 : vector<1000x128xf32>
    %sub3A_274 = vector.broadcast %get3A_51 : f32 to vector<1000x128xf32>
    %sub3A_275 = arith.subf %sub3A_274, %add3A_28 : vector<1000x128xf32>
    %sub3A_276 = arith.subf %get3A_51, %get3A_48 : f32
    %div3A_277 = arith.constant 1.000000e+00 : f32
    %div3A_278 = arith.divf %div3A_277, %sub3A_276 : f32
    %mul3A_279 = vector.broadcast %div3A_278 : f32 to vector<1000x128xf32>
    %mul3A_280 = arith.mulf %sub3A_275, %mul3A_279 : vector<1000x128xf32>
    %mul3A_281 = arith.mulf %mul3A_280, %select_n3A_147 : vector<1000x128xf32>
    %add3A_282 = arith.addf %mul3A_273, %mul3A_281 : vector<1000x128xf32>
    %sub3A_283 = vector.broadcast %get3A_48 : f32 to vector<1000x128xf32>
    %sub3A_284 = arith.subf %add3A_28, %sub3A_283 : vector<1000x128xf32>
    %sub3A_285 = arith.subf %get3A_51, %get3A_48 : f32
    %div3A_286 = arith.constant 1.000000e+00 : f32
    %div3A_287 = arith.divf %div3A_286, %sub3A_285 : f32
    %mul3A_288 = vector.broadcast %div3A_287 : f32 to vector<1000x128xf32>
    %mul3A_289 = arith.mulf %sub3A_284, %mul3A_288 : vector<1000x128xf32>
    %mul3A_290 = arith.mulf %mul3A_289, %select_n3A_147 : vector<1000x128xf32>
    %sub3A_291 = vector.broadcast %get3A_54 : f32 to vector<1000x128xf32>
    %sub3A_292 = arith.subf %sub3A_291, %add3A_28 : vector<1000x128xf32>
    %sub3A_293 = arith.subf %get3A_54, %get3A_51 : f32
    %div3A_294 = arith.constant 1.000000e+00 : f32
    %div3A_295 = arith.divf %div3A_294, %sub3A_293 : f32
    %mul3A_296 = vector.broadcast %div3A_295 : f32 to vector<1000x128xf32>
    %mul3A_297 = arith.mulf %sub3A_292, %mul3A_296 : vector<1000x128xf32>
    %mul3A_298 = arith.mulf %mul3A_297, %select_n3A_157 : vector<1000x128xf32>
    %add3A_299 = arith.addf %mul3A_290, %mul3A_298 : vector<1000x128xf32>
    %sub3A_300 = vector.broadcast %get3A_51 : f32 to vector<1000x128xf32>
    %sub3A_301 = arith.subf %add3A_28, %sub3A_300 : vector<1000x128xf32>
    %sub3A_302 = arith.subf %get3A_54, %get3A_51 : f32
    %div3A_303 = arith.constant 1.000000e+00 : f32
    %div3A_304 = arith.divf %div3A_303, %sub3A_302 : f32
    %mul3A_305 = vector.broadcast %div3A_304 : f32 to vector<1000x128xf32>
    %mul3A_306 = arith.mulf %sub3A_301, %mul3A_305 : vector<1000x128xf32>
    %mul3A_307 = arith.mulf %mul3A_306, %select_n3A_157 : vector<1000x128xf32>
    %sub3A_308 = vector.broadcast %get3A_57 : f32 to vector<1000x128xf32>
    %sub3A_309 = arith.subf %sub3A_308, %add3A_28 : vector<1000x128xf32>
    %sub3A_310 = arith.subf %get3A_57, %get3A_54 : f32
    %div3A_311 = arith.constant 1.000000e+00 : f32
    %div3A_312 = arith.divf %div3A_311, %sub3A_310 : f32
    %mul3A_313 = vector.broadcast %div3A_312 : f32 to vector<1000x128xf32>
    %mul3A_314 = arith.mulf %sub3A_309, %mul3A_313 : vector<1000x128xf32>
    %mul3A_315 = arith.mulf %mul3A_314, %select_n3A_167 : vector<1000x128xf32>
    %add3A_316 = arith.addf %mul3A_307, %mul3A_315 : vector<1000x128xf32>
    %sub3A_317 = vector.broadcast %get3A_54 : f32 to vector<1000x128xf32>
    %sub3A_318 = arith.subf %add3A_28, %sub3A_317 : vector<1000x128xf32>
    %sub3A_319 = arith.subf %get3A_57, %get3A_54 : f32
    %div3A_320 = arith.constant 1.000000e+00 : f32
    %div3A_321 = arith.divf %div3A_320, %sub3A_319 : f32
    %mul3A_322 = vector.broadcast %div3A_321 : f32 to vector<1000x128xf32>
    %mul3A_323 = arith.mulf %sub3A_318, %mul3A_322 : vector<1000x128xf32>
    %mul3A_324 = arith.mulf %mul3A_323, %select_n3A_167 : vector<1000x128xf32>
    %sub3A_325 = vector.broadcast %get3A_60 : f32 to vector<1000x128xf32>
    %sub3A_326 = arith.subf %sub3A_325, %add3A_28 : vector<1000x128xf32>
    %sub3A_327 = arith.subf %get3A_60, %get3A_57 : f32
    %div3A_328 = arith.constant 1.000000e+00 : f32
    %div3A_329 = arith.divf %div3A_328, %sub3A_327 : f32
    %mul3A_330 = vector.broadcast %div3A_329 : f32 to vector<1000x128xf32>
    %mul3A_331 = arith.mulf %sub3A_326, %mul3A_330 : vector<1000x128xf32>
    %mul3A_332 = arith.mulf %mul3A_331, %select_n3A_177 : vector<1000x128xf32>
    %add3A_333 = arith.addf %mul3A_324, %mul3A_332 : vector<1000x128xf32>
    %sub3A_334 = vector.broadcast %get3A_57 : f32 to vector<1000x128xf32>
    %sub3A_335 = arith.subf %add3A_28, %sub3A_334 : vector<1000x128xf32>
    %sub3A_336 = arith.subf %get3A_60, %get3A_57 : f32
    %div3A_337 = arith.constant 1.000000e+00 : f32
    %div3A_338 = arith.divf %div3A_337, %sub3A_336 : f32
    %mul3A_339 = vector.broadcast %div3A_338 : f32 to vector<1000x128xf32>
    %mul3A_340 = arith.mulf %sub3A_335, %mul3A_339 : vector<1000x128xf32>
    %mul3A_341 = arith.mulf %mul3A_340, %select_n3A_177 : vector<1000x128xf32>
    %sub3A_342 = vector.broadcast %get3A_63 : f32 to vector<1000x128xf32>
    %sub3A_343 = arith.subf %sub3A_342, %add3A_28 : vector<1000x128xf32>
    %sub3A_344 = arith.subf %get3A_63, %get3A_60 : f32
    %div3A_345 = arith.constant 1.000000e+00 : f32
    %div3A_346 = arith.divf %div3A_345, %sub3A_344 : f32
    %mul3A_347 = vector.broadcast %div3A_346 : f32 to vector<1000x128xf32>
    %mul3A_348 = arith.mulf %sub3A_343, %mul3A_347 : vector<1000x128xf32>
    %mul3A_349 = arith.mulf %mul3A_348, %select_n3A_187 : vector<1000x128xf32>
    %add3A_350 = arith.addf %mul3A_341, %mul3A_349 : vector<1000x128xf32>
    %sub3A_351 = vector.broadcast %get3A_60 : f32 to vector<1000x128xf32>
    %sub3A_352 = arith.subf %add3A_28, %sub3A_351 : vector<1000x128xf32>
    %sub3A_353 = arith.subf %get3A_63, %get3A_60 : f32
    %div3A_354 = arith.constant 1.000000e+00 : f32
    %div3A_355 = arith.divf %div3A_354, %sub3A_353 : f32
    %mul3A_356 = vector.broadcast %div3A_355 : f32 to vector<1000x128xf32>
    %mul3A_357 = arith.mulf %sub3A_352, %mul3A_356 : vector<1000x128xf32>
    %mul3A_358 = arith.mulf %mul3A_357, %select_n3A_187 : vector<1000x128xf32>
    %sub3A_359 = vector.broadcast %get3A_66 : f32 to vector<1000x128xf32>
    %sub3A_360 = arith.subf %sub3A_359, %add3A_28 : vector<1000x128xf32>
    %sub3A_361 = arith.subf %get3A_66, %get3A_63 : f32
    %div3A_362 = arith.constant 1.000000e+00 : f32
    %div3A_363 = arith.divf %div3A_362, %sub3A_361 : f32
    %mul3A_364 = vector.broadcast %div3A_363 : f32 to vector<1000x128xf32>
    %mul3A_365 = arith.mulf %sub3A_360, %mul3A_364 : vector<1000x128xf32>
    %mul3A_366 = arith.mulf %mul3A_365, %select_n3A_197 : vector<1000x128xf32>
    %add3A_367 = arith.addf %mul3A_358, %mul3A_366 : vector<1000x128xf32>
    %sub3A_368 = vector.broadcast %get3A_33 : f32 to vector<1000x128xf32>
    %sub3A_369 = arith.subf %add3A_28, %sub3A_368 : vector<1000x128xf32>
    %sub3A_370 = arith.subf %get3A_39, %get3A_33 : f32
    %div3A_371 = arith.constant 1.000000e+00 : f32
    %div3A_372 = arith.divf %div3A_371, %sub3A_370 : f32
    %mul3A_373 = vector.broadcast %div3A_372 : f32 to vector<1000x128xf32>
    %mul3A_374 = arith.mulf %sub3A_369, %mul3A_373 : vector<1000x128xf32>
    %mul3A_375 = arith.mulf %mul3A_374, %add3A_214 : vector<1000x128xf32>
    %sub3A_376 = vector.broadcast %get3A_42 : f32 to vector<1000x128xf32>
    %sub3A_377 = arith.subf %sub3A_376, %add3A_28 : vector<1000x128xf32>
    %sub3A_378 = arith.subf %get3A_42, %get3A_36 : f32
    %div3A_379 = arith.constant 1.000000e+00 : f32
    %div3A_380 = arith.divf %div3A_379, %sub3A_378 : f32
    %mul3A_381 = vector.broadcast %div3A_380 : f32 to vector<1000x128xf32>
    %mul3A_382 = arith.mulf %sub3A_377, %mul3A_381 : vector<1000x128xf32>
    %mul3A_383 = arith.mulf %mul3A_382, %add3A_231 : vector<1000x128xf32>
    %add3A_384 = arith.addf %mul3A_375, %mul3A_383 : vector<1000x128xf32>
    %sub3A_385 = vector.broadcast %get3A_36 : f32 to vector<1000x128xf32>
    %sub3A_386 = arith.subf %add3A_28, %sub3A_385 : vector<1000x128xf32>
    %sub3A_387 = arith.subf %get3A_42, %get3A_36 : f32
    %div3A_388 = arith.constant 1.000000e+00 : f32
    %div3A_389 = arith.divf %div3A_388, %sub3A_387 : f32
    %mul3A_390 = vector.broadcast %div3A_389 : f32 to vector<1000x128xf32>
    %mul3A_391 = arith.mulf %sub3A_386, %mul3A_390 : vector<1000x128xf32>
    %mul3A_392 = arith.mulf %mul3A_391, %add3A_231 : vector<1000x128xf32>
    %sub3A_393 = vector.broadcast %get3A_45 : f32 to vector<1000x128xf32>
    %sub3A_394 = arith.subf %sub3A_393, %add3A_28 : vector<1000x128xf32>
    %sub3A_395 = arith.subf %get3A_45, %get3A_39 : f32
    %div3A_396 = arith.constant 1.000000e+00 : f32
    %div3A_397 = arith.divf %div3A_396, %sub3A_395 : f32
    %mul3A_398 = vector.broadcast %div3A_397 : f32 to vector<1000x128xf32>
    %mul3A_399 = arith.mulf %sub3A_394, %mul3A_398 : vector<1000x128xf32>
    %mul3A_400 = arith.mulf %mul3A_399, %add3A_248 : vector<1000x128xf32>
    %add3A_401 = arith.addf %mul3A_392, %mul3A_400 : vector<1000x128xf32>
    %sub3A_402 = vector.broadcast %get3A_39 : f32 to vector<1000x128xf32>
    %sub3A_403 = arith.subf %add3A_28, %sub3A_402 : vector<1000x128xf32>
    %sub3A_404 = arith.subf %get3A_45, %get3A_39 : f32
    %div3A_405 = arith.constant 1.000000e+00 : f32
    %div3A_406 = arith.divf %div3A_405, %sub3A_404 : f32
    %mul3A_407 = vector.broadcast %div3A_406 : f32 to vector<1000x128xf32>
    %mul3A_408 = arith.mulf %sub3A_403, %mul3A_407 : vector<1000x128xf32>
    %mul3A_409 = arith.mulf %mul3A_408, %add3A_248 : vector<1000x128xf32>
    %sub3A_410 = vector.broadcast %get3A_48 : f32 to vector<1000x128xf32>
    %sub3A_411 = arith.subf %sub3A_410, %add3A_28 : vector<1000x128xf32>
    %sub3A_412 = arith.subf %get3A_48, %get3A_42 : f32
    %div3A_413 = arith.constant 1.000000e+00 : f32
    %div3A_414 = arith.divf %div3A_413, %sub3A_412 : f32
    %mul3A_415 = vector.broadcast %div3A_414 : f32 to vector<1000x128xf32>
    %mul3A_416 = arith.mulf %sub3A_411, %mul3A_415 : vector<1000x128xf32>
    %mul3A_417 = arith.mulf %mul3A_416, %add3A_265 : vector<1000x128xf32>
    %add3A_418 = arith.addf %mul3A_409, %mul3A_417 : vector<1000x128xf32>
    %sub3A_419 = vector.broadcast %get3A_42 : f32 to vector<1000x128xf32>
    %sub3A_420 = arith.subf %add3A_28, %sub3A_419 : vector<1000x128xf32>
    %sub3A_421 = arith.subf %get3A_48, %get3A_42 : f32
    %div3A_422 = arith.constant 1.000000e+00 : f32
    %div3A_423 = arith.divf %div3A_422, %sub3A_421 : f32
    %mul3A_424 = vector.broadcast %div3A_423 : f32 to vector<1000x128xf32>
    %mul3A_425 = arith.mulf %sub3A_420, %mul3A_424 : vector<1000x128xf32>
    %mul3A_426 = arith.mulf %mul3A_425, %add3A_265 : vector<1000x128xf32>
    %sub3A_427 = vector.broadcast %get3A_51 : f32 to vector<1000x128xf32>
    %sub3A_428 = arith.subf %sub3A_427, %add3A_28 : vector<1000x128xf32>
    %sub3A_429 = arith.subf %get3A_51, %get3A_45 : f32
    %div3A_430 = arith.constant 1.000000e+00 : f32
    %div3A_431 = arith.divf %div3A_430, %sub3A_429 : f32
    %mul3A_432 = vector.broadcast %div3A_431 : f32 to vector<1000x128xf32>
    %mul3A_433 = arith.mulf %sub3A_428, %mul3A_432 : vector<1000x128xf32>
    %mul3A_434 = arith.mulf %mul3A_433, %add3A_282 : vector<1000x128xf32>
    %add3A_435 = arith.addf %mul3A_426, %mul3A_434 : vector<1000x128xf32>
    %sub3A_436 = vector.broadcast %get3A_45 : f32 to vector<1000x128xf32>
    %sub3A_437 = arith.subf %add3A_28, %sub3A_436 : vector<1000x128xf32>
    %sub3A_438 = arith.subf %get3A_51, %get3A_45 : f32
    %div3A_439 = arith.constant 1.000000e+00 : f32
    %div3A_440 = arith.divf %div3A_439, %sub3A_438 : f32
    %mul3A_441 = vector.broadcast %div3A_440 : f32 to vector<1000x128xf32>
    %mul3A_442 = arith.mulf %sub3A_437, %mul3A_441 : vector<1000x128xf32>
    %mul3A_443 = arith.mulf %mul3A_442, %add3A_282 : vector<1000x128xf32>
    %sub3A_444 = vector.broadcast %get3A_54 : f32 to vector<1000x128xf32>
    %sub3A_445 = arith.subf %sub3A_444, %add3A_28 : vector<1000x128xf32>
    %sub3A_446 = arith.subf %get3A_54, %get3A_48 : f32
    %div3A_447 = arith.constant 1.000000e+00 : f32
    %div3A_448 = arith.divf %div3A_447, %sub3A_446 : f32
    %mul3A_449 = vector.broadcast %div3A_448 : f32 to vector<1000x128xf32>
    %mul3A_450 = arith.mulf %sub3A_445, %mul3A_449 : vector<1000x128xf32>
    %mul3A_451 = arith.mulf %mul3A_450, %add3A_299 : vector<1000x128xf32>
    %add3A_452 = arith.addf %mul3A_443, %mul3A_451 : vector<1000x128xf32>
    %sub3A_453 = vector.broadcast %get3A_48 : f32 to vector<1000x128xf32>
    %sub3A_454 = arith.subf %add3A_28, %sub3A_453 : vector<1000x128xf32>
    %sub3A_455 = arith.subf %get3A_54, %get3A_48 : f32
    %div3A_456 = arith.constant 1.000000e+00 : f32
    %div3A_457 = arith.divf %div3A_456, %sub3A_455 : f32
    %mul3A_458 = vector.broadcast %div3A_457 : f32 to vector<1000x128xf32>
    %mul3A_459 = arith.mulf %sub3A_454, %mul3A_458 : vector<1000x128xf32>
    %mul3A_460 = arith.mulf %mul3A_459, %add3A_299 : vector<1000x128xf32>
    %sub3A_461 = vector.broadcast %get3A_57 : f32 to vector<1000x128xf32>
    %sub3A_462 = arith.subf %sub3A_461, %add3A_28 : vector<1000x128xf32>
    %sub3A_463 = arith.subf %get3A_57, %get3A_51 : f32
    %div3A_464 = arith.constant 1.000000e+00 : f32
    %div3A_465 = arith.divf %div3A_464, %sub3A_463 : f32
    %mul3A_466 = vector.broadcast %div3A_465 : f32 to vector<1000x128xf32>
    %mul3A_467 = arith.mulf %sub3A_462, %mul3A_466 : vector<1000x128xf32>
    %mul3A_468 = arith.mulf %mul3A_467, %add3A_316 : vector<1000x128xf32>
    %add3A_469 = arith.addf %mul3A_460, %mul3A_468 : vector<1000x128xf32>
    %sub3A_470 = vector.broadcast %get3A_51 : f32 to vector<1000x128xf32>
    %sub3A_471 = arith.subf %add3A_28, %sub3A_470 : vector<1000x128xf32>
    %sub3A_472 = arith.subf %get3A_57, %get3A_51 : f32
    %div3A_473 = arith.constant 1.000000e+00 : f32
    %div3A_474 = arith.divf %div3A_473, %sub3A_472 : f32
    %mul3A_475 = vector.broadcast %div3A_474 : f32 to vector<1000x128xf32>
    %mul3A_476 = arith.mulf %sub3A_471, %mul3A_475 : vector<1000x128xf32>
    %mul3A_477 = arith.mulf %mul3A_476, %add3A_316 : vector<1000x128xf32>
    %sub3A_478 = vector.broadcast %get3A_60 : f32 to vector<1000x128xf32>
    %sub3A_479 = arith.subf %sub3A_478, %add3A_28 : vector<1000x128xf32>
    %sub3A_480 = arith.subf %get3A_60, %get3A_54 : f32
    %div3A_481 = arith.constant 1.000000e+00 : f32
    %div3A_482 = arith.divf %div3A_481, %sub3A_480 : f32
    %mul3A_483 = vector.broadcast %div3A_482 : f32 to vector<1000x128xf32>
    %mul3A_484 = arith.mulf %sub3A_479, %mul3A_483 : vector<1000x128xf32>
    %mul3A_485 = arith.mulf %mul3A_484, %add3A_333 : vector<1000x128xf32>
    %add3A_486 = arith.addf %mul3A_477, %mul3A_485 : vector<1000x128xf32>
    %sub3A_487 = vector.broadcast %get3A_54 : f32 to vector<1000x128xf32>
    %sub3A_488 = arith.subf %add3A_28, %sub3A_487 : vector<1000x128xf32>
    %sub3A_489 = arith.subf %get3A_60, %get3A_54 : f32
    %div3A_490 = arith.constant 1.000000e+00 : f32
    %div3A_491 = arith.divf %div3A_490, %sub3A_489 : f32
    %mul3A_492 = vector.broadcast %div3A_491 : f32 to vector<1000x128xf32>
    %mul3A_493 = arith.mulf %sub3A_488, %mul3A_492 : vector<1000x128xf32>
    %mul3A_494 = arith.mulf %mul3A_493, %add3A_333 : vector<1000x128xf32>
    %sub3A_495 = vector.broadcast %get3A_63 : f32 to vector<1000x128xf32>
    %sub3A_496 = arith.subf %sub3A_495, %add3A_28 : vector<1000x128xf32>
    %sub3A_497 = arith.subf %get3A_63, %get3A_57 : f32
    %div3A_498 = arith.constant 1.000000e+00 : f32
    %div3A_499 = arith.divf %div3A_498, %sub3A_497 : f32
    %mul3A_500 = vector.broadcast %div3A_499 : f32 to vector<1000x128xf32>
    %mul3A_501 = arith.mulf %sub3A_496, %mul3A_500 : vector<1000x128xf32>
    %mul3A_502 = arith.mulf %mul3A_501, %add3A_350 : vector<1000x128xf32>
    %add3A_503 = arith.addf %mul3A_494, %mul3A_502 : vector<1000x128xf32>
    %sub3A_504 = vector.broadcast %get3A_57 : f32 to vector<1000x128xf32>
    %sub3A_505 = arith.subf %add3A_28, %sub3A_504 : vector<1000x128xf32>
    %sub3A_506 = arith.subf %get3A_63, %get3A_57 : f32
    %div3A_507 = arith.constant 1.000000e+00 : f32
    %div3A_508 = arith.divf %div3A_507, %sub3A_506 : f32
    %mul3A_509 = vector.broadcast %div3A_508 : f32 to vector<1000x128xf32>
    %mul3A_510 = arith.mulf %sub3A_505, %mul3A_509 : vector<1000x128xf32>
    %mul3A_511 = arith.mulf %mul3A_510, %add3A_350 : vector<1000x128xf32>
    %sub3A_512 = vector.broadcast %get3A_66 : f32 to vector<1000x128xf32>
    %sub3A_513 = arith.subf %sub3A_512, %add3A_28 : vector<1000x128xf32>
    %sub3A_514 = arith.subf %get3A_66, %get3A_60 : f32
    %div3A_515 = arith.constant 1.000000e+00 : f32
    %div3A_516 = arith.divf %div3A_515, %sub3A_514 : f32
    %mul3A_517 = vector.broadcast %div3A_516 : f32 to vector<1000x128xf32>
    %mul3A_518 = arith.mulf %sub3A_513, %mul3A_517 : vector<1000x128xf32>
    %mul3A_519 = arith.mulf %mul3A_518, %add3A_367 : vector<1000x128xf32>
    %add3A_520 = arith.addf %mul3A_511, %mul3A_519 : vector<1000x128xf32>
    %sub3A_521 = vector.broadcast %get3A_33 : f32 to vector<1000x128xf32>
    %sub3A_522 = arith.subf %add3A_28, %sub3A_521 : vector<1000x128xf32>
    %sub3A_523 = arith.subf %get3A_42, %get3A_33 : f32
    %div3A_524 = arith.constant 1.000000e+00 : f32
    %div3A_525 = arith.divf %div3A_524, %sub3A_523 : f32
    %mul3A_526 = vector.broadcast %div3A_525 : f32 to vector<1000x128xf32>
    %mul3A_527 = arith.mulf %sub3A_522, %mul3A_526 : vector<1000x128xf32>
    %mul3A_528 = arith.mulf %mul3A_527, %add3A_384 : vector<1000x128xf32>
    %sub3A_529 = vector.broadcast %get3A_45 : f32 to vector<1000x128xf32>
    %sub3A_530 = arith.subf %sub3A_529, %add3A_28 : vector<1000x128xf32>
    %sub3A_531 = arith.subf %get3A_45, %get3A_36 : f32
    %div3A_532 = arith.constant 1.000000e+00 : f32
    %div3A_533 = arith.divf %div3A_532, %sub3A_531 : f32
    %mul3A_534 = vector.broadcast %div3A_533 : f32 to vector<1000x128xf32>
    %mul3A_535 = arith.mulf %sub3A_530, %mul3A_534 : vector<1000x128xf32>
    %mul3A_536 = arith.mulf %mul3A_535, %add3A_401 : vector<1000x128xf32>
    %add3A_537 = arith.addf %mul3A_528, %mul3A_536 : vector<1000x128xf32>
    %sub3A_538 = vector.broadcast %get3A_36 : f32 to vector<1000x128xf32>
    %sub3A_539 = arith.subf %add3A_28, %sub3A_538 : vector<1000x128xf32>
    %sub3A_540 = arith.subf %get3A_45, %get3A_36 : f32
    %div3A_541 = arith.constant 1.000000e+00 : f32
    %div3A_542 = arith.divf %div3A_541, %sub3A_540 : f32
    %mul3A_543 = vector.broadcast %div3A_542 : f32 to vector<1000x128xf32>
    %mul3A_544 = arith.mulf %sub3A_539, %mul3A_543 : vector<1000x128xf32>
    %mul3A_545 = arith.mulf %mul3A_544, %add3A_401 : vector<1000x128xf32>
    %sub3A_546 = vector.broadcast %get3A_48 : f32 to vector<1000x128xf32>
    %sub3A_547 = arith.subf %sub3A_546, %add3A_28 : vector<1000x128xf32>
    %sub3A_548 = arith.subf %get3A_48, %get3A_39 : f32
    %div3A_549 = arith.constant 1.000000e+00 : f32
    %div3A_550 = arith.divf %div3A_549, %sub3A_548 : f32
    %mul3A_551 = vector.broadcast %div3A_550 : f32 to vector<1000x128xf32>
    %mul3A_552 = arith.mulf %sub3A_547, %mul3A_551 : vector<1000x128xf32>
    %mul3A_553 = arith.mulf %mul3A_552, %add3A_418 : vector<1000x128xf32>
    %add3A_554 = arith.addf %mul3A_545, %mul3A_553 : vector<1000x128xf32>
    %sub3A_555 = vector.broadcast %get3A_39 : f32 to vector<1000x128xf32>
    %sub3A_556 = arith.subf %add3A_28, %sub3A_555 : vector<1000x128xf32>
    %sub3A_557 = arith.subf %get3A_48, %get3A_39 : f32
    %div3A_558 = arith.constant 1.000000e+00 : f32
    %div3A_559 = arith.divf %div3A_558, %sub3A_557 : f32
    %mul3A_560 = vector.broadcast %div3A_559 : f32 to vector<1000x128xf32>
    %mul3A_561 = arith.mulf %sub3A_556, %mul3A_560 : vector<1000x128xf32>
    %mul3A_562 = arith.mulf %mul3A_561, %add3A_418 : vector<1000x128xf32>
    %sub3A_563 = vector.broadcast %get3A_51 : f32 to vector<1000x128xf32>
    %sub3A_564 = arith.subf %sub3A_563, %add3A_28 : vector<1000x128xf32>
    %sub3A_565 = arith.subf %get3A_51, %get3A_42 : f32
    %div3A_566 = arith.constant 1.000000e+00 : f32
    %div3A_567 = arith.divf %div3A_566, %sub3A_565 : f32
    %mul3A_568 = vector.broadcast %div3A_567 : f32 to vector<1000x128xf32>
    %mul3A_569 = arith.mulf %sub3A_564, %mul3A_568 : vector<1000x128xf32>
    %mul3A_570 = arith.mulf %mul3A_569, %add3A_435 : vector<1000x128xf32>
    %add3A_571 = arith.addf %mul3A_562, %mul3A_570 : vector<1000x128xf32>
    %sub3A_572 = vector.broadcast %get3A_42 : f32 to vector<1000x128xf32>
    %sub3A_573 = arith.subf %add3A_28, %sub3A_572 : vector<1000x128xf32>
    %sub3A_574 = arith.subf %get3A_51, %get3A_42 : f32
    %div3A_575 = arith.constant 1.000000e+00 : f32
    %div3A_576 = arith.divf %div3A_575, %sub3A_574 : f32
    %mul3A_577 = vector.broadcast %div3A_576 : f32 to vector<1000x128xf32>
    %mul3A_578 = arith.mulf %sub3A_573, %mul3A_577 : vector<1000x128xf32>
    %mul3A_579 = arith.mulf %mul3A_578, %add3A_435 : vector<1000x128xf32>
    %sub3A_580 = vector.broadcast %get3A_54 : f32 to vector<1000x128xf32>
    %sub3A_581 = arith.subf %sub3A_580, %add3A_28 : vector<1000x128xf32>
    %sub3A_582 = arith.subf %get3A_54, %get3A_45 : f32
    %div3A_583 = arith.constant 1.000000e+00 : f32
    %div3A_584 = arith.divf %div3A_583, %sub3A_582 : f32
    %mul3A_585 = vector.broadcast %div3A_584 : f32 to vector<1000x128xf32>
    %mul3A_586 = arith.mulf %sub3A_581, %mul3A_585 : vector<1000x128xf32>
    %mul3A_587 = arith.mulf %mul3A_586, %add3A_452 : vector<1000x128xf32>
    %add3A_588 = arith.addf %mul3A_579, %mul3A_587 : vector<1000x128xf32>
    %sub3A_589 = vector.broadcast %get3A_45 : f32 to vector<1000x128xf32>
    %sub3A_590 = arith.subf %add3A_28, %sub3A_589 : vector<1000x128xf32>
    %sub3A_591 = arith.subf %get3A_54, %get3A_45 : f32
    %div3A_592 = arith.constant 1.000000e+00 : f32
    %div3A_593 = arith.divf %div3A_592, %sub3A_591 : f32
    %mul3A_594 = vector.broadcast %div3A_593 : f32 to vector<1000x128xf32>
    %mul3A_595 = arith.mulf %sub3A_590, %mul3A_594 : vector<1000x128xf32>
    %mul3A_596 = arith.mulf %mul3A_595, %add3A_452 : vector<1000x128xf32>
    %sub3A_597 = vector.broadcast %get3A_57 : f32 to vector<1000x128xf32>
    %sub3A_598 = arith.subf %sub3A_597, %add3A_28 : vector<1000x128xf32>
    %sub3A_599 = arith.subf %get3A_57, %get3A_48 : f32
    %div3A_600 = arith.constant 1.000000e+00 : f32
    %div3A_601 = arith.divf %div3A_600, %sub3A_599 : f32
    %mul3A_602 = vector.broadcast %div3A_601 : f32 to vector<1000x128xf32>
    %mul3A_603 = arith.mulf %sub3A_598, %mul3A_602 : vector<1000x128xf32>
    %mul3A_604 = arith.mulf %mul3A_603, %add3A_469 : vector<1000x128xf32>
    %add3A_605 = arith.addf %mul3A_596, %mul3A_604 : vector<1000x128xf32>
    %sub3A_606 = vector.broadcast %get3A_48 : f32 to vector<1000x128xf32>
    %sub3A_607 = arith.subf %add3A_28, %sub3A_606 : vector<1000x128xf32>
    %sub3A_608 = arith.subf %get3A_57, %get3A_48 : f32
    %div3A_609 = arith.constant 1.000000e+00 : f32
    %div3A_610 = arith.divf %div3A_609, %sub3A_608 : f32
    %mul3A_611 = vector.broadcast %div3A_610 : f32 to vector<1000x128xf32>
    %mul3A_612 = arith.mulf %sub3A_607, %mul3A_611 : vector<1000x128xf32>
    %mul3A_613 = arith.mulf %mul3A_612, %add3A_469 : vector<1000x128xf32>
    %sub3A_614 = vector.broadcast %get3A_60 : f32 to vector<1000x128xf32>
    %sub3A_615 = arith.subf %sub3A_614, %add3A_28 : vector<1000x128xf32>
    %sub3A_616 = arith.subf %get3A_60, %get3A_51 : f32
    %div3A_617 = arith.constant 1.000000e+00 : f32
    %div3A_618 = arith.divf %div3A_617, %sub3A_616 : f32
    %mul3A_619 = vector.broadcast %div3A_618 : f32 to vector<1000x128xf32>
    %mul3A_620 = arith.mulf %sub3A_615, %mul3A_619 : vector<1000x128xf32>
    %mul3A_621 = arith.mulf %mul3A_620, %add3A_486 : vector<1000x128xf32>
    %add3A_622 = arith.addf %mul3A_613, %mul3A_621 : vector<1000x128xf32>
    %sub3A_623 = vector.broadcast %get3A_51 : f32 to vector<1000x128xf32>
    %sub3A_624 = arith.subf %add3A_28, %sub3A_623 : vector<1000x128xf32>
    %sub3A_625 = arith.subf %get3A_60, %get3A_51 : f32
    %div3A_626 = arith.constant 1.000000e+00 : f32
    %div3A_627 = arith.divf %div3A_626, %sub3A_625 : f32
    %mul3A_628 = vector.broadcast %div3A_627 : f32 to vector<1000x128xf32>
    %mul3A_629 = arith.mulf %sub3A_624, %mul3A_628 : vector<1000x128xf32>
    %mul3A_630 = arith.mulf %mul3A_629, %add3A_486 : vector<1000x128xf32>
    %sub3A_631 = vector.broadcast %get3A_63 : f32 to vector<1000x128xf32>
    %sub3A_632 = arith.subf %sub3A_631, %add3A_28 : vector<1000x128xf32>
    %sub3A_633 = arith.subf %get3A_63, %get3A_54 : f32
    %div3A_634 = arith.constant 1.000000e+00 : f32
    %div3A_635 = arith.divf %div3A_634, %sub3A_633 : f32
    %mul3A_636 = vector.broadcast %div3A_635 : f32 to vector<1000x128xf32>
    %mul3A_637 = arith.mulf %sub3A_632, %mul3A_636 : vector<1000x128xf32>
    %mul3A_638 = arith.mulf %mul3A_637, %add3A_503 : vector<1000x128xf32>
    %add3A_639 = arith.addf %mul3A_630, %mul3A_638 : vector<1000x128xf32>
    %sub3A_640 = vector.broadcast %get3A_54 : f32 to vector<1000x128xf32>
    %sub3A_641 = arith.subf %add3A_28, %sub3A_640 : vector<1000x128xf32>
    %sub3A_642 = arith.subf %get3A_63, %get3A_54 : f32
    %div3A_643 = arith.constant 1.000000e+00 : f32
    %div3A_644 = arith.divf %div3A_643, %sub3A_642 : f32
    %mul3A_645 = vector.broadcast %div3A_644 : f32 to vector<1000x128xf32>
    %mul3A_646 = arith.mulf %sub3A_641, %mul3A_645 : vector<1000x128xf32>
    %mul3A_647 = arith.mulf %mul3A_646, %add3A_503 : vector<1000x128xf32>
    %sub3A_648 = vector.broadcast %get3A_66 : f32 to vector<1000x128xf32>
    %sub3A_649 = arith.subf %sub3A_648, %add3A_28 : vector<1000x128xf32>
    %sub3A_650 = arith.subf %get3A_66, %get3A_57 : f32
    %div3A_651 = arith.constant 1.000000e+00 : f32
    %div3A_652 = arith.divf %div3A_651, %sub3A_650 : f32
    %mul3A_653 = vector.broadcast %div3A_652 : f32 to vector<1000x128xf32>
    %mul3A_654 = arith.mulf %sub3A_649, %mul3A_653 : vector<1000x128xf32>
    %mul3A_655 = arith.mulf %mul3A_654, %add3A_520 : vector<1000x128xf32>
    %add3A_656 = arith.addf %mul3A_647, %mul3A_655 : vector<1000x128xf32>
    %get3A_657 = arith.constant 0 : index
    %get3A_658 = arith.constant 0 : index
    %get3A_659 = arith.constant 0 : index
    %get3A_660 = vector.load %arg9[%get3A_657, %get3A_658, %get3A_659] : memref<128x8x128xf32, #tpu.memory_space<vmem>>, vector<128x1x128xf32>
    %get3A_661 = vector.shape_cast %get3A_660 : vector<128x1x128xf32> to vector<128x128xf32>
    %mul3A_662 = arith.mulf %get3A_661, %get3A_83 : vector<128x128xf32>
    %dot_general3A_663 = arith.constant dense<0.000000e+00> : vector<1000x128xf32>
    %dot_general3A_664 = tpu.matmul %add3A_537, %mul3A_662, %dot_general3A_663 {dimension_numbers = #tpu.dot_dimension_numbers<[1], [0], [0], [1], [0, 0, 1, 1], [], []>, transpose_lhs_hint = false} : vector<1000x128xf32>, vector<128x128xf32>, vector<1000x128xf32> -> vector<1000x128xf32>
    %add3A_665 = arith.addf %dot_general3A_93, %dot_general3A_664 : vector<1000x128xf32>
    %get3A_666 = arith.constant 0 : index
    %get3A_667 = arith.constant 1 : index
    %get3A_668 = arith.constant 0 : index
    %get3A_669 = vector.load %arg9[%get3A_666, %get3A_667, %get3A_668] : memref<128x8x128xf32, #tpu.memory_space<vmem>>, vector<128x1x128xf32>
    %get3A_670 = vector.shape_cast %get3A_669 : vector<128x1x128xf32> to vector<128x128xf32>
    %mul3A_671 = arith.mulf %get3A_670, %get3A_83 : vector<128x128xf32>
    %dot_general3A_672 = arith.constant dense<0.000000e+00> : vector<1000x128xf32>
    %dot_general3A_673 = tpu.matmul %add3A_554, %mul3A_671, %dot_general3A_672 {dimension_numbers = #tpu.dot_dimension_numbers<[1], [0], [0], [1], [0, 0, 1, 1], [], []>, transpose_lhs_hint = false} : vector<1000x128xf32>, vector<128x128xf32>, vector<1000x128xf32> -> vector<1000x128xf32>
    %add3A_674 = arith.addf %add3A_665, %dot_general3A_673 : vector<1000x128xf32>
    %get3A_675 = arith.constant 0 : index
    %get3A_676 = arith.constant 2 : index
    %get3A_677 = arith.constant 0 : index
    %get3A_678 = vector.load %arg9[%get3A_675, %get3A_676, %get3A_677] : memref<128x8x128xf32, #tpu.memory_space<vmem>>, vector<128x1x128xf32>
    %get3A_679 = vector.shape_cast %get3A_678 : vector<128x1x128xf32> to vector<128x128xf32>
    %mul3A_680 = arith.mulf %get3A_679, %get3A_83 : vector<128x128xf32>
    %dot_general3A_681 = arith.constant dense<0.000000e+00> : vector<1000x128xf32>
    %dot_general3A_682 = tpu.matmul %add3A_571, %mul3A_680, %dot_general3A_681 {dimension_numbers = #tpu.dot_dimension_numbers<[1], [0], [0], [1], [0, 0, 1, 1], [], []>, transpose_lhs_hint = false} : vector<1000x128xf32>, vector<128x128xf32>, vector<1000x128xf32> -> vector<1000x128xf32>
    %add3A_683 = arith.addf %add3A_674, %dot_general3A_682 : vector<1000x128xf32>
    %get3A_684 = arith.constant 0 : index
    %get3A_685 = arith.constant 3 : index
    %get3A_686 = arith.constant 0 : index
    %get3A_687 = vector.load %arg9[%get3A_684, %get3A_685, %get3A_686] : memref<128x8x128xf32, #tpu.memory_space<vmem>>, vector<128x1x128xf32>
    %get3A_688 = vector.shape_cast %get3A_687 : vector<128x1x128xf32> to vector<128x128xf32>
    %mul3A_689 = arith.mulf %get3A_688, %get3A_83 : vector<128x128xf32>
    %dot_general3A_690 = arith.constant dense<0.000000e+00> : vector<1000x128xf32>
    %dot_general3A_691 = tpu.matmul %add3A_588, %mul3A_689, %dot_general3A_690 {dimension_numbers = #tpu.dot_dimension_numbers<[1], [0], [0], [1], [0, 0, 1, 1], [], []>, transpose_lhs_hint = false} : vector<1000x128xf32>, vector<128x128xf32>, vector<1000x128xf32> -> vector<1000x128xf32>
    %add3A_692 = arith.addf %add3A_683, %dot_general3A_691 : vector<1000x128xf32>
    %get3A_693 = arith.constant 0 : index
    %get3A_694 = arith.constant 4 : index
    %get3A_695 = arith.constant 0 : index
    %get3A_696 = vector.load %arg9[%get3A_693, %get3A_694, %get3A_695] : memref<128x8x128xf32, #tpu.memory_space<vmem>>, vector<128x1x128xf32>
    %get3A_697 = vector.shape_cast %get3A_696 : vector<128x1x128xf32> to vector<128x128xf32>
    %mul3A_698 = arith.mulf %get3A_697, %get3A_83 : vector<128x128xf32>
    %dot_general3A_699 = arith.constant dense<0.000000e+00> : vector<1000x128xf32>
    %dot_general3A_700 = tpu.matmul %add3A_605, %mul3A_698, %dot_general3A_699 {dimension_numbers = #tpu.dot_dimension_numbers<[1], [0], [0], [1], [0, 0, 1, 1], [], []>, transpose_lhs_hint = false} : vector<1000x128xf32>, vector<128x128xf32>, vector<1000x128xf32> -> vector<1000x128xf32>
    %add3A_701 = arith.addf %add3A_692, %dot_general3A_700 : vector<1000x128xf32>
    %get3A_702 = arith.constant 0 : index
    %get3A_703 = arith.constant 5 : index
    %get3A_704 = arith.constant 0 : index
    %get3A_705 = vector.load %arg9[%get3A_702, %get3A_703, %get3A_704] : memref<128x8x128xf32, #tpu.memory_space<vmem>>, vector<128x1x128xf32>
    %get3A_706 = vector.shape_cast %get3A_705 : vector<128x1x128xf32> to vector<128x128xf32>
    %mul3A_707 = arith.mulf %get3A_706, %get3A_83 : vector<128x128xf32>
    %dot_general3A_708 = arith.constant dense<0.000000e+00> : vector<1000x128xf32>
    %dot_general3A_709 = tpu.matmul %add3A_622, %mul3A_707, %dot_general3A_708 {dimension_numbers = #tpu.dot_dimension_numbers<[1], [0], [0], [1], [0, 0, 1, 1], [], []>, transpose_lhs_hint = false} : vector<1000x128xf32>, vector<128x128xf32>, vector<1000x128xf32> -> vector<1000x128xf32>
    %add3A_710 = arith.addf %add3A_701, %dot_general3A_709 : vector<1000x128xf32>
    %get3A_711 = arith.constant 0 : index
    %get3A_712 = arith.constant 6 : index
    %get3A_713 = arith.constant 0 : index
    %get3A_714 = vector.load %arg9[%get3A_711, %get3A_712, %get3A_713] : memref<128x8x128xf32, #tpu.memory_space<vmem>>, vector<128x1x128xf32>
    %get3A_715 = vector.shape_cast %get3A_714 : vector<128x1x128xf32> to vector<128x128xf32>
    %mul3A_716 = arith.mulf %get3A_715, %get3A_83 : vector<128x128xf32>
    %dot_general3A_717 = arith.constant dense<0.000000e+00> : vector<1000x128xf32>
    %dot_general3A_718 = tpu.matmul %add3A_639, %mul3A_716, %dot_general3A_717 {dimension_numbers = #tpu.dot_dimension_numbers<[1], [0], [0], [1], [0, 0, 1, 1], [], []>, transpose_lhs_hint = false} : vector<1000x128xf32>, vector<128x128xf32>, vector<1000x128xf32> -> vector<1000x128xf32>
    %add3A_719 = arith.addf %add3A_710, %dot_general3A_718 : vector<1000x128xf32>
    %get3A_720 = arith.constant 0 : index
    %get3A_721 = arith.constant 7 : index
    %get3A_722 = arith.constant 0 : index
    %get3A_723 = vector.load %arg9[%get3A_720, %get3A_721, %get3A_722] : memref<128x8x128xf32, #tpu.memory_space<vmem>>, vector<128x1x128xf32>
    %get3A_724 = vector.shape_cast %get3A_723 : vector<128x1x128xf32> to vector<128x128xf32>
    %mul3A_725 = arith.mulf %get3A_724, %get3A_83 : vector<128x128xf32>
    %dot_general3A_726 = arith.constant dense<0.000000e+00> : vector<1000x128xf32>
    %dot_general3A_727 = tpu.matmul %add3A_656, %mul3A_725, %dot_general3A_726 {dimension_numbers = #tpu.dot_dimension_numbers<[1], [0], [0], [1], [0, 0, 1, 1], [], []>, transpose_lhs_hint = false} : vector<1000x128xf32>, vector<128x128xf32>, vector<1000x128xf32> -> vector<1000x128xf32>
    %add3A_728 = arith.addf %add3A_719, %dot_general3A_727 : vector<1000x128xf32>
    %mul3A_729 = vector.broadcast %div3A_77 : vector<1000x1xf32> to vector<1000x128xf32>
    %mul3A_730 = arith.mulf %mul3A_729, %add3A_728 : vector<1000x128xf32>
    %swap3A_731 = arith.constant 0 : index
    %swap3A_732 = arith.constant 0 : index
    %swap3A_733 = vector.load %arg12[%swap3A_731, %swap3A_732] : memref<1000x128xf32, #tpu.memory_space<vmem>>, vector<1000x128xf32>
    tpu.vector_store %arg12[%swap3A_731, %swap3A_732], %mul3A_730 {strides = array<i32>} : memref<1000x128xf32, #tpu.memory_space<vmem>>, vector<1000x128xf32>,
    return
  }
  func.func @transform_0(%arg0: i32) -> (i32, i32) {
    %c0_i32 = arith.constant 0 : i32
    %c0_i32_0 = arith.constant 0 : i32
    return %arg0, %c0_i32 : i32, i32
  }
  func.func @transform_1(%arg0: i32) -> (i32, i32) {
    %c0_i32 = arith.constant 0 : i32
    %c0_i32_0 = arith.constant 0 : i32
    %c0_i32_1 = arith.constant 0 : i32
    return %c0_i32, %c0_i32_0 : i32, i32
  }
  func.func @transform_2(%arg0: i32) -> (i32, i32) {
    %c0_i32 = arith.constant 0 : i32
    %c0_i32_0 = arith.constant 0 : i32
    %c0_i32_1 = arith.constant 0 : i32
    return %c0_i32, %c0_i32_0 : i32, i32
  }
  func.func @transform_3(%arg0: i32) -> (i32, i32) {
    %c0_i32 = arith.constant 0 : i32
    %c0_i32_0 = arith.constant 0 : i32
    %c0_i32_1 = arith.constant 0 : i32
    return %c0_i32, %c0_i32_0 : i32, i32
  }
  func.func @transform_4(%arg0: i32) -> (i32, i32) {
    %c0_i32 = arith.constant 0 : i32
    %c0_i32_0 = arith.constant 0 : i32
    %c0_i32_1 = arith.constant 0 : i32
    return %c0_i32, %c0_i32_0 : i32, i32
  }
  func.func @transform_5(%arg0: i32) -> (i32, i32, i32) {
    %jit3A = arith.constant 5 : i32
    %div3A = arith.divsi %arg0, %jit3A : i32
    %sign3A = arith.constant 0 : i32
    %sign3A_0 = arith.cmpi sgt, %arg0, %sign3A : i32
    %sign3A_1 = arith.extui %sign3A_0 : i1 to i32
    %sign3A_2 = arith.constant 0 : i32
    %sign3A_3 = arith.cmpi slt, %arg0, %sign3A_2 : i32
    %sign3A_4 = arith.extui %sign3A_3 : i1 to i32
    %sign3A_5 = arith.subi %sign3A_1, %sign3A_4 : i32
    %sign3A_6 = arith.constant 0 : i32
    %sign3A_7 = arith.cmpi sgt, %jit3A, %sign3A_6 : i32
    %sign3A_8 = arith.extui %sign3A_7 : i1 to i32
    %sign3A_9 = arith.constant 0 : i32
    %sign3A_10 = arith.cmpi slt, %jit3A, %sign3A_9 : i32
    %sign3A_11 = arith.extui %sign3A_10 : i1 to i32
    %sign3A_12 = arith.subi %sign3A_8, %sign3A_11 : i32
    %ne3A = arith.cmpi ne, %sign3A_5, %sign3A_12 : i32
    %rem3A = arith.remsi %arg0, %jit3A : i32
    %ne3A_13 = arith.constant 0 : i32
    %ne3A_14 = arith.cmpi ne, %rem3A, %ne3A_13 : i32
    %and3A = arith.andi %ne3A, %ne3A_14 : i1
    %sub3A = arith.constant 1 : i32
    %sub3A_15 = arith.subi %div3A, %sub3A : i32
    %select_n3A = arith.select %and3A, %sub3A_15, %div3A : i32
    %jit3A_16 = arith.constant 5 : i32
    %eq3A = arith.constant 0 : i32
    %eq3A_17 = arith.cmpi eq, %jit3A_16, %eq3A : i32
    %jit3A_18 = arith.constant 1 : i32
    %select_n3A_19 = arith.select %eq3A_17, %jit3A_18, %jit3A_16 : i32
    %rem3A_20 = arith.remsi %arg0, %select_n3A_19 : i32
    %ne3A_21 = arith.constant 0 : i32
    %ne3A_22 = arith.cmpi ne, %rem3A_20, %ne3A_21 : i32
    %lt3A = arith.constant 0 : i32
    %lt3A_23 = arith.cmpi slt, %rem3A_20, %lt3A : i32
    %lt3A_24 = arith.constant 0 : i32
    %lt3A_25 = arith.cmpi slt, %select_n3A_19, %lt3A_24 : i32
    %ne3A_26 = arith.xori %lt3A_23, %lt3A_25 : i1
    %and3A_27 = arith.andi %ne3A_26, %ne3A_22 : i1
    %add3A = arith.addi %rem3A_20, %select_n3A_19 : i32
    %select_n3A_28 = arith.select %and3A_27, %add3A, %rem3A_20 : i32
    %c0_i32 = arith.constant 0 : i32
    %c0_i32_29 = arith.constant 0 : i32
    return %select_n3A, %select_n3A_28, %c0_i32 : i32, i32, i32
  }
  func.func @transform_6(%arg0: i32) -> (i32, i32) {
    %c0_i32 = arith.constant 0 : i32
    %c0_i32_0 = arith.constant 0 : i32
    %c0_i32_1 = arith.constant 0 : i32
    return %c0_i32, %c0_i32_0 : i32, i32
  }
  func.func @transform_7(%arg0: i32) -> (i32, i32) {
    %c0_i32 = arith.constant 0 : i32
    %c0_i32_0 = arith.constant 0 : i32
    %c0_i32_1 = arith.constant 0 : i32
    return %c0_i32, %c0_i32_0 : i32, i32
  }
  func.func @transform_8(%arg0: i32) -> (i32, i32, i32) {
    %c0_i32 = arith.constant 0 : i32
    %c0_i32_0 = arith.constant 0 : i32
    %c0_i32_1 = arith.constant 0 : i32
    %c0_i32_2 = arith.constant 0 : i32
    return %c0_i32, %c0_i32_0, %c0_i32_1 : i32, i32, i32
  }
  func.func @transform_9(%arg0: i32) -> (i32, i32) {
    %c0_i32 = arith.constant 0 : i32
    %c0_i32_0 = arith.constant 0 : i32
    %c0_i32_1 = arith.constant 0 : i32
    return %c0_i32, %c0_i32_0 : i32, i32
  }
  func.func @transform_10(%arg0: i32) -> (i32, i32) {
    %c0_i32 = arith.constant 0 : i32
    %c0_i32_0 = arith.constant 0 : i32
    return %arg0, %c0_i32 : i32, i32
  }
  func.func @transform_11(%arg0: i32) -> (i32, i32) {
    %c0_i32 = arith.constant 0 : i32
    %c0_i32_0 = arith.constant 0 : i32
    return %arg0, %c0_i32 : i32, i32
  }
}

module attributes {stable_mosaic.version = 14 : i64} {
  func.func @body(%arg0: i32, %arg1: memref<1000x128xf32, #tpu.memory_space<vmem>>, %arg2: memref<1x1000x128xf32, #tpu.memory_space<vmem>>, %arg3: memref<1x12xf32, #tpu.memory_space<smem>>, %arg4: memref<128x128xf32, #tpu.memory_space<vmem>>, %arg5: memref<128x8x128xf32, #tpu.memory_space<vmem>>, %arg6: memref<128x128xf32, #tpu.memory_space<vmem>>, %arg7: memref<1000x128xf32, #tpu.memory_space<vmem>>) attributes {dimension_semantics = [#tpu.dimension_semantics<arbitrary>], iteration_bounds = array<i64: 10>, scalar_prefetch = 0 : i64, scratch_operands = 0 : i64, tpu.core_type = #tpu.core_type<tc>, window_params = [{transform_indices = @transform_0, window_bounds = array<i64: 1000, 128>}, {transform_indices = @transform_1, window_bounds = array<i64: 1, 1000, 128>}, {transform_indices = @transform_2, window_bounds = array<i64: 1, 12>}, {pipeline_mode = #tpu.pipeline_mode<synchronous>, transform_indices = @transform_3, window_bounds = array<i64: 128, 128>}, {pipeline_mode = #tpu.pipeline_mode<synchronous>, transform_indices = @transform_4, window_bounds = array<i64: 128, 8, 128>}, {pipeline_mode = #tpu.pipeline_mode<synchronous>, transform_indices = @transform_5, window_bounds = array<i64: 128, 128>}, {transform_indices = @transform_6, window_bounds = array<i64: 1000, 128>}]} {
    %get3A = arith.constant 0 : index
    %get3A_0 = arith.constant 0 : index
    %get3A_1 = memref.load %arg3[%get3A, %get3A_0] : memref<1x12xf32, #tpu.memory_space<smem>>
    %get3A_2 = arith.constant 0 : index
    %get3A_3 = arith.constant 1 : index
    %get3A_4 = memref.load %arg3[%get3A_2, %get3A_3] : memref<1x12xf32, #tpu.memory_space<smem>>
    %get3A_5 = arith.constant 0 : index
    %get3A_6 = arith.constant 2 : index
    %get3A_7 = memref.load %arg3[%get3A_5, %get3A_6] : memref<1x12xf32, #tpu.memory_space<smem>>
    %get3A_8 = arith.constant 0 : index
    %get3A_9 = arith.constant 3 : index
    %get3A_10 = memref.load %arg3[%get3A_8, %get3A_9] : memref<1x12xf32, #tpu.memory_space<smem>>
    %get3A_11 = arith.constant 0 : index
    %get3A_12 = arith.constant 4 : index
    %get3A_13 = memref.load %arg3[%get3A_11, %get3A_12] : memref<1x12xf32, #tpu.memory_space<smem>>
    %get3A_14 = arith.constant 0 : index
    %get3A_15 = arith.constant 5 : index
    %get3A_16 = memref.load %arg3[%get3A_14, %get3A_15] : memref<1x12xf32, #tpu.memory_space<smem>>
    %get3A_17 = arith.constant 0 : index
    %get3A_18 = arith.constant 6 : index
    %get3A_19 = memref.load %arg3[%get3A_17, %get3A_18] : memref<1x12xf32, #tpu.memory_space<smem>>
    %get3A_20 = arith.constant 0 : index
    %get3A_21 = arith.constant 7 : index
    %get3A_22 = memref.load %arg3[%get3A_20, %get3A_21] : memref<1x12xf32, #tpu.memory_space<smem>>
    %get3A_23 = arith.constant 0 : index
    %get3A_24 = arith.constant 8 : index
    %get3A_25 = memref.load %arg3[%get3A_23, %get3A_24] : memref<1x12xf32, #tpu.memory_space<smem>>
    %get3A_26 = arith.constant 0 : index
    %get3A_27 = arith.constant 9 : index
    %get3A_28 = memref.load %arg3[%get3A_26, %get3A_27] : memref<1x12xf32, #tpu.memory_space<smem>>
    %get3A_29 = arith.constant 0 : index
    %get3A_30 = arith.constant 10 : index
    %get3A_31 = memref.load %arg3[%get3A_29, %get3A_30] : memref<1x12xf32, #tpu.memory_space<smem>>
    %get3A_32 = arith.constant 0 : index
    %get3A_33 = arith.constant 11 : index
    %get3A_34 = memref.load %arg3[%get3A_32, %get3A_33] : memref<1x12xf32, #tpu.memory_space<smem>>
    %get3A_35 = arith.constant 0 : index
    %get3A_36 = arith.constant 0 : index
    %get3A_37 = arith.constant 0 : index
    %get3A_38 = vector.load %arg2[%get3A_35, %get3A_36, %get3A_37] : memref<1x1000x128xf32, #tpu.memory_space<vmem>>, vector<1x1000x128xf32>
    %squeeze3A = vector.shape_cast %get3A_38 : vector<1x1000x128xf32> to vector<1000x128xf32>
    %slice3A = vector.extract_strided_slice %squeeze3A {offsets = [0, 0], sizes = [1000, 1], strides = [1, 1]} : vector<1000x128xf32> to vector<1000x1xf32>
    %add3A = arith.constant 1.000000e+00 : f32
    %add3A_39 = vector.broadcast %add3A : f32 to vector<1000x1xf32>
    %add3A_40 = arith.addf %slice3A, %add3A_39 : vector<1000x1xf32>
    %sqrt3A = math.sqrt %add3A_40 : vector<1000x1xf32>
    %div3A = arith.constant 1.000000e+00 : f32
    %div3A_41 = vector.broadcast %div3A : f32 to vector<1000x1xf32>
    %div3A_42 = arith.divf %div3A_41, %sqrt3A : vector<1000x1xf32>
    %get3A_43 = arith.constant 0 : index
    %get3A_44 = arith.constant 0 : index
    %get3A_45 = vector.load %arg1[%get3A_43, %get3A_44] : memref<1000x128xf32, #tpu.memory_space<vmem>>, vector<1000x128xf32>
    %get3A_46 = arith.constant 0 : index
    %get3A_47 = arith.constant 0 : index
    %get3A_48 = vector.load %arg4[%get3A_46, %get3A_47] : memref<128x128xf32, #tpu.memory_space<vmem>>, vector<128x128xf32>
    %get3A_49 = arith.constant 0 : index
    %get3A_50 = arith.constant 0 : index
    %get3A_51 = vector.load %arg6[%get3A_49, %get3A_50] : memref<128x128xf32, #tpu.memory_space<vmem>>, vector<128x128xf32>
    %neg3A = arith.constant 0.000000e+00 : f32
    %neg3A_52 = vector.broadcast %neg3A : f32 to vector<1000x128xf32>
    %neg3A_53 = arith.subf %neg3A_52, %get3A_45 : vector<1000x128xf32>
    %exp3A = math.exp %neg3A_53 : vector<1000x128xf32>
    %add3A_54 = arith.constant 1.000000e+00 : f32
    %add3A_55 = vector.broadcast %add3A_54 : f32 to vector<1000x128xf32>
    %add3A_56 = arith.addf %add3A_55, %exp3A : vector<1000x128xf32>
    %div3A_57 = arith.constant 1.000000e+00 : f32
    %div3A_58 = vector.broadcast %div3A_57 : f32 to vector<1000x128xf32>
    %div3A_59 = arith.divf %div3A_58, %add3A_56 : vector<1000x128xf32>
    %mul3A = arith.mulf %get3A_45, %div3A_59 : vector<1000x128xf32>
    %dot_general3A = arith.constant dense<0.000000e+00> : vector<1000x128xf32>
    %dot_general3A_60 = tpu.matmul %mul3A, %get3A_48, %dot_general3A {dimension_numbers = #tpu.dot_dimension_numbers<[1], [0], [0], [1], [0, 0, 1, 1], [], []>, transpose_lhs_hint = false} : vector<1000x128xf32>, vector<128x128xf32>, vector<1000x128xf32> -> vector<1000x128xf32>
    %ge3A = vector.broadcast %get3A_1 : f32 to vector<1000x128xf32>
    %ge3A_61 = arith.cmpf oge, %get3A_45, %ge3A : vector<1000x128xf32>
    %lt3A = vector.broadcast %get3A_4 : f32 to vector<1000x128xf32>
    %lt3A_62 = arith.cmpf olt, %get3A_45, %lt3A : vector<1000x128xf32>
    %and3A = arith.andi %ge3A_61, %lt3A_62 : vector<1000x128xi1>
    %jit3A = arith.constant 1.000000e+00 : f32
    %jit3A_63 = arith.constant 0.000000e+00 : f32
    %broadcast_in_dim3A = vector.broadcast %jit3A : f32 to vector<1000x128xf32>
    %broadcast_in_dim3A_64 = vector.broadcast %jit3A_63 : f32 to vector<1000x128xf32>
    %select_n3A = arith.select %and3A, %broadcast_in_dim3A, %broadcast_in_dim3A_64 : vector<1000x128xi1>, vector<1000x128xf32>
    %ge3A_65 = vector.broadcast %get3A_4 : f32 to vector<1000x128xf32>
    %ge3A_66 = arith.cmpf oge, %get3A_45, %ge3A_65 : vector<1000x128xf32>
    %lt3A_67 = vector.broadcast %get3A_7 : f32 to vector<1000x128xf32>
    %lt3A_68 = arith.cmpf olt, %get3A_45, %lt3A_67 : vector<1000x128xf32>
    %and3A_69 = arith.andi %ge3A_66, %lt3A_68 : vector<1000x128xi1>
    %jit3A_70 = arith.constant 1.000000e+00 : f32
    %jit3A_71 = arith.constant 0.000000e+00 : f32
    %broadcast_in_dim3A_72 = vector.broadcast %jit3A_70 : f32 to vector<1000x128xf32>
    %broadcast_in_dim3A_73 = vector.broadcast %jit3A_71 : f32 to vector<1000x128xf32>
    %select_n3A_74 = arith.select %and3A_69, %broadcast_in_dim3A_72, %broadcast_in_dim3A_73 : vector<1000x128xi1>, vector<1000x128xf32>
    %ge3A_75 = vector.broadcast %get3A_7 : f32 to vector<1000x128xf32>
    %ge3A_76 = arith.cmpf oge, %get3A_45, %ge3A_75 : vector<1000x128xf32>
    %lt3A_77 = vector.broadcast %get3A_10 : f32 to vector<1000x128xf32>
    %lt3A_78 = arith.cmpf olt, %get3A_45, %lt3A_77 : vector<1000x128xf32>
    %and3A_79 = arith.andi %ge3A_76, %lt3A_78 : vector<1000x128xi1>
    %jit3A_80 = arith.constant 1.000000e+00 : f32
    %jit3A_81 = arith.constant 0.000000e+00 : f32
    %broadcast_in_dim3A_82 = vector.broadcast %jit3A_80 : f32 to vector<1000x128xf32>
    %broadcast_in_dim3A_83 = vector.broadcast %jit3A_81 : f32 to vector<1000x128xf32>
    %select_n3A_84 = arith.select %and3A_79, %broadcast_in_dim3A_82, %broadcast_in_dim3A_83 : vector<1000x128xi1>, vector<1000x128xf32>
    %ge3A_85 = vector.broadcast %get3A_10 : f32 to vector<1000x128xf32>
    %ge3A_86 = arith.cmpf oge, %get3A_45, %ge3A_85 : vector<1000x128xf32>
    %lt3A_87 = vector.broadcast %get3A_13 : f32 to vector<1000x128xf32>
    %lt3A_88 = arith.cmpf olt, %get3A_45, %lt3A_87 : vector<1000x128xf32>
    %and3A_89 = arith.andi %ge3A_86, %lt3A_88 : vector<1000x128xi1>
    %jit3A_90 = arith.constant 1.000000e+00 : f32
    %jit3A_91 = arith.constant 0.000000e+00 : f32
    %broadcast_in_dim3A_92 = vector.broadcast %jit3A_90 : f32 to vector<1000x128xf32>
    %broadcast_in_dim3A_93 = vector.broadcast %jit3A_91 : f32 to vector<1000x128xf32>
    %select_n3A_94 = arith.select %and3A_89, %broadcast_in_dim3A_92, %broadcast_in_dim3A_93 : vector<1000x128xi1>, vector<1000x128xf32>
    %ge3A_95 = vector.broadcast %get3A_13 : f32 to vector<1000x128xf32>
    %ge3A_96 = arith.cmpf oge, %get3A_45, %ge3A_95 : vector<1000x128xf32>
    %lt3A_97 = vector.broadcast %get3A_16 : f32 to vector<1000x128xf32>
    %lt3A_98 = arith.cmpf olt, %get3A_45, %lt3A_97 : vector<1000x128xf32>
    %and3A_99 = arith.andi %ge3A_96, %lt3A_98 : vector<1000x128xi1>
    %jit3A_100 = arith.constant 1.000000e+00 : f32
    %jit3A_101 = arith.constant 0.000000e+00 : f32
    %broadcast_in_dim3A_102 = vector.broadcast %jit3A_100 : f32 to vector<1000x128xf32>
    %broadcast_in_dim3A_103 = vector.broadcast %jit3A_101 : f32 to vector<1000x128xf32>
    %select_n3A_104 = arith.select %and3A_99, %broadcast_in_dim3A_102, %broadcast_in_dim3A_103 : vector<1000x128xi1>, vector<1000x128xf32>
    %ge3A_105 = vector.broadcast %get3A_16 : f32 to vector<1000x128xf32>
    %ge3A_106 = arith.cmpf oge, %get3A_45, %ge3A_105 : vector<1000x128xf32>
    %lt3A_107 = vector.broadcast %get3A_19 : f32 to vector<1000x128xf32>
    %lt3A_108 = arith.cmpf olt, %get3A_45, %lt3A_107 : vector<1000x128xf32>
    %and3A_109 = arith.andi %ge3A_106, %lt3A_108 : vector<1000x128xi1>
    %jit3A_110 = arith.constant 1.000000e+00 : f32
    %jit3A_111 = arith.constant 0.000000e+00 : f32
    %broadcast_in_dim3A_112 = vector.broadcast %jit3A_110 : f32 to vector<1000x128xf32>
    %broadcast_in_dim3A_113 = vector.broadcast %jit3A_111 : f32 to vector<1000x128xf32>
    %select_n3A_114 = arith.select %and3A_109, %broadcast_in_dim3A_112, %broadcast_in_dim3A_113 : vector<1000x128xi1>, vector<1000x128xf32>
    %ge3A_115 = vector.broadcast %get3A_19 : f32 to vector<1000x128xf32>
    %ge3A_116 = arith.cmpf oge, %get3A_45, %ge3A_115 : vector<1000x128xf32>
    %lt3A_117 = vector.broadcast %get3A_22 : f32 to vector<1000x128xf32>
    %lt3A_118 = arith.cmpf olt, %get3A_45, %lt3A_117 : vector<1000x128xf32>
    %and3A_119 = arith.andi %ge3A_116, %lt3A_118 : vector<1000x128xi1>
    %jit3A_120 = arith.constant 1.000000e+00 : f32
    %jit3A_121 = arith.constant 0.000000e+00 : f32
    %broadcast_in_dim3A_122 = vector.broadcast %jit3A_120 : f32 to vector<1000x128xf32>
    %broadcast_in_dim3A_123 = vector.broadcast %jit3A_121 : f32 to vector<1000x128xf32>
    %select_n3A_124 = arith.select %and3A_119, %broadcast_in_dim3A_122, %broadcast_in_dim3A_123 : vector<1000x128xi1>, vector<1000x128xf32>
    %ge3A_125 = vector.broadcast %get3A_22 : f32 to vector<1000x128xf32>
    %ge3A_126 = arith.cmpf oge, %get3A_45, %ge3A_125 : vector<1000x128xf32>
    %lt3A_127 = vector.broadcast %get3A_25 : f32 to vector<1000x128xf32>
    %lt3A_128 = arith.cmpf olt, %get3A_45, %lt3A_127 : vector<1000x128xf32>
    %and3A_129 = arith.andi %ge3A_126, %lt3A_128 : vector<1000x128xi1>
    %jit3A_130 = arith.constant 1.000000e+00 : f32
    %jit3A_131 = arith.constant 0.000000e+00 : f32
    %broadcast_in_dim3A_132 = vector.broadcast %jit3A_130 : f32 to vector<1000x128xf32>
    %broadcast_in_dim3A_133 = vector.broadcast %jit3A_131 : f32 to vector<1000x128xf32>
    %select_n3A_134 = arith.select %and3A_129, %broadcast_in_dim3A_132, %broadcast_in_dim3A_133 : vector<1000x128xi1>, vector<1000x128xf32>
    %ge3A_135 = vector.broadcast %get3A_25 : f32 to vector<1000x128xf32>
    %ge3A_136 = arith.cmpf oge, %get3A_45, %ge3A_135 : vector<1000x128xf32>
    %lt3A_137 = vector.broadcast %get3A_28 : f32 to vector<1000x128xf32>
    %lt3A_138 = arith.cmpf olt, %get3A_45, %lt3A_137 : vector<1000x128xf32>
    %and3A_139 = arith.andi %ge3A_136, %lt3A_138 : vector<1000x128xi1>
    %jit3A_140 = arith.constant 1.000000e+00 : f32
    %jit3A_141 = arith.constant 0.000000e+00 : f32
    %broadcast_in_dim3A_142 = vector.broadcast %jit3A_140 : f32 to vector<1000x128xf32>
    %broadcast_in_dim3A_143 = vector.broadcast %jit3A_141 : f32 to vector<1000x128xf32>
    %select_n3A_144 = arith.select %and3A_139, %broadcast_in_dim3A_142, %broadcast_in_dim3A_143 : vector<1000x128xi1>, vector<1000x128xf32>
    %ge3A_145 = vector.broadcast %get3A_28 : f32 to vector<1000x128xf32>
    %ge3A_146 = arith.cmpf oge, %get3A_45, %ge3A_145 : vector<1000x128xf32>
    %lt3A_147 = vector.broadcast %get3A_31 : f32 to vector<1000x128xf32>
    %lt3A_148 = arith.cmpf olt, %get3A_45, %lt3A_147 : vector<1000x128xf32>
    %and3A_149 = arith.andi %ge3A_146, %lt3A_148 : vector<1000x128xi1>
    %jit3A_150 = arith.constant 1.000000e+00 : f32
    %jit3A_151 = arith.constant 0.000000e+00 : f32
    %broadcast_in_dim3A_152 = vector.broadcast %jit3A_150 : f32 to vector<1000x128xf32>
    %broadcast_in_dim3A_153 = vector.broadcast %jit3A_151 : f32 to vector<1000x128xf32>
    %select_n3A_154 = arith.select %and3A_149, %broadcast_in_dim3A_152, %broadcast_in_dim3A_153 : vector<1000x128xi1>, vector<1000x128xf32>
    %ge3A_155 = vector.broadcast %get3A_31 : f32 to vector<1000x128xf32>
    %ge3A_156 = arith.cmpf oge, %get3A_45, %ge3A_155 : vector<1000x128xf32>
    %lt3A_157 = vector.broadcast %get3A_34 : f32 to vector<1000x128xf32>
    %lt3A_158 = arith.cmpf olt, %get3A_45, %lt3A_157 : vector<1000x128xf32>
    %and3A_159 = arith.andi %ge3A_156, %lt3A_158 : vector<1000x128xi1>
    %jit3A_160 = arith.constant 1.000000e+00 : f32
    %jit3A_161 = arith.constant 0.000000e+00 : f32
    %broadcast_in_dim3A_162 = vector.broadcast %jit3A_160 : f32 to vector<1000x128xf32>
    %broadcast_in_dim3A_163 = vector.broadcast %jit3A_161 : f32 to vector<1000x128xf32>
    %select_n3A_164 = arith.select %and3A_159, %broadcast_in_dim3A_162, %broadcast_in_dim3A_163 : vector<1000x128xi1>, vector<1000x128xf32>
    %sub3A = vector.broadcast %get3A_1 : f32 to vector<1000x128xf32>
    %sub3A_165 = arith.subf %get3A_45, %sub3A : vector<1000x128xf32>
    %sub3A_166 = arith.subf %get3A_4, %get3A_1 : f32
    %div3A_167 = arith.constant 1.000000e+00 : f32
    %div3A_168 = arith.divf %div3A_167, %sub3A_166 : f32
    %mul3A_169 = vector.broadcast %div3A_168 : f32 to vector<1000x128xf32>
    %mul3A_170 = arith.mulf %sub3A_165, %mul3A_169 : vector<1000x128xf32>
    %mul3A_171 = arith.mulf %mul3A_170, %select_n3A : vector<1000x128xf32>
    %sub3A_172 = vector.broadcast %get3A_7 : f32 to vector<1000x128xf32>
    %sub3A_173 = arith.subf %sub3A_172, %get3A_45 : vector<1000x128xf32>
    %sub3A_174 = arith.subf %get3A_7, %get3A_4 : f32
    %div3A_175 = arith.constant 1.000000e+00 : f32
    %div3A_176 = arith.divf %div3A_175, %sub3A_174 : f32
    %mul3A_177 = vector.broadcast %div3A_176 : f32 to vector<1000x128xf32>
    %mul3A_178 = arith.mulf %sub3A_173, %mul3A_177 : vector<1000x128xf32>
    %mul3A_179 = arith.mulf %mul3A_178, %select_n3A_74 : vector<1000x128xf32>
    %add3A_180 = arith.addf %mul3A_171, %mul3A_179 : vector<1000x128xf32>
    %sub3A_181 = vector.broadcast %get3A_4 : f32 to vector<1000x128xf32>
    %sub3A_182 = arith.subf %get3A_45, %sub3A_181 : vector<1000x128xf32>
    %sub3A_183 = arith.subf %get3A_7, %get3A_4 : f32
    %div3A_184 = arith.constant 1.000000e+00 : f32
    %div3A_185 = arith.divf %div3A_184, %sub3A_183 : f32
    %mul3A_186 = vector.broadcast %div3A_185 : f32 to vector<1000x128xf32>
    %mul3A_187 = arith.mulf %sub3A_182, %mul3A_186 : vector<1000x128xf32>
    %mul3A_188 = arith.mulf %mul3A_187, %select_n3A_74 : vector<1000x128xf32>
    %sub3A_189 = vector.broadcast %get3A_10 : f32 to vector<1000x128xf32>
    %sub3A_190 = arith.subf %sub3A_189, %get3A_45 : vector<1000x128xf32>
    %sub3A_191 = arith.subf %get3A_10, %get3A_7 : f32
    %div3A_192 = arith.constant 1.000000e+00 : f32
    %div3A_193 = arith.divf %div3A_192, %sub3A_191 : f32
    %mul3A_194 = vector.broadcast %div3A_193 : f32 to vector<1000x128xf32>
    %mul3A_195 = arith.mulf %sub3A_190, %mul3A_194 : vector<1000x128xf32>
    %mul3A_196 = arith.mulf %mul3A_195, %select_n3A_84 : vector<1000x128xf32>
    %add3A_197 = arith.addf %mul3A_188, %mul3A_196 : vector<1000x128xf32>
    %sub3A_198 = vector.broadcast %get3A_7 : f32 to vector<1000x128xf32>
    %sub3A_199 = arith.subf %get3A_45, %sub3A_198 : vector<1000x128xf32>
    %sub3A_200 = arith.subf %get3A_10, %get3A_7 : f32
    %div3A_201 = arith.constant 1.000000e+00 : f32
    %div3A_202 = arith.divf %div3A_201, %sub3A_200 : f32
    %mul3A_203 = vector.broadcast %div3A_202 : f32 to vector<1000x128xf32>
    %mul3A_204 = arith.mulf %sub3A_199, %mul3A_203 : vector<1000x128xf32>
    %mul3A_205 = arith.mulf %mul3A_204, %select_n3A_84 : vector<1000x128xf32>
    %sub3A_206 = vector.broadcast %get3A_13 : f32 to vector<1000x128xf32>
    %sub3A_207 = arith.subf %sub3A_206, %get3A_45 : vector<1000x128xf32>
    %sub3A_208 = arith.subf %get3A_13, %get3A_10 : f32
    %div3A_209 = arith.constant 1.000000e+00 : f32
    %div3A_210 = arith.divf %div3A_209, %sub3A_208 : f32
    %mul3A_211 = vector.broadcast %div3A_210 : f32 to vector<1000x128xf32>
    %mul3A_212 = arith.mulf %sub3A_207, %mul3A_211 : vector<1000x128xf32>
    %mul3A_213 = arith.mulf %mul3A_212, %select_n3A_94 : vector<1000x128xf32>
    %add3A_214 = arith.addf %mul3A_205, %mul3A_213 : vector<1000x128xf32>
    %sub3A_215 = vector.broadcast %get3A_10 : f32 to vector<1000x128xf32>
    %sub3A_216 = arith.subf %get3A_45, %sub3A_215 : vector<1000x128xf32>
    %sub3A_217 = arith.subf %get3A_13, %get3A_10 : f32
    %div3A_218 = arith.constant 1.000000e+00 : f32
    %div3A_219 = arith.divf %div3A_218, %sub3A_217 : f32
    %mul3A_220 = vector.broadcast %div3A_219 : f32 to vector<1000x128xf32>
    %mul3A_221 = arith.mulf %sub3A_216, %mul3A_220 : vector<1000x128xf32>
    %mul3A_222 = arith.mulf %mul3A_221, %select_n3A_94 : vector<1000x128xf32>
    %sub3A_223 = vector.broadcast %get3A_16 : f32 to vector<1000x128xf32>
    %sub3A_224 = arith.subf %sub3A_223, %get3A_45 : vector<1000x128xf32>
    %sub3A_225 = arith.subf %get3A_16, %get3A_13 : f32
    %div3A_226 = arith.constant 1.000000e+00 : f32
    %div3A_227 = arith.divf %div3A_226, %sub3A_225 : f32
    %mul3A_228 = vector.broadcast %div3A_227 : f32 to vector<1000x128xf32>
    %mul3A_229 = arith.mulf %sub3A_224, %mul3A_228 : vector<1000x128xf32>
    %mul3A_230 = arith.mulf %mul3A_229, %select_n3A_104 : vector<1000x128xf32>
    %add3A_231 = arith.addf %mul3A_222, %mul3A_230 : vector<1000x128xf32>
    %sub3A_232 = vector.broadcast %get3A_13 : f32 to vector<1000x128xf32>
    %sub3A_233 = arith.subf %get3A_45, %sub3A_232 : vector<1000x128xf32>
    %sub3A_234 = arith.subf %get3A_16, %get3A_13 : f32
    %div3A_235 = arith.constant 1.000000e+00 : f32
    %div3A_236 = arith.divf %div3A_235, %sub3A_234 : f32
    %mul3A_237 = vector.broadcast %div3A_236 : f32 to vector<1000x128xf32>
    %mul3A_238 = arith.mulf %sub3A_233, %mul3A_237 : vector<1000x128xf32>
    %mul3A_239 = arith.mulf %mul3A_238, %select_n3A_104 : vector<1000x128xf32>
    %sub3A_240 = vector.broadcast %get3A_19 : f32 to vector<1000x128xf32>
    %sub3A_241 = arith.subf %sub3A_240, %get3A_45 : vector<1000x128xf32>
    %sub3A_242 = arith.subf %get3A_19, %get3A_16 : f32
    %div3A_243 = arith.constant 1.000000e+00 : f32
    %div3A_244 = arith.divf %div3A_243, %sub3A_242 : f32
    %mul3A_245 = vector.broadcast %div3A_244 : f32 to vector<1000x128xf32>
    %mul3A_246 = arith.mulf %sub3A_241, %mul3A_245 : vector<1000x128xf32>
    %mul3A_247 = arith.mulf %mul3A_246, %select_n3A_114 : vector<1000x128xf32>
    %add3A_248 = arith.addf %mul3A_239, %mul3A_247 : vector<1000x128xf32>
    %sub3A_249 = vector.broadcast %get3A_16 : f32 to vector<1000x128xf32>
    %sub3A_250 = arith.subf %get3A_45, %sub3A_249 : vector<1000x128xf32>
    %sub3A_251 = arith.subf %get3A_19, %get3A_16 : f32
    %div3A_252 = arith.constant 1.000000e+00 : f32
    %div3A_253 = arith.divf %div3A_252, %sub3A_251 : f32
    %mul3A_254 = vector.broadcast %div3A_253 : f32 to vector<1000x128xf32>
    %mul3A_255 = arith.mulf %sub3A_250, %mul3A_254 : vector<1000x128xf32>
    %mul3A_256 = arith.mulf %mul3A_255, %select_n3A_114 : vector<1000x128xf32>
    %sub3A_257 = vector.broadcast %get3A_22 : f32 to vector<1000x128xf32>
    %sub3A_258 = arith.subf %sub3A_257, %get3A_45 : vector<1000x128xf32>
    %sub3A_259 = arith.subf %get3A_22, %get3A_19 : f32
    %div3A_260 = arith.constant 1.000000e+00 : f32
    %div3A_261 = arith.divf %div3A_260, %sub3A_259 : f32
    %mul3A_262 = vector.broadcast %div3A_261 : f32 to vector<1000x128xf32>
    %mul3A_263 = arith.mulf %sub3A_258, %mul3A_262 : vector<1000x128xf32>
    %mul3A_264 = arith.mulf %mul3A_263, %select_n3A_124 : vector<1000x128xf32>
    %add3A_265 = arith.addf %mul3A_256, %mul3A_264 : vector<1000x128xf32>
    %sub3A_266 = vector.broadcast %get3A_19 : f32 to vector<1000x128xf32>
    %sub3A_267 = arith.subf %get3A_45, %sub3A_266 : vector<1000x128xf32>
    %sub3A_268 = arith.subf %get3A_22, %get3A_19 : f32
    %div3A_269 = arith.constant 1.000000e+00 : f32
    %div3A_270 = arith.divf %div3A_269, %sub3A_268 : f32
    %mul3A_271 = vector.broadcast %div3A_270 : f32 to vector<1000x128xf32>
    %mul3A_272 = arith.mulf %sub3A_267, %mul3A_271 : vector<1000x128xf32>
    %mul3A_273 = arith.mulf %mul3A_272, %select_n3A_124 : vector<1000x128xf32>
    %sub3A_274 = vector.broadcast %get3A_25 : f32 to vector<1000x128xf32>
    %sub3A_275 = arith.subf %sub3A_274, %get3A_45 : vector<1000x128xf32>
    %sub3A_276 = arith.subf %get3A_25, %get3A_22 : f32
    %div3A_277 = arith.constant 1.000000e+00 : f32
    %div3A_278 = arith.divf %div3A_277, %sub3A_276 : f32
    %mul3A_279 = vector.broadcast %div3A_278 : f32 to vector<1000x128xf32>
    %mul3A_280 = arith.mulf %sub3A_275, %mul3A_279 : vector<1000x128xf32>
    %mul3A_281 = arith.mulf %mul3A_280, %select_n3A_134 : vector<1000x128xf32>
    %add3A_282 = arith.addf %mul3A_273, %mul3A_281 : vector<1000x128xf32>
    %sub3A_283 = vector.broadcast %get3A_22 : f32 to vector<1000x128xf32>
    %sub3A_284 = arith.subf %get3A_45, %sub3A_283 : vector<1000x128xf32>
    %sub3A_285 = arith.subf %get3A_25, %get3A_22 : f32
    %div3A_286 = arith.constant 1.000000e+00 : f32
    %div3A_287 = arith.divf %div3A_286, %sub3A_285 : f32
    %mul3A_288 = vector.broadcast %div3A_287 : f32 to vector<1000x128xf32>
    %mul3A_289 = arith.mulf %sub3A_284, %mul3A_288 : vector<1000x128xf32>
    %mul3A_290 = arith.mulf %mul3A_289, %select_n3A_134 : vector<1000x128xf32>
    %sub3A_291 = vector.broadcast %get3A_28 : f32 to vector<1000x128xf32>
    %sub3A_292 = arith.subf %sub3A_291, %get3A_45 : vector<1000x128xf32>
    %sub3A_293 = arith.subf %get3A_28, %get3A_25 : f32
    %div3A_294 = arith.constant 1.000000e+00 : f32
    %div3A_295 = arith.divf %div3A_294, %sub3A_293 : f32
    %mul3A_296 = vector.broadcast %div3A_295 : f32 to vector<1000x128xf32>
    %mul3A_297 = arith.mulf %sub3A_292, %mul3A_296 : vector<1000x128xf32>
    %mul3A_298 = arith.mulf %mul3A_297, %select_n3A_144 : vector<1000x128xf32>
    %add3A_299 = arith.addf %mul3A_290, %mul3A_298 : vector<1000x128xf32>
    %sub3A_300 = vector.broadcast %get3A_25 : f32 to vector<1000x128xf32>
    %sub3A_301 = arith.subf %get3A_45, %sub3A_300 : vector<1000x128xf32>
    %sub3A_302 = arith.subf %get3A_28, %get3A_25 : f32
    %div3A_303 = arith.constant 1.000000e+00 : f32
    %div3A_304 = arith.divf %div3A_303, %sub3A_302 : f32
    %mul3A_305 = vector.broadcast %div3A_304 : f32 to vector<1000x128xf32>
    %mul3A_306 = arith.mulf %sub3A_301, %mul3A_305 : vector<1000x128xf32>
    %mul3A_307 = arith.mulf %mul3A_306, %select_n3A_144 : vector<1000x128xf32>
    %sub3A_308 = vector.broadcast %get3A_31 : f32 to vector<1000x128xf32>
    %sub3A_309 = arith.subf %sub3A_308, %get3A_45 : vector<1000x128xf32>
    %sub3A_310 = arith.subf %get3A_31, %get3A_28 : f32
    %div3A_311 = arith.constant 1.000000e+00 : f32
    %div3A_312 = arith.divf %div3A_311, %sub3A_310 : f32
    %mul3A_313 = vector.broadcast %div3A_312 : f32 to vector<1000x128xf32>
    %mul3A_314 = arith.mulf %sub3A_309, %mul3A_313 : vector<1000x128xf32>
    %mul3A_315 = arith.mulf %mul3A_314, %select_n3A_154 : vector<1000x128xf32>
    %add3A_316 = arith.addf %mul3A_307, %mul3A_315 : vector<1000x128xf32>
    %sub3A_317 = vector.broadcast %get3A_28 : f32 to vector<1000x128xf32>
    %sub3A_318 = arith.subf %get3A_45, %sub3A_317 : vector<1000x128xf32>
    %sub3A_319 = arith.subf %get3A_31, %get3A_28 : f32
    %div3A_320 = arith.constant 1.000000e+00 : f32
    %div3A_321 = arith.divf %div3A_320, %sub3A_319 : f32
    %mul3A_322 = vector.broadcast %div3A_321 : f32 to vector<1000x128xf32>
    %mul3A_323 = arith.mulf %sub3A_318, %mul3A_322 : vector<1000x128xf32>
    %mul3A_324 = arith.mulf %mul3A_323, %select_n3A_154 : vector<1000x128xf32>
    %sub3A_325 = vector.broadcast %get3A_34 : f32 to vector<1000x128xf32>
    %sub3A_326 = arith.subf %sub3A_325, %get3A_45 : vector<1000x128xf32>
    %sub3A_327 = arith.subf %get3A_34, %get3A_31 : f32
    %div3A_328 = arith.constant 1.000000e+00 : f32
    %div3A_329 = arith.divf %div3A_328, %sub3A_327 : f32
    %mul3A_330 = vector.broadcast %div3A_329 : f32 to vector<1000x128xf32>
    %mul3A_331 = arith.mulf %sub3A_326, %mul3A_330 : vector<1000x128xf32>
    %mul3A_332 = arith.mulf %mul3A_331, %select_n3A_164 : vector<1000x128xf32>
    %add3A_333 = arith.addf %mul3A_324, %mul3A_332 : vector<1000x128xf32>
    %sub3A_334 = vector.broadcast %get3A_1 : f32 to vector<1000x128xf32>
    %sub3A_335 = arith.subf %get3A_45, %sub3A_334 : vector<1000x128xf32>
    %sub3A_336 = arith.subf %get3A_7, %get3A_1 : f32
    %div3A_337 = arith.constant 1.000000e+00 : f32
    %div3A_338 = arith.divf %div3A_337, %sub3A_336 : f32
    %mul3A_339 = vector.broadcast %div3A_338 : f32 to vector<1000x128xf32>
    %mul3A_340 = arith.mulf %sub3A_335, %mul3A_339 : vector<1000x128xf32>
    %mul3A_341 = arith.mulf %mul3A_340, %add3A_180 : vector<1000x128xf32>
    %sub3A_342 = vector.broadcast %get3A_10 : f32 to vector<1000x128xf32>
    %sub3A_343 = arith.subf %sub3A_342, %get3A_45 : vector<1000x128xf32>
    %sub3A_344 = arith.subf %get3A_10, %get3A_4 : f32
    %div3A_345 = arith.constant 1.000000e+00 : f32
    %div3A_346 = arith.divf %div3A_345, %sub3A_344 : f32
    %mul3A_347 = vector.broadcast %div3A_346 : f32 to vector<1000x128xf32>
    %mul3A_348 = arith.mulf %sub3A_343, %mul3A_347 : vector<1000x128xf32>
    %mul3A_349 = arith.mulf %mul3A_348, %add3A_197 : vector<1000x128xf32>
    %add3A_350 = arith.addf %mul3A_341, %mul3A_349 : vector<1000x128xf32>
    %sub3A_351 = vector.broadcast %get3A_4 : f32 to vector<1000x128xf32>
    %sub3A_352 = arith.subf %get3A_45, %sub3A_351 : vector<1000x128xf32>
    %sub3A_353 = arith.subf %get3A_10, %get3A_4 : f32
    %div3A_354 = arith.constant 1.000000e+00 : f32
    %div3A_355 = arith.divf %div3A_354, %sub3A_353 : f32
    %mul3A_356 = vector.broadcast %div3A_355 : f32 to vector<1000x128xf32>
    %mul3A_357 = arith.mulf %sub3A_352, %mul3A_356 : vector<1000x128xf32>
    %mul3A_358 = arith.mulf %mul3A_357, %add3A_197 : vector<1000x128xf32>
    %sub3A_359 = vector.broadcast %get3A_13 : f32 to vector<1000x128xf32>
    %sub3A_360 = arith.subf %sub3A_359, %get3A_45 : vector<1000x128xf32>
    %sub3A_361 = arith.subf %get3A_13, %get3A_7 : f32
    %div3A_362 = arith.constant 1.000000e+00 : f32
    %div3A_363 = arith.divf %div3A_362, %sub3A_361 : f32
    %mul3A_364 = vector.broadcast %div3A_363 : f32 to vector<1000x128xf32>
    %mul3A_365 = arith.mulf %sub3A_360, %mul3A_364 : vector<1000x128xf32>
    %mul3A_366 = arith.mulf %mul3A_365, %add3A_214 : vector<1000x128xf32>
    %add3A_367 = arith.addf %mul3A_358, %mul3A_366 : vector<1000x128xf32>
    %sub3A_368 = vector.broadcast %get3A_7 : f32 to vector<1000x128xf32>
    %sub3A_369 = arith.subf %get3A_45, %sub3A_368 : vector<1000x128xf32>
    %sub3A_370 = arith.subf %get3A_13, %get3A_7 : f32
    %div3A_371 = arith.constant 1.000000e+00 : f32
    %div3A_372 = arith.divf %div3A_371, %sub3A_370 : f32
    %mul3A_373 = vector.broadcast %div3A_372 : f32 to vector<1000x128xf32>
    %mul3A_374 = arith.mulf %sub3A_369, %mul3A_373 : vector<1000x128xf32>
    %mul3A_375 = arith.mulf %mul3A_374, %add3A_214 : vector<1000x128xf32>
    %sub3A_376 = vector.broadcast %get3A_16 : f32 to vector<1000x128xf32>
    %sub3A_377 = arith.subf %sub3A_376, %get3A_45 : vector<1000x128xf32>
    %sub3A_378 = arith.subf %get3A_16, %get3A_10 : f32
    %div3A_379 = arith.constant 1.000000e+00 : f32
    %div3A_380 = arith.divf %div3A_379, %sub3A_378 : f32
    %mul3A_381 = vector.broadcast %div3A_380 : f32 to vector<1000x128xf32>
    %mul3A_382 = arith.mulf %sub3A_377, %mul3A_381 : vector<1000x128xf32>
    %mul3A_383 = arith.mulf %mul3A_382, %add3A_231 : vector<1000x128xf32>
    %add3A_384 = arith.addf %mul3A_375, %mul3A_383 : vector<1000x128xf32>
    %sub3A_385 = vector.broadcast %get3A_10 : f32 to vector<1000x128xf32>
    %sub3A_386 = arith.subf %get3A_45, %sub3A_385 : vector<1000x128xf32>
    %sub3A_387 = arith.subf %get3A_16, %get3A_10 : f32
    %div3A_388 = arith.constant 1.000000e+00 : f32
    %div3A_389 = arith.divf %div3A_388, %sub3A_387 : f32
    %mul3A_390 = vector.broadcast %div3A_389 : f32 to vector<1000x128xf32>
    %mul3A_391 = arith.mulf %sub3A_386, %mul3A_390 : vector<1000x128xf32>
    %mul3A_392 = arith.mulf %mul3A_391, %add3A_231 : vector<1000x128xf32>
    %sub3A_393 = vector.broadcast %get3A_19 : f32 to vector<1000x128xf32>
    %sub3A_394 = arith.subf %sub3A_393, %get3A_45 : vector<1000x128xf32>
    %sub3A_395 = arith.subf %get3A_19, %get3A_13 : f32
    %div3A_396 = arith.constant 1.000000e+00 : f32
    %div3A_397 = arith.divf %div3A_396, %sub3A_395 : f32
    %mul3A_398 = vector.broadcast %div3A_397 : f32 to vector<1000x128xf32>
    %mul3A_399 = arith.mulf %sub3A_394, %mul3A_398 : vector<1000x128xf32>
    %mul3A_400 = arith.mulf %mul3A_399, %add3A_248 : vector<1000x128xf32>
    %add3A_401 = arith.addf %mul3A_392, %mul3A_400 : vector<1000x128xf32>
    %sub3A_402 = vector.broadcast %get3A_13 : f32 to vector<1000x128xf32>
    %sub3A_403 = arith.subf %get3A_45, %sub3A_402 : vector<1000x128xf32>
    %sub3A_404 = arith.subf %get3A_19, %get3A_13 : f32
    %div3A_405 = arith.constant 1.000000e+00 : f32
    %div3A_406 = arith.divf %div3A_405, %sub3A_404 : f32
    %mul3A_407 = vector.broadcast %div3A_406 : f32 to vector<1000x128xf32>
    %mul3A_408 = arith.mulf %sub3A_403, %mul3A_407 : vector<1000x128xf32>
    %mul3A_409 = arith.mulf %mul3A_408, %add3A_248 : vector<1000x128xf32>
    %sub3A_410 = vector.broadcast %get3A_22 : f32 to vector<1000x128xf32>
    %sub3A_411 = arith.subf %sub3A_410, %get3A_45 : vector<1000x128xf32>
    %sub3A_412 = arith.subf %get3A_22, %get3A_16 : f32
    %div3A_413 = arith.constant 1.000000e+00 : f32
    %div3A_414 = arith.divf %div3A_413, %sub3A_412 : f32
    %mul3A_415 = vector.broadcast %div3A_414 : f32 to vector<1000x128xf32>
    %mul3A_416 = arith.mulf %sub3A_411, %mul3A_415 : vector<1000x128xf32>
    %mul3A_417 = arith.mulf %mul3A_416, %add3A_265 : vector<1000x128xf32>
    %add3A_418 = arith.addf %mul3A_409, %mul3A_417 : vector<1000x128xf32>
    %sub3A_419 = vector.broadcast %get3A_16 : f32 to vector<1000x128xf32>
    %sub3A_420 = arith.subf %get3A_45, %sub3A_419 : vector<1000x128xf32>
    %sub3A_421 = arith.subf %get3A_22, %get3A_16 : f32
    %div3A_422 = arith.constant 1.000000e+00 : f32
    %div3A_423 = arith.divf %div3A_422, %sub3A_421 : f32
    %mul3A_424 = vector.broadcast %div3A_423 : f32 to vector<1000x128xf32>
    %mul3A_425 = arith.mulf %sub3A_420, %mul3A_424 : vector<1000x128xf32>
    %mul3A_426 = arith.mulf %mul3A_425, %add3A_265 : vector<1000x128xf32>
    %sub3A_427 = vector.broadcast %get3A_25 : f32 to vector<1000x128xf32>
    %sub3A_428 = arith.subf %sub3A_427, %get3A_45 : vector<1000x128xf32>
    %sub3A_429 = arith.subf %get3A_25, %get3A_19 : f32
    %div3A_430 = arith.constant 1.000000e+00 : f32
    %div3A_431 = arith.divf %div3A_430, %sub3A_429 : f32
    %mul3A_432 = vector.broadcast %div3A_431 : f32 to vector<1000x128xf32>
    %mul3A_433 = arith.mulf %sub3A_428, %mul3A_432 : vector<1000x128xf32>
    %mul3A_434 = arith.mulf %mul3A_433, %add3A_282 : vector<1000x128xf32>
    %add3A_435 = arith.addf %mul3A_426, %mul3A_434 : vector<1000x128xf32>
    %sub3A_436 = vector.broadcast %get3A_19 : f32 to vector<1000x128xf32>
    %sub3A_437 = arith.subf %get3A_45, %sub3A_436 : vector<1000x128xf32>
    %sub3A_438 = arith.subf %get3A_25, %get3A_19 : f32
    %div3A_439 = arith.constant 1.000000e+00 : f32
    %div3A_440 = arith.divf %div3A_439, %sub3A_438 : f32
    %mul3A_441 = vector.broadcast %div3A_440 : f32 to vector<1000x128xf32>
    %mul3A_442 = arith.mulf %sub3A_437, %mul3A_441 : vector<1000x128xf32>
    %mul3A_443 = arith.mulf %mul3A_442, %add3A_282 : vector<1000x128xf32>
    %sub3A_444 = vector.broadcast %get3A_28 : f32 to vector<1000x128xf32>
    %sub3A_445 = arith.subf %sub3A_444, %get3A_45 : vector<1000x128xf32>
    %sub3A_446 = arith.subf %get3A_28, %get3A_22 : f32
    %div3A_447 = arith.constant 1.000000e+00 : f32
    %div3A_448 = arith.divf %div3A_447, %sub3A_446 : f32
    %mul3A_449 = vector.broadcast %div3A_448 : f32 to vector<1000x128xf32>
    %mul3A_450 = arith.mulf %sub3A_445, %mul3A_449 : vector<1000x128xf32>
    %mul3A_451 = arith.mulf %mul3A_450, %add3A_299 : vector<1000x128xf32>
    %add3A_452 = arith.addf %mul3A_443, %mul3A_451 : vector<1000x128xf32>
    %sub3A_453 = vector.broadcast %get3A_22 : f32 to vector<1000x128xf32>
    %sub3A_454 = arith.subf %get3A_45, %sub3A_453 : vector<1000x128xf32>
    %sub3A_455 = arith.subf %get3A_28, %get3A_22 : f32
    %div3A_456 = arith.constant 1.000000e+00 : f32
    %div3A_457 = arith.divf %div3A_456, %sub3A_455 : f32
    %mul3A_458 = vector.broadcast %div3A_457 : f32 to vector<1000x128xf32>
    %mul3A_459 = arith.mulf %sub3A_454, %mul3A_458 : vector<1000x128xf32>
    %mul3A_460 = arith.mulf %mul3A_459, %add3A_299 : vector<1000x128xf32>
    %sub3A_461 = vector.broadcast %get3A_31 : f32 to vector<1000x128xf32>
    %sub3A_462 = arith.subf %sub3A_461, %get3A_45 : vector<1000x128xf32>
    %sub3A_463 = arith.subf %get3A_31, %get3A_25 : f32
    %div3A_464 = arith.constant 1.000000e+00 : f32
    %div3A_465 = arith.divf %div3A_464, %sub3A_463 : f32
    %mul3A_466 = vector.broadcast %div3A_465 : f32 to vector<1000x128xf32>
    %mul3A_467 = arith.mulf %sub3A_462, %mul3A_466 : vector<1000x128xf32>
    %mul3A_468 = arith.mulf %mul3A_467, %add3A_316 : vector<1000x128xf32>
    %add3A_469 = arith.addf %mul3A_460, %mul3A_468 : vector<1000x128xf32>
    %sub3A_470 = vector.broadcast %get3A_25 : f32 to vector<1000x128xf32>
    %sub3A_471 = arith.subf %get3A_45, %sub3A_470 : vector<1000x128xf32>
    %sub3A_472 = arith.subf %get3A_31, %get3A_25 : f32
    %div3A_473 = arith.constant 1.000000e+00 : f32
    %div3A_474 = arith.divf %div3A_473, %sub3A_472 : f32
    %mul3A_475 = vector.broadcast %div3A_474 : f32 to vector<1000x128xf32>
    %mul3A_476 = arith.mulf %sub3A_471, %mul3A_475 : vector<1000x128xf32>
    %mul3A_477 = arith.mulf %mul3A_476, %add3A_316 : vector<1000x128xf32>
    %sub3A_478 = vector.broadcast %get3A_34 : f32 to vector<1000x128xf32>
    %sub3A_479 = arith.subf %sub3A_478, %get3A_45 : vector<1000x128xf32>
    %sub3A_480 = arith.subf %get3A_34, %get3A_28 : f32
    %div3A_481 = arith.constant 1.000000e+00 : f32
    %div3A_482 = arith.divf %div3A_481, %sub3A_480 : f32
    %mul3A_483 = vector.broadcast %div3A_482 : f32 to vector<1000x128xf32>
    %mul3A_484 = arith.mulf %sub3A_479, %mul3A_483 : vector<1000x128xf32>
    %mul3A_485 = arith.mulf %mul3A_484, %add3A_333 : vector<1000x128xf32>
    %add3A_486 = arith.addf %mul3A_477, %mul3A_485 : vector<1000x128xf32>
    %sub3A_487 = vector.broadcast %get3A_1 : f32 to vector<1000x128xf32>
    %sub3A_488 = arith.subf %get3A_45, %sub3A_487 : vector<1000x128xf32>
    %sub3A_489 = arith.subf %get3A_10, %get3A_1 : f32
    %div3A_490 = arith.constant 1.000000e+00 : f32
    %div3A_491 = arith.divf %div3A_490, %sub3A_489 : f32
    %mul3A_492 = vector.broadcast %div3A_491 : f32 to vector<1000x128xf32>
    %mul3A_493 = arith.mulf %sub3A_488, %mul3A_492 : vector<1000x128xf32>
    %mul3A_494 = arith.mulf %mul3A_493, %add3A_350 : vector<1000x128xf32>
    %sub3A_495 = vector.broadcast %get3A_13 : f32 to vector<1000x128xf32>
    %sub3A_496 = arith.subf %sub3A_495, %get3A_45 : vector<1000x128xf32>
    %sub3A_497 = arith.subf %get3A_13, %get3A_4 : f32
    %div3A_498 = arith.constant 1.000000e+00 : f32
    %div3A_499 = arith.divf %div3A_498, %sub3A_497 : f32
    %mul3A_500 = vector.broadcast %div3A_499 : f32 to vector<1000x128xf32>
    %mul3A_501 = arith.mulf %sub3A_496, %mul3A_500 : vector<1000x128xf32>
    %mul3A_502 = arith.mulf %mul3A_501, %add3A_367 : vector<1000x128xf32>
    %add3A_503 = arith.addf %mul3A_494, %mul3A_502 : vector<1000x128xf32>
    %sub3A_504 = vector.broadcast %get3A_4 : f32 to vector<1000x128xf32>
    %sub3A_505 = arith.subf %get3A_45, %sub3A_504 : vector<1000x128xf32>
    %sub3A_506 = arith.subf %get3A_13, %get3A_4 : f32
    %div3A_507 = arith.constant 1.000000e+00 : f32
    %div3A_508 = arith.divf %div3A_507, %sub3A_506 : f32
    %mul3A_509 = vector.broadcast %div3A_508 : f32 to vector<1000x128xf32>
    %mul3A_510 = arith.mulf %sub3A_505, %mul3A_509 : vector<1000x128xf32>
    %mul3A_511 = arith.mulf %mul3A_510, %add3A_367 : vector<1000x128xf32>
    %sub3A_512 = vector.broadcast %get3A_16 : f32 to vector<1000x128xf32>
    %sub3A_513 = arith.subf %sub3A_512, %get3A_45 : vector<1000x128xf32>
    %sub3A_514 = arith.subf %get3A_16, %get3A_7 : f32
    %div3A_515 = arith.constant 1.000000e+00 : f32
    %div3A_516 = arith.divf %div3A_515, %sub3A_514 : f32
    %mul3A_517 = vector.broadcast %div3A_516 : f32 to vector<1000x128xf32>
    %mul3A_518 = arith.mulf %sub3A_513, %mul3A_517 : vector<1000x128xf32>
    %mul3A_519 = arith.mulf %mul3A_518, %add3A_384 : vector<1000x128xf32>
    %add3A_520 = arith.addf %mul3A_511, %mul3A_519 : vector<1000x128xf32>
    %sub3A_521 = vector.broadcast %get3A_7 : f32 to vector<1000x128xf32>
    %sub3A_522 = arith.subf %get3A_45, %sub3A_521 : vector<1000x128xf32>
    %sub3A_523 = arith.subf %get3A_16, %get3A_7 : f32
    %div3A_524 = arith.constant 1.000000e+00 : f32
    %div3A_525 = arith.divf %div3A_524, %sub3A_523 : f32
    %mul3A_526 = vector.broadcast %div3A_525 : f32 to vector<1000x128xf32>
    %mul3A_527 = arith.mulf %sub3A_522, %mul3A_526 : vector<1000x128xf32>
    %mul3A_528 = arith.mulf %mul3A_527, %add3A_384 : vector<1000x128xf32>
    %sub3A_529 = vector.broadcast %get3A_19 : f32 to vector<1000x128xf32>
    %sub3A_530 = arith.subf %sub3A_529, %get3A_45 : vector<1000x128xf32>
    %sub3A_531 = arith.subf %get3A_19, %get3A_10 : f32
    %div3A_532 = arith.constant 1.000000e+00 : f32
    %div3A_533 = arith.divf %div3A_532, %sub3A_531 : f32
    %mul3A_534 = vector.broadcast %div3A_533 : f32 to vector<1000x128xf32>
    %mul3A_535 = arith.mulf %sub3A_530, %mul3A_534 : vector<1000x128xf32>
    %mul3A_536 = arith.mulf %mul3A_535, %add3A_401 : vector<1000x128xf32>
    %add3A_537 = arith.addf %mul3A_528, %mul3A_536 : vector<1000x128xf32>
    %sub3A_538 = vector.broadcast %get3A_10 : f32 to vector<1000x128xf32>
    %sub3A_539 = arith.subf %get3A_45, %sub3A_538 : vector<1000x128xf32>
    %sub3A_540 = arith.subf %get3A_19, %get3A_10 : f32
    %div3A_541 = arith.constant 1.000000e+00 : f32
    %div3A_542 = arith.divf %div3A_541, %sub3A_540 : f32
    %mul3A_543 = vector.broadcast %div3A_542 : f32 to vector<1000x128xf32>
    %mul3A_544 = arith.mulf %sub3A_539, %mul3A_543 : vector<1000x128xf32>
    %mul3A_545 = arith.mulf %mul3A_544, %add3A_401 : vector<1000x128xf32>
    %sub3A_546 = vector.broadcast %get3A_22 : f32 to vector<1000x128xf32>
    %sub3A_547 = arith.subf %sub3A_546, %get3A_45 : vector<1000x128xf32>
    %sub3A_548 = arith.subf %get3A_22, %get3A_13 : f32
    %div3A_549 = arith.constant 1.000000e+00 : f32
    %div3A_550 = arith.divf %div3A_549, %sub3A_548 : f32
    %mul3A_551 = vector.broadcast %div3A_550 : f32 to vector<1000x128xf32>
    %mul3A_552 = arith.mulf %sub3A_547, %mul3A_551 : vector<1000x128xf32>
    %mul3A_553 = arith.mulf %mul3A_552, %add3A_418 : vector<1000x128xf32>
    %add3A_554 = arith.addf %mul3A_545, %mul3A_553 : vector<1000x128xf32>
    %sub3A_555 = vector.broadcast %get3A_13 : f32 to vector<1000x128xf32>
    %sub3A_556 = arith.subf %get3A_45, %sub3A_555 : vector<1000x128xf32>
    %sub3A_557 = arith.subf %get3A_22, %get3A_13 : f32
    %div3A_558 = arith.constant 1.000000e+00 : f32
    %div3A_559 = arith.divf %div3A_558, %sub3A_557 : f32
    %mul3A_560 = vector.broadcast %div3A_559 : f32 to vector<1000x128xf32>
    %mul3A_561 = arith.mulf %sub3A_556, %mul3A_560 : vector<1000x128xf32>
    %mul3A_562 = arith.mulf %mul3A_561, %add3A_418 : vector<1000x128xf32>
    %sub3A_563 = vector.broadcast %get3A_25 : f32 to vector<1000x128xf32>
    %sub3A_564 = arith.subf %sub3A_563, %get3A_45 : vector<1000x128xf32>
    %sub3A_565 = arith.subf %get3A_25, %get3A_16 : f32
    %div3A_566 = arith.constant 1.000000e+00 : f32
    %div3A_567 = arith.divf %div3A_566, %sub3A_565 : f32
    %mul3A_568 = vector.broadcast %div3A_567 : f32 to vector<1000x128xf32>
    %mul3A_569 = arith.mulf %sub3A_564, %mul3A_568 : vector<1000x128xf32>
    %mul3A_570 = arith.mulf %mul3A_569, %add3A_435 : vector<1000x128xf32>
    %add3A_571 = arith.addf %mul3A_562, %mul3A_570 : vector<1000x128xf32>
    %sub3A_572 = vector.broadcast %get3A_16 : f32 to vector<1000x128xf32>
    %sub3A_573 = arith.subf %get3A_45, %sub3A_572 : vector<1000x128xf32>
    %sub3A_574 = arith.subf %get3A_25, %get3A_16 : f32
    %div3A_575 = arith.constant 1.000000e+00 : f32
    %div3A_576 = arith.divf %div3A_575, %sub3A_574 : f32
    %mul3A_577 = vector.broadcast %div3A_576 : f32 to vector<1000x128xf32>
    %mul3A_578 = arith.mulf %sub3A_573, %mul3A_577 : vector<1000x128xf32>
    %mul3A_579 = arith.mulf %mul3A_578, %add3A_435 : vector<1000x128xf32>
    %sub3A_580 = vector.broadcast %get3A_28 : f32 to vector<1000x128xf32>
    %sub3A_581 = arith.subf %sub3A_580, %get3A_45 : vector<1000x128xf32>
    %sub3A_582 = arith.subf %get3A_28, %get3A_19 : f32
    %div3A_583 = arith.constant 1.000000e+00 : f32
    %div3A_584 = arith.divf %div3A_583, %sub3A_582 : f32
    %mul3A_585 = vector.broadcast %div3A_584 : f32 to vector<1000x128xf32>
    %mul3A_586 = arith.mulf %sub3A_581, %mul3A_585 : vector<1000x128xf32>
    %mul3A_587 = arith.mulf %mul3A_586, %add3A_452 : vector<1000x128xf32>
    %add3A_588 = arith.addf %mul3A_579, %mul3A_587 : vector<1000x128xf32>
    %sub3A_589 = vector.broadcast %get3A_19 : f32 to vector<1000x128xf32>
    %sub3A_590 = arith.subf %get3A_45, %sub3A_589 : vector<1000x128xf32>
    %sub3A_591 = arith.subf %get3A_28, %get3A_19 : f32
    %div3A_592 = arith.constant 1.000000e+00 : f32
    %div3A_593 = arith.divf %div3A_592, %sub3A_591 : f32
    %mul3A_594 = vector.broadcast %div3A_593 : f32 to vector<1000x128xf32>
    %mul3A_595 = arith.mulf %sub3A_590, %mul3A_594 : vector<1000x128xf32>
    %mul3A_596 = arith.mulf %mul3A_595, %add3A_452 : vector<1000x128xf32>
    %sub3A_597 = vector.broadcast %get3A_31 : f32 to vector<1000x128xf32>
    %sub3A_598 = arith.subf %sub3A_597, %get3A_45 : vector<1000x128xf32>
    %sub3A_599 = arith.subf %get3A_31, %get3A_22 : f32
    %div3A_600 = arith.constant 1.000000e+00 : f32
    %div3A_601 = arith.divf %div3A_600, %sub3A_599 : f32
    %mul3A_602 = vector.broadcast %div3A_601 : f32 to vector<1000x128xf32>
    %mul3A_603 = arith.mulf %sub3A_598, %mul3A_602 : vector<1000x128xf32>
    %mul3A_604 = arith.mulf %mul3A_603, %add3A_469 : vector<1000x128xf32>
    %add3A_605 = arith.addf %mul3A_596, %mul3A_604 : vector<1000x128xf32>
    %sub3A_606 = vector.broadcast %get3A_22 : f32 to vector<1000x128xf32>
    %sub3A_607 = arith.subf %get3A_45, %sub3A_606 : vector<1000x128xf32>
    %sub3A_608 = arith.subf %get3A_31, %get3A_22 : f32
    %div3A_609 = arith.constant 1.000000e+00 : f32
    %div3A_610 = arith.divf %div3A_609, %sub3A_608 : f32
    %mul3A_611 = vector.broadcast %div3A_610 : f32 to vector<1000x128xf32>
    %mul3A_612 = arith.mulf %sub3A_607, %mul3A_611 : vector<1000x128xf32>
    %mul3A_613 = arith.mulf %mul3A_612, %add3A_469 : vector<1000x128xf32>
    %sub3A_614 = vector.broadcast %get3A_34 : f32 to vector<1000x128xf32>
    %sub3A_615 = arith.subf %sub3A_614, %get3A_45 : vector<1000x128xf32>
    %sub3A_616 = arith.subf %get3A_34, %get3A_25 : f32
    %div3A_617 = arith.constant 1.000000e+00 : f32
    %div3A_618 = arith.divf %div3A_617, %sub3A_616 : f32
    %mul3A_619 = vector.broadcast %div3A_618 : f32 to vector<1000x128xf32>
    %mul3A_620 = arith.mulf %sub3A_615, %mul3A_619 : vector<1000x128xf32>
    %mul3A_621 = arith.mulf %mul3A_620, %add3A_486 : vector<1000x128xf32>
    %add3A_622 = arith.addf %mul3A_613, %mul3A_621 : vector<1000x128xf32>
    %get3A_623 = arith.constant 0 : index
    %get3A_624 = arith.constant 0 : index
    %get3A_625 = arith.constant 0 : index
    %get3A_626 = vector.load %arg5[%get3A_623, %get3A_624, %get3A_625] : memref<128x8x128xf32, #tpu.memory_space<vmem>>, vector<128x1x128xf32>
    %get3A_627 = vector.shape_cast %get3A_626 : vector<128x1x128xf32> to vector<128x128xf32>
    %mul3A_628 = arith.mulf %get3A_627, %get3A_51 : vector<128x128xf32>
    %dot_general3A_629 = arith.constant dense<0.000000e+00> : vector<1000x128xf32>
    %dot_general3A_630 = tpu.matmul %add3A_503, %mul3A_628, %dot_general3A_629 {dimension_numbers = #tpu.dot_dimension_numbers<[1], [0], [0], [1], [0, 0, 1, 1], [], []>, transpose_lhs_hint = false} : vector<1000x128xf32>, vector<128x128xf32>, vector<1000x128xf32> -> vector<1000x128xf32>
    %add3A_631 = arith.addf %dot_general3A_60, %dot_general3A_630 : vector<1000x128xf32>
    %get3A_632 = arith.constant 0 : index
    %get3A_633 = arith.constant 1 : index
    %get3A_634 = arith.constant 0 : index
    %get3A_635 = vector.load %arg5[%get3A_632, %get3A_633, %get3A_634] : memref<128x8x128xf32, #tpu.memory_space<vmem>>, vector<128x1x128xf32>
    %get3A_636 = vector.shape_cast %get3A_635 : vector<128x1x128xf32> to vector<128x128xf32>
    %mul3A_637 = arith.mulf %get3A_636, %get3A_51 : vector<128x128xf32>
    %dot_general3A_638 = arith.constant dense<0.000000e+00> : vector<1000x128xf32>
    %dot_general3A_639 = tpu.matmul %add3A_520, %mul3A_637, %dot_general3A_638 {dimension_numbers = #tpu.dot_dimension_numbers<[1], [0], [0], [1], [0, 0, 1, 1], [], []>, transpose_lhs_hint = false} : vector<1000x128xf32>, vector<128x128xf32>, vector<1000x128xf32> -> vector<1000x128xf32>
    %add3A_640 = arith.addf %add3A_631, %dot_general3A_639 : vector<1000x128xf32>
    %get3A_641 = arith.constant 0 : index
    %get3A_642 = arith.constant 2 : index
    %get3A_643 = arith.constant 0 : index
    %get3A_644 = vector.load %arg5[%get3A_641, %get3A_642, %get3A_643] : memref<128x8x128xf32, #tpu.memory_space<vmem>>, vector<128x1x128xf32>
    %get3A_645 = vector.shape_cast %get3A_644 : vector<128x1x128xf32> to vector<128x128xf32>
    %mul3A_646 = arith.mulf %get3A_645, %get3A_51 : vector<128x128xf32>
    %dot_general3A_647 = arith.constant dense<0.000000e+00> : vector<1000x128xf32>
    %dot_general3A_648 = tpu.matmul %add3A_537, %mul3A_646, %dot_general3A_647 {dimension_numbers = #tpu.dot_dimension_numbers<[1], [0], [0], [1], [0, 0, 1, 1], [], []>, transpose_lhs_hint = false} : vector<1000x128xf32>, vector<128x128xf32>, vector<1000x128xf32> -> vector<1000x128xf32>
    %add3A_649 = arith.addf %add3A_640, %dot_general3A_648 : vector<1000x128xf32>
    %get3A_650 = arith.constant 0 : index
    %get3A_651 = arith.constant 3 : index
    %get3A_652 = arith.constant 0 : index
    %get3A_653 = vector.load %arg5[%get3A_650, %get3A_651, %get3A_652] : memref<128x8x128xf32, #tpu.memory_space<vmem>>, vector<128x1x128xf32>
    %get3A_654 = vector.shape_cast %get3A_653 : vector<128x1x128xf32> to vector<128x128xf32>
    %mul3A_655 = arith.mulf %get3A_654, %get3A_51 : vector<128x128xf32>
    %dot_general3A_656 = arith.constant dense<0.000000e+00> : vector<1000x128xf32>
    %dot_general3A_657 = tpu.matmul %add3A_554, %mul3A_655, %dot_general3A_656 {dimension_numbers = #tpu.dot_dimension_numbers<[1], [0], [0], [1], [0, 0, 1, 1], [], []>, transpose_lhs_hint = false} : vector<1000x128xf32>, vector<128x128xf32>, vector<1000x128xf32> -> vector<1000x128xf32>
    %add3A_658 = arith.addf %add3A_649, %dot_general3A_657 : vector<1000x128xf32>
    %get3A_659 = arith.constant 0 : index
    %get3A_660 = arith.constant 4 : index
    %get3A_661 = arith.constant 0 : index
    %get3A_662 = vector.load %arg5[%get3A_659, %get3A_660, %get3A_661] : memref<128x8x128xf32, #tpu.memory_space<vmem>>, vector<128x1x128xf32>
    %get3A_663 = vector.shape_cast %get3A_662 : vector<128x1x128xf32> to vector<128x128xf32>
    %mul3A_664 = arith.mulf %get3A_663, %get3A_51 : vector<128x128xf32>
    %dot_general3A_665 = arith.constant dense<0.000000e+00> : vector<1000x128xf32>
    %dot_general3A_666 = tpu.matmul %add3A_571, %mul3A_664, %dot_general3A_665 {dimension_numbers = #tpu.dot_dimension_numbers<[1], [0], [0], [1], [0, 0, 1, 1], [], []>, transpose_lhs_hint = false} : vector<1000x128xf32>, vector<128x128xf32>, vector<1000x128xf32> -> vector<1000x128xf32>
    %add3A_667 = arith.addf %add3A_658, %dot_general3A_666 : vector<1000x128xf32>
    %get3A_668 = arith.constant 0 : index
    %get3A_669 = arith.constant 5 : index
    %get3A_670 = arith.constant 0 : index
    %get3A_671 = vector.load %arg5[%get3A_668, %get3A_669, %get3A_670] : memref<128x8x128xf32, #tpu.memory_space<vmem>>, vector<128x1x128xf32>
    %get3A_672 = vector.shape_cast %get3A_671 : vector<128x1x128xf32> to vector<128x128xf32>
    %mul3A_673 = arith.mulf %get3A_672, %get3A_51 : vector<128x128xf32>
    %dot_general3A_674 = arith.constant dense<0.000000e+00> : vector<1000x128xf32>
    %dot_general3A_675 = tpu.matmul %add3A_588, %mul3A_673, %dot_general3A_674 {dimension_numbers = #tpu.dot_dimension_numbers<[1], [0], [0], [1], [0, 0, 1, 1], [], []>, transpose_lhs_hint = false} : vector<1000x128xf32>, vector<128x128xf32>, vector<1000x128xf32> -> vector<1000x128xf32>
    %add3A_676 = arith.addf %add3A_667, %dot_general3A_675 : vector<1000x128xf32>
    %get3A_677 = arith.constant 0 : index
    %get3A_678 = arith.constant 6 : index
    %get3A_679 = arith.constant 0 : index
    %get3A_680 = vector.load %arg5[%get3A_677, %get3A_678, %get3A_679] : memref<128x8x128xf32, #tpu.memory_space<vmem>>, vector<128x1x128xf32>
    %get3A_681 = vector.shape_cast %get3A_680 : vector<128x1x128xf32> to vector<128x128xf32>
    %mul3A_682 = arith.mulf %get3A_681, %get3A_51 : vector<128x128xf32>
    %dot_general3A_683 = arith.constant dense<0.000000e+00> : vector<1000x128xf32>
    %dot_general3A_684 = tpu.matmul %add3A_605, %mul3A_682, %dot_general3A_683 {dimension_numbers = #tpu.dot_dimension_numbers<[1], [0], [0], [1], [0, 0, 1, 1], [], []>, transpose_lhs_hint = false} : vector<1000x128xf32>, vector<128x128xf32>, vector<1000x128xf32> -> vector<1000x128xf32>
    %add3A_685 = arith.addf %add3A_676, %dot_general3A_684 : vector<1000x128xf32>
    %get3A_686 = arith.constant 0 : index
    %get3A_687 = arith.constant 7 : index
    %get3A_688 = arith.constant 0 : index
    %get3A_689 = vector.load %arg5[%get3A_686, %get3A_687, %get3A_688] : memref<128x8x128xf32, #tpu.memory_space<vmem>>, vector<128x1x128xf32>
    %get3A_690 = vector.shape_cast %get3A_689 : vector<128x1x128xf32> to vector<128x128xf32>
    %mul3A_691 = arith.mulf %get3A_690, %get3A_51 : vector<128x128xf32>
    %dot_general3A_692 = arith.constant dense<0.000000e+00> : vector<1000x128xf32>
    %dot_general3A_693 = tpu.matmul %add3A_622, %mul3A_691, %dot_general3A_692 {dimension_numbers = #tpu.dot_dimension_numbers<[1], [0], [0], [1], [0, 0, 1, 1], [], []>, transpose_lhs_hint = false} : vector<1000x128xf32>, vector<128x128xf32>, vector<1000x128xf32> -> vector<1000x128xf32>
    %add3A_694 = arith.addf %add3A_685, %dot_general3A_693 : vector<1000x128xf32>
    %mul3A_695 = vector.broadcast %div3A_42 : vector<1000x1xf32> to vector<1000x128xf32>
    %mul3A_696 = arith.mulf %mul3A_695, %add3A_694 : vector<1000x128xf32>
    %swap3A = arith.constant 0 : index
    %swap3A_697 = arith.constant 0 : index
    %swap3A_698 = vector.load %arg7[%swap3A, %swap3A_697] : memref<1000x128xf32, #tpu.memory_space<vmem>>, vector<1000x128xf32>
    tpu.vector_store %arg7[%swap3A, %swap3A_697], %mul3A_696 {strides = array<i32>} : memref<1000x128xf32, #tpu.memory_space<vmem>>, vector<1000x128xf32>,
    return
  }
  func.func @transform_0(%arg0: i32) -> (i32, i32) {
    %c0_i32 = arith.constant 0 : i32
    %c0_i32_0 = arith.constant 0 : i32
    return %arg0, %c0_i32 : i32, i32
  }
  func.func @transform_1(%arg0: i32) -> (i32, i32, i32) {
    %jit3A = arith.constant 5 : i32
    %div3A = arith.divsi %arg0, %jit3A : i32
    %sign3A = arith.constant 0 : i32
    %sign3A_0 = arith.cmpi sgt, %arg0, %sign3A : i32
    %sign3A_1 = arith.extui %sign3A_0 : i1 to i32
    %sign3A_2 = arith.constant 0 : i32
    %sign3A_3 = arith.cmpi slt, %arg0, %sign3A_2 : i32
    %sign3A_4 = arith.extui %sign3A_3 : i1 to i32
    %sign3A_5 = arith.subi %sign3A_1, %sign3A_4 : i32
    %sign3A_6 = arith.constant 0 : i32
    %sign3A_7 = arith.cmpi sgt, %jit3A, %sign3A_6 : i32
    %sign3A_8 = arith.extui %sign3A_7 : i1 to i32
    %sign3A_9 = arith.constant 0 : i32
    %sign3A_10 = arith.cmpi slt, %jit3A, %sign3A_9 : i32
    %sign3A_11 = arith.extui %sign3A_10 : i1 to i32
    %sign3A_12 = arith.subi %sign3A_8, %sign3A_11 : i32
    %ne3A = arith.cmpi ne, %sign3A_5, %sign3A_12 : i32
    %rem3A = arith.remsi %arg0, %jit3A : i32
    %ne3A_13 = arith.constant 0 : i32
    %ne3A_14 = arith.cmpi ne, %rem3A, %ne3A_13 : i32
    %and3A = arith.andi %ne3A, %ne3A_14 : i1
    %sub3A = arith.constant 1 : i32
    %sub3A_15 = arith.subi %div3A, %sub3A : i32
    %select_n3A = arith.select %and3A, %sub3A_15, %div3A : i32
    %jit3A_16 = arith.constant 5 : i32
    %eq3A = arith.constant 0 : i32
    %eq3A_17 = arith.cmpi eq, %jit3A_16, %eq3A : i32
    %jit3A_18 = arith.constant 1 : i32
    %select_n3A_19 = arith.select %eq3A_17, %jit3A_18, %jit3A_16 : i32
    %rem3A_20 = arith.remsi %arg0, %select_n3A_19 : i32
    %ne3A_21 = arith.constant 0 : i32
    %ne3A_22 = arith.cmpi ne, %rem3A_20, %ne3A_21 : i32
    %lt3A = arith.constant 0 : i32
    %lt3A_23 = arith.cmpi slt, %rem3A_20, %lt3A : i32
    %lt3A_24 = arith.constant 0 : i32
    %lt3A_25 = arith.cmpi slt, %select_n3A_19, %lt3A_24 : i32
    %ne3A_26 = arith.xori %lt3A_23, %lt3A_25 : i1
    %and3A_27 = arith.andi %ne3A_26, %ne3A_22 : i1
    %add3A = arith.addi %rem3A_20, %select_n3A_19 : i32
    %select_n3A_28 = arith.select %and3A_27, %add3A, %rem3A_20 : i32
    %c0_i32 = arith.constant 0 : i32
    %c0_i32_29 = arith.constant 0 : i32
    return %select_n3A, %select_n3A_28, %c0_i32 : i32, i32, i32
  }
  func.func @transform_2(%arg0: i32) -> (i32, i32) {
    %c0_i32 = arith.constant 0 : i32
    %c0_i32_0 = arith.constant 0 : i32
    %c0_i32_1 = arith.constant 0 : i32
    return %c0_i32, %c0_i32_0 : i32, i32
  }
  func.func @transform_3(%arg0: i32) -> (i32, i32) {
    %c0_i32 = arith.constant 0 : i32
    %c0_i32_0 = arith.constant 0 : i32
    %c0_i32_1 = arith.constant 0 : i32
    return %c0_i32, %c0_i32_0 : i32, i32
  }
  func.func @transform_4(%arg0: i32) -> (i32, i32, i32) {
    %c0_i32 = arith.constant 0 : i32
    %c0_i32_0 = arith.constant 0 : i32
    %c0_i32_1 = arith.constant 0 : i32
    %c0_i32_2 = arith.constant 0 : i32
    return %c0_i32, %c0_i32_0, %c0_i32_1 : i32, i32, i32
  }
  func.func @transform_5(%arg0: i32) -> (i32, i32) {
    %c0_i32 = arith.constant 0 : i32
    %c0_i32_0 = arith.constant 0 : i32
    %c0_i32_1 = arith.constant 0 : i32
    return %c0_i32, %c0_i32_0 : i32, i32
  }
  func.func @transform_6(%arg0: i32) -> (i32, i32) {
    %c0_i32 = arith.constant 0 : i32
    %c0_i32_0 = arith.constant 0 : i32
    return %arg0, %c0_i32 : i32, i32
  }
}

module attributes {stable_mosaic.version = 14 : i64} {
  func.func @body(%arg0: i32, %arg1: memref<1000x128xf32, #tpu.memory_space<vmem>>, %arg2: memref<1x128xf32, #tpu.memory_space<vmem>>, %arg3: memref<1x128xf32, #tpu.memory_space<vmem>>, %arg4: memref<1x128xf32, #tpu.memory_space<vmem>>, %arg5: memref<1x128xf32, #tpu.memory_space<vmem>>, %arg6: memref<1000x128xf32, #tpu.memory_space<vmem>>, %arg7: memref<1000x128xf32, #tpu.memory_space<vmem>>, %arg8: memref<1x12xf32, #tpu.memory_space<smem>>, %arg9: memref<128x40xf32, #tpu.memory_space<vmem>>, %arg10: memref<128x8x40xf32, #tpu.memory_space<vmem>>, %arg11: memref<128x40xf32, #tpu.memory_space<vmem>>, %arg12: memref<128x40xf32, #tpu.memory_space<vmem>>, %arg13: memref<128x8x40xf32, #tpu.memory_space<vmem>>, %arg14: memref<128x40xf32, #tpu.memory_space<vmem>>, %arg15: memref<128x40xf32, #tpu.memory_space<vmem>>, %arg16: memref<128x8x40xf32, #tpu.memory_space<vmem>>, %arg17: memref<128x40xf32, #tpu.memory_space<vmem>>, %arg18: memref<1000x40xf32, #tpu.memory_space<vmem>>) attributes {dimension_semantics = [#tpu.dimension_semantics<arbitrary>], iteration_bounds = array<i64: 10>, scalar_prefetch = 0 : i64, scratch_operands = 0 : i64, tpu.core_type = #tpu.core_type<tc>, window_params = [{transform_indices = @transform_0, window_bounds = array<i64: 1000, 128>}, {pipeline_mode = #tpu.pipeline_mode<synchronous>, transform_indices = @transform_1, window_bounds = array<i64: 1, 128>}, {pipeline_mode = #tpu.pipeline_mode<synchronous>, transform_indices = @transform_2, window_bounds = array<i64: 1, 128>}, {pipeline_mode = #tpu.pipeline_mode<synchronous>, transform_indices = @transform_3, window_bounds = array<i64: 1, 128>}, {pipeline_mode = #tpu.pipeline_mode<synchronous>, transform_indices = @transform_4, window_bounds = array<i64: 1, 128>}, {transform_indices = @transform_5, window_bounds = array<i64: 1000, 128>}, {transform_indices = @transform_6, window_bounds = array<i64: 1000, 128>}, {transform_indices = @transform_7, window_bounds = array<i64: 1, 12>}, {pipeline_mode = #tpu.pipeline_mode<synchronous>, transform_indices = @transform_8, window_bounds = array<i64: 128, 40>}, {pipeline_mode = #tpu.pipeline_mode<synchronous>, transform_indices = @transform_9, window_bounds = array<i64: 128, 8, 40>}, {pipeline_mode = #tpu.pipeline_mode<synchronous>, transform_indices = @transform_10, window_bounds = array<i64: 128, 40>}, {pipeline_mode = #tpu.pipeline_mode<synchronous>, transform_indices = @transform_11, window_bounds = array<i64: 128, 40>}, {pipeline_mode = #tpu.pipeline_mode<synchronous>, transform_indices = @transform_12, window_bounds = array<i64: 128, 8, 40>}, {pipeline_mode = #tpu.pipeline_mode<synchronous>, transform_indices = @transform_13, window_bounds = array<i64: 128, 40>}, {pipeline_mode = #tpu.pipeline_mode<synchronous>, transform_indices = @transform_14, window_bounds = array<i64: 128, 40>}, {pipeline_mode = #tpu.pipeline_mode<synchronous>, transform_indices = @transform_15, window_bounds = array<i64: 128, 8, 40>}, {pipeline_mode = #tpu.pipeline_mode<synchronous>, transform_indices = @transform_16, window_bounds = array<i64: 128, 40>}, {transform_indices = @transform_17, window_bounds = array<i64: 1000, 40>}]} {
    %get3A = arith.constant 0 : index
    %get3A_0 = arith.constant 0 : index
    %get3A_1 = vector.load %arg1[%get3A, %get3A_0] : memref<1000x128xf32, #tpu.memory_space<vmem>>, vector<1000x128xf32>
    %get3A_2 = arith.constant 0 : index
    %get3A_3 = arith.constant 0 : index
    %get3A_4 = vector.load %arg2[%get3A_2, %get3A_3] : memref<1x128xf32, #tpu.memory_space<vmem>>, vector<1x128xf32>
    %div3A = arith.constant 1.000000e+04 : f32
    %div3A_5 = vector.broadcast %div3A : f32 to vector<1x128xf32>
    %div3A_6 = arith.divf %get3A_4, %div3A_5 : vector<1x128xf32>
    %get3A_7 = arith.constant 0 : index
    %get3A_8 = arith.constant 0 : index
    %get3A_9 = vector.load %arg3[%get3A_7, %get3A_8] : memref<1x128xf32, #tpu.memory_space<vmem>>, vector<1x128xf32>
    %div3A_10 = arith.constant 1.000000e+04 : f32
    %div3A_11 = vector.broadcast %div3A_10 : f32 to vector<1x128xf32>
    %div3A_12 = arith.divf %get3A_9, %div3A_11 : vector<1x128xf32>
    %mul3A = arith.mulf %div3A_6, %div3A_6 : vector<1x128xf32>
    %sub3A = arith.subf %div3A_12, %mul3A : vector<1x128xf32>
    %sub3A_13 = vector.broadcast %div3A_6 : vector<1x128xf32> to vector<1000x128xf32>
    %sub3A_14 = arith.subf %get3A_1, %sub3A_13 : vector<1000x128xf32>
    %add3A = arith.constant 9.99999974E-6 : f32
    %add3A_15 = vector.broadcast %add3A : f32 to vector<1x128xf32>
    %add3A_16 = arith.addf %sub3A, %add3A_15 : vector<1x128xf32>
    %sqrt3A = math.sqrt %add3A_16 : vector<1x128xf32>
    %div3A_17 = vector.broadcast %sqrt3A : vector<1x128xf32> to vector<1000x128xf32>
    %div3A_18 = arith.divf %sub3A_14, %div3A_17 : vector<1000x128xf32>
    %get3A_19 = arith.constant 0 : index
    %get3A_20 = arith.constant 0 : index
    %get3A_21 = vector.load %arg4[%get3A_19, %get3A_20] : memref<1x128xf32, #tpu.memory_space<vmem>>, vector<1x128xf32>
    %mul3A_22 = vector.broadcast %get3A_21 : vector<1x128xf32> to vector<1000x128xf32>
    %mul3A_23 = arith.mulf %div3A_18, %mul3A_22 : vector<1000x128xf32>
    %get3A_24 = arith.constant 0 : index
    %get3A_25 = arith.constant 0 : index
    %get3A_26 = vector.load %arg5[%get3A_24, %get3A_25] : memref<1x128xf32, #tpu.memory_space<vmem>>, vector<1x128xf32>
    %add3A_27 = vector.broadcast %get3A_26 : vector<1x128xf32> to vector<1000x128xf32>
    %add3A_28 = arith.addf %mul3A_23, %add3A_27 : vector<1000x128xf32>
    %get3A_29 = arith.constant 0 : index
    %get3A_30 = arith.constant 0 : index
    %get3A_31 = memref.load %arg8[%get3A_29, %get3A_30] : memref<1x12xf32, #tpu.memory_space<smem>>
    %get3A_32 = arith.constant 0 : index
    %get3A_33 = arith.constant 1 : index
    %get3A_34 = memref.load %arg8[%get3A_32, %get3A_33] : memref<1x12xf32, #tpu.memory_space<smem>>
    %get3A_35 = arith.constant 0 : index
    %get3A_36 = arith.constant 2 : index
    %get3A_37 = memref.load %arg8[%get3A_35, %get3A_36] : memref<1x12xf32, #tpu.memory_space<smem>>
    %get3A_38 = arith.constant 0 : index
    %get3A_39 = arith.constant 3 : index
    %get3A_40 = memref.load %arg8[%get3A_38, %get3A_39] : memref<1x12xf32, #tpu.memory_space<smem>>
    %get3A_41 = arith.constant 0 : index
    %get3A_42 = arith.constant 4 : index
    %get3A_43 = memref.load %arg8[%get3A_41, %get3A_42] : memref<1x12xf32, #tpu.memory_space<smem>>
    %get3A_44 = arith.constant 0 : index
    %get3A_45 = arith.constant 5 : index
    %get3A_46 = memref.load %arg8[%get3A_44, %get3A_45] : memref<1x12xf32, #tpu.memory_space<smem>>
    %get3A_47 = arith.constant 0 : index
    %get3A_48 = arith.constant 6 : index
    %get3A_49 = memref.load %arg8[%get3A_47, %get3A_48] : memref<1x12xf32, #tpu.memory_space<smem>>
    %get3A_50 = arith.constant 0 : index
    %get3A_51 = arith.constant 7 : index
    %get3A_52 = memref.load %arg8[%get3A_50, %get3A_51] : memref<1x12xf32, #tpu.memory_space<smem>>
    %get3A_53 = arith.constant 0 : index
    %get3A_54 = arith.constant 8 : index
    %get3A_55 = memref.load %arg8[%get3A_53, %get3A_54] : memref<1x12xf32, #tpu.memory_space<smem>>
    %get3A_56 = arith.constant 0 : index
    %get3A_57 = arith.constant 9 : index
    %get3A_58 = memref.load %arg8[%get3A_56, %get3A_57] : memref<1x12xf32, #tpu.memory_space<smem>>
    %get3A_59 = arith.constant 0 : index
    %get3A_60 = arith.constant 10 : index
    %get3A_61 = memref.load %arg8[%get3A_59, %get3A_60] : memref<1x12xf32, #tpu.memory_space<smem>>
    %get3A_62 = arith.constant 0 : index
    %get3A_63 = arith.constant 11 : index
    %get3A_64 = memref.load %arg8[%get3A_62, %get3A_63] : memref<1x12xf32, #tpu.memory_space<smem>>
    %get3A_65 = arith.constant 0 : index
    %get3A_66 = arith.constant 0 : index
    %get3A_67 = vector.load %arg6[%get3A_65, %get3A_66] : memref<1000x128xf32, #tpu.memory_space<vmem>>, vector<1000x128xf32>
    %get3A_68 = arith.constant 0 : index
    %get3A_69 = arith.constant 0 : index
    %get3A_70 = vector.load %arg9[%get3A_68, %get3A_69] : memref<128x40xf32, #tpu.memory_space<vmem>>, vector<128x40xf32>
    %get3A_71 = arith.constant 0 : index
    %get3A_72 = arith.constant 0 : index
    %get3A_73 = vector.load %arg11[%get3A_71, %get3A_72] : memref<128x40xf32, #tpu.memory_space<vmem>>, vector<128x40xf32>
    %neg3A = arith.constant 0.000000e+00 : f32
    %neg3A_74 = vector.broadcast %neg3A : f32 to vector<1000x128xf32>
    %neg3A_75 = arith.subf %neg3A_74, %get3A_67 : vector<1000x128xf32>
    %exp3A = math.exp %neg3A_75 : vector<1000x128xf32>
    %add3A_76 = arith.constant 1.000000e+00 : f32
    %add3A_77 = vector.broadcast %add3A_76 : f32 to vector<1000x128xf32>
    %add3A_78 = arith.addf %add3A_77, %exp3A : vector<1000x128xf32>
    %div3A_79 = arith.constant 1.000000e+00 : f32
    %div3A_80 = vector.broadcast %div3A_79 : f32 to vector<1000x128xf32>
    %div3A_81 = arith.divf %div3A_80, %add3A_78 : vector<1000x128xf32>
    %mul3A_82 = arith.mulf %get3A_67, %div3A_81 : vector<1000x128xf32>
    %dot_general3A = arith.constant dense<0.000000e+00> : vector<1000x40xf32>
    %dot_general3A_83 = tpu.matmul %mul3A_82, %get3A_70, %dot_general3A {dimension_numbers = #tpu.dot_dimension_numbers<[1], [0], [0], [1], [0, 0, 1, 1], [], []>, transpose_lhs_hint = false} : vector<1000x128xf32>, vector<128x40xf32>, vector<1000x40xf32> -> vector<1000x40xf32>
    %ge3A = vector.broadcast %get3A_31 : f32 to vector<1000x128xf32>
    %ge3A_84 = arith.cmpf oge, %get3A_67, %ge3A : vector<1000x128xf32>
    %lt3A = vector.broadcast %get3A_34 : f32 to vector<1000x128xf32>
    %lt3A_85 = arith.cmpf olt, %get3A_67, %lt3A : vector<1000x128xf32>
    %and3A = arith.andi %ge3A_84, %lt3A_85 : vector<1000x128xi1>
    %jit3A = arith.constant 1.000000e+00 : f32
    %jit3A_86 = arith.constant 0.000000e+00 : f32
    %broadcast_in_dim3A = vector.broadcast %jit3A : f32 to vector<1000x128xf32>
    %broadcast_in_dim3A_87 = vector.broadcast %jit3A_86 : f32 to vector<1000x128xf32>
    %select_n3A = arith.select %and3A, %broadcast_in_dim3A, %broadcast_in_dim3A_87 : vector<1000x128xi1>, vector<1000x128xf32>
    %ge3A_88 = vector.broadcast %get3A_34 : f32 to vector<1000x128xf32>
    %ge3A_89 = arith.cmpf oge, %get3A_67, %ge3A_88 : vector<1000x128xf32>
    %lt3A_90 = vector.broadcast %get3A_37 : f32 to vector<1000x128xf32>
    %lt3A_91 = arith.cmpf olt, %get3A_67, %lt3A_90 : vector<1000x128xf32>
    %and3A_92 = arith.andi %ge3A_89, %lt3A_91 : vector<1000x128xi1>
    %jit3A_93 = arith.constant 1.000000e+00 : f32
    %jit3A_94 = arith.constant 0.000000e+00 : f32
    %broadcast_in_dim3A_95 = vector.broadcast %jit3A_93 : f32 to vector<1000x128xf32>
    %broadcast_in_dim3A_96 = vector.broadcast %jit3A_94 : f32 to vector<1000x128xf32>
    %select_n3A_97 = arith.select %and3A_92, %broadcast_in_dim3A_95, %broadcast_in_dim3A_96 : vector<1000x128xi1>, vector<1000x128xf32>
    %ge3A_98 = vector.broadcast %get3A_37 : f32 to vector<1000x128xf32>
    %ge3A_99 = arith.cmpf oge, %get3A_67, %ge3A_98 : vector<1000x128xf32>
    %lt3A_100 = vector.broadcast %get3A_40 : f32 to vector<1000x128xf32>
    %lt3A_101 = arith.cmpf olt, %get3A_67, %lt3A_100 : vector<1000x128xf32>
    %and3A_102 = arith.andi %ge3A_99, %lt3A_101 : vector<1000x128xi1>
    %jit3A_103 = arith.constant 1.000000e+00 : f32
    %jit3A_104 = arith.constant 0.000000e+00 : f32
    %broadcast_in_dim3A_105 = vector.broadcast %jit3A_103 : f32 to vector<1000x128xf32>
    %broadcast_in_dim3A_106 = vector.broadcast %jit3A_104 : f32 to vector<1000x128xf32>
    %select_n3A_107 = arith.select %and3A_102, %broadcast_in_dim3A_105, %broadcast_in_dim3A_106 : vector<1000x128xi1>, vector<1000x128xf32>
    %ge3A_108 = vector.broadcast %get3A_40 : f32 to vector<1000x128xf32>
    %ge3A_109 = arith.cmpf oge, %get3A_67, %ge3A_108 : vector<1000x128xf32>
    %lt3A_110 = vector.broadcast %get3A_43 : f32 to vector<1000x128xf32>
    %lt3A_111 = arith.cmpf olt, %get3A_67, %lt3A_110 : vector<1000x128xf32>
    %and3A_112 = arith.andi %ge3A_109, %lt3A_111 : vector<1000x128xi1>
    %jit3A_113 = arith.constant 1.000000e+00 : f32
    %jit3A_114 = arith.constant 0.000000e+00 : f32
    %broadcast_in_dim3A_115 = vector.broadcast %jit3A_113 : f32 to vector<1000x128xf32>
    %broadcast_in_dim3A_116 = vector.broadcast %jit3A_114 : f32 to vector<1000x128xf32>
    %select_n3A_117 = arith.select %and3A_112, %broadcast_in_dim3A_115, %broadcast_in_dim3A_116 : vector<1000x128xi1>, vector<1000x128xf32>
    %ge3A_118 = vector.broadcast %get3A_43 : f32 to vector<1000x128xf32>
    %ge3A_119 = arith.cmpf oge, %get3A_67, %ge3A_118 : vector<1000x128xf32>
    %lt3A_120 = vector.broadcast %get3A_46 : f32 to vector<1000x128xf32>
    %lt3A_121 = arith.cmpf olt, %get3A_67, %lt3A_120 : vector<1000x128xf32>
    %and3A_122 = arith.andi %ge3A_119, %lt3A_121 : vector<1000x128xi1>
    %jit3A_123 = arith.constant 1.000000e+00 : f32
    %jit3A_124 = arith.constant 0.000000e+00 : f32
    %broadcast_in_dim3A_125 = vector.broadcast %jit3A_123 : f32 to vector<1000x128xf32>
    %broadcast_in_dim3A_126 = vector.broadcast %jit3A_124 : f32 to vector<1000x128xf32>
    %select_n3A_127 = arith.select %and3A_122, %broadcast_in_dim3A_125, %broadcast_in_dim3A_126 : vector<1000x128xi1>, vector<1000x128xf32>
    %ge3A_128 = vector.broadcast %get3A_46 : f32 to vector<1000x128xf32>
    %ge3A_129 = arith.cmpf oge, %get3A_67, %ge3A_128 : vector<1000x128xf32>
    %lt3A_130 = vector.broadcast %get3A_49 : f32 to vector<1000x128xf32>
    %lt3A_131 = arith.cmpf olt, %get3A_67, %lt3A_130 : vector<1000x128xf32>
    %and3A_132 = arith.andi %ge3A_129, %lt3A_131 : vector<1000x128xi1>
    %jit3A_133 = arith.constant 1.000000e+00 : f32
    %jit3A_134 = arith.constant 0.000000e+00 : f32
    %broadcast_in_dim3A_135 = vector.broadcast %jit3A_133 : f32 to vector<1000x128xf32>
    %broadcast_in_dim3A_136 = vector.broadcast %jit3A_134 : f32 to vector<1000x128xf32>
    %select_n3A_137 = arith.select %and3A_132, %broadcast_in_dim3A_135, %broadcast_in_dim3A_136 : vector<1000x128xi1>, vector<1000x128xf32>
    %ge3A_138 = vector.broadcast %get3A_49 : f32 to vector<1000x128xf32>
    %ge3A_139 = arith.cmpf oge, %get3A_67, %ge3A_138 : vector<1000x128xf32>
    %lt3A_140 = vector.broadcast %get3A_52 : f32 to vector<1000x128xf32>
    %lt3A_141 = arith.cmpf olt, %get3A_67, %lt3A_140 : vector<1000x128xf32>
    %and3A_142 = arith.andi %ge3A_139, %lt3A_141 : vector<1000x128xi1>
    %jit3A_143 = arith.constant 1.000000e+00 : f32
    %jit3A_144 = arith.constant 0.000000e+00 : f32
    %broadcast_in_dim3A_145 = vector.broadcast %jit3A_143 : f32 to vector<1000x128xf32>
    %broadcast_in_dim3A_146 = vector.broadcast %jit3A_144 : f32 to vector<1000x128xf32>
    %select_n3A_147 = arith.select %and3A_142, %broadcast_in_dim3A_145, %broadcast_in_dim3A_146 : vector<1000x128xi1>, vector<1000x128xf32>
    %ge3A_148 = vector.broadcast %get3A_52 : f32 to vector<1000x128xf32>
    %ge3A_149 = arith.cmpf oge, %get3A_67, %ge3A_148 : vector<1000x128xf32>
    %lt3A_150 = vector.broadcast %get3A_55 : f32 to vector<1000x128xf32>
    %lt3A_151 = arith.cmpf olt, %get3A_67, %lt3A_150 : vector<1000x128xf32>
    %and3A_152 = arith.andi %ge3A_149, %lt3A_151 : vector<1000x128xi1>
    %jit3A_153 = arith.constant 1.000000e+00 : f32
    %jit3A_154 = arith.constant 0.000000e+00 : f32
    %broadcast_in_dim3A_155 = vector.broadcast %jit3A_153 : f32 to vector<1000x128xf32>
    %broadcast_in_dim3A_156 = vector.broadcast %jit3A_154 : f32 to vector<1000x128xf32>
    %select_n3A_157 = arith.select %and3A_152, %broadcast_in_dim3A_155, %broadcast_in_dim3A_156 : vector<1000x128xi1>, vector<1000x128xf32>
    %ge3A_158 = vector.broadcast %get3A_55 : f32 to vector<1000x128xf32>
    %ge3A_159 = arith.cmpf oge, %get3A_67, %ge3A_158 : vector<1000x128xf32>
    %lt3A_160 = vector.broadcast %get3A_58 : f32 to vector<1000x128xf32>
    %lt3A_161 = arith.cmpf olt, %get3A_67, %lt3A_160 : vector<1000x128xf32>
    %and3A_162 = arith.andi %ge3A_159, %lt3A_161 : vector<1000x128xi1>
    %jit3A_163 = arith.constant 1.000000e+00 : f32
    %jit3A_164 = arith.constant 0.000000e+00 : f32
    %broadcast_in_dim3A_165 = vector.broadcast %jit3A_163 : f32 to vector<1000x128xf32>
    %broadcast_in_dim3A_166 = vector.broadcast %jit3A_164 : f32 to vector<1000x128xf32>
    %select_n3A_167 = arith.select %and3A_162, %broadcast_in_dim3A_165, %broadcast_in_dim3A_166 : vector<1000x128xi1>, vector<1000x128xf32>
    %ge3A_168 = vector.broadcast %get3A_58 : f32 to vector<1000x128xf32>
    %ge3A_169 = arith.cmpf oge, %get3A_67, %ge3A_168 : vector<1000x128xf32>
    %lt3A_170 = vector.broadcast %get3A_61 : f32 to vector<1000x128xf32>
    %lt3A_171 = arith.cmpf olt, %get3A_67, %lt3A_170 : vector<1000x128xf32>
    %and3A_172 = arith.andi %ge3A_169, %lt3A_171 : vector<1000x128xi1>
    %jit3A_173 = arith.constant 1.000000e+00 : f32
    %jit3A_174 = arith.constant 0.000000e+00 : f32
    %broadcast_in_dim3A_175 = vector.broadcast %jit3A_173 : f32 to vector<1000x128xf32>
    %broadcast_in_dim3A_176 = vector.broadcast %jit3A_174 : f32 to vector<1000x128xf32>
    %select_n3A_177 = arith.select %and3A_172, %broadcast_in_dim3A_175, %broadcast_in_dim3A_176 : vector<1000x128xi1>, vector<1000x128xf32>
    %ge3A_178 = vector.broadcast %get3A_61 : f32 to vector<1000x128xf32>
    %ge3A_179 = arith.cmpf oge, %get3A_67, %ge3A_178 : vector<1000x128xf32>
    %lt3A_180 = vector.broadcast %get3A_64 : f32 to vector<1000x128xf32>
    %lt3A_181 = arith.cmpf olt, %get3A_67, %lt3A_180 : vector<1000x128xf32>
    %and3A_182 = arith.andi %ge3A_179, %lt3A_181 : vector<1000x128xi1>
    %jit3A_183 = arith.constant 1.000000e+00 : f32
    %jit3A_184 = arith.constant 0.000000e+00 : f32
    %broadcast_in_dim3A_185 = vector.broadcast %jit3A_183 : f32 to vector<1000x128xf32>
    %broadcast_in_dim3A_186 = vector.broadcast %jit3A_184 : f32 to vector<1000x128xf32>
    %select_n3A_187 = arith.select %and3A_182, %broadcast_in_dim3A_185, %broadcast_in_dim3A_186 : vector<1000x128xi1>, vector<1000x128xf32>
    %sub3A_188 = vector.broadcast %get3A_31 : f32 to vector<1000x128xf32>
    %sub3A_189 = arith.subf %get3A_67, %sub3A_188 : vector<1000x128xf32>
    %sub3A_190 = arith.subf %get3A_34, %get3A_31 : f32
    %div3A_191 = arith.constant 1.000000e+00 : f32
    %div3A_192 = arith.divf %div3A_191, %sub3A_190 : f32
    %mul3A_193 = vector.broadcast %div3A_192 : f32 to vector<1000x128xf32>
    %mul3A_194 = arith.mulf %sub3A_189, %mul3A_193 : vector<1000x128xf32>
    %mul3A_195 = arith.mulf %mul3A_194, %select_n3A : vector<1000x128xf32>
    %sub3A_196 = vector.broadcast %get3A_37 : f32 to vector<1000x128xf32>
    %sub3A_197 = arith.subf %sub3A_196, %get3A_67 : vector<1000x128xf32>
    %sub3A_198 = arith.subf %get3A_37, %get3A_34 : f32
    %div3A_199 = arith.constant 1.000000e+00 : f32
    %div3A_200 = arith.divf %div3A_199, %sub3A_198 : f32
    %mul3A_201 = vector.broadcast %div3A_200 : f32 to vector<1000x128xf32>
    %mul3A_202 = arith.mulf %sub3A_197, %mul3A_201 : vector<1000x128xf32>
    %mul3A_203 = arith.mulf %mul3A_202, %select_n3A_97 : vector<1000x128xf32>
    %add3A_204 = arith.addf %mul3A_195, %mul3A_203 : vector<1000x128xf32>
    %sub3A_205 = vector.broadcast %get3A_34 : f32 to vector<1000x128xf32>
    %sub3A_206 = arith.subf %get3A_67, %sub3A_205 : vector<1000x128xf32>
    %sub3A_207 = arith.subf %get3A_37, %get3A_34 : f32
    %div3A_208 = arith.constant 1.000000e+00 : f32
    %div3A_209 = arith.divf %div3A_208, %sub3A_207 : f32
    %mul3A_210 = vector.broadcast %div3A_209 : f32 to vector<1000x128xf32>
    %mul3A_211 = arith.mulf %sub3A_206, %mul3A_210 : vector<1000x128xf32>
    %mul3A_212 = arith.mulf %mul3A_211, %select_n3A_97 : vector<1000x128xf32>
    %sub3A_213 = vector.broadcast %get3A_40 : f32 to vector<1000x128xf32>
    %sub3A_214 = arith.subf %sub3A_213, %get3A_67 : vector<1000x128xf32>
    %sub3A_215 = arith.subf %get3A_40, %get3A_37 : f32
    %div3A_216 = arith.constant 1.000000e+00 : f32
    %div3A_217 = arith.divf %div3A_216, %sub3A_215 : f32
    %mul3A_218 = vector.broadcast %div3A_217 : f32 to vector<1000x128xf32>
    %mul3A_219 = arith.mulf %sub3A_214, %mul3A_218 : vector<1000x128xf32>
    %mul3A_220 = arith.mulf %mul3A_219, %select_n3A_107 : vector<1000x128xf32>
    %add3A_221 = arith.addf %mul3A_212, %mul3A_220 : vector<1000x128xf32>
    %sub3A_222 = vector.broadcast %get3A_37 : f32 to vector<1000x128xf32>
    %sub3A_223 = arith.subf %get3A_67, %sub3A_222 : vector<1000x128xf32>
    %sub3A_224 = arith.subf %get3A_40, %get3A_37 : f32
    %div3A_225 = arith.constant 1.000000e+00 : f32
    %div3A_226 = arith.divf %div3A_225, %sub3A_224 : f32
    %mul3A_227 = vector.broadcast %div3A_226 : f32 to vector<1000x128xf32>
    %mul3A_228 = arith.mulf %sub3A_223, %mul3A_227 : vector<1000x128xf32>
    %mul3A_229 = arith.mulf %mul3A_228, %select_n3A_107 : vector<1000x128xf32>
    %sub3A_230 = vector.broadcast %get3A_43 : f32 to vector<1000x128xf32>
    %sub3A_231 = arith.subf %sub3A_230, %get3A_67 : vector<1000x128xf32>
    %sub3A_232 = arith.subf %get3A_43, %get3A_40 : f32
    %div3A_233 = arith.constant 1.000000e+00 : f32
    %div3A_234 = arith.divf %div3A_233, %sub3A_232 : f32
    %mul3A_235 = vector.broadcast %div3A_234 : f32 to vector<1000x128xf32>
    %mul3A_236 = arith.mulf %sub3A_231, %mul3A_235 : vector<1000x128xf32>
    %mul3A_237 = arith.mulf %mul3A_236, %select_n3A_117 : vector<1000x128xf32>
    %add3A_238 = arith.addf %mul3A_229, %mul3A_237 : vector<1000x128xf32>
    %sub3A_239 = vector.broadcast %get3A_40 : f32 to vector<1000x128xf32>
    %sub3A_240 = arith.subf %get3A_67, %sub3A_239 : vector<1000x128xf32>
    %sub3A_241 = arith.subf %get3A_43, %get3A_40 : f32
    %div3A_242 = arith.constant 1.000000e+00 : f32
    %div3A_243 = arith.divf %div3A_242, %sub3A_241 : f32
    %mul3A_244 = vector.broadcast %div3A_243 : f32 to vector<1000x128xf32>
    %mul3A_245 = arith.mulf %sub3A_240, %mul3A_244 : vector<1000x128xf32>
    %mul3A_246 = arith.mulf %mul3A_245, %select_n3A_117 : vector<1000x128xf32>
    %sub3A_247 = vector.broadcast %get3A_46 : f32 to vector<1000x128xf32>
    %sub3A_248 = arith.subf %sub3A_247, %get3A_67 : vector<1000x128xf32>
    %sub3A_249 = arith.subf %get3A_46, %get3A_43 : f32
    %div3A_250 = arith.constant 1.000000e+00 : f32
    %div3A_251 = arith.divf %div3A_250, %sub3A_249 : f32
    %mul3A_252 = vector.broadcast %div3A_251 : f32 to vector<1000x128xf32>
    %mul3A_253 = arith.mulf %sub3A_248, %mul3A_252 : vector<1000x128xf32>
    %mul3A_254 = arith.mulf %mul3A_253, %select_n3A_127 : vector<1000x128xf32>
    %add3A_255 = arith.addf %mul3A_246, %mul3A_254 : vector<1000x128xf32>
    %sub3A_256 = vector.broadcast %get3A_43 : f32 to vector<1000x128xf32>
    %sub3A_257 = arith.subf %get3A_67, %sub3A_256 : vector<1000x128xf32>
    %sub3A_258 = arith.subf %get3A_46, %get3A_43 : f32
    %div3A_259 = arith.constant 1.000000e+00 : f32
    %div3A_260 = arith.divf %div3A_259, %sub3A_258 : f32
    %mul3A_261 = vector.broadcast %div3A_260 : f32 to vector<1000x128xf32>
    %mul3A_262 = arith.mulf %sub3A_257, %mul3A_261 : vector<1000x128xf32>
    %mul3A_263 = arith.mulf %mul3A_262, %select_n3A_127 : vector<1000x128xf32>
    %sub3A_264 = vector.broadcast %get3A_49 : f32 to vector<1000x128xf32>
    %sub3A_265 = arith.subf %sub3A_264, %get3A_67 : vector<1000x128xf32>
    %sub3A_266 = arith.subf %get3A_49, %get3A_46 : f32
    %div3A_267 = arith.constant 1.000000e+00 : f32
    %div3A_268 = arith.divf %div3A_267, %sub3A_266 : f32
    %mul3A_269 = vector.broadcast %div3A_268 : f32 to vector<1000x128xf32>
    %mul3A_270 = arith.mulf %sub3A_265, %mul3A_269 : vector<1000x128xf32>
    %mul3A_271 = arith.mulf %mul3A_270, %select_n3A_137 : vector<1000x128xf32>
    %add3A_272 = arith.addf %mul3A_263, %mul3A_271 : vector<1000x128xf32>
    %sub3A_273 = vector.broadcast %get3A_46 : f32 to vector<1000x128xf32>
    %sub3A_274 = arith.subf %get3A_67, %sub3A_273 : vector<1000x128xf32>
    %sub3A_275 = arith.subf %get3A_49, %get3A_46 : f32
    %div3A_276 = arith.constant 1.000000e+00 : f32
    %div3A_277 = arith.divf %div3A_276, %sub3A_275 : f32
    %mul3A_278 = vector.broadcast %div3A_277 : f32 to vector<1000x128xf32>
    %mul3A_279 = arith.mulf %sub3A_274, %mul3A_278 : vector<1000x128xf32>
    %mul3A_280 = arith.mulf %mul3A_279, %select_n3A_137 : vector<1000x128xf32>
    %sub3A_281 = vector.broadcast %get3A_52 : f32 to vector<1000x128xf32>
    %sub3A_282 = arith.subf %sub3A_281, %get3A_67 : vector<1000x128xf32>
    %sub3A_283 = arith.subf %get3A_52, %get3A_49 : f32
    %div3A_284 = arith.constant 1.000000e+00 : f32
    %div3A_285 = arith.divf %div3A_284, %sub3A_283 : f32
    %mul3A_286 = vector.broadcast %div3A_285 : f32 to vector<1000x128xf32>
    %mul3A_287 = arith.mulf %sub3A_282, %mul3A_286 : vector<1000x128xf32>
    %mul3A_288 = arith.mulf %mul3A_287, %select_n3A_147 : vector<1000x128xf32>
    %add3A_289 = arith.addf %mul3A_280, %mul3A_288 : vector<1000x128xf32>
    %sub3A_290 = vector.broadcast %get3A_49 : f32 to vector<1000x128xf32>
    %sub3A_291 = arith.subf %get3A_67, %sub3A_290 : vector<1000x128xf32>
    %sub3A_292 = arith.subf %get3A_52, %get3A_49 : f32
    %div3A_293 = arith.constant 1.000000e+00 : f32
    %div3A_294 = arith.divf %div3A_293, %sub3A_292 : f32
    %mul3A_295 = vector.broadcast %div3A_294 : f32 to vector<1000x128xf32>
    %mul3A_296 = arith.mulf %sub3A_291, %mul3A_295 : vector<1000x128xf32>
    %mul3A_297 = arith.mulf %mul3A_296, %select_n3A_147 : vector<1000x128xf32>
    %sub3A_298 = vector.broadcast %get3A_55 : f32 to vector<1000x128xf32>
    %sub3A_299 = arith.subf %sub3A_298, %get3A_67 : vector<1000x128xf32>
    %sub3A_300 = arith.subf %get3A_55, %get3A_52 : f32
    %div3A_301 = arith.constant 1.000000e+00 : f32
    %div3A_302 = arith.divf %div3A_301, %sub3A_300 : f32
    %mul3A_303 = vector.broadcast %div3A_302 : f32 to vector<1000x128xf32>
    %mul3A_304 = arith.mulf %sub3A_299, %mul3A_303 : vector<1000x128xf32>
    %mul3A_305 = arith.mulf %mul3A_304, %select_n3A_157 : vector<1000x128xf32>
    %add3A_306 = arith.addf %mul3A_297, %mul3A_305 : vector<1000x128xf32>
    %sub3A_307 = vector.broadcast %get3A_52 : f32 to vector<1000x128xf32>
    %sub3A_308 = arith.subf %get3A_67, %sub3A_307 : vector<1000x128xf32>
    %sub3A_309 = arith.subf %get3A_55, %get3A_52 : f32
    %div3A_310 = arith.constant 1.000000e+00 : f32
    %div3A_311 = arith.divf %div3A_310, %sub3A_309 : f32
    %mul3A_312 = vector.broadcast %div3A_311 : f32 to vector<1000x128xf32>
    %mul3A_313 = arith.mulf %sub3A_308, %mul3A_312 : vector<1000x128xf32>
    %mul3A_314 = arith.mulf %mul3A_313, %select_n3A_157 : vector<1000x128xf32>
    %sub3A_315 = vector.broadcast %get3A_58 : f32 to vector<1000x128xf32>
    %sub3A_316 = arith.subf %sub3A_315, %get3A_67 : vector<1000x128xf32>
    %sub3A_317 = arith.subf %get3A_58, %get3A_55 : f32
    %div3A_318 = arith.constant 1.000000e+00 : f32
    %div3A_319 = arith.divf %div3A_318, %sub3A_317 : f32
    %mul3A_320 = vector.broadcast %div3A_319 : f32 to vector<1000x128xf32>
    %mul3A_321 = arith.mulf %sub3A_316, %mul3A_320 : vector<1000x128xf32>
    %mul3A_322 = arith.mulf %mul3A_321, %select_n3A_167 : vector<1000x128xf32>
    %add3A_323 = arith.addf %mul3A_314, %mul3A_322 : vector<1000x128xf32>
    %sub3A_324 = vector.broadcast %get3A_55 : f32 to vector<1000x128xf32>
    %sub3A_325 = arith.subf %get3A_67, %sub3A_324 : vector<1000x128xf32>
    %sub3A_326 = arith.subf %get3A_58, %get3A_55 : f32
    %div3A_327 = arith.constant 1.000000e+00 : f32
    %div3A_328 = arith.divf %div3A_327, %sub3A_326 : f32
    %mul3A_329 = vector.broadcast %div3A_328 : f32 to vector<1000x128xf32>
    %mul3A_330 = arith.mulf %sub3A_325, %mul3A_329 : vector<1000x128xf32>
    %mul3A_331 = arith.mulf %mul3A_330, %select_n3A_167 : vector<1000x128xf32>
    %sub3A_332 = vector.broadcast %get3A_61 : f32 to vector<1000x128xf32>
    %sub3A_333 = arith.subf %sub3A_332, %get3A_67 : vector<1000x128xf32>
    %sub3A_334 = arith.subf %get3A_61, %get3A_58 : f32
    %div3A_335 = arith.constant 1.000000e+00 : f32
    %div3A_336 = arith.divf %div3A_335, %sub3A_334 : f32
    %mul3A_337 = vector.broadcast %div3A_336 : f32 to vector<1000x128xf32>
    %mul3A_338 = arith.mulf %sub3A_333, %mul3A_337 : vector<1000x128xf32>
    %mul3A_339 = arith.mulf %mul3A_338, %select_n3A_177 : vector<1000x128xf32>
    %add3A_340 = arith.addf %mul3A_331, %mul3A_339 : vector<1000x128xf32>
    %sub3A_341 = vector.broadcast %get3A_58 : f32 to vector<1000x128xf32>
    %sub3A_342 = arith.subf %get3A_67, %sub3A_341 : vector<1000x128xf32>
    %sub3A_343 = arith.subf %get3A_61, %get3A_58 : f32
    %div3A_344 = arith.constant 1.000000e+00 : f32
    %div3A_345 = arith.divf %div3A_344, %sub3A_343 : f32
    %mul3A_346 = vector.broadcast %div3A_345 : f32 to vector<1000x128xf32>
    %mul3A_347 = arith.mulf %sub3A_342, %mul3A_346 : vector<1000x128xf32>
    %mul3A_348 = arith.mulf %mul3A_347, %select_n3A_177 : vector<1000x128xf32>
    %sub3A_349 = vector.broadcast %get3A_64 : f32 to vector<1000x128xf32>
    %sub3A_350 = arith.subf %sub3A_349, %get3A_67 : vector<1000x128xf32>
    %sub3A_351 = arith.subf %get3A_64, %get3A_61 : f32
    %div3A_352 = arith.constant 1.000000e+00 : f32
    %div3A_353 = arith.divf %div3A_352, %sub3A_351 : f32
    %mul3A_354 = vector.broadcast %div3A_353 : f32 to vector<1000x128xf32>
    %mul3A_355 = arith.mulf %sub3A_350, %mul3A_354 : vector<1000x128xf32>
    %mul3A_356 = arith.mulf %mul3A_355, %select_n3A_187 : vector<1000x128xf32>
    %add3A_357 = arith.addf %mul3A_348, %mul3A_356 : vector<1000x128xf32>
    %sub3A_358 = vector.broadcast %get3A_31 : f32 to vector<1000x128xf32>
    %sub3A_359 = arith.subf %get3A_67, %sub3A_358 : vector<1000x128xf32>
    %sub3A_360 = arith.subf %get3A_37, %get3A_31 : f32
    %div3A_361 = arith.constant 1.000000e+00 : f32
    %div3A_362 = arith.divf %div3A_361, %sub3A_360 : f32
    %mul3A_363 = vector.broadcast %div3A_362 : f32 to vector<1000x128xf32>
    %mul3A_364 = arith.mulf %sub3A_359, %mul3A_363 : vector<1000x128xf32>
    %mul3A_365 = arith.mulf %mul3A_364, %add3A_204 : vector<1000x128xf32>
    %sub3A_366 = vector.broadcast %get3A_40 : f32 to vector<1000x128xf32>
    %sub3A_367 = arith.subf %sub3A_366, %get3A_67 : vector<1000x128xf32>
    %sub3A_368 = arith.subf %get3A_40, %get3A_34 : f32
    %div3A_369 = arith.constant 1.000000e+00 : f32
    %div3A_370 = arith.divf %div3A_369, %sub3A_368 : f32
    %mul3A_371 = vector.broadcast %div3A_370 : f32 to vector<1000x128xf32>
    %mul3A_372 = arith.mulf %sub3A_367, %mul3A_371 : vector<1000x128xf32>
    %mul3A_373 = arith.mulf %mul3A_372, %add3A_221 : vector<1000x128xf32>
    %add3A_374 = arith.addf %mul3A_365, %mul3A_373 : vector<1000x128xf32>
    %sub3A_375 = vector.broadcast %get3A_34 : f32 to vector<1000x128xf32>
    %sub3A_376 = arith.subf %get3A_67, %sub3A_375 : vector<1000x128xf32>
    %sub3A_377 = arith.subf %get3A_40, %get3A_34 : f32
    %div3A_378 = arith.constant 1.000000e+00 : f32
    %div3A_379 = arith.divf %div3A_378, %sub3A_377 : f32
    %mul3A_380 = vector.broadcast %div3A_379 : f32 to vector<1000x128xf32>
    %mul3A_381 = arith.mulf %sub3A_376, %mul3A_380 : vector<1000x128xf32>
    %mul3A_382 = arith.mulf %mul3A_381, %add3A_221 : vector<1000x128xf32>
    %sub3A_383 = vector.broadcast %get3A_43 : f32 to vector<1000x128xf32>
    %sub3A_384 = arith.subf %sub3A_383, %get3A_67 : vector<1000x128xf32>
    %sub3A_385 = arith.subf %get3A_43, %get3A_37 : f32
    %div3A_386 = arith.constant 1.000000e+00 : f32
    %div3A_387 = arith.divf %div3A_386, %sub3A_385 : f32
    %mul3A_388 = vector.broadcast %div3A_387 : f32 to vector<1000x128xf32>
    %mul3A_389 = arith.mulf %sub3A_384, %mul3A_388 : vector<1000x128xf32>
    %mul3A_390 = arith.mulf %mul3A_389, %add3A_238 : vector<1000x128xf32>
    %add3A_391 = arith.addf %mul3A_382, %mul3A_390 : vector<1000x128xf32>
    %sub3A_392 = vector.broadcast %get3A_37 : f32 to vector<1000x128xf32>
    %sub3A_393 = arith.subf %get3A_67, %sub3A_392 : vector<1000x128xf32>
    %sub3A_394 = arith.subf %get3A_43, %get3A_37 : f32
    %div3A_395 = arith.constant 1.000000e+00 : f32
    %div3A_396 = arith.divf %div3A_395, %sub3A_394 : f32
    %mul3A_397 = vector.broadcast %div3A_396 : f32 to vector<1000x128xf32>
    %mul3A_398 = arith.mulf %sub3A_393, %mul3A_397 : vector<1000x128xf32>
    %mul3A_399 = arith.mulf %mul3A_398, %add3A_238 : vector<1000x128xf32>
    %sub3A_400 = vector.broadcast %get3A_46 : f32 to vector<1000x128xf32>
    %sub3A_401 = arith.subf %sub3A_400, %get3A_67 : vector<1000x128xf32>
    %sub3A_402 = arith.subf %get3A_46, %get3A_40 : f32
    %div3A_403 = arith.constant 1.000000e+00 : f32
    %div3A_404 = arith.divf %div3A_403, %sub3A_402 : f32
    %mul3A_405 = vector.broadcast %div3A_404 : f32 to vector<1000x128xf32>
    %mul3A_406 = arith.mulf %sub3A_401, %mul3A_405 : vector<1000x128xf32>
    %mul3A_407 = arith.mulf %mul3A_406, %add3A_255 : vector<1000x128xf32>
    %add3A_408 = arith.addf %mul3A_399, %mul3A_407 : vector<1000x128xf32>
    %sub3A_409 = vector.broadcast %get3A_40 : f32 to vector<1000x128xf32>
    %sub3A_410 = arith.subf %get3A_67, %sub3A_409 : vector<1000x128xf32>
    %sub3A_411 = arith.subf %get3A_46, %get3A_40 : f32
    %div3A_412 = arith.constant 1.000000e+00 : f32
    %div3A_413 = arith.divf %div3A_412, %sub3A_411 : f32
    %mul3A_414 = vector.broadcast %div3A_413 : f32 to vector<1000x128xf32>
    %mul3A_415 = arith.mulf %sub3A_410, %mul3A_414 : vector<1000x128xf32>
    %mul3A_416 = arith.mulf %mul3A_415, %add3A_255 : vector<1000x128xf32>
    %sub3A_417 = vector.broadcast %get3A_49 : f32 to vector<1000x128xf32>
    %sub3A_418 = arith.subf %sub3A_417, %get3A_67 : vector<1000x128xf32>
    %sub3A_419 = arith.subf %get3A_49, %get3A_43 : f32
    %div3A_420 = arith.constant 1.000000e+00 : f32
    %div3A_421 = arith.divf %div3A_420, %sub3A_419 : f32
    %mul3A_422 = vector.broadcast %div3A_421 : f32 to vector<1000x128xf32>
    %mul3A_423 = arith.mulf %sub3A_418, %mul3A_422 : vector<1000x128xf32>
    %mul3A_424 = arith.mulf %mul3A_423, %add3A_272 : vector<1000x128xf32>
    %add3A_425 = arith.addf %mul3A_416, %mul3A_424 : vector<1000x128xf32>
    %sub3A_426 = vector.broadcast %get3A_43 : f32 to vector<1000x128xf32>
    %sub3A_427 = arith.subf %get3A_67, %sub3A_426 : vector<1000x128xf32>
    %sub3A_428 = arith.subf %get3A_49, %get3A_43 : f32
    %div3A_429 = arith.constant 1.000000e+00 : f32
    %div3A_430 = arith.divf %div3A_429, %sub3A_428 : f32
    %mul3A_431 = vector.broadcast %div3A_430 : f32 to vector<1000x128xf32>
    %mul3A_432 = arith.mulf %sub3A_427, %mul3A_431 : vector<1000x128xf32>
    %mul3A_433 = arith.mulf %mul3A_432, %add3A_272 : vector<1000x128xf32>
    %sub3A_434 = vector.broadcast %get3A_52 : f32 to vector<1000x128xf32>
    %sub3A_435 = arith.subf %sub3A_434, %get3A_67 : vector<1000x128xf32>
    %sub3A_436 = arith.subf %get3A_52, %get3A_46 : f32
    %div3A_437 = arith.constant 1.000000e+00 : f32
    %div3A_438 = arith.divf %div3A_437, %sub3A_436 : f32
    %mul3A_439 = vector.broadcast %div3A_438 : f32 to vector<1000x128xf32>
    %mul3A_440 = arith.mulf %sub3A_435, %mul3A_439 : vector<1000x128xf32>
    %mul3A_441 = arith.mulf %mul3A_440, %add3A_289 : vector<1000x128xf32>
    %add3A_442 = arith.addf %mul3A_433, %mul3A_441 : vector<1000x128xf32>
    %sub3A_443 = vector.broadcast %get3A_46 : f32 to vector<1000x128xf32>
    %sub3A_444 = arith.subf %get3A_67, %sub3A_443 : vector<1000x128xf32>
    %sub3A_445 = arith.subf %get3A_52, %get3A_46 : f32
    %div3A_446 = arith.constant 1.000000e+00 : f32
    %div3A_447 = arith.divf %div3A_446, %sub3A_445 : f32
    %mul3A_448 = vector.broadcast %div3A_447 : f32 to vector<1000x128xf32>
    %mul3A_449 = arith.mulf %sub3A_444, %mul3A_448 : vector<1000x128xf32>
    %mul3A_450 = arith.mulf %mul3A_449, %add3A_289 : vector<1000x128xf32>
    %sub3A_451 = vector.broadcast %get3A_55 : f32 to vector<1000x128xf32>
    %sub3A_452 = arith.subf %sub3A_451, %get3A_67 : vector<1000x128xf32>
    %sub3A_453 = arith.subf %get3A_55, %get3A_49 : f32
    %div3A_454 = arith.constant 1.000000e+00 : f32
    %div3A_455 = arith.divf %div3A_454, %sub3A_453 : f32
    %mul3A_456 = vector.broadcast %div3A_455 : f32 to vector<1000x128xf32>
    %mul3A_457 = arith.mulf %sub3A_452, %mul3A_456 : vector<1000x128xf32>
    %mul3A_458 = arith.mulf %mul3A_457, %add3A_306 : vector<1000x128xf32>
    %add3A_459 = arith.addf %mul3A_450, %mul3A_458 : vector<1000x128xf32>
    %sub3A_460 = vector.broadcast %get3A_49 : f32 to vector<1000x128xf32>
    %sub3A_461 = arith.subf %get3A_67, %sub3A_460 : vector<1000x128xf32>
    %sub3A_462 = arith.subf %get3A_55, %get3A_49 : f32
    %div3A_463 = arith.constant 1.000000e+00 : f32
    %div3A_464 = arith.divf %div3A_463, %sub3A_462 : f32
    %mul3A_465 = vector.broadcast %div3A_464 : f32 to vector<1000x128xf32>
    %mul3A_466 = arith.mulf %sub3A_461, %mul3A_465 : vector<1000x128xf32>
    %mul3A_467 = arith.mulf %mul3A_466, %add3A_306 : vector<1000x128xf32>
    %sub3A_468 = vector.broadcast %get3A_58 : f32 to vector<1000x128xf32>
    %sub3A_469 = arith.subf %sub3A_468, %get3A_67 : vector<1000x128xf32>
    %sub3A_470 = arith.subf %get3A_58, %get3A_52 : f32
    %div3A_471 = arith.constant 1.000000e+00 : f32
    %div3A_472 = arith.divf %div3A_471, %sub3A_470 : f32
    %mul3A_473 = vector.broadcast %div3A_472 : f32 to vector<1000x128xf32>
    %mul3A_474 = arith.mulf %sub3A_469, %mul3A_473 : vector<1000x128xf32>
    %mul3A_475 = arith.mulf %mul3A_474, %add3A_323 : vector<1000x128xf32>
    %add3A_476 = arith.addf %mul3A_467, %mul3A_475 : vector<1000x128xf32>
    %sub3A_477 = vector.broadcast %get3A_52 : f32 to vector<1000x128xf32>
    %sub3A_478 = arith.subf %get3A_67, %sub3A_477 : vector<1000x128xf32>
    %sub3A_479 = arith.subf %get3A_58, %get3A_52 : f32
    %div3A_480 = arith.constant 1.000000e+00 : f32
    %div3A_481 = arith.divf %div3A_480, %sub3A_479 : f32
    %mul3A_482 = vector.broadcast %div3A_481 : f32 to vector<1000x128xf32>
    %mul3A_483 = arith.mulf %sub3A_478, %mul3A_482 : vector<1000x128xf32>
    %mul3A_484 = arith.mulf %mul3A_483, %add3A_323 : vector<1000x128xf32>
    %sub3A_485 = vector.broadcast %get3A_61 : f32 to vector<1000x128xf32>
    %sub3A_486 = arith.subf %sub3A_485, %get3A_67 : vector<1000x128xf32>
    %sub3A_487 = arith.subf %get3A_61, %get3A_55 : f32
    %div3A_488 = arith.constant 1.000000e+00 : f32
    %div3A_489 = arith.divf %div3A_488, %sub3A_487 : f32
    %mul3A_490 = vector.broadcast %div3A_489 : f32 to vector<1000x128xf32>
    %mul3A_491 = arith.mulf %sub3A_486, %mul3A_490 : vector<1000x128xf32>
    %mul3A_492 = arith.mulf %mul3A_491, %add3A_340 : vector<1000x128xf32>
    %add3A_493 = arith.addf %mul3A_484, %mul3A_492 : vector<1000x128xf32>
    %sub3A_494 = vector.broadcast %get3A_55 : f32 to vector<1000x128xf32>
    %sub3A_495 = arith.subf %get3A_67, %sub3A_494 : vector<1000x128xf32>
    %sub3A_496 = arith.subf %get3A_61, %get3A_55 : f32
    %div3A_497 = arith.constant 1.000000e+00 : f32
    %div3A_498 = arith.divf %div3A_497, %sub3A_496 : f32
    %mul3A_499 = vector.broadcast %div3A_498 : f32 to vector<1000x128xf32>
    %mul3A_500 = arith.mulf %sub3A_495, %mul3A_499 : vector<1000x128xf32>
    %mul3A_501 = arith.mulf %mul3A_500, %add3A_340 : vector<1000x128xf32>
    %sub3A_502 = vector.broadcast %get3A_64 : f32 to vector<1000x128xf32>
    %sub3A_503 = arith.subf %sub3A_502, %get3A_67 : vector<1000x128xf32>
    %sub3A_504 = arith.subf %get3A_64, %get3A_58 : f32
    %div3A_505 = arith.constant 1.000000e+00 : f32
    %div3A_506 = arith.divf %div3A_505, %sub3A_504 : f32
    %mul3A_507 = vector.broadcast %div3A_506 : f32 to vector<1000x128xf32>
    %mul3A_508 = arith.mulf %sub3A_503, %mul3A_507 : vector<1000x128xf32>
    %mul3A_509 = arith.mulf %mul3A_508, %add3A_357 : vector<1000x128xf32>
    %add3A_510 = arith.addf %mul3A_501, %mul3A_509 : vector<1000x128xf32>
    %sub3A_511 = vector.broadcast %get3A_31 : f32 to vector<1000x128xf32>
    %sub3A_512 = arith.subf %get3A_67, %sub3A_511 : vector<1000x128xf32>
    %sub3A_513 = arith.subf %get3A_40, %get3A_31 : f32
    %div3A_514 = arith.constant 1.000000e+00 : f32
    %div3A_515 = arith.divf %div3A_514, %sub3A_513 : f32
    %mul3A_516 = vector.broadcast %div3A_515 : f32 to vector<1000x128xf32>
    %mul3A_517 = arith.mulf %sub3A_512, %mul3A_516 : vector<1000x128xf32>
    %mul3A_518 = arith.mulf %mul3A_517, %add3A_374 : vector<1000x128xf32>
    %sub3A_519 = vector.broadcast %get3A_43 : f32 to vector<1000x128xf32>
    %sub3A_520 = arith.subf %sub3A_519, %get3A_67 : vector<1000x128xf32>
    %sub3A_521 = arith.subf %get3A_43, %get3A_34 : f32
    %div3A_522 = arith.constant 1.000000e+00 : f32
    %div3A_523 = arith.divf %div3A_522, %sub3A_521 : f32
    %mul3A_524 = vector.broadcast %div3A_523 : f32 to vector<1000x128xf32>
    %mul3A_525 = arith.mulf %sub3A_520, %mul3A_524 : vector<1000x128xf32>
    %mul3A_526 = arith.mulf %mul3A_525, %add3A_391 : vector<1000x128xf32>
    %add3A_527 = arith.addf %mul3A_518, %mul3A_526 : vector<1000x128xf32>
    %sub3A_528 = vector.broadcast %get3A_34 : f32 to vector<1000x128xf32>
    %sub3A_529 = arith.subf %get3A_67, %sub3A_528 : vector<1000x128xf32>
    %sub3A_530 = arith.subf %get3A_43, %get3A_34 : f32
    %div3A_531 = arith.constant 1.000000e+00 : f32
    %div3A_532 = arith.divf %div3A_531, %sub3A_530 : f32
    %mul3A_533 = vector.broadcast %div3A_532 : f32 to vector<1000x128xf32>
    %mul3A_534 = arith.mulf %sub3A_529, %mul3A_533 : vector<1000x128xf32>
    %mul3A_535 = arith.mulf %mul3A_534, %add3A_391 : vector<1000x128xf32>
    %sub3A_536 = vector.broadcast %get3A_46 : f32 to vector<1000x128xf32>
    %sub3A_537 = arith.subf %sub3A_536, %get3A_67 : vector<1000x128xf32>
    %sub3A_538 = arith.subf %get3A_46, %get3A_37 : f32
    %div3A_539 = arith.constant 1.000000e+00 : f32
    %div3A_540 = arith.divf %div3A_539, %sub3A_538 : f32
    %mul3A_541 = vector.broadcast %div3A_540 : f32 to vector<1000x128xf32>
    %mul3A_542 = arith.mulf %sub3A_537, %mul3A_541 : vector<1000x128xf32>
    %mul3A_543 = arith.mulf %mul3A_542, %add3A_408 : vector<1000x128xf32>
    %add3A_544 = arith.addf %mul3A_535, %mul3A_543 : vector<1000x128xf32>
    %sub3A_545 = vector.broadcast %get3A_37 : f32 to vector<1000x128xf32>
    %sub3A_546 = arith.subf %get3A_67, %sub3A_545 : vector<1000x128xf32>
    %sub3A_547 = arith.subf %get3A_46, %get3A_37 : f32
    %div3A_548 = arith.constant 1.000000e+00 : f32
    %div3A_549 = arith.divf %div3A_548, %sub3A_547 : f32
    %mul3A_550 = vector.broadcast %div3A_549 : f32 to vector<1000x128xf32>
    %mul3A_551 = arith.mulf %sub3A_546, %mul3A_550 : vector<1000x128xf32>
    %mul3A_552 = arith.mulf %mul3A_551, %add3A_408 : vector<1000x128xf32>
    %sub3A_553 = vector.broadcast %get3A_49 : f32 to vector<1000x128xf32>
    %sub3A_554 = arith.subf %sub3A_553, %get3A_67 : vector<1000x128xf32>
    %sub3A_555 = arith.subf %get3A_49, %get3A_40 : f32
    %div3A_556 = arith.constant 1.000000e+00 : f32
    %div3A_557 = arith.divf %div3A_556, %sub3A_555 : f32
    %mul3A_558 = vector.broadcast %div3A_557 : f32 to vector<1000x128xf32>
    %mul3A_559 = arith.mulf %sub3A_554, %mul3A_558 : vector<1000x128xf32>
    %mul3A_560 = arith.mulf %mul3A_559, %add3A_425 : vector<1000x128xf32>
    %add3A_561 = arith.addf %mul3A_552, %mul3A_560 : vector<1000x128xf32>
    %sub3A_562 = vector.broadcast %get3A_40 : f32 to vector<1000x128xf32>
    %sub3A_563 = arith.subf %get3A_67, %sub3A_562 : vector<1000x128xf32>
    %sub3A_564 = arith.subf %get3A_49, %get3A_40 : f32
    %div3A_565 = arith.constant 1.000000e+00 : f32
    %div3A_566 = arith.divf %div3A_565, %sub3A_564 : f32
    %mul3A_567 = vector.broadcast %div3A_566 : f32 to vector<1000x128xf32>
    %mul3A_568 = arith.mulf %sub3A_563, %mul3A_567 : vector<1000x128xf32>
    %mul3A_569 = arith.mulf %mul3A_568, %add3A_425 : vector<1000x128xf32>
    %sub3A_570 = vector.broadcast %get3A_52 : f32 to vector<1000x128xf32>
    %sub3A_571 = arith.subf %sub3A_570, %get3A_67 : vector<1000x128xf32>
    %sub3A_572 = arith.subf %get3A_52, %get3A_43 : f32
    %div3A_573 = arith.constant 1.000000e+00 : f32
    %div3A_574 = arith.divf %div3A_573, %sub3A_572 : f32
    %mul3A_575 = vector.broadcast %div3A_574 : f32 to vector<1000x128xf32>
    %mul3A_576 = arith.mulf %sub3A_571, %mul3A_575 : vector<1000x128xf32>
    %mul3A_577 = arith.mulf %mul3A_576, %add3A_442 : vector<1000x128xf32>
    %add3A_578 = arith.addf %mul3A_569, %mul3A_577 : vector<1000x128xf32>
    %sub3A_579 = vector.broadcast %get3A_43 : f32 to vector<1000x128xf32>
    %sub3A_580 = arith.subf %get3A_67, %sub3A_579 : vector<1000x128xf32>
    %sub3A_581 = arith.subf %get3A_52, %get3A_43 : f32
    %div3A_582 = arith.constant 1.000000e+00 : f32
    %div3A_583 = arith.divf %div3A_582, %sub3A_581 : f32
    %mul3A_584 = vector.broadcast %div3A_583 : f32 to vector<1000x128xf32>
    %mul3A_585 = arith.mulf %sub3A_580, %mul3A_584 : vector<1000x128xf32>
    %mul3A_586 = arith.mulf %mul3A_585, %add3A_442 : vector<1000x128xf32>
    %sub3A_587 = vector.broadcast %get3A_55 : f32 to vector<1000x128xf32>
    %sub3A_588 = arith.subf %sub3A_587, %get3A_67 : vector<1000x128xf32>
    %sub3A_589 = arith.subf %get3A_55, %get3A_46 : f32
    %div3A_590 = arith.constant 1.000000e+00 : f32
    %div3A_591 = arith.divf %div3A_590, %sub3A_589 : f32
    %mul3A_592 = vector.broadcast %div3A_591 : f32 to vector<1000x128xf32>
    %mul3A_593 = arith.mulf %sub3A_588, %mul3A_592 : vector<1000x128xf32>
    %mul3A_594 = arith.mulf %mul3A_593, %add3A_459 : vector<1000x128xf32>
    %add3A_595 = arith.addf %mul3A_586, %mul3A_594 : vector<1000x128xf32>
    %sub3A_596 = vector.broadcast %get3A_46 : f32 to vector<1000x128xf32>
    %sub3A_597 = arith.subf %get3A_67, %sub3A_596 : vector<1000x128xf32>
    %sub3A_598 = arith.subf %get3A_55, %get3A_46 : f32
    %div3A_599 = arith.constant 1.000000e+00 : f32
    %div3A_600 = arith.divf %div3A_599, %sub3A_598 : f32
    %mul3A_601 = vector.broadcast %div3A_600 : f32 to vector<1000x128xf32>
    %mul3A_602 = arith.mulf %sub3A_597, %mul3A_601 : vector<1000x128xf32>
    %mul3A_603 = arith.mulf %mul3A_602, %add3A_459 : vector<1000x128xf32>
    %sub3A_604 = vector.broadcast %get3A_58 : f32 to vector<1000x128xf32>
    %sub3A_605 = arith.subf %sub3A_604, %get3A_67 : vector<1000x128xf32>
    %sub3A_606 = arith.subf %get3A_58, %get3A_49 : f32
    %div3A_607 = arith.constant 1.000000e+00 : f32
    %div3A_608 = arith.divf %div3A_607, %sub3A_606 : f32
    %mul3A_609 = vector.broadcast %div3A_608 : f32 to vector<1000x128xf32>
    %mul3A_610 = arith.mulf %sub3A_605, %mul3A_609 : vector<1000x128xf32>
    %mul3A_611 = arith.mulf %mul3A_610, %add3A_476 : vector<1000x128xf32>
    %add3A_612 = arith.addf %mul3A_603, %mul3A_611 : vector<1000x128xf32>
    %sub3A_613 = vector.broadcast %get3A_49 : f32 to vector<1000x128xf32>
    %sub3A_614 = arith.subf %get3A_67, %sub3A_613 : vector<1000x128xf32>
    %sub3A_615 = arith.subf %get3A_58, %get3A_49 : f32
    %div3A_616 = arith.constant 1.000000e+00 : f32
    %div3A_617 = arith.divf %div3A_616, %sub3A_615 : f32
    %mul3A_618 = vector.broadcast %div3A_617 : f32 to vector<1000x128xf32>
    %mul3A_619 = arith.mulf %sub3A_614, %mul3A_618 : vector<1000x128xf32>
    %mul3A_620 = arith.mulf %mul3A_619, %add3A_476 : vector<1000x128xf32>
    %sub3A_621 = vector.broadcast %get3A_61 : f32 to vector<1000x128xf32>
    %sub3A_622 = arith.subf %sub3A_621, %get3A_67 : vector<1000x128xf32>
    %sub3A_623 = arith.subf %get3A_61, %get3A_52 : f32
    %div3A_624 = arith.constant 1.000000e+00 : f32
    %div3A_625 = arith.divf %div3A_624, %sub3A_623 : f32
    %mul3A_626 = vector.broadcast %div3A_625 : f32 to vector<1000x128xf32>
    %mul3A_627 = arith.mulf %sub3A_622, %mul3A_626 : vector<1000x128xf32>
    %mul3A_628 = arith.mulf %mul3A_627, %add3A_493 : vector<1000x128xf32>
    %add3A_629 = arith.addf %mul3A_620, %mul3A_628 : vector<1000x128xf32>
    %sub3A_630 = vector.broadcast %get3A_52 : f32 to vector<1000x128xf32>
    %sub3A_631 = arith.subf %get3A_67, %sub3A_630 : vector<1000x128xf32>
    %sub3A_632 = arith.subf %get3A_61, %get3A_52 : f32
    %div3A_633 = arith.constant 1.000000e+00 : f32
    %div3A_634 = arith.divf %div3A_633, %sub3A_632 : f32
    %mul3A_635 = vector.broadcast %div3A_634 : f32 to vector<1000x128xf32>
    %mul3A_636 = arith.mulf %sub3A_631, %mul3A_635 : vector<1000x128xf32>
    %mul3A_637 = arith.mulf %mul3A_636, %add3A_493 : vector<1000x128xf32>
    %sub3A_638 = vector.broadcast %get3A_64 : f32 to vector<1000x128xf32>
    %sub3A_639 = arith.subf %sub3A_638, %get3A_67 : vector<1000x128xf32>
    %sub3A_640 = arith.subf %get3A_64, %get3A_55 : f32
    %div3A_641 = arith.constant 1.000000e+00 : f32
    %div3A_642 = arith.divf %div3A_641, %sub3A_640 : f32
    %mul3A_643 = vector.broadcast %div3A_642 : f32 to vector<1000x128xf32>
    %mul3A_644 = arith.mulf %sub3A_639, %mul3A_643 : vector<1000x128xf32>
    %mul3A_645 = arith.mulf %mul3A_644, %add3A_510 : vector<1000x128xf32>
    %add3A_646 = arith.addf %mul3A_637, %mul3A_645 : vector<1000x128xf32>
    %get3A_647 = arith.constant 0 : index
    %get3A_648 = arith.constant 0 : index
    %get3A_649 = arith.constant 0 : index
    %get3A_650 = vector.load %arg10[%get3A_647, %get3A_648, %get3A_649] : memref<128x8x40xf32, #tpu.memory_space<vmem>>, vector<128x1x40xf32>
    %get3A_651 = vector.shape_cast %get3A_650 : vector<128x1x40xf32> to vector<128x40xf32>
    %mul3A_652 = arith.mulf %get3A_651, %get3A_73 : vector<128x40xf32>
    %dot_general3A_653 = arith.constant dense<0.000000e+00> : vector<1000x40xf32>
    %dot_general3A_654 = tpu.matmul %add3A_527, %mul3A_652, %dot_general3A_653 {dimension_numbers = #tpu.dot_dimension_numbers<[1], [0], [0], [1], [0, 0, 1, 1], [], []>, transpose_lhs_hint = false} : vector<1000x128xf32>, vector<128x40xf32>, vector<1000x40xf32> -> vector<1000x40xf32>
    %add3A_655 = arith.addf %dot_general3A_83, %dot_general3A_654 : vector<1000x40xf32>
    %get3A_656 = arith.constant 0 : index
    %get3A_657 = arith.constant 1 : index
    %get3A_658 = arith.constant 0 : index
    %get3A_659 = vector.load %arg10[%get3A_656, %get3A_657, %get3A_658] : memref<128x8x40xf32, #tpu.memory_space<vmem>>, vector<128x1x40xf32>
    %get3A_660 = vector.shape_cast %get3A_659 : vector<128x1x40xf32> to vector<128x40xf32>
    %mul3A_661 = arith.mulf %get3A_660, %get3A_73 : vector<128x40xf32>
    %dot_general3A_662 = arith.constant dense<0.000000e+00> : vector<1000x40xf32>
    %dot_general3A_663 = tpu.matmul %add3A_544, %mul3A_661, %dot_general3A_662 {dimension_numbers = #tpu.dot_dimension_numbers<[1], [0], [0], [1], [0, 0, 1, 1], [], []>, transpose_lhs_hint = false} : vector<1000x128xf32>, vector<128x40xf32>, vector<1000x40xf32> -> vector<1000x40xf32>
    %add3A_664 = arith.addf %add3A_655, %dot_general3A_663 : vector<1000x40xf32>
    %get3A_665 = arith.constant 0 : index
    %get3A_666 = arith.constant 2 : index
    %get3A_667 = arith.constant 0 : index
    %get3A_668 = vector.load %arg10[%get3A_665, %get3A_666, %get3A_667] : memref<128x8x40xf32, #tpu.memory_space<vmem>>, vector<128x1x40xf32>
    %get3A_669 = vector.shape_cast %get3A_668 : vector<128x1x40xf32> to vector<128x40xf32>
    %mul3A_670 = arith.mulf %get3A_669, %get3A_73 : vector<128x40xf32>
    %dot_general3A_671 = arith.constant dense<0.000000e+00> : vector<1000x40xf32>
    %dot_general3A_672 = tpu.matmul %add3A_561, %mul3A_670, %dot_general3A_671 {dimension_numbers = #tpu.dot_dimension_numbers<[1], [0], [0], [1], [0, 0, 1, 1], [], []>, transpose_lhs_hint = false} : vector<1000x128xf32>, vector<128x40xf32>, vector<1000x40xf32> -> vector<1000x40xf32>
    %add3A_673 = arith.addf %add3A_664, %dot_general3A_672 : vector<1000x40xf32>
    %get3A_674 = arith.constant 0 : index
    %get3A_675 = arith.constant 3 : index
    %get3A_676 = arith.constant 0 : index
    %get3A_677 = vector.load %arg10[%get3A_674, %get3A_675, %get3A_676] : memref<128x8x40xf32, #tpu.memory_space<vmem>>, vector<128x1x40xf32>
    %get3A_678 = vector.shape_cast %get3A_677 : vector<128x1x40xf32> to vector<128x40xf32>
    %mul3A_679 = arith.mulf %get3A_678, %get3A_73 : vector<128x40xf32>
    %dot_general3A_680 = arith.constant dense<0.000000e+00> : vector<1000x40xf32>
    %dot_general3A_681 = tpu.matmul %add3A_578, %mul3A_679, %dot_general3A_680 {dimension_numbers = #tpu.dot_dimension_numbers<[1], [0], [0], [1], [0, 0, 1, 1], [], []>, transpose_lhs_hint = false} : vector<1000x128xf32>, vector<128x40xf32>, vector<1000x40xf32> -> vector<1000x40xf32>
    %add3A_682 = arith.addf %add3A_673, %dot_general3A_681 : vector<1000x40xf32>
    %get3A_683 = arith.constant 0 : index
    %get3A_684 = arith.constant 4 : index
    %get3A_685 = arith.constant 0 : index
    %get3A_686 = vector.load %arg10[%get3A_683, %get3A_684, %get3A_685] : memref<128x8x40xf32, #tpu.memory_space<vmem>>, vector<128x1x40xf32>
    %get3A_687 = vector.shape_cast %get3A_686 : vector<128x1x40xf32> to vector<128x40xf32>
    %mul3A_688 = arith.mulf %get3A_687, %get3A_73 : vector<128x40xf32>
    %dot_general3A_689 = arith.constant dense<0.000000e+00> : vector<1000x40xf32>
    %dot_general3A_690 = tpu.matmul %add3A_595, %mul3A_688, %dot_general3A_689 {dimension_numbers = #tpu.dot_dimension_numbers<[1], [0], [0], [1], [0, 0, 1, 1], [], []>, transpose_lhs_hint = false} : vector<1000x128xf32>, vector<128x40xf32>, vector<1000x40xf32> -> vector<1000x40xf32>
    %add3A_691 = arith.addf %add3A_682, %dot_general3A_690 : vector<1000x40xf32>
    %get3A_692 = arith.constant 0 : index
    %get3A_693 = arith.constant 5 : index
    %get3A_694 = arith.constant 0 : index
    %get3A_695 = vector.load %arg10[%get3A_692, %get3A_693, %get3A_694] : memref<128x8x40xf32, #tpu.memory_space<vmem>>, vector<128x1x40xf32>
    %get3A_696 = vector.shape_cast %get3A_695 : vector<128x1x40xf32> to vector<128x40xf32>
    %mul3A_697 = arith.mulf %get3A_696, %get3A_73 : vector<128x40xf32>
    %dot_general3A_698 = arith.constant dense<0.000000e+00> : vector<1000x40xf32>
    %dot_general3A_699 = tpu.matmul %add3A_612, %mul3A_697, %dot_general3A_698 {dimension_numbers = #tpu.dot_dimension_numbers<[1], [0], [0], [1], [0, 0, 1, 1], [], []>, transpose_lhs_hint = false} : vector<1000x128xf32>, vector<128x40xf32>, vector<1000x40xf32> -> vector<1000x40xf32>
    %add3A_700 = arith.addf %add3A_691, %dot_general3A_699 : vector<1000x40xf32>
    %get3A_701 = arith.constant 0 : index
    %get3A_702 = arith.constant 6 : index
    %get3A_703 = arith.constant 0 : index
    %get3A_704 = vector.load %arg10[%get3A_701, %get3A_702, %get3A_703] : memref<128x8x40xf32, #tpu.memory_space<vmem>>, vector<128x1x40xf32>
    %get3A_705 = vector.shape_cast %get3A_704 : vector<128x1x40xf32> to vector<128x40xf32>
    %mul3A_706 = arith.mulf %get3A_705, %get3A_73 : vector<128x40xf32>
    %dot_general3A_707 = arith.constant dense<0.000000e+00> : vector<1000x40xf32>
    %dot_general3A_708 = tpu.matmul %add3A_629, %mul3A_706, %dot_general3A_707 {dimension_numbers = #tpu.dot_dimension_numbers<[1], [0], [0], [1], [0, 0, 1, 1], [], []>, transpose_lhs_hint = false} : vector<1000x128xf32>, vector<128x40xf32>, vector<1000x40xf32> -> vector<1000x40xf32>
    %add3A_709 = arith.addf %add3A_700, %dot_general3A_708 : vector<1000x40xf32>
    %get3A_710 = arith.constant 0 : index
    %get3A_711 = arith.constant 7 : index
    %get3A_712 = arith.constant 0 : index
    %get3A_713 = vector.load %arg10[%get3A_710, %get3A_711, %get3A_712] : memref<128x8x40xf32, #tpu.memory_space<vmem>>, vector<128x1x40xf32>
    %get3A_714 = vector.shape_cast %get3A_713 : vector<128x1x40xf32> to vector<128x40xf32>
    %mul3A_715 = arith.mulf %get3A_714, %get3A_73 : vector<128x40xf32>
    %dot_general3A_716 = arith.constant dense<0.000000e+00> : vector<1000x40xf32>
    %dot_general3A_717 = tpu.matmul %add3A_646, %mul3A_715, %dot_general3A_716 {dimension_numbers = #tpu.dot_dimension_numbers<[1], [0], [0], [1], [0, 0, 1, 1], [], []>, transpose_lhs_hint = false} : vector<1000x128xf32>, vector<128x40xf32>, vector<1000x40xf32> -> vector<1000x40xf32>
    %add3A_718 = arith.addf %add3A_709, %dot_general3A_717 : vector<1000x40xf32>
    %get3A_719 = arith.constant 0 : index
    %get3A_720 = arith.constant 0 : index
    %get3A_721 = vector.load %arg7[%get3A_719, %get3A_720] : memref<1000x128xf32, #tpu.memory_space<vmem>>, vector<1000x128xf32>
    %get3A_722 = arith.constant 0 : index
    %get3A_723 = arith.constant 0 : index
    %get3A_724 = vector.load %arg12[%get3A_722, %get3A_723] : memref<128x40xf32, #tpu.memory_space<vmem>>, vector<128x40xf32>
    %get3A_725 = arith.constant 0 : index
    %get3A_726 = arith.constant 0 : index
    %get3A_727 = vector.load %arg14[%get3A_725, %get3A_726] : memref<128x40xf32, #tpu.memory_space<vmem>>, vector<128x40xf32>
    %neg3A_728 = arith.constant 0.000000e+00 : f32
    %neg3A_729 = vector.broadcast %neg3A_728 : f32 to vector<1000x128xf32>
    %neg3A_730 = arith.subf %neg3A_729, %get3A_721 : vector<1000x128xf32>
    %exp3A_731 = math.exp %neg3A_730 : vector<1000x128xf32>
    %add3A_732 = arith.constant 1.000000e+00 : f32
    %add3A_733 = vector.broadcast %add3A_732 : f32 to vector<1000x128xf32>
    %add3A_734 = arith.addf %add3A_733, %exp3A_731 : vector<1000x128xf32>
    %div3A_735 = arith.constant 1.000000e+00 : f32
    %div3A_736 = vector.broadcast %div3A_735 : f32 to vector<1000x128xf32>
    %div3A_737 = arith.divf %div3A_736, %add3A_734 : vector<1000x128xf32>
    %mul3A_738 = arith.mulf %get3A_721, %div3A_737 : vector<1000x128xf32>
    %dot_general3A_739 = arith.constant dense<0.000000e+00> : vector<1000x40xf32>
    %dot_general3A_740 = tpu.matmul %mul3A_738, %get3A_724, %dot_general3A_739 {dimension_numbers = #tpu.dot_dimension_numbers<[1], [0], [0], [1], [0, 0, 1, 1], [], []>, transpose_lhs_hint = false} : vector<1000x128xf32>, vector<128x40xf32>, vector<1000x40xf32> -> vector<1000x40xf32>
    %ge3A_741 = vector.broadcast %get3A_31 : f32 to vector<1000x128xf32>
    %ge3A_742 = arith.cmpf oge, %get3A_721, %ge3A_741 : vector<1000x128xf32>
    %lt3A_743 = vector.broadcast %get3A_34 : f32 to vector<1000x128xf32>
    %lt3A_744 = arith.cmpf olt, %get3A_721, %lt3A_743 : vector<1000x128xf32>
    %and3A_745 = arith.andi %ge3A_742, %lt3A_744 : vector<1000x128xi1>
    %jit3A_746 = arith.constant 1.000000e+00 : f32
    %jit3A_747 = arith.constant 0.000000e+00 : f32
    %broadcast_in_dim3A_748 = vector.broadcast %jit3A_746 : f32 to vector<1000x128xf32>
    %broadcast_in_dim3A_749 = vector.broadcast %jit3A_747 : f32 to vector<1000x128xf32>
    %select_n3A_750 = arith.select %and3A_745, %broadcast_in_dim3A_748, %broadcast_in_dim3A_749 : vector<1000x128xi1>, vector<1000x128xf32>
    %ge3A_751 = vector.broadcast %get3A_34 : f32 to vector<1000x128xf32>
    %ge3A_752 = arith.cmpf oge, %get3A_721, %ge3A_751 : vector<1000x128xf32>
    %lt3A_753 = vector.broadcast %get3A_37 : f32 to vector<1000x128xf32>
    %lt3A_754 = arith.cmpf olt, %get3A_721, %lt3A_753 : vector<1000x128xf32>
    %and3A_755 = arith.andi %ge3A_752, %lt3A_754 : vector<1000x128xi1>
    %jit3A_756 = arith.constant 1.000000e+00 : f32
    %jit3A_757 = arith.constant 0.000000e+00 : f32
    %broadcast_in_dim3A_758 = vector.broadcast %jit3A_756 : f32 to vector<1000x128xf32>
    %broadcast_in_dim3A_759 = vector.broadcast %jit3A_757 : f32 to vector<1000x128xf32>
    %select_n3A_760 = arith.select %and3A_755, %broadcast_in_dim3A_758, %broadcast_in_dim3A_759 : vector<1000x128xi1>, vector<1000x128xf32>
    %ge3A_761 = vector.broadcast %get3A_37 : f32 to vector<1000x128xf32>
    %ge3A_762 = arith.cmpf oge, %get3A_721, %ge3A_761 : vector<1000x128xf32>
    %lt3A_763 = vector.broadcast %get3A_40 : f32 to vector<1000x128xf32>
    %lt3A_764 = arith.cmpf olt, %get3A_721, %lt3A_763 : vector<1000x128xf32>
    %and3A_765 = arith.andi %ge3A_762, %lt3A_764 : vector<1000x128xi1>
    %jit3A_766 = arith.constant 1.000000e+00 : f32
    %jit3A_767 = arith.constant 0.000000e+00 : f32
    %broadcast_in_dim3A_768 = vector.broadcast %jit3A_766 : f32 to vector<1000x128xf32>
    %broadcast_in_dim3A_769 = vector.broadcast %jit3A_767 : f32 to vector<1000x128xf32>
    %select_n3A_770 = arith.select %and3A_765, %broadcast_in_dim3A_768, %broadcast_in_dim3A_769 : vector<1000x128xi1>, vector<1000x128xf32>
    %ge3A_771 = vector.broadcast %get3A_40 : f32 to vector<1000x128xf32>
    %ge3A_772 = arith.cmpf oge, %get3A_721, %ge3A_771 : vector<1000x128xf32>
    %lt3A_773 = vector.broadcast %get3A_43 : f32 to vector<1000x128xf32>
    %lt3A_774 = arith.cmpf olt, %get3A_721, %lt3A_773 : vector<1000x128xf32>
    %and3A_775 = arith.andi %ge3A_772, %lt3A_774 : vector<1000x128xi1>
    %jit3A_776 = arith.constant 1.000000e+00 : f32
    %jit3A_777 = arith.constant 0.000000e+00 : f32
    %broadcast_in_dim3A_778 = vector.broadcast %jit3A_776 : f32 to vector<1000x128xf32>
    %broadcast_in_dim3A_779 = vector.broadcast %jit3A_777 : f32 to vector<1000x128xf32>
    %select_n3A_780 = arith.select %and3A_775, %broadcast_in_dim3A_778, %broadcast_in_dim3A_779 : vector<1000x128xi1>, vector<1000x128xf32>
    %ge3A_781 = vector.broadcast %get3A_43 : f32 to vector<1000x128xf32>
    %ge3A_782 = arith.cmpf oge, %get3A_721, %ge3A_781 : vector<1000x128xf32>
    %lt3A_783 = vector.broadcast %get3A_46 : f32 to vector<1000x128xf32>
    %lt3A_784 = arith.cmpf olt, %get3A_721, %lt3A_783 : vector<1000x128xf32>
    %and3A_785 = arith.andi %ge3A_782, %lt3A_784 : vector<1000x128xi1>
    %jit3A_786 = arith.constant 1.000000e+00 : f32
    %jit3A_787 = arith.constant 0.000000e+00 : f32
    %broadcast_in_dim3A_788 = vector.broadcast %jit3A_786 : f32 to vector<1000x128xf32>
    %broadcast_in_dim3A_789 = vector.broadcast %jit3A_787 : f32 to vector<1000x128xf32>
    %select_n3A_790 = arith.select %and3A_785, %broadcast_in_dim3A_788, %broadcast_in_dim3A_789 : vector<1000x128xi1>, vector<1000x128xf32>
    %ge3A_791 = vector.broadcast %get3A_46 : f32 to vector<1000x128xf32>
    %ge3A_792 = arith.cmpf oge, %get3A_721, %ge3A_791 : vector<1000x128xf32>
    %lt3A_793 = vector.broadcast %get3A_49 : f32 to vector<1000x128xf32>
    %lt3A_794 = arith.cmpf olt, %get3A_721, %lt3A_793 : vector<1000x128xf32>
    %and3A_795 = arith.andi %ge3A_792, %lt3A_794 : vector<1000x128xi1>
    %jit3A_796 = arith.constant 1.000000e+00 : f32
    %jit3A_797 = arith.constant 0.000000e+00 : f32
    %broadcast_in_dim3A_798 = vector.broadcast %jit3A_796 : f32 to vector<1000x128xf32>
    %broadcast_in_dim3A_799 = vector.broadcast %jit3A_797 : f32 to vector<1000x128xf32>
    %select_n3A_800 = arith.select %and3A_795, %broadcast_in_dim3A_798, %broadcast_in_dim3A_799 : vector<1000x128xi1>, vector<1000x128xf32>
    %ge3A_801 = vector.broadcast %get3A_49 : f32 to vector<1000x128xf32>
    %ge3A_802 = arith.cmpf oge, %get3A_721, %ge3A_801 : vector<1000x128xf32>
    %lt3A_803 = vector.broadcast %get3A_52 : f32 to vector<1000x128xf32>
    %lt3A_804 = arith.cmpf olt, %get3A_721, %lt3A_803 : vector<1000x128xf32>
    %and3A_805 = arith.andi %ge3A_802, %lt3A_804 : vector<1000x128xi1>
    %jit3A_806 = arith.constant 1.000000e+00 : f32
    %jit3A_807 = arith.constant 0.000000e+00 : f32
    %broadcast_in_dim3A_808 = vector.broadcast %jit3A_806 : f32 to vector<1000x128xf32>
    %broadcast_in_dim3A_809 = vector.broadcast %jit3A_807 : f32 to vector<1000x128xf32>
    %select_n3A_810 = arith.select %and3A_805, %broadcast_in_dim3A_808, %broadcast_in_dim3A_809 : vector<1000x128xi1>, vector<1000x128xf32>
    %ge3A_811 = vector.broadcast %get3A_52 : f32 to vector<1000x128xf32>
    %ge3A_812 = arith.cmpf oge, %get3A_721, %ge3A_811 : vector<1000x128xf32>
    %lt3A_813 = vector.broadcast %get3A_55 : f32 to vector<1000x128xf32>
    %lt3A_814 = arith.cmpf olt, %get3A_721, %lt3A_813 : vector<1000x128xf32>
    %and3A_815 = arith.andi %ge3A_812, %lt3A_814 : vector<1000x128xi1>
    %jit3A_816 = arith.constant 1.000000e+00 : f32
    %jit3A_817 = arith.constant 0.000000e+00 : f32
    %broadcast_in_dim3A_818 = vector.broadcast %jit3A_816 : f32 to vector<1000x128xf32>
    %broadcast_in_dim3A_819 = vector.broadcast %jit3A_817 : f32 to vector<1000x128xf32>
    %select_n3A_820 = arith.select %and3A_815, %broadcast_in_dim3A_818, %broadcast_in_dim3A_819 : vector<1000x128xi1>, vector<1000x128xf32>
    %ge3A_821 = vector.broadcast %get3A_55 : f32 to vector<1000x128xf32>
    %ge3A_822 = arith.cmpf oge, %get3A_721, %ge3A_821 : vector<1000x128xf32>
    %lt3A_823 = vector.broadcast %get3A_58 : f32 to vector<1000x128xf32>
    %lt3A_824 = arith.cmpf olt, %get3A_721, %lt3A_823 : vector<1000x128xf32>
    %and3A_825 = arith.andi %ge3A_822, %lt3A_824 : vector<1000x128xi1>
    %jit3A_826 = arith.constant 1.000000e+00 : f32
    %jit3A_827 = arith.constant 0.000000e+00 : f32
    %broadcast_in_dim3A_828 = vector.broadcast %jit3A_826 : f32 to vector<1000x128xf32>
    %broadcast_in_dim3A_829 = vector.broadcast %jit3A_827 : f32 to vector<1000x128xf32>
    %select_n3A_830 = arith.select %and3A_825, %broadcast_in_dim3A_828, %broadcast_in_dim3A_829 : vector<1000x128xi1>, vector<1000x128xf32>
    %ge3A_831 = vector.broadcast %get3A_58 : f32 to vector<1000x128xf32>
    %ge3A_832 = arith.cmpf oge, %get3A_721, %ge3A_831 : vector<1000x128xf32>
    %lt3A_833 = vector.broadcast %get3A_61 : f32 to vector<1000x128xf32>
    %lt3A_834 = arith.cmpf olt, %get3A_721, %lt3A_833 : vector<1000x128xf32>
    %and3A_835 = arith.andi %ge3A_832, %lt3A_834 : vector<1000x128xi1>
    %jit3A_836 = arith.constant 1.000000e+00 : f32
    %jit3A_837 = arith.constant 0.000000e+00 : f32
    %broadcast_in_dim3A_838 = vector.broadcast %jit3A_836 : f32 to vector<1000x128xf32>
    %broadcast_in_dim3A_839 = vector.broadcast %jit3A_837 : f32 to vector<1000x128xf32>
    %select_n3A_840 = arith.select %and3A_835, %broadcast_in_dim3A_838, %broadcast_in_dim3A_839 : vector<1000x128xi1>, vector<1000x128xf32>
    %ge3A_841 = vector.broadcast %get3A_61 : f32 to vector<1000x128xf32>
    %ge3A_842 = arith.cmpf oge, %get3A_721, %ge3A_841 : vector<1000x128xf32>
    %lt3A_843 = vector.broadcast %get3A_64 : f32 to vector<1000x128xf32>
    %lt3A_844 = arith.cmpf olt, %get3A_721, %lt3A_843 : vector<1000x128xf32>
    %and3A_845 = arith.andi %ge3A_842, %lt3A_844 : vector<1000x128xi1>
    %jit3A_846 = arith.constant 1.000000e+00 : f32
    %jit3A_847 = arith.constant 0.000000e+00 : f32
    %broadcast_in_dim3A_848 = vector.broadcast %jit3A_846 : f32 to vector<1000x128xf32>
    %broadcast_in_dim3A_849 = vector.broadcast %jit3A_847 : f32 to vector<1000x128xf32>
    %select_n3A_850 = arith.select %and3A_845, %broadcast_in_dim3A_848, %broadcast_in_dim3A_849 : vector<1000x128xi1>, vector<1000x128xf32>
    %sub3A_851 = vector.broadcast %get3A_31 : f32 to vector<1000x128xf32>
    %sub3A_852 = arith.subf %get3A_721, %sub3A_851 : vector<1000x128xf32>
    %sub3A_853 = arith.subf %get3A_34, %get3A_31 : f32
    %div3A_854 = arith.constant 1.000000e+00 : f32
    %div3A_855 = arith.divf %div3A_854, %sub3A_853 : f32
    %mul3A_856 = vector.broadcast %div3A_855 : f32 to vector<1000x128xf32>
    %mul3A_857 = arith.mulf %sub3A_852, %mul3A_856 : vector<1000x128xf32>
    %mul3A_858 = arith.mulf %mul3A_857, %select_n3A_750 : vector<1000x128xf32>
    %sub3A_859 = vector.broadcast %get3A_37 : f32 to vector<1000x128xf32>
    %sub3A_860 = arith.subf %sub3A_859, %get3A_721 : vector<1000x128xf32>
    %sub3A_861 = arith.subf %get3A_37, %get3A_34 : f32
    %div3A_862 = arith.constant 1.000000e+00 : f32
    %div3A_863 = arith.divf %div3A_862, %sub3A_861 : f32
    %mul3A_864 = vector.broadcast %div3A_863 : f32 to vector<1000x128xf32>
    %mul3A_865 = arith.mulf %sub3A_860, %mul3A_864 : vector<1000x128xf32>
    %mul3A_866 = arith.mulf %mul3A_865, %select_n3A_760 : vector<1000x128xf32>
    %add3A_867 = arith.addf %mul3A_858, %mul3A_866 : vector<1000x128xf32>
    %sub3A_868 = vector.broadcast %get3A_34 : f32 to vector<1000x128xf32>
    %sub3A_869 = arith.subf %get3A_721, %sub3A_868 : vector<1000x128xf32>
    %sub3A_870 = arith.subf %get3A_37, %get3A_34 : f32
    %div3A_871 = arith.constant 1.000000e+00 : f32
    %div3A_872 = arith.divf %div3A_871, %sub3A_870 : f32
    %mul3A_873 = vector.broadcast %div3A_872 : f32 to vector<1000x128xf32>
    %mul3A_874 = arith.mulf %sub3A_869, %mul3A_873 : vector<1000x128xf32>
    %mul3A_875 = arith.mulf %mul3A_874, %select_n3A_760 : vector<1000x128xf32>
    %sub3A_876 = vector.broadcast %get3A_40 : f32 to vector<1000x128xf32>
    %sub3A_877 = arith.subf %sub3A_876, %get3A_721 : vector<1000x128xf32>
    %sub3A_878 = arith.subf %get3A_40, %get3A_37 : f32
    %div3A_879 = arith.constant 1.000000e+00 : f32
    %div3A_880 = arith.divf %div3A_879, %sub3A_878 : f32
    %mul3A_881 = vector.broadcast %div3A_880 : f32 to vector<1000x128xf32>
    %mul3A_882 = arith.mulf %sub3A_877, %mul3A_881 : vector<1000x128xf32>
    %mul3A_883 = arith.mulf %mul3A_882, %select_n3A_770 : vector<1000x128xf32>
    %add3A_884 = arith.addf %mul3A_875, %mul3A_883 : vector<1000x128xf32>
    %sub3A_885 = vector.broadcast %get3A_37 : f32 to vector<1000x128xf32>
    %sub3A_886 = arith.subf %get3A_721, %sub3A_885 : vector<1000x128xf32>
    %sub3A_887 = arith.subf %get3A_40, %get3A_37 : f32
    %div3A_888 = arith.constant 1.000000e+00 : f32
    %div3A_889 = arith.divf %div3A_888, %sub3A_887 : f32
    %mul3A_890 = vector.broadcast %div3A_889 : f32 to vector<1000x128xf32>
    %mul3A_891 = arith.mulf %sub3A_886, %mul3A_890 : vector<1000x128xf32>
    %mul3A_892 = arith.mulf %mul3A_891, %select_n3A_770 : vector<1000x128xf32>
    %sub3A_893 = vector.broadcast %get3A_43 : f32 to vector<1000x128xf32>
    %sub3A_894 = arith.subf %sub3A_893, %get3A_721 : vector<1000x128xf32>
    %sub3A_895 = arith.subf %get3A_43, %get3A_40 : f32
    %div3A_896 = arith.constant 1.000000e+00 : f32
    %div3A_897 = arith.divf %div3A_896, %sub3A_895 : f32
    %mul3A_898 = vector.broadcast %div3A_897 : f32 to vector<1000x128xf32>
    %mul3A_899 = arith.mulf %sub3A_894, %mul3A_898 : vector<1000x128xf32>
    %mul3A_900 = arith.mulf %mul3A_899, %select_n3A_780 : vector<1000x128xf32>
    %add3A_901 = arith.addf %mul3A_892, %mul3A_900 : vector<1000x128xf32>
    %sub3A_902 = vector.broadcast %get3A_40 : f32 to vector<1000x128xf32>
    %sub3A_903 = arith.subf %get3A_721, %sub3A_902 : vector<1000x128xf32>
    %sub3A_904 = arith.subf %get3A_43, %get3A_40 : f32
    %div3A_905 = arith.constant 1.000000e+00 : f32
    %div3A_906 = arith.divf %div3A_905, %sub3A_904 : f32
    %mul3A_907 = vector.broadcast %div3A_906 : f32 to vector<1000x128xf32>
    %mul3A_908 = arith.mulf %sub3A_903, %mul3A_907 : vector<1000x128xf32>
    %mul3A_909 = arith.mulf %mul3A_908, %select_n3A_780 : vector<1000x128xf32>
    %sub3A_910 = vector.broadcast %get3A_46 : f32 to vector<1000x128xf32>
    %sub3A_911 = arith.subf %sub3A_910, %get3A_721 : vector<1000x128xf32>
    %sub3A_912 = arith.subf %get3A_46, %get3A_43 : f32
    %div3A_913 = arith.constant 1.000000e+00 : f32
    %div3A_914 = arith.divf %div3A_913, %sub3A_912 : f32
    %mul3A_915 = vector.broadcast %div3A_914 : f32 to vector<1000x128xf32>
    %mul3A_916 = arith.mulf %sub3A_911, %mul3A_915 : vector<1000x128xf32>
    %mul3A_917 = arith.mulf %mul3A_916, %select_n3A_790 : vector<1000x128xf32>
    %add3A_918 = arith.addf %mul3A_909, %mul3A_917 : vector<1000x128xf32>
    %sub3A_919 = vector.broadcast %get3A_43 : f32 to vector<1000x128xf32>
    %sub3A_920 = arith.subf %get3A_721, %sub3A_919 : vector<1000x128xf32>
    %sub3A_921 = arith.subf %get3A_46, %get3A_43 : f32
    %div3A_922 = arith.constant 1.000000e+00 : f32
    %div3A_923 = arith.divf %div3A_922, %sub3A_921 : f32
    %mul3A_924 = vector.broadcast %div3A_923 : f32 to vector<1000x128xf32>
    %mul3A_925 = arith.mulf %sub3A_920, %mul3A_924 : vector<1000x128xf32>
    %mul3A_926 = arith.mulf %mul3A_925, %select_n3A_790 : vector<1000x128xf32>
    %sub3A_927 = vector.broadcast %get3A_49 : f32 to vector<1000x128xf32>
    %sub3A_928 = arith.subf %sub3A_927, %get3A_721 : vector<1000x128xf32>
    %sub3A_929 = arith.subf %get3A_49, %get3A_46 : f32
    %div3A_930 = arith.constant 1.000000e+00 : f32
    %div3A_931 = arith.divf %div3A_930, %sub3A_929 : f32
    %mul3A_932 = vector.broadcast %div3A_931 : f32 to vector<1000x128xf32>
    %mul3A_933 = arith.mulf %sub3A_928, %mul3A_932 : vector<1000x128xf32>
    %mul3A_934 = arith.mulf %mul3A_933, %select_n3A_800 : vector<1000x128xf32>
    %add3A_935 = arith.addf %mul3A_926, %mul3A_934 : vector<1000x128xf32>
    %sub3A_936 = vector.broadcast %get3A_46 : f32 to vector<1000x128xf32>
    %sub3A_937 = arith.subf %get3A_721, %sub3A_936 : vector<1000x128xf32>
    %sub3A_938 = arith.subf %get3A_49, %get3A_46 : f32
    %div3A_939 = arith.constant 1.000000e+00 : f32
    %div3A_940 = arith.divf %div3A_939, %sub3A_938 : f32
    %mul3A_941 = vector.broadcast %div3A_940 : f32 to vector<1000x128xf32>
    %mul3A_942 = arith.mulf %sub3A_937, %mul3A_941 : vector<1000x128xf32>
    %mul3A_943 = arith.mulf %mul3A_942, %select_n3A_800 : vector<1000x128xf32>
    %sub3A_944 = vector.broadcast %get3A_52 : f32 to vector<1000x128xf32>
    %sub3A_945 = arith.subf %sub3A_944, %get3A_721 : vector<1000x128xf32>
    %sub3A_946 = arith.subf %get3A_52, %get3A_49 : f32
    %div3A_947 = arith.constant 1.000000e+00 : f32
    %div3A_948 = arith.divf %div3A_947, %sub3A_946 : f32
    %mul3A_949 = vector.broadcast %div3A_948 : f32 to vector<1000x128xf32>
    %mul3A_950 = arith.mulf %sub3A_945, %mul3A_949 : vector<1000x128xf32>
    %mul3A_951 = arith.mulf %mul3A_950, %select_n3A_810 : vector<1000x128xf32>
    %add3A_952 = arith.addf %mul3A_943, %mul3A_951 : vector<1000x128xf32>
    %sub3A_953 = vector.broadcast %get3A_49 : f32 to vector<1000x128xf32>
    %sub3A_954 = arith.subf %get3A_721, %sub3A_953 : vector<1000x128xf32>
    %sub3A_955 = arith.subf %get3A_52, %get3A_49 : f32
    %div3A_956 = arith.constant 1.000000e+00 : f32
    %div3A_957 = arith.divf %div3A_956, %sub3A_955 : f32
    %mul3A_958 = vector.broadcast %div3A_957 : f32 to vector<1000x128xf32>
    %mul3A_959 = arith.mulf %sub3A_954, %mul3A_958 : vector<1000x128xf32>
    %mul3A_960 = arith.mulf %mul3A_959, %select_n3A_810 : vector<1000x128xf32>
    %sub3A_961 = vector.broadcast %get3A_55 : f32 to vector<1000x128xf32>
    %sub3A_962 = arith.subf %sub3A_961, %get3A_721 : vector<1000x128xf32>
    %sub3A_963 = arith.subf %get3A_55, %get3A_52 : f32
    %div3A_964 = arith.constant 1.000000e+00 : f32
    %div3A_965 = arith.divf %div3A_964, %sub3A_963 : f32
    %mul3A_966 = vector.broadcast %div3A_965 : f32 to vector<1000x128xf32>
    %mul3A_967 = arith.mulf %sub3A_962, %mul3A_966 : vector<1000x128xf32>
    %mul3A_968 = arith.mulf %mul3A_967, %select_n3A_820 : vector<1000x128xf32>
    %add3A_969 = arith.addf %mul3A_960, %mul3A_968 : vector<1000x128xf32>
    %sub3A_970 = vector.broadcast %get3A_52 : f32 to vector<1000x128xf32>
    %sub3A_971 = arith.subf %get3A_721, %sub3A_970 : vector<1000x128xf32>
    %sub3A_972 = arith.subf %get3A_55, %get3A_52 : f32
    %div3A_973 = arith.constant 1.000000e+00 : f32
    %div3A_974 = arith.divf %div3A_973, %sub3A_972 : f32
    %mul3A_975 = vector.broadcast %div3A_974 : f32 to vector<1000x128xf32>
    %mul3A_976 = arith.mulf %sub3A_971, %mul3A_975 : vector<1000x128xf32>
    %mul3A_977 = arith.mulf %mul3A_976, %select_n3A_820 : vector<1000x128xf32>
    %sub3A_978 = vector.broadcast %get3A_58 : f32 to vector<1000x128xf32>
    %sub3A_979 = arith.subf %sub3A_978, %get3A_721 : vector<1000x128xf32>
    %sub3A_980 = arith.subf %get3A_58, %get3A_55 : f32
    %div3A_981 = arith.constant 1.000000e+00 : f32
    %div3A_982 = arith.divf %div3A_981, %sub3A_980 : f32
    %mul3A_983 = vector.broadcast %div3A_982 : f32 to vector<1000x128xf32>
    %mul3A_984 = arith.mulf %sub3A_979, %mul3A_983 : vector<1000x128xf32>
    %mul3A_985 = arith.mulf %mul3A_984, %select_n3A_830 : vector<1000x128xf32>
    %add3A_986 = arith.addf %mul3A_977, %mul3A_985 : vector<1000x128xf32>
    %sub3A_987 = vector.broadcast %get3A_55 : f32 to vector<1000x128xf32>
    %sub3A_988 = arith.subf %get3A_721, %sub3A_987 : vector<1000x128xf32>
    %sub3A_989 = arith.subf %get3A_58, %get3A_55 : f32
    %div3A_990 = arith.constant 1.000000e+00 : f32
    %div3A_991 = arith.divf %div3A_990, %sub3A_989 : f32
    %mul3A_992 = vector.broadcast %div3A_991 : f32 to vector<1000x128xf32>
    %mul3A_993 = arith.mulf %sub3A_988, %mul3A_992 : vector<1000x128xf32>
    %mul3A_994 = arith.mulf %mul3A_993, %select_n3A_830 : vector<1000x128xf32>
    %sub3A_995 = vector.broadcast %get3A_61 : f32 to vector<1000x128xf32>
    %sub3A_996 = arith.subf %sub3A_995, %get3A_721 : vector<1000x128xf32>
    %sub3A_997 = arith.subf %get3A_61, %get3A_58 : f32
    %div3A_998 = arith.constant 1.000000e+00 : f32
    %div3A_999 = arith.divf %div3A_998, %sub3A_997 : f32
    %mul3A_1000 = vector.broadcast %div3A_999 : f32 to vector<1000x128xf32>
    %mul3A_1001 = arith.mulf %sub3A_996, %mul3A_1000 : vector<1000x128xf32>
    %mul3A_1002 = arith.mulf %mul3A_1001, %select_n3A_840 : vector<1000x128xf32>
    %add3A_1003 = arith.addf %mul3A_994, %mul3A_1002 : vector<1000x128xf32>
    %sub3A_1004 = vector.broadcast %get3A_58 : f32 to vector<1000x128xf32>
    %sub3A_1005 = arith.subf %get3A_721, %sub3A_1004 : vector<1000x128xf32>
    %sub3A_1006 = arith.subf %get3A_61, %get3A_58 : f32
    %div3A_1007 = arith.constant 1.000000e+00 : f32
    %div3A_1008 = arith.divf %div3A_1007, %sub3A_1006 : f32
    %mul3A_1009 = vector.broadcast %div3A_1008 : f32 to vector<1000x128xf32>
    %mul3A_1010 = arith.mulf %sub3A_1005, %mul3A_1009 : vector<1000x128xf32>
    %mul3A_1011 = arith.mulf %mul3A_1010, %select_n3A_840 : vector<1000x128xf32>
    %sub3A_1012 = vector.broadcast %get3A_64 : f32 to vector<1000x128xf32>
    %sub3A_1013 = arith.subf %sub3A_1012, %get3A_721 : vector<1000x128xf32>
    %sub3A_1014 = arith.subf %get3A_64, %get3A_61 : f32
    %div3A_1015 = arith.constant 1.000000e+00 : f32
    %div3A_1016 = arith.divf %div3A_1015, %sub3A_1014 : f32
    %mul3A_1017 = vector.broadcast %div3A_1016 : f32 to vector<1000x128xf32>
    %mul3A_1018 = arith.mulf %sub3A_1013, %mul3A_1017 : vector<1000x128xf32>
    %mul3A_1019 = arith.mulf %mul3A_1018, %select_n3A_850 : vector<1000x128xf32>
    %add3A_1020 = arith.addf %mul3A_1011, %mul3A_1019 : vector<1000x128xf32>
    %sub3A_1021 = vector.broadcast %get3A_31 : f32 to vector<1000x128xf32>
    %sub3A_1022 = arith.subf %get3A_721, %sub3A_1021 : vector<1000x128xf32>
    %sub3A_1023 = arith.subf %get3A_37, %get3A_31 : f32
    %div3A_1024 = arith.constant 1.000000e+00 : f32
    %div3A_1025 = arith.divf %div3A_1024, %sub3A_1023 : f32
    %mul3A_1026 = vector.broadcast %div3A_1025 : f32 to vector<1000x128xf32>
    %mul3A_1027 = arith.mulf %sub3A_1022, %mul3A_1026 : vector<1000x128xf32>
    %mul3A_1028 = arith.mulf %mul3A_1027, %add3A_867 : vector<1000x128xf32>
    %sub3A_1029 = vector.broadcast %get3A_40 : f32 to vector<1000x128xf32>
    %sub3A_1030 = arith.subf %sub3A_1029, %get3A_721 : vector<1000x128xf32>
    %sub3A_1031 = arith.subf %get3A_40, %get3A_34 : f32
    %div3A_1032 = arith.constant 1.000000e+00 : f32
    %div3A_1033 = arith.divf %div3A_1032, %sub3A_1031 : f32
    %mul3A_1034 = vector.broadcast %div3A_1033 : f32 to vector<1000x128xf32>
    %mul3A_1035 = arith.mulf %sub3A_1030, %mul3A_1034 : vector<1000x128xf32>
    %mul3A_1036 = arith.mulf %mul3A_1035, %add3A_884 : vector<1000x128xf32>
    %add3A_1037 = arith.addf %mul3A_1028, %mul3A_1036 : vector<1000x128xf32>
    %sub3A_1038 = vector.broadcast %get3A_34 : f32 to vector<1000x128xf32>
    %sub3A_1039 = arith.subf %get3A_721, %sub3A_1038 : vector<1000x128xf32>
    %sub3A_1040 = arith.subf %get3A_40, %get3A_34 : f32
    %div3A_1041 = arith.constant 1.000000e+00 : f32
    %div3A_1042 = arith.divf %div3A_1041, %sub3A_1040 : f32
    %mul3A_1043 = vector.broadcast %div3A_1042 : f32 to vector<1000x128xf32>
    %mul3A_1044 = arith.mulf %sub3A_1039, %mul3A_1043 : vector<1000x128xf32>
    %mul3A_1045 = arith.mulf %mul3A_1044, %add3A_884 : vector<1000x128xf32>
    %sub3A_1046 = vector.broadcast %get3A_43 : f32 to vector<1000x128xf32>
    %sub3A_1047 = arith.subf %sub3A_1046, %get3A_721 : vector<1000x128xf32>
    %sub3A_1048 = arith.subf %get3A_43, %get3A_37 : f32
    %div3A_1049 = arith.constant 1.000000e+00 : f32
    %div3A_1050 = arith.divf %div3A_1049, %sub3A_1048 : f32
    %mul3A_1051 = vector.broadcast %div3A_1050 : f32 to vector<1000x128xf32>
    %mul3A_1052 = arith.mulf %sub3A_1047, %mul3A_1051 : vector<1000x128xf32>
    %mul3A_1053 = arith.mulf %mul3A_1052, %add3A_901 : vector<1000x128xf32>
    %add3A_1054 = arith.addf %mul3A_1045, %mul3A_1053 : vector<1000x128xf32>
    %sub3A_1055 = vector.broadcast %get3A_37 : f32 to vector<1000x128xf32>
    %sub3A_1056 = arith.subf %get3A_721, %sub3A_1055 : vector<1000x128xf32>
    %sub3A_1057 = arith.subf %get3A_43, %get3A_37 : f32
    %div3A_1058 = arith.constant 1.000000e+00 : f32
    %div3A_1059 = arith.divf %div3A_1058, %sub3A_1057 : f32
    %mul3A_1060 = vector.broadcast %div3A_1059 : f32 to vector<1000x128xf32>
    %mul3A_1061 = arith.mulf %sub3A_1056, %mul3A_1060 : vector<1000x128xf32>
    %mul3A_1062 = arith.mulf %mul3A_1061, %add3A_901 : vector<1000x128xf32>
    %sub3A_1063 = vector.broadcast %get3A_46 : f32 to vector<1000x128xf32>
    %sub3A_1064 = arith.subf %sub3A_1063, %get3A_721 : vector<1000x128xf32>
    %sub3A_1065 = arith.subf %get3A_46, %get3A_40 : f32
    %div3A_1066 = arith.constant 1.000000e+00 : f32
    %div3A_1067 = arith.divf %div3A_1066, %sub3A_1065 : f32
    %mul3A_1068 = vector.broadcast %div3A_1067 : f32 to vector<1000x128xf32>
    %mul3A_1069 = arith.mulf %sub3A_1064, %mul3A_1068 : vector<1000x128xf32>
    %mul3A_1070 = arith.mulf %mul3A_1069, %add3A_918 : vector<1000x128xf32>
    %add3A_1071 = arith.addf %mul3A_1062, %mul3A_1070 : vector<1000x128xf32>
    %sub3A_1072 = vector.broadcast %get3A_40 : f32 to vector<1000x128xf32>
    %sub3A_1073 = arith.subf %get3A_721, %sub3A_1072 : vector<1000x128xf32>
    %sub3A_1074 = arith.subf %get3A_46, %get3A_40 : f32
    %div3A_1075 = arith.constant 1.000000e+00 : f32
    %div3A_1076 = arith.divf %div3A_1075, %sub3A_1074 : f32
    %mul3A_1077 = vector.broadcast %div3A_1076 : f32 to vector<1000x128xf32>
    %mul3A_1078 = arith.mulf %sub3A_1073, %mul3A_1077 : vector<1000x128xf32>
    %mul3A_1079 = arith.mulf %mul3A_1078, %add3A_918 : vector<1000x128xf32>
    %sub3A_1080 = vector.broadcast %get3A_49 : f32 to vector<1000x128xf32>
    %sub3A_1081 = arith.subf %sub3A_1080, %get3A_721 : vector<1000x128xf32>
    %sub3A_1082 = arith.subf %get3A_49, %get3A_43 : f32
    %div3A_1083 = arith.constant 1.000000e+00 : f32
    %div3A_1084 = arith.divf %div3A_1083, %sub3A_1082 : f32
    %mul3A_1085 = vector.broadcast %div3A_1084 : f32 to vector<1000x128xf32>
    %mul3A_1086 = arith.mulf %sub3A_1081, %mul3A_1085 : vector<1000x128xf32>
    %mul3A_1087 = arith.mulf %mul3A_1086, %add3A_935 : vector<1000x128xf32>
    %add3A_1088 = arith.addf %mul3A_1079, %mul3A_1087 : vector<1000x128xf32>
    %sub3A_1089 = vector.broadcast %get3A_43 : f32 to vector<1000x128xf32>
    %sub3A_1090 = arith.subf %get3A_721, %sub3A_1089 : vector<1000x128xf32>
    %sub3A_1091 = arith.subf %get3A_49, %get3A_43 : f32
    %div3A_1092 = arith.constant 1.000000e+00 : f32
    %div3A_1093 = arith.divf %div3A_1092, %sub3A_1091 : f32
    %mul3A_1094 = vector.broadcast %div3A_1093 : f32 to vector<1000x128xf32>
    %mul3A_1095 = arith.mulf %sub3A_1090, %mul3A_1094 : vector<1000x128xf32>
    %mul3A_1096 = arith.mulf %mul3A_1095, %add3A_935 : vector<1000x128xf32>
    %sub3A_1097 = vector.broadcast %get3A_52 : f32 to vector<1000x128xf32>
    %sub3A_1098 = arith.subf %sub3A_1097, %get3A_721 : vector<1000x128xf32>
    %sub3A_1099 = arith.subf %get3A_52, %get3A_46 : f32
    %div3A_1100 = arith.constant 1.000000e+00 : f32
    %div3A_1101 = arith.divf %div3A_1100, %sub3A_1099 : f32
    %mul3A_1102 = vector.broadcast %div3A_1101 : f32 to vector<1000x128xf32>
    %mul3A_1103 = arith.mulf %sub3A_1098, %mul3A_1102 : vector<1000x128xf32>
    %mul3A_1104 = arith.mulf %mul3A_1103, %add3A_952 : vector<1000x128xf32>
    %add3A_1105 = arith.addf %mul3A_1096, %mul3A_1104 : vector<1000x128xf32>
    %sub3A_1106 = vector.broadcast %get3A_46 : f32 to vector<1000x128xf32>
    %sub3A_1107 = arith.subf %get3A_721, %sub3A_1106 : vector<1000x128xf32>
    %sub3A_1108 = arith.subf %get3A_52, %get3A_46 : f32
    %div3A_1109 = arith.constant 1.000000e+00 : f32
    %div3A_1110 = arith.divf %div3A_1109, %sub3A_1108 : f32
    %mul3A_1111 = vector.broadcast %div3A_1110 : f32 to vector<1000x128xf32>
    %mul3A_1112 = arith.mulf %sub3A_1107, %mul3A_1111 : vector<1000x128xf32>
    %mul3A_1113 = arith.mulf %mul3A_1112, %add3A_952 : vector<1000x128xf32>
    %sub3A_1114 = vector.broadcast %get3A_55 : f32 to vector<1000x128xf32>
    %sub3A_1115 = arith.subf %sub3A_1114, %get3A_721 : vector<1000x128xf32>
    %sub3A_1116 = arith.subf %get3A_55, %get3A_49 : f32
    %div3A_1117 = arith.constant 1.000000e+00 : f32
    %div3A_1118 = arith.divf %div3A_1117, %sub3A_1116 : f32
    %mul3A_1119 = vector.broadcast %div3A_1118 : f32 to vector<1000x128xf32>
    %mul3A_1120 = arith.mulf %sub3A_1115, %mul3A_1119 : vector<1000x128xf32>
    %mul3A_1121 = arith.mulf %mul3A_1120, %add3A_969 : vector<1000x128xf32>
    %add3A_1122 = arith.addf %mul3A_1113, %mul3A_1121 : vector<1000x128xf32>
    %sub3A_1123 = vector.broadcast %get3A_49 : f32 to vector<1000x128xf32>
    %sub3A_1124 = arith.subf %get3A_721, %sub3A_1123 : vector<1000x128xf32>
    %sub3A_1125 = arith.subf %get3A_55, %get3A_49 : f32
    %div3A_1126 = arith.constant 1.000000e+00 : f32
    %div3A_1127 = arith.divf %div3A_1126, %sub3A_1125 : f32
    %mul3A_1128 = vector.broadcast %div3A_1127 : f32 to vector<1000x128xf32>
    %mul3A_1129 = arith.mulf %sub3A_1124, %mul3A_1128 : vector<1000x128xf32>
    %mul3A_1130 = arith.mulf %mul3A_1129, %add3A_969 : vector<1000x128xf32>
    %sub3A_1131 = vector.broadcast %get3A_58 : f32 to vector<1000x128xf32>
    %sub3A_1132 = arith.subf %sub3A_1131, %get3A_721 : vector<1000x128xf32>
    %sub3A_1133 = arith.subf %get3A_58, %get3A_52 : f32
    %div3A_1134 = arith.constant 1.000000e+00 : f32
    %div3A_1135 = arith.divf %div3A_1134, %sub3A_1133 : f32
    %mul3A_1136 = vector.broadcast %div3A_1135 : f32 to vector<1000x128xf32>
    %mul3A_1137 = arith.mulf %sub3A_1132, %mul3A_1136 : vector<1000x128xf32>
    %mul3A_1138 = arith.mulf %mul3A_1137, %add3A_986 : vector<1000x128xf32>
    %add3A_1139 = arith.addf %mul3A_1130, %mul3A_1138 : vector<1000x128xf32>
    %sub3A_1140 = vector.broadcast %get3A_52 : f32 to vector<1000x128xf32>
    %sub3A_1141 = arith.subf %get3A_721, %sub3A_1140 : vector<1000x128xf32>
    %sub3A_1142 = arith.subf %get3A_58, %get3A_52 : f32
    %div3A_1143 = arith.constant 1.000000e+00 : f32
    %div3A_1144 = arith.divf %div3A_1143, %sub3A_1142 : f32
    %mul3A_1145 = vector.broadcast %div3A_1144 : f32 to vector<1000x128xf32>
    %mul3A_1146 = arith.mulf %sub3A_1141, %mul3A_1145 : vector<1000x128xf32>
    %mul3A_1147 = arith.mulf %mul3A_1146, %add3A_986 : vector<1000x128xf32>
    %sub3A_1148 = vector.broadcast %get3A_61 : f32 to vector<1000x128xf32>
    %sub3A_1149 = arith.subf %sub3A_1148, %get3A_721 : vector<1000x128xf32>
    %sub3A_1150 = arith.subf %get3A_61, %get3A_55 : f32
    %div3A_1151 = arith.constant 1.000000e+00 : f32
    %div3A_1152 = arith.divf %div3A_1151, %sub3A_1150 : f32
    %mul3A_1153 = vector.broadcast %div3A_1152 : f32 to vector<1000x128xf32>
    %mul3A_1154 = arith.mulf %sub3A_1149, %mul3A_1153 : vector<1000x128xf32>
    %mul3A_1155 = arith.mulf %mul3A_1154, %add3A_1003 : vector<1000x128xf32>
    %add3A_1156 = arith.addf %mul3A_1147, %mul3A_1155 : vector<1000x128xf32>
    %sub3A_1157 = vector.broadcast %get3A_55 : f32 to vector<1000x128xf32>
    %sub3A_1158 = arith.subf %get3A_721, %sub3A_1157 : vector<1000x128xf32>
    %sub3A_1159 = arith.subf %get3A_61, %get3A_55 : f32
    %div3A_1160 = arith.constant 1.000000e+00 : f32
    %div3A_1161 = arith.divf %div3A_1160, %sub3A_1159 : f32
    %mul3A_1162 = vector.broadcast %div3A_1161 : f32 to vector<1000x128xf32>
    %mul3A_1163 = arith.mulf %sub3A_1158, %mul3A_1162 : vector<1000x128xf32>
    %mul3A_1164 = arith.mulf %mul3A_1163, %add3A_1003 : vector<1000x128xf32>
    %sub3A_1165 = vector.broadcast %get3A_64 : f32 to vector<1000x128xf32>
    %sub3A_1166 = arith.subf %sub3A_1165, %get3A_721 : vector<1000x128xf32>
    %sub3A_1167 = arith.subf %get3A_64, %get3A_58 : f32
    %div3A_1168 = arith.constant 1.000000e+00 : f32
    %div3A_1169 = arith.divf %div3A_1168, %sub3A_1167 : f32
    %mul3A_1170 = vector.broadcast %div3A_1169 : f32 to vector<1000x128xf32>
    %mul3A_1171 = arith.mulf %sub3A_1166, %mul3A_1170 : vector<1000x128xf32>
    %mul3A_1172 = arith.mulf %mul3A_1171, %add3A_1020 : vector<1000x128xf32>
    %add3A_1173 = arith.addf %mul3A_1164, %mul3A_1172 : vector<1000x128xf32>
    %sub3A_1174 = vector.broadcast %get3A_31 : f32 to vector<1000x128xf32>
    %sub3A_1175 = arith.subf %get3A_721, %sub3A_1174 : vector<1000x128xf32>
    %sub3A_1176 = arith.subf %get3A_40, %get3A_31 : f32
    %div3A_1177 = arith.constant 1.000000e+00 : f32
    %div3A_1178 = arith.divf %div3A_1177, %sub3A_1176 : f32
    %mul3A_1179 = vector.broadcast %div3A_1178 : f32 to vector<1000x128xf32>
    %mul3A_1180 = arith.mulf %sub3A_1175, %mul3A_1179 : vector<1000x128xf32>
    %mul3A_1181 = arith.mulf %mul3A_1180, %add3A_1037 : vector<1000x128xf32>
    %sub3A_1182 = vector.broadcast %get3A_43 : f32 to vector<1000x128xf32>
    %sub3A_1183 = arith.subf %sub3A_1182, %get3A_721 : vector<1000x128xf32>
    %sub3A_1184 = arith.subf %get3A_43, %get3A_34 : f32
    %div3A_1185 = arith.constant 1.000000e+00 : f32
    %div3A_1186 = arith.divf %div3A_1185, %sub3A_1184 : f32
    %mul3A_1187 = vector.broadcast %div3A_1186 : f32 to vector<1000x128xf32>
    %mul3A_1188 = arith.mulf %sub3A_1183, %mul3A_1187 : vector<1000x128xf32>
    %mul3A_1189 = arith.mulf %mul3A_1188, %add3A_1054 : vector<1000x128xf32>
    %add3A_1190 = arith.addf %mul3A_1181, %mul3A_1189 : vector<1000x128xf32>
    %sub3A_1191 = vector.broadcast %get3A_34 : f32 to vector<1000x128xf32>
    %sub3A_1192 = arith.subf %get3A_721, %sub3A_1191 : vector<1000x128xf32>
    %sub3A_1193 = arith.subf %get3A_43, %get3A_34 : f32
    %div3A_1194 = arith.constant 1.000000e+00 : f32
    %div3A_1195 = arith.divf %div3A_1194, %sub3A_1193 : f32
    %mul3A_1196 = vector.broadcast %div3A_1195 : f32 to vector<1000x128xf32>
    %mul3A_1197 = arith.mulf %sub3A_1192, %mul3A_1196 : vector<1000x128xf32>
    %mul3A_1198 = arith.mulf %mul3A_1197, %add3A_1054 : vector<1000x128xf32>
    %sub3A_1199 = vector.broadcast %get3A_46 : f32 to vector<1000x128xf32>
    %sub3A_1200 = arith.subf %sub3A_1199, %get3A_721 : vector<1000x128xf32>
    %sub3A_1201 = arith.subf %get3A_46, %get3A_37 : f32
    %div3A_1202 = arith.constant 1.000000e+00 : f32
    %div3A_1203 = arith.divf %div3A_1202, %sub3A_1201 : f32
    %mul3A_1204 = vector.broadcast %div3A_1203 : f32 to vector<1000x128xf32>
    %mul3A_1205 = arith.mulf %sub3A_1200, %mul3A_1204 : vector<1000x128xf32>
    %mul3A_1206 = arith.mulf %mul3A_1205, %add3A_1071 : vector<1000x128xf32>
    %add3A_1207 = arith.addf %mul3A_1198, %mul3A_1206 : vector<1000x128xf32>
    %sub3A_1208 = vector.broadcast %get3A_37 : f32 to vector<1000x128xf32>
    %sub3A_1209 = arith.subf %get3A_721, %sub3A_1208 : vector<1000x128xf32>
    %sub3A_1210 = arith.subf %get3A_46, %get3A_37 : f32
    %div3A_1211 = arith.constant 1.000000e+00 : f32
    %div3A_1212 = arith.divf %div3A_1211, %sub3A_1210 : f32
    %mul3A_1213 = vector.broadcast %div3A_1212 : f32 to vector<1000x128xf32>
    %mul3A_1214 = arith.mulf %sub3A_1209, %mul3A_1213 : vector<1000x128xf32>
    %mul3A_1215 = arith.mulf %mul3A_1214, %add3A_1071 : vector<1000x128xf32>
    %sub3A_1216 = vector.broadcast %get3A_49 : f32 to vector<1000x128xf32>
    %sub3A_1217 = arith.subf %sub3A_1216, %get3A_721 : vector<1000x128xf32>
    %sub3A_1218 = arith.subf %get3A_49, %get3A_40 : f32
    %div3A_1219 = arith.constant 1.000000e+00 : f32
    %div3A_1220 = arith.divf %div3A_1219, %sub3A_1218 : f32
    %mul3A_1221 = vector.broadcast %div3A_1220 : f32 to vector<1000x128xf32>
    %mul3A_1222 = arith.mulf %sub3A_1217, %mul3A_1221 : vector<1000x128xf32>
    %mul3A_1223 = arith.mulf %mul3A_1222, %add3A_1088 : vector<1000x128xf32>
    %add3A_1224 = arith.addf %mul3A_1215, %mul3A_1223 : vector<1000x128xf32>
    %sub3A_1225 = vector.broadcast %get3A_40 : f32 to vector<1000x128xf32>
    %sub3A_1226 = arith.subf %get3A_721, %sub3A_1225 : vector<1000x128xf32>
    %sub3A_1227 = arith.subf %get3A_49, %get3A_40 : f32
    %div3A_1228 = arith.constant 1.000000e+00 : f32
    %div3A_1229 = arith.divf %div3A_1228, %sub3A_1227 : f32
    %mul3A_1230 = vector.broadcast %div3A_1229 : f32 to vector<1000x128xf32>
    %mul3A_1231 = arith.mulf %sub3A_1226, %mul3A_1230 : vector<1000x128xf32>
    %mul3A_1232 = arith.mulf %mul3A_1231, %add3A_1088 : vector<1000x128xf32>
    %sub3A_1233 = vector.broadcast %get3A_52 : f32 to vector<1000x128xf32>
    %sub3A_1234 = arith.subf %sub3A_1233, %get3A_721 : vector<1000x128xf32>
    %sub3A_1235 = arith.subf %get3A_52, %get3A_43 : f32
    %div3A_1236 = arith.constant 1.000000e+00 : f32
    %div3A_1237 = arith.divf %div3A_1236, %sub3A_1235 : f32
    %mul3A_1238 = vector.broadcast %div3A_1237 : f32 to vector<1000x128xf32>
    %mul3A_1239 = arith.mulf %sub3A_1234, %mul3A_1238 : vector<1000x128xf32>
    %mul3A_1240 = arith.mulf %mul3A_1239, %add3A_1105 : vector<1000x128xf32>
    %add3A_1241 = arith.addf %mul3A_1232, %mul3A_1240 : vector<1000x128xf32>
    %sub3A_1242 = vector.broadcast %get3A_43 : f32 to vector<1000x128xf32>
    %sub3A_1243 = arith.subf %get3A_721, %sub3A_1242 : vector<1000x128xf32>
    %sub3A_1244 = arith.subf %get3A_52, %get3A_43 : f32
    %div3A_1245 = arith.constant 1.000000e+00 : f32
    %div3A_1246 = arith.divf %div3A_1245, %sub3A_1244 : f32
    %mul3A_1247 = vector.broadcast %div3A_1246 : f32 to vector<1000x128xf32>
    %mul3A_1248 = arith.mulf %sub3A_1243, %mul3A_1247 : vector<1000x128xf32>
    %mul3A_1249 = arith.mulf %mul3A_1248, %add3A_1105 : vector<1000x128xf32>
    %sub3A_1250 = vector.broadcast %get3A_55 : f32 to vector<1000x128xf32>
    %sub3A_1251 = arith.subf %sub3A_1250, %get3A_721 : vector<1000x128xf32>
    %sub3A_1252 = arith.subf %get3A_55, %get3A_46 : f32
    %div3A_1253 = arith.constant 1.000000e+00 : f32
    %div3A_1254 = arith.divf %div3A_1253, %sub3A_1252 : f32
    %mul3A_1255 = vector.broadcast %div3A_1254 : f32 to vector<1000x128xf32>
    %mul3A_1256 = arith.mulf %sub3A_1251, %mul3A_1255 : vector<1000x128xf32>
    %mul3A_1257 = arith.mulf %mul3A_1256, %add3A_1122 : vector<1000x128xf32>
    %add3A_1258 = arith.addf %mul3A_1249, %mul3A_1257 : vector<1000x128xf32>
    %sub3A_1259 = vector.broadcast %get3A_46 : f32 to vector<1000x128xf32>
    %sub3A_1260 = arith.subf %get3A_721, %sub3A_1259 : vector<1000x128xf32>
    %sub3A_1261 = arith.subf %get3A_55, %get3A_46 : f32
    %div3A_1262 = arith.constant 1.000000e+00 : f32
    %div3A_1263 = arith.divf %div3A_1262, %sub3A_1261 : f32
    %mul3A_1264 = vector.broadcast %div3A_1263 : f32 to vector<1000x128xf32>
    %mul3A_1265 = arith.mulf %sub3A_1260, %mul3A_1264 : vector<1000x128xf32>
    %mul3A_1266 = arith.mulf %mul3A_1265, %add3A_1122 : vector<1000x128xf32>
    %sub3A_1267 = vector.broadcast %get3A_58 : f32 to vector<1000x128xf32>
    %sub3A_1268 = arith.subf %sub3A_1267, %get3A_721 : vector<1000x128xf32>
    %sub3A_1269 = arith.subf %get3A_58, %get3A_49 : f32
    %div3A_1270 = arith.constant 1.000000e+00 : f32
    %div3A_1271 = arith.divf %div3A_1270, %sub3A_1269 : f32
    %mul3A_1272 = vector.broadcast %div3A_1271 : f32 to vector<1000x128xf32>
    %mul3A_1273 = arith.mulf %sub3A_1268, %mul3A_1272 : vector<1000x128xf32>
    %mul3A_1274 = arith.mulf %mul3A_1273, %add3A_1139 : vector<1000x128xf32>
    %add3A_1275 = arith.addf %mul3A_1266, %mul3A_1274 : vector<1000x128xf32>
    %sub3A_1276 = vector.broadcast %get3A_49 : f32 to vector<1000x128xf32>
    %sub3A_1277 = arith.subf %get3A_721, %sub3A_1276 : vector<1000x128xf32>
    %sub3A_1278 = arith.subf %get3A_58, %get3A_49 : f32
    %div3A_1279 = arith.constant 1.000000e+00 : f32
    %div3A_1280 = arith.divf %div3A_1279, %sub3A_1278 : f32
    %mul3A_1281 = vector.broadcast %div3A_1280 : f32 to vector<1000x128xf32>
    %mul3A_1282 = arith.mulf %sub3A_1277, %mul3A_1281 : vector<1000x128xf32>
    %mul3A_1283 = arith.mulf %mul3A_1282, %add3A_1139 : vector<1000x128xf32>
    %sub3A_1284 = vector.broadcast %get3A_61 : f32 to vector<1000x128xf32>
    %sub3A_1285 = arith.subf %sub3A_1284, %get3A_721 : vector<1000x128xf32>
    %sub3A_1286 = arith.subf %get3A_61, %get3A_52 : f32
    %div3A_1287 = arith.constant 1.000000e+00 : f32
    %div3A_1288 = arith.divf %div3A_1287, %sub3A_1286 : f32
    %mul3A_1289 = vector.broadcast %div3A_1288 : f32 to vector<1000x128xf32>
    %mul3A_1290 = arith.mulf %sub3A_1285, %mul3A_1289 : vector<1000x128xf32>
    %mul3A_1291 = arith.mulf %mul3A_1290, %add3A_1156 : vector<1000x128xf32>
    %add3A_1292 = arith.addf %mul3A_1283, %mul3A_1291 : vector<1000x128xf32>
    %sub3A_1293 = vector.broadcast %get3A_52 : f32 to vector<1000x128xf32>
    %sub3A_1294 = arith.subf %get3A_721, %sub3A_1293 : vector<1000x128xf32>
    %sub3A_1295 = arith.subf %get3A_61, %get3A_52 : f32
    %div3A_1296 = arith.constant 1.000000e+00 : f32
    %div3A_1297 = arith.divf %div3A_1296, %sub3A_1295 : f32
    %mul3A_1298 = vector.broadcast %div3A_1297 : f32 to vector<1000x128xf32>
    %mul3A_1299 = arith.mulf %sub3A_1294, %mul3A_1298 : vector<1000x128xf32>
    %mul3A_1300 = arith.mulf %mul3A_1299, %add3A_1156 : vector<1000x128xf32>
    %sub3A_1301 = vector.broadcast %get3A_64 : f32 to vector<1000x128xf32>
    %sub3A_1302 = arith.subf %sub3A_1301, %get3A_721 : vector<1000x128xf32>
    %sub3A_1303 = arith.subf %get3A_64, %get3A_55 : f32
    %div3A_1304 = arith.constant 1.000000e+00 : f32
    %div3A_1305 = arith.divf %div3A_1304, %sub3A_1303 : f32
    %mul3A_1306 = vector.broadcast %div3A_1305 : f32 to vector<1000x128xf32>
    %mul3A_1307 = arith.mulf %sub3A_1302, %mul3A_1306 : vector<1000x128xf32>
    %mul3A_1308 = arith.mulf %mul3A_1307, %add3A_1173 : vector<1000x128xf32>
    %add3A_1309 = arith.addf %mul3A_1300, %mul3A_1308 : vector<1000x128xf32>
    %get3A_1310 = arith.constant 0 : index
    %get3A_1311 = arith.constant 0 : index
    %get3A_1312 = arith.constant 0 : index
    %get3A_1313 = vector.load %arg13[%get3A_1310, %get3A_1311, %get3A_1312] : memref<128x8x40xf32, #tpu.memory_space<vmem>>, vector<128x1x40xf32>
    %get3A_1314 = vector.shape_cast %get3A_1313 : vector<128x1x40xf32> to vector<128x40xf32>
    %mul3A_1315 = arith.mulf %get3A_1314, %get3A_727 : vector<128x40xf32>
    %dot_general3A_1316 = arith.constant dense<0.000000e+00> : vector<1000x40xf32>
    %dot_general3A_1317 = tpu.matmul %add3A_1190, %mul3A_1315, %dot_general3A_1316 {dimension_numbers = #tpu.dot_dimension_numbers<[1], [0], [0], [1], [0, 0, 1, 1], [], []>, transpose_lhs_hint = false} : vector<1000x128xf32>, vector<128x40xf32>, vector<1000x40xf32> -> vector<1000x40xf32>
    %add3A_1318 = arith.addf %dot_general3A_740, %dot_general3A_1317 : vector<1000x40xf32>
    %get3A_1319 = arith.constant 0 : index
    %get3A_1320 = arith.constant 1 : index
    %get3A_1321 = arith.constant 0 : index
    %get3A_1322 = vector.load %arg13[%get3A_1319, %get3A_1320, %get3A_1321] : memref<128x8x40xf32, #tpu.memory_space<vmem>>, vector<128x1x40xf32>
    %get3A_1323 = vector.shape_cast %get3A_1322 : vector<128x1x40xf32> to vector<128x40xf32>
    %mul3A_1324 = arith.mulf %get3A_1323, %get3A_727 : vector<128x40xf32>
    %dot_general3A_1325 = arith.constant dense<0.000000e+00> : vector<1000x40xf32>
    %dot_general3A_1326 = tpu.matmul %add3A_1207, %mul3A_1324, %dot_general3A_1325 {dimension_numbers = #tpu.dot_dimension_numbers<[1], [0], [0], [1], [0, 0, 1, 1], [], []>, transpose_lhs_hint = false} : vector<1000x128xf32>, vector<128x40xf32>, vector<1000x40xf32> -> vector<1000x40xf32>
    %add3A_1327 = arith.addf %add3A_1318, %dot_general3A_1326 : vector<1000x40xf32>
    %get3A_1328 = arith.constant 0 : index
    %get3A_1329 = arith.constant 2 : index
    %get3A_1330 = arith.constant 0 : index
    %get3A_1331 = vector.load %arg13[%get3A_1328, %get3A_1329, %get3A_1330] : memref<128x8x40xf32, #tpu.memory_space<vmem>>, vector<128x1x40xf32>
    %get3A_1332 = vector.shape_cast %get3A_1331 : vector<128x1x40xf32> to vector<128x40xf32>
    %mul3A_1333 = arith.mulf %get3A_1332, %get3A_727 : vector<128x40xf32>
    %dot_general3A_1334 = arith.constant dense<0.000000e+00> : vector<1000x40xf32>
    %dot_general3A_1335 = tpu.matmul %add3A_1224, %mul3A_1333, %dot_general3A_1334 {dimension_numbers = #tpu.dot_dimension_numbers<[1], [0], [0], [1], [0, 0, 1, 1], [], []>, transpose_lhs_hint = false} : vector<1000x128xf32>, vector<128x40xf32>, vector<1000x40xf32> -> vector<1000x40xf32>
    %add3A_1336 = arith.addf %add3A_1327, %dot_general3A_1335 : vector<1000x40xf32>
    %get3A_1337 = arith.constant 0 : index
    %get3A_1338 = arith.constant 3 : index
    %get3A_1339 = arith.constant 0 : index
    %get3A_1340 = vector.load %arg13[%get3A_1337, %get3A_1338, %get3A_1339] : memref<128x8x40xf32, #tpu.memory_space<vmem>>, vector<128x1x40xf32>
    %get3A_1341 = vector.shape_cast %get3A_1340 : vector<128x1x40xf32> to vector<128x40xf32>
    %mul3A_1342 = arith.mulf %get3A_1341, %get3A_727 : vector<128x40xf32>
    %dot_general3A_1343 = arith.constant dense<0.000000e+00> : vector<1000x40xf32>
    %dot_general3A_1344 = tpu.matmul %add3A_1241, %mul3A_1342, %dot_general3A_1343 {dimension_numbers = #tpu.dot_dimension_numbers<[1], [0], [0], [1], [0, 0, 1, 1], [], []>, transpose_lhs_hint = false} : vector<1000x128xf32>, vector<128x40xf32>, vector<1000x40xf32> -> vector<1000x40xf32>
    %add3A_1345 = arith.addf %add3A_1336, %dot_general3A_1344 : vector<1000x40xf32>
    %get3A_1346 = arith.constant 0 : index
    %get3A_1347 = arith.constant 4 : index
    %get3A_1348 = arith.constant 0 : index
    %get3A_1349 = vector.load %arg13[%get3A_1346, %get3A_1347, %get3A_1348] : memref<128x8x40xf32, #tpu.memory_space<vmem>>, vector<128x1x40xf32>
    %get3A_1350 = vector.shape_cast %get3A_1349 : vector<128x1x40xf32> to vector<128x40xf32>
    %mul3A_1351 = arith.mulf %get3A_1350, %get3A_727 : vector<128x40xf32>
    %dot_general3A_1352 = arith.constant dense<0.000000e+00> : vector<1000x40xf32>
    %dot_general3A_1353 = tpu.matmul %add3A_1258, %mul3A_1351, %dot_general3A_1352 {dimension_numbers = #tpu.dot_dimension_numbers<[1], [0], [0], [1], [0, 0, 1, 1], [], []>, transpose_lhs_hint = false} : vector<1000x128xf32>, vector<128x40xf32>, vector<1000x40xf32> -> vector<1000x40xf32>
    %add3A_1354 = arith.addf %add3A_1345, %dot_general3A_1353 : vector<1000x40xf32>
    %get3A_1355 = arith.constant 0 : index
    %get3A_1356 = arith.constant 5 : index
    %get3A_1357 = arith.constant 0 : index
    %get3A_1358 = vector.load %arg13[%get3A_1355, %get3A_1356, %get3A_1357] : memref<128x8x40xf32, #tpu.memory_space<vmem>>, vector<128x1x40xf32>
    %get3A_1359 = vector.shape_cast %get3A_1358 : vector<128x1x40xf32> to vector<128x40xf32>
    %mul3A_1360 = arith.mulf %get3A_1359, %get3A_727 : vector<128x40xf32>
    %dot_general3A_1361 = arith.constant dense<0.000000e+00> : vector<1000x40xf32>
    %dot_general3A_1362 = tpu.matmul %add3A_1275, %mul3A_1360, %dot_general3A_1361 {dimension_numbers = #tpu.dot_dimension_numbers<[1], [0], [0], [1], [0, 0, 1, 1], [], []>, transpose_lhs_hint = false} : vector<1000x128xf32>, vector<128x40xf32>, vector<1000x40xf32> -> vector<1000x40xf32>
    %add3A_1363 = arith.addf %add3A_1354, %dot_general3A_1362 : vector<1000x40xf32>
    %get3A_1364 = arith.constant 0 : index
    %get3A_1365 = arith.constant 6 : index
    %get3A_1366 = arith.constant 0 : index
    %get3A_1367 = vector.load %arg13[%get3A_1364, %get3A_1365, %get3A_1366] : memref<128x8x40xf32, #tpu.memory_space<vmem>>, vector<128x1x40xf32>
    %get3A_1368 = vector.shape_cast %get3A_1367 : vector<128x1x40xf32> to vector<128x40xf32>
    %mul3A_1369 = arith.mulf %get3A_1368, %get3A_727 : vector<128x40xf32>
    %dot_general3A_1370 = arith.constant dense<0.000000e+00> : vector<1000x40xf32>
    %dot_general3A_1371 = tpu.matmul %add3A_1292, %mul3A_1369, %dot_general3A_1370 {dimension_numbers = #tpu.dot_dimension_numbers<[1], [0], [0], [1], [0, 0, 1, 1], [], []>, transpose_lhs_hint = false} : vector<1000x128xf32>, vector<128x40xf32>, vector<1000x40xf32> -> vector<1000x40xf32>
    %add3A_1372 = arith.addf %add3A_1363, %dot_general3A_1371 : vector<1000x40xf32>
    %get3A_1373 = arith.constant 0 : index
    %get3A_1374 = arith.constant 7 : index
    %get3A_1375 = arith.constant 0 : index
    %get3A_1376 = vector.load %arg13[%get3A_1373, %get3A_1374, %get3A_1375] : memref<128x8x40xf32, #tpu.memory_space<vmem>>, vector<128x1x40xf32>
    %get3A_1377 = vector.shape_cast %get3A_1376 : vector<128x1x40xf32> to vector<128x40xf32>
    %mul3A_1378 = arith.mulf %get3A_1377, %get3A_727 : vector<128x40xf32>
    %dot_general3A_1379 = arith.constant dense<0.000000e+00> : vector<1000x40xf32>
    %dot_general3A_1380 = tpu.matmul %add3A_1309, %mul3A_1378, %dot_general3A_1379 {dimension_numbers = #tpu.dot_dimension_numbers<[1], [0], [0], [1], [0, 0, 1, 1], [], []>, transpose_lhs_hint = false} : vector<1000x128xf32>, vector<128x40xf32>, vector<1000x40xf32> -> vector<1000x40xf32>
    %add3A_1381 = arith.addf %add3A_1372, %dot_general3A_1380 : vector<1000x40xf32>
    %add3A_1382 = arith.addf %add3A_718, %add3A_1381 : vector<1000x40xf32>
    %get3A_1383 = arith.constant 0 : index
    %get3A_1384 = arith.constant 0 : index
    %get3A_1385 = vector.load %arg15[%get3A_1383, %get3A_1384] : memref<128x40xf32, #tpu.memory_space<vmem>>, vector<128x40xf32>
    %get3A_1386 = arith.constant 0 : index
    %get3A_1387 = arith.constant 0 : index
    %get3A_1388 = vector.load %arg17[%get3A_1386, %get3A_1387] : memref<128x40xf32, #tpu.memory_space<vmem>>, vector<128x40xf32>
    %neg3A_1389 = arith.constant 0.000000e+00 : f32
    %neg3A_1390 = vector.broadcast %neg3A_1389 : f32 to vector<1000x128xf32>
    %neg3A_1391 = arith.subf %neg3A_1390, %add3A_28 : vector<1000x128xf32>
    %exp3A_1392 = math.exp %neg3A_1391 : vector<1000x128xf32>
    %add3A_1393 = arith.constant 1.000000e+00 : f32
    %add3A_1394 = vector.broadcast %add3A_1393 : f32 to vector<1000x128xf32>
    %add3A_1395 = arith.addf %add3A_1394, %exp3A_1392 : vector<1000x128xf32>
    %div3A_1396 = arith.constant 1.000000e+00 : f32
    %div3A_1397 = vector.broadcast %div3A_1396 : f32 to vector<1000x128xf32>
    %div3A_1398 = arith.divf %div3A_1397, %add3A_1395 : vector<1000x128xf32>
    %mul3A_1399 = arith.mulf %add3A_28, %div3A_1398 : vector<1000x128xf32>
    %dot_general3A_1400 = arith.constant dense<0.000000e+00> : vector<1000x40xf32>
    %dot_general3A_1401 = tpu.matmul %mul3A_1399, %get3A_1385, %dot_general3A_1400 {dimension_numbers = #tpu.dot_dimension_numbers<[1], [0], [0], [1], [0, 0, 1, 1], [], []>, transpose_lhs_hint = false} : vector<1000x128xf32>, vector<128x40xf32>, vector<1000x40xf32> -> vector<1000x40xf32>
    %ge3A_1402 = vector.broadcast %get3A_31 : f32 to vector<1000x128xf32>
    %ge3A_1403 = arith.cmpf oge, %add3A_28, %ge3A_1402 : vector<1000x128xf32>
    %lt3A_1404 = vector.broadcast %get3A_34 : f32 to vector<1000x128xf32>
    %lt3A_1405 = arith.cmpf olt, %add3A_28, %lt3A_1404 : vector<1000x128xf32>
    %and3A_1406 = arith.andi %ge3A_1403, %lt3A_1405 : vector<1000x128xi1>
    %jit3A_1407 = arith.constant 1.000000e+00 : f32
    %jit3A_1408 = arith.constant 0.000000e+00 : f32
    %broadcast_in_dim3A_1409 = vector.broadcast %jit3A_1407 : f32 to vector<1000x128xf32>
    %broadcast_in_dim3A_1410 = vector.broadcast %jit3A_1408 : f32 to vector<1000x128xf32>
    %select_n3A_1411 = arith.select %and3A_1406, %broadcast_in_dim3A_1409, %broadcast_in_dim3A_1410 : vector<1000x128xi1>, vector<1000x128xf32>
    %ge3A_1412 = vector.broadcast %get3A_34 : f32 to vector<1000x128xf32>
    %ge3A_1413 = arith.cmpf oge, %add3A_28, %ge3A_1412 : vector<1000x128xf32>
    %lt3A_1414 = vector.broadcast %get3A_37 : f32 to vector<1000x128xf32>
    %lt3A_1415 = arith.cmpf olt, %add3A_28, %lt3A_1414 : vector<1000x128xf32>
    %and3A_1416 = arith.andi %ge3A_1413, %lt3A_1415 : vector<1000x128xi1>
    %jit3A_1417 = arith.constant 1.000000e+00 : f32
    %jit3A_1418 = arith.constant 0.000000e+00 : f32
    %broadcast_in_dim3A_1419 = vector.broadcast %jit3A_1417 : f32 to vector<1000x128xf32>
    %broadcast_in_dim3A_1420 = vector.broadcast %jit3A_1418 : f32 to vector<1000x128xf32>
    %select_n3A_1421 = arith.select %and3A_1416, %broadcast_in_dim3A_1419, %broadcast_in_dim3A_1420 : vector<1000x128xi1>, vector<1000x128xf32>
    %ge3A_1422 = vector.broadcast %get3A_37 : f32 to vector<1000x128xf32>
    %ge3A_1423 = arith.cmpf oge, %add3A_28, %ge3A_1422 : vector<1000x128xf32>
    %lt3A_1424 = vector.broadcast %get3A_40 : f32 to vector<1000x128xf32>
    %lt3A_1425 = arith.cmpf olt, %add3A_28, %lt3A_1424 : vector<1000x128xf32>
    %and3A_1426 = arith.andi %ge3A_1423, %lt3A_1425 : vector<1000x128xi1>
    %jit3A_1427 = arith.constant 1.000000e+00 : f32
    %jit3A_1428 = arith.constant 0.000000e+00 : f32
    %broadcast_in_dim3A_1429 = vector.broadcast %jit3A_1427 : f32 to vector<1000x128xf32>
    %broadcast_in_dim3A_1430 = vector.broadcast %jit3A_1428 : f32 to vector<1000x128xf32>
    %select_n3A_1431 = arith.select %and3A_1426, %broadcast_in_dim3A_1429, %broadcast_in_dim3A_1430 : vector<1000x128xi1>, vector<1000x128xf32>
    %ge3A_1432 = vector.broadcast %get3A_40 : f32 to vector<1000x128xf32>
    %ge3A_1433 = arith.cmpf oge, %add3A_28, %ge3A_1432 : vector<1000x128xf32>
    %lt3A_1434 = vector.broadcast %get3A_43 : f32 to vector<1000x128xf32>
    %lt3A_1435 = arith.cmpf olt, %add3A_28, %lt3A_1434 : vector<1000x128xf32>
    %and3A_1436 = arith.andi %ge3A_1433, %lt3A_1435 : vector<1000x128xi1>
    %jit3A_1437 = arith.constant 1.000000e+00 : f32
    %jit3A_1438 = arith.constant 0.000000e+00 : f32
    %broadcast_in_dim3A_1439 = vector.broadcast %jit3A_1437 : f32 to vector<1000x128xf32>
    %broadcast_in_dim3A_1440 = vector.broadcast %jit3A_1438 : f32 to vector<1000x128xf32>
    %select_n3A_1441 = arith.select %and3A_1436, %broadcast_in_dim3A_1439, %broadcast_in_dim3A_1440 : vector<1000x128xi1>, vector<1000x128xf32>
    %ge3A_1442 = vector.broadcast %get3A_43 : f32 to vector<1000x128xf32>
    %ge3A_1443 = arith.cmpf oge, %add3A_28, %ge3A_1442 : vector<1000x128xf32>
    %lt3A_1444 = vector.broadcast %get3A_46 : f32 to vector<1000x128xf32>
    %lt3A_1445 = arith.cmpf olt, %add3A_28, %lt3A_1444 : vector<1000x128xf32>
    %and3A_1446 = arith.andi %ge3A_1443, %lt3A_1445 : vector<1000x128xi1>
    %jit3A_1447 = arith.constant 1.000000e+00 : f32
    %jit3A_1448 = arith.constant 0.000000e+00 : f32
    %broadcast_in_dim3A_1449 = vector.broadcast %jit3A_1447 : f32 to vector<1000x128xf32>
    %broadcast_in_dim3A_1450 = vector.broadcast %jit3A_1448 : f32 to vector<1000x128xf32>
    %select_n3A_1451 = arith.select %and3A_1446, %broadcast_in_dim3A_1449, %broadcast_in_dim3A_1450 : vector<1000x128xi1>, vector<1000x128xf32>
    %ge3A_1452 = vector.broadcast %get3A_46 : f32 to vector<1000x128xf32>
    %ge3A_1453 = arith.cmpf oge, %add3A_28, %ge3A_1452 : vector<1000x128xf32>
    %lt3A_1454 = vector.broadcast %get3A_49 : f32 to vector<1000x128xf32>
    %lt3A_1455 = arith.cmpf olt, %add3A_28, %lt3A_1454 : vector<1000x128xf32>
    %and3A_1456 = arith.andi %ge3A_1453, %lt3A_1455 : vector<1000x128xi1>
    %jit3A_1457 = arith.constant 1.000000e+00 : f32
    %jit3A_1458 = arith.constant 0.000000e+00 : f32
    %broadcast_in_dim3A_1459 = vector.broadcast %jit3A_1457 : f32 to vector<1000x128xf32>
    %broadcast_in_dim3A_1460 = vector.broadcast %jit3A_1458 : f32 to vector<1000x128xf32>
    %select_n3A_1461 = arith.select %and3A_1456, %broadcast_in_dim3A_1459, %broadcast_in_dim3A_1460 : vector<1000x128xi1>, vector<1000x128xf32>
    %ge3A_1462 = vector.broadcast %get3A_49 : f32 to vector<1000x128xf32>
    %ge3A_1463 = arith.cmpf oge, %add3A_28, %ge3A_1462 : vector<1000x128xf32>
    %lt3A_1464 = vector.broadcast %get3A_52 : f32 to vector<1000x128xf32>
    %lt3A_1465 = arith.cmpf olt, %add3A_28, %lt3A_1464 : vector<1000x128xf32>
    %and3A_1466 = arith.andi %ge3A_1463, %lt3A_1465 : vector<1000x128xi1>
    %jit3A_1467 = arith.constant 1.000000e+00 : f32
    %jit3A_1468 = arith.constant 0.000000e+00 : f32
    %broadcast_in_dim3A_1469 = vector.broadcast %jit3A_1467 : f32 to vector<1000x128xf32>
    %broadcast_in_dim3A_1470 = vector.broadcast %jit3A_1468 : f32 to vector<1000x128xf32>
    %select_n3A_1471 = arith.select %and3A_1466, %broadcast_in_dim3A_1469, %broadcast_in_dim3A_1470 : vector<1000x128xi1>, vector<1000x128xf32>
    %ge3A_1472 = vector.broadcast %get3A_52 : f32 to vector<1000x128xf32>
    %ge3A_1473 = arith.cmpf oge, %add3A_28, %ge3A_1472 : vector<1000x128xf32>
    %lt3A_1474 = vector.broadcast %get3A_55 : f32 to vector<1000x128xf32>
    %lt3A_1475 = arith.cmpf olt, %add3A_28, %lt3A_1474 : vector<1000x128xf32>
    %and3A_1476 = arith.andi %ge3A_1473, %lt3A_1475 : vector<1000x128xi1>
    %jit3A_1477 = arith.constant 1.000000e+00 : f32
    %jit3A_1478 = arith.constant 0.000000e+00 : f32
    %broadcast_in_dim3A_1479 = vector.broadcast %jit3A_1477 : f32 to vector<1000x128xf32>
    %broadcast_in_dim3A_1480 = vector.broadcast %jit3A_1478 : f32 to vector<1000x128xf32>
    %select_n3A_1481 = arith.select %and3A_1476, %broadcast_in_dim3A_1479, %broadcast_in_dim3A_1480 : vector<1000x128xi1>, vector<1000x128xf32>
    %ge3A_1482 = vector.broadcast %get3A_55 : f32 to vector<1000x128xf32>
    %ge3A_1483 = arith.cmpf oge, %add3A_28, %ge3A_1482 : vector<1000x128xf32>
    %lt3A_1484 = vector.broadcast %get3A_58 : f32 to vector<1000x128xf32>
    %lt3A_1485 = arith.cmpf olt, %add3A_28, %lt3A_1484 : vector<1000x128xf32>
    %and3A_1486 = arith.andi %ge3A_1483, %lt3A_1485 : vector<1000x128xi1>
    %jit3A_1487 = arith.constant 1.000000e+00 : f32
    %jit3A_1488 = arith.constant 0.000000e+00 : f32
    %broadcast_in_dim3A_1489 = vector.broadcast %jit3A_1487 : f32 to vector<1000x128xf32>
    %broadcast_in_dim3A_1490 = vector.broadcast %jit3A_1488 : f32 to vector<1000x128xf32>
    %select_n3A_1491 = arith.select %and3A_1486, %broadcast_in_dim3A_1489, %broadcast_in_dim3A_1490 : vector<1000x128xi1>, vector<1000x128xf32>
    %ge3A_1492 = vector.broadcast %get3A_58 : f32 to vector<1000x128xf32>
    %ge3A_1493 = arith.cmpf oge, %add3A_28, %ge3A_1492 : vector<1000x128xf32>
    %lt3A_1494 = vector.broadcast %get3A_61 : f32 to vector<1000x128xf32>
    %lt3A_1495 = arith.cmpf olt, %add3A_28, %lt3A_1494 : vector<1000x128xf32>
    %and3A_1496 = arith.andi %ge3A_1493, %lt3A_1495 : vector<1000x128xi1>
    %jit3A_1497 = arith.constant 1.000000e+00 : f32
    %jit3A_1498 = arith.constant 0.000000e+00 : f32
    %broadcast_in_dim3A_1499 = vector.broadcast %jit3A_1497 : f32 to vector<1000x128xf32>
    %broadcast_in_dim3A_1500 = vector.broadcast %jit3A_1498 : f32 to vector<1000x128xf32>
    %select_n3A_1501 = arith.select %and3A_1496, %broadcast_in_dim3A_1499, %broadcast_in_dim3A_1500 : vector<1000x128xi1>, vector<1000x128xf32>
    %ge3A_1502 = vector.broadcast %get3A_61 : f32 to vector<1000x128xf32>
    %ge3A_1503 = arith.cmpf oge, %add3A_28, %ge3A_1502 : vector<1000x128xf32>
    %lt3A_1504 = vector.broadcast %get3A_64 : f32 to vector<1000x128xf32>
    %lt3A_1505 = arith.cmpf olt, %add3A_28, %lt3A_1504 : vector<1000x128xf32>
    %and3A_1506 = arith.andi %ge3A_1503, %lt3A_1505 : vector<1000x128xi1>
    %jit3A_1507 = arith.constant 1.000000e+00 : f32
    %jit3A_1508 = arith.constant 0.000000e+00 : f32
    %broadcast_in_dim3A_1509 = vector.broadcast %jit3A_1507 : f32 to vector<1000x128xf32>
    %broadcast_in_dim3A_1510 = vector.broadcast %jit3A_1508 : f32 to vector<1000x128xf32>
    %select_n3A_1511 = arith.select %and3A_1506, %broadcast_in_dim3A_1509, %broadcast_in_dim3A_1510 : vector<1000x128xi1>, vector<1000x128xf32>
    %sub3A_1512 = vector.broadcast %get3A_31 : f32 to vector<1000x128xf32>
    %sub3A_1513 = arith.subf %add3A_28, %sub3A_1512 : vector<1000x128xf32>
    %sub3A_1514 = arith.subf %get3A_34, %get3A_31 : f32
    %div3A_1515 = arith.constant 1.000000e+00 : f32
    %div3A_1516 = arith.divf %div3A_1515, %sub3A_1514 : f32
    %mul3A_1517 = vector.broadcast %div3A_1516 : f32 to vector<1000x128xf32>
    %mul3A_1518 = arith.mulf %sub3A_1513, %mul3A_1517 : vector<1000x128xf32>
    %mul3A_1519 = arith.mulf %mul3A_1518, %select_n3A_1411 : vector<1000x128xf32>
    %sub3A_1520 = vector.broadcast %get3A_37 : f32 to vector<1000x128xf32>
    %sub3A_1521 = arith.subf %sub3A_1520, %add3A_28 : vector<1000x128xf32>
    %sub3A_1522 = arith.subf %get3A_37, %get3A_34 : f32
    %div3A_1523 = arith.constant 1.000000e+00 : f32
    %div3A_1524 = arith.divf %div3A_1523, %sub3A_1522 : f32
    %mul3A_1525 = vector.broadcast %div3A_1524 : f32 to vector<1000x128xf32>
    %mul3A_1526 = arith.mulf %sub3A_1521, %mul3A_1525 : vector<1000x128xf32>
    %mul3A_1527 = arith.mulf %mul3A_1526, %select_n3A_1421 : vector<1000x128xf32>
    %add3A_1528 = arith.addf %mul3A_1519, %mul3A_1527 : vector<1000x128xf32>
    %sub3A_1529 = vector.broadcast %get3A_34 : f32 to vector<1000x128xf32>
    %sub3A_1530 = arith.subf %add3A_28, %sub3A_1529 : vector<1000x128xf32>
    %sub3A_1531 = arith.subf %get3A_37, %get3A_34 : f32
    %div3A_1532 = arith.constant 1.000000e+00 : f32
    %div3A_1533 = arith.divf %div3A_1532, %sub3A_1531 : f32
    %mul3A_1534 = vector.broadcast %div3A_1533 : f32 to vector<1000x128xf32>
    %mul3A_1535 = arith.mulf %sub3A_1530, %mul3A_1534 : vector<1000x128xf32>
    %mul3A_1536 = arith.mulf %mul3A_1535, %select_n3A_1421 : vector<1000x128xf32>
    %sub3A_1537 = vector.broadcast %get3A_40 : f32 to vector<1000x128xf32>
    %sub3A_1538 = arith.subf %sub3A_1537, %add3A_28 : vector<1000x128xf32>
    %sub3A_1539 = arith.subf %get3A_40, %get3A_37 : f32
    %div3A_1540 = arith.constant 1.000000e+00 : f32
    %div3A_1541 = arith.divf %div3A_1540, %sub3A_1539 : f32
    %mul3A_1542 = vector.broadcast %div3A_1541 : f32 to vector<1000x128xf32>
    %mul3A_1543 = arith.mulf %sub3A_1538, %mul3A_1542 : vector<1000x128xf32>
    %mul3A_1544 = arith.mulf %mul3A_1543, %select_n3A_1431 : vector<1000x128xf32>
    %add3A_1545 = arith.addf %mul3A_1536, %mul3A_1544 : vector<1000x128xf32>
    %sub3A_1546 = vector.broadcast %get3A_37 : f32 to vector<1000x128xf32>
    %sub3A_1547 = arith.subf %add3A_28, %sub3A_1546 : vector<1000x128xf32>
    %sub3A_1548 = arith.subf %get3A_40, %get3A_37 : f32
    %div3A_1549 = arith.constant 1.000000e+00 : f32
    %div3A_1550 = arith.divf %div3A_1549, %sub3A_1548 : f32
    %mul3A_1551 = vector.broadcast %div3A_1550 : f32 to vector<1000x128xf32>
    %mul3A_1552 = arith.mulf %sub3A_1547, %mul3A_1551 : vector<1000x128xf32>
    %mul3A_1553 = arith.mulf %mul3A_1552, %select_n3A_1431 : vector<1000x128xf32>
    %sub3A_1554 = vector.broadcast %get3A_43 : f32 to vector<1000x128xf32>
    %sub3A_1555 = arith.subf %sub3A_1554, %add3A_28 : vector<1000x128xf32>
    %sub3A_1556 = arith.subf %get3A_43, %get3A_40 : f32
    %div3A_1557 = arith.constant 1.000000e+00 : f32
    %div3A_1558 = arith.divf %div3A_1557, %sub3A_1556 : f32
    %mul3A_1559 = vector.broadcast %div3A_1558 : f32 to vector<1000x128xf32>
    %mul3A_1560 = arith.mulf %sub3A_1555, %mul3A_1559 : vector<1000x128xf32>
    %mul3A_1561 = arith.mulf %mul3A_1560, %select_n3A_1441 : vector<1000x128xf32>
    %add3A_1562 = arith.addf %mul3A_1553, %mul3A_1561 : vector<1000x128xf32>
    %sub3A_1563 = vector.broadcast %get3A_40 : f32 to vector<1000x128xf32>
    %sub3A_1564 = arith.subf %add3A_28, %sub3A_1563 : vector<1000x128xf32>
    %sub3A_1565 = arith.subf %get3A_43, %get3A_40 : f32
    %div3A_1566 = arith.constant 1.000000e+00 : f32
    %div3A_1567 = arith.divf %div3A_1566, %sub3A_1565 : f32
    %mul3A_1568 = vector.broadcast %div3A_1567 : f32 to vector<1000x128xf32>
    %mul3A_1569 = arith.mulf %sub3A_1564, %mul3A_1568 : vector<1000x128xf32>
    %mul3A_1570 = arith.mulf %mul3A_1569, %select_n3A_1441 : vector<1000x128xf32>
    %sub3A_1571 = vector.broadcast %get3A_46 : f32 to vector<1000x128xf32>
    %sub3A_1572 = arith.subf %sub3A_1571, %add3A_28 : vector<1000x128xf32>
    %sub3A_1573 = arith.subf %get3A_46, %get3A_43 : f32
    %div3A_1574 = arith.constant 1.000000e+00 : f32
    %div3A_1575 = arith.divf %div3A_1574, %sub3A_1573 : f32
    %mul3A_1576 = vector.broadcast %div3A_1575 : f32 to vector<1000x128xf32>
    %mul3A_1577 = arith.mulf %sub3A_1572, %mul3A_1576 : vector<1000x128xf32>
    %mul3A_1578 = arith.mulf %mul3A_1577, %select_n3A_1451 : vector<1000x128xf32>
    %add3A_1579 = arith.addf %mul3A_1570, %mul3A_1578 : vector<1000x128xf32>
    %sub3A_1580 = vector.broadcast %get3A_43 : f32 to vector<1000x128xf32>
    %sub3A_1581 = arith.subf %add3A_28, %sub3A_1580 : vector<1000x128xf32>
    %sub3A_1582 = arith.subf %get3A_46, %get3A_43 : f32
    %div3A_1583 = arith.constant 1.000000e+00 : f32
    %div3A_1584 = arith.divf %div3A_1583, %sub3A_1582 : f32
    %mul3A_1585 = vector.broadcast %div3A_1584 : f32 to vector<1000x128xf32>
    %mul3A_1586 = arith.mulf %sub3A_1581, %mul3A_1585 : vector<1000x128xf32>
    %mul3A_1587 = arith.mulf %mul3A_1586, %select_n3A_1451 : vector<1000x128xf32>
    %sub3A_1588 = vector.broadcast %get3A_49 : f32 to vector<1000x128xf32>
    %sub3A_1589 = arith.subf %sub3A_1588, %add3A_28 : vector<1000x128xf32>
    %sub3A_1590 = arith.subf %get3A_49, %get3A_46 : f32
    %div3A_1591 = arith.constant 1.000000e+00 : f32
    %div3A_1592 = arith.divf %div3A_1591, %sub3A_1590 : f32
    %mul3A_1593 = vector.broadcast %div3A_1592 : f32 to vector<1000x128xf32>
    %mul3A_1594 = arith.mulf %sub3A_1589, %mul3A_1593 : vector<1000x128xf32>
    %mul3A_1595 = arith.mulf %mul3A_1594, %select_n3A_1461 : vector<1000x128xf32>
    %add3A_1596 = arith.addf %mul3A_1587, %mul3A_1595 : vector<1000x128xf32>
    %sub3A_1597 = vector.broadcast %get3A_46 : f32 to vector<1000x128xf32>
    %sub3A_1598 = arith.subf %add3A_28, %sub3A_1597 : vector<1000x128xf32>
    %sub3A_1599 = arith.subf %get3A_49, %get3A_46 : f32
    %div3A_1600 = arith.constant 1.000000e+00 : f32
    %div3A_1601 = arith.divf %div3A_1600, %sub3A_1599 : f32
    %mul3A_1602 = vector.broadcast %div3A_1601 : f32 to vector<1000x128xf32>
    %mul3A_1603 = arith.mulf %sub3A_1598, %mul3A_1602 : vector<1000x128xf32>
    %mul3A_1604 = arith.mulf %mul3A_1603, %select_n3A_1461 : vector<1000x128xf32>
    %sub3A_1605 = vector.broadcast %get3A_52 : f32 to vector<1000x128xf32>
    %sub3A_1606 = arith.subf %sub3A_1605, %add3A_28 : vector<1000x128xf32>
    %sub3A_1607 = arith.subf %get3A_52, %get3A_49 : f32
    %div3A_1608 = arith.constant 1.000000e+00 : f32
    %div3A_1609 = arith.divf %div3A_1608, %sub3A_1607 : f32
    %mul3A_1610 = vector.broadcast %div3A_1609 : f32 to vector<1000x128xf32>
    %mul3A_1611 = arith.mulf %sub3A_1606, %mul3A_1610 : vector<1000x128xf32>
    %mul3A_1612 = arith.mulf %mul3A_1611, %select_n3A_1471 : vector<1000x128xf32>
    %add3A_1613 = arith.addf %mul3A_1604, %mul3A_1612 : vector<1000x128xf32>
    %sub3A_1614 = vector.broadcast %get3A_49 : f32 to vector<1000x128xf32>
    %sub3A_1615 = arith.subf %add3A_28, %sub3A_1614 : vector<1000x128xf32>
    %sub3A_1616 = arith.subf %get3A_52, %get3A_49 : f32
    %div3A_1617 = arith.constant 1.000000e+00 : f32
    %div3A_1618 = arith.divf %div3A_1617, %sub3A_1616 : f32
    %mul3A_1619 = vector.broadcast %div3A_1618 : f32 to vector<1000x128xf32>
    %mul3A_1620 = arith.mulf %sub3A_1615, %mul3A_1619 : vector<1000x128xf32>
    %mul3A_1621 = arith.mulf %mul3A_1620, %select_n3A_1471 : vector<1000x128xf32>
    %sub3A_1622 = vector.broadcast %get3A_55 : f32 to vector<1000x128xf32>
    %sub3A_1623 = arith.subf %sub3A_1622, %add3A_28 : vector<1000x128xf32>
    %sub3A_1624 = arith.subf %get3A_55, %get3A_52 : f32
    %div3A_1625 = arith.constant 1.000000e+00 : f32
    %div3A_1626 = arith.divf %div3A_1625, %sub3A_1624 : f32
    %mul3A_1627 = vector.broadcast %div3A_1626 : f32 to vector<1000x128xf32>
    %mul3A_1628 = arith.mulf %sub3A_1623, %mul3A_1627 : vector<1000x128xf32>
    %mul3A_1629 = arith.mulf %mul3A_1628, %select_n3A_1481 : vector<1000x128xf32>
    %add3A_1630 = arith.addf %mul3A_1621, %mul3A_1629 : vector<1000x128xf32>
    %sub3A_1631 = vector.broadcast %get3A_52 : f32 to vector<1000x128xf32>
    %sub3A_1632 = arith.subf %add3A_28, %sub3A_1631 : vector<1000x128xf32>
    %sub3A_1633 = arith.subf %get3A_55, %get3A_52 : f32
    %div3A_1634 = arith.constant 1.000000e+00 : f32
    %div3A_1635 = arith.divf %div3A_1634, %sub3A_1633 : f32
    %mul3A_1636 = vector.broadcast %div3A_1635 : f32 to vector<1000x128xf32>
    %mul3A_1637 = arith.mulf %sub3A_1632, %mul3A_1636 : vector<1000x128xf32>
    %mul3A_1638 = arith.mulf %mul3A_1637, %select_n3A_1481 : vector<1000x128xf32>
    %sub3A_1639 = vector.broadcast %get3A_58 : f32 to vector<1000x128xf32>
    %sub3A_1640 = arith.subf %sub3A_1639, %add3A_28 : vector<1000x128xf32>
    %sub3A_1641 = arith.subf %get3A_58, %get3A_55 : f32
    %div3A_1642 = arith.constant 1.000000e+00 : f32
    %div3A_1643 = arith.divf %div3A_1642, %sub3A_1641 : f32
    %mul3A_1644 = vector.broadcast %div3A_1643 : f32 to vector<1000x128xf32>
    %mul3A_1645 = arith.mulf %sub3A_1640, %mul3A_1644 : vector<1000x128xf32>
    %mul3A_1646 = arith.mulf %mul3A_1645, %select_n3A_1491 : vector<1000x128xf32>
    %add3A_1647 = arith.addf %mul3A_1638, %mul3A_1646 : vector<1000x128xf32>
    %sub3A_1648 = vector.broadcast %get3A_55 : f32 to vector<1000x128xf32>
    %sub3A_1649 = arith.subf %add3A_28, %sub3A_1648 : vector<1000x128xf32>
    %sub3A_1650 = arith.subf %get3A_58, %get3A_55 : f32
    %div3A_1651 = arith.constant 1.000000e+00 : f32
    %div3A_1652 = arith.divf %div3A_1651, %sub3A_1650 : f32
    %mul3A_1653 = vector.broadcast %div3A_1652 : f32 to vector<1000x128xf32>
    %mul3A_1654 = arith.mulf %sub3A_1649, %mul3A_1653 : vector<1000x128xf32>
    %mul3A_1655 = arith.mulf %mul3A_1654, %select_n3A_1491 : vector<1000x128xf32>
    %sub3A_1656 = vector.broadcast %get3A_61 : f32 to vector<1000x128xf32>
    %sub3A_1657 = arith.subf %sub3A_1656, %add3A_28 : vector<1000x128xf32>
    %sub3A_1658 = arith.subf %get3A_61, %get3A_58 : f32
    %div3A_1659 = arith.constant 1.000000e+00 : f32
    %div3A_1660 = arith.divf %div3A_1659, %sub3A_1658 : f32
    %mul3A_1661 = vector.broadcast %div3A_1660 : f32 to vector<1000x128xf32>
    %mul3A_1662 = arith.mulf %sub3A_1657, %mul3A_1661 : vector<1000x128xf32>
    %mul3A_1663 = arith.mulf %mul3A_1662, %select_n3A_1501 : vector<1000x128xf32>
    %add3A_1664 = arith.addf %mul3A_1655, %mul3A_1663 : vector<1000x128xf32>
    %sub3A_1665 = vector.broadcast %get3A_58 : f32 to vector<1000x128xf32>
    %sub3A_1666 = arith.subf %add3A_28, %sub3A_1665 : vector<1000x128xf32>
    %sub3A_1667 = arith.subf %get3A_61, %get3A_58 : f32
    %div3A_1668 = arith.constant 1.000000e+00 : f32
    %div3A_1669 = arith.divf %div3A_1668, %sub3A_1667 : f32
    %mul3A_1670 = vector.broadcast %div3A_1669 : f32 to vector<1000x128xf32>
    %mul3A_1671 = arith.mulf %sub3A_1666, %mul3A_1670 : vector<1000x128xf32>
    %mul3A_1672 = arith.mulf %mul3A_1671, %select_n3A_1501 : vector<1000x128xf32>
    %sub3A_1673 = vector.broadcast %get3A_64 : f32 to vector<1000x128xf32>
    %sub3A_1674 = arith.subf %sub3A_1673, %add3A_28 : vector<1000x128xf32>
    %sub3A_1675 = arith.subf %get3A_64, %get3A_61 : f32
    %div3A_1676 = arith.constant 1.000000e+00 : f32
    %div3A_1677 = arith.divf %div3A_1676, %sub3A_1675 : f32
    %mul3A_1678 = vector.broadcast %div3A_1677 : f32 to vector<1000x128xf32>
    %mul3A_1679 = arith.mulf %sub3A_1674, %mul3A_1678 : vector<1000x128xf32>
    %mul3A_1680 = arith.mulf %mul3A_1679, %select_n3A_1511 : vector<1000x128xf32>
    %add3A_1681 = arith.addf %mul3A_1672, %mul3A_1680 : vector<1000x128xf32>
    %sub3A_1682 = vector.broadcast %get3A_31 : f32 to vector<1000x128xf32>
    %sub3A_1683 = arith.subf %add3A_28, %sub3A_1682 : vector<1000x128xf32>
    %sub3A_1684 = arith.subf %get3A_37, %get3A_31 : f32
    %div3A_1685 = arith.constant 1.000000e+00 : f32
    %div3A_1686 = arith.divf %div3A_1685, %sub3A_1684 : f32
    %mul3A_1687 = vector.broadcast %div3A_1686 : f32 to vector<1000x128xf32>
    %mul3A_1688 = arith.mulf %sub3A_1683, %mul3A_1687 : vector<1000x128xf32>
    %mul3A_1689 = arith.mulf %mul3A_1688, %add3A_1528 : vector<1000x128xf32>
    %sub3A_1690 = vector.broadcast %get3A_40 : f32 to vector<1000x128xf32>
    %sub3A_1691 = arith.subf %sub3A_1690, %add3A_28 : vector<1000x128xf32>
    %sub3A_1692 = arith.subf %get3A_40, %get3A_34 : f32
    %div3A_1693 = arith.constant 1.000000e+00 : f32
    %div3A_1694 = arith.divf %div3A_1693, %sub3A_1692 : f32
    %mul3A_1695 = vector.broadcast %div3A_1694 : f32 to vector<1000x128xf32>
    %mul3A_1696 = arith.mulf %sub3A_1691, %mul3A_1695 : vector<1000x128xf32>
    %mul3A_1697 = arith.mulf %mul3A_1696, %add3A_1545 : vector<1000x128xf32>
    %add3A_1698 = arith.addf %mul3A_1689, %mul3A_1697 : vector<1000x128xf32>
    %sub3A_1699 = vector.broadcast %get3A_34 : f32 to vector<1000x128xf32>
    %sub3A_1700 = arith.subf %add3A_28, %sub3A_1699 : vector<1000x128xf32>
    %sub3A_1701 = arith.subf %get3A_40, %get3A_34 : f32
    %div3A_1702 = arith.constant 1.000000e+00 : f32
    %div3A_1703 = arith.divf %div3A_1702, %sub3A_1701 : f32
    %mul3A_1704 = vector.broadcast %div3A_1703 : f32 to vector<1000x128xf32>
    %mul3A_1705 = arith.mulf %sub3A_1700, %mul3A_1704 : vector<1000x128xf32>
    %mul3A_1706 = arith.mulf %mul3A_1705, %add3A_1545 : vector<1000x128xf32>
    %sub3A_1707 = vector.broadcast %get3A_43 : f32 to vector<1000x128xf32>
    %sub3A_1708 = arith.subf %sub3A_1707, %add3A_28 : vector<1000x128xf32>
    %sub3A_1709 = arith.subf %get3A_43, %get3A_37 : f32
    %div3A_1710 = arith.constant 1.000000e+00 : f32
    %div3A_1711 = arith.divf %div3A_1710, %sub3A_1709 : f32
    %mul3A_1712 = vector.broadcast %div3A_1711 : f32 to vector<1000x128xf32>
    %mul3A_1713 = arith.mulf %sub3A_1708, %mul3A_1712 : vector<1000x128xf32>
    %mul3A_1714 = arith.mulf %mul3A_1713, %add3A_1562 : vector<1000x128xf32>
    %add3A_1715 = arith.addf %mul3A_1706, %mul3A_1714 : vector<1000x128xf32>
    %sub3A_1716 = vector.broadcast %get3A_37 : f32 to vector<1000x128xf32>
    %sub3A_1717 = arith.subf %add3A_28, %sub3A_1716 : vector<1000x128xf32>
    %sub3A_1718 = arith.subf %get3A_43, %get3A_37 : f32
    %div3A_1719 = arith.constant 1.000000e+00 : f32
    %div3A_1720 = arith.divf %div3A_1719, %sub3A_1718 : f32
    %mul3A_1721 = vector.broadcast %div3A_1720 : f32 to vector<1000x128xf32>
    %mul3A_1722 = arith.mulf %sub3A_1717, %mul3A_1721 : vector<1000x128xf32>
    %mul3A_1723 = arith.mulf %mul3A_1722, %add3A_1562 : vector<1000x128xf32>
    %sub3A_1724 = vector.broadcast %get3A_46 : f32 to vector<1000x128xf32>
    %sub3A_1725 = arith.subf %sub3A_1724, %add3A_28 : vector<1000x128xf32>
    %sub3A_1726 = arith.subf %get3A_46, %get3A_40 : f32
    %div3A_1727 = arith.constant 1.000000e+00 : f32
    %div3A_1728 = arith.divf %div3A_1727, %sub3A_1726 : f32
    %mul3A_1729 = vector.broadcast %div3A_1728 : f32 to vector<1000x128xf32>
    %mul3A_1730 = arith.mulf %sub3A_1725, %mul3A_1729 : vector<1000x128xf32>
    %mul3A_1731 = arith.mulf %mul3A_1730, %add3A_1579 : vector<1000x128xf32>
    %add3A_1732 = arith.addf %mul3A_1723, %mul3A_1731 : vector<1000x128xf32>
    %sub3A_1733 = vector.broadcast %get3A_40 : f32 to vector<1000x128xf32>
    %sub3A_1734 = arith.subf %add3A_28, %sub3A_1733 : vector<1000x128xf32>
    %sub3A_1735 = arith.subf %get3A_46, %get3A_40 : f32
    %div3A_1736 = arith.constant 1.000000e+00 : f32
    %div3A_1737 = arith.divf %div3A_1736, %sub3A_1735 : f32
    %mul3A_1738 = vector.broadcast %div3A_1737 : f32 to vector<1000x128xf32>
    %mul3A_1739 = arith.mulf %sub3A_1734, %mul3A_1738 : vector<1000x128xf32>
    %mul3A_1740 = arith.mulf %mul3A_1739, %add3A_1579 : vector<1000x128xf32>
    %sub3A_1741 = vector.broadcast %get3A_49 : f32 to vector<1000x128xf32>
    %sub3A_1742 = arith.subf %sub3A_1741, %add3A_28 : vector<1000x128xf32>
    %sub3A_1743 = arith.subf %get3A_49, %get3A_43 : f32
    %div3A_1744 = arith.constant 1.000000e+00 : f32
    %div3A_1745 = arith.divf %div3A_1744, %sub3A_1743 : f32
    %mul3A_1746 = vector.broadcast %div3A_1745 : f32 to vector<1000x128xf32>
    %mul3A_1747 = arith.mulf %sub3A_1742, %mul3A_1746 : vector<1000x128xf32>
    %mul3A_1748 = arith.mulf %mul3A_1747, %add3A_1596 : vector<1000x128xf32>
    %add3A_1749 = arith.addf %mul3A_1740, %mul3A_1748 : vector<1000x128xf32>
    %sub3A_1750 = vector.broadcast %get3A_43 : f32 to vector<1000x128xf32>
    %sub3A_1751 = arith.subf %add3A_28, %sub3A_1750 : vector<1000x128xf32>
    %sub3A_1752 = arith.subf %get3A_49, %get3A_43 : f32
    %div3A_1753 = arith.constant 1.000000e+00 : f32
    %div3A_1754 = arith.divf %div3A_1753, %sub3A_1752 : f32
    %mul3A_1755 = vector.broadcast %div3A_1754 : f32 to vector<1000x128xf32>
    %mul3A_1756 = arith.mulf %sub3A_1751, %mul3A_1755 : vector<1000x128xf32>
    %mul3A_1757 = arith.mulf %mul3A_1756, %add3A_1596 : vector<1000x128xf32>
    %sub3A_1758 = vector.broadcast %get3A_52 : f32 to vector<1000x128xf32>
    %sub3A_1759 = arith.subf %sub3A_1758, %add3A_28 : vector<1000x128xf32>
    %sub3A_1760 = arith.subf %get3A_52, %get3A_46 : f32
    %div3A_1761 = arith.constant 1.000000e+00 : f32
    %div3A_1762 = arith.divf %div3A_1761, %sub3A_1760 : f32
    %mul3A_1763 = vector.broadcast %div3A_1762 : f32 to vector<1000x128xf32>
    %mul3A_1764 = arith.mulf %sub3A_1759, %mul3A_1763 : vector<1000x128xf32>
    %mul3A_1765 = arith.mulf %mul3A_1764, %add3A_1613 : vector<1000x128xf32>
    %add3A_1766 = arith.addf %mul3A_1757, %mul3A_1765 : vector<1000x128xf32>
    %sub3A_1767 = vector.broadcast %get3A_46 : f32 to vector<1000x128xf32>
    %sub3A_1768 = arith.subf %add3A_28, %sub3A_1767 : vector<1000x128xf32>
    %sub3A_1769 = arith.subf %get3A_52, %get3A_46 : f32
    %div3A_1770 = arith.constant 1.000000e+00 : f32
    %div3A_1771 = arith.divf %div3A_1770, %sub3A_1769 : f32
    %mul3A_1772 = vector.broadcast %div3A_1771 : f32 to vector<1000x128xf32>
    %mul3A_1773 = arith.mulf %sub3A_1768, %mul3A_1772 : vector<1000x128xf32>
    %mul3A_1774 = arith.mulf %mul3A_1773, %add3A_1613 : vector<1000x128xf32>
    %sub3A_1775 = vector.broadcast %get3A_55 : f32 to vector<1000x128xf32>
    %sub3A_1776 = arith.subf %sub3A_1775, %add3A_28 : vector<1000x128xf32>
    %sub3A_1777 = arith.subf %get3A_55, %get3A_49 : f32
    %div3A_1778 = arith.constant 1.000000e+00 : f32
    %div3A_1779 = arith.divf %div3A_1778, %sub3A_1777 : f32
    %mul3A_1780 = vector.broadcast %div3A_1779 : f32 to vector<1000x128xf32>
    %mul3A_1781 = arith.mulf %sub3A_1776, %mul3A_1780 : vector<1000x128xf32>
    %mul3A_1782 = arith.mulf %mul3A_1781, %add3A_1630 : vector<1000x128xf32>
    %add3A_1783 = arith.addf %mul3A_1774, %mul3A_1782 : vector<1000x128xf32>
    %sub3A_1784 = vector.broadcast %get3A_49 : f32 to vector<1000x128xf32>
    %sub3A_1785 = arith.subf %add3A_28, %sub3A_1784 : vector<1000x128xf32>
    %sub3A_1786 = arith.subf %get3A_55, %get3A_49 : f32
    %div3A_1787 = arith.constant 1.000000e+00 : f32
    %div3A_1788 = arith.divf %div3A_1787, %sub3A_1786 : f32
    %mul3A_1789 = vector.broadcast %div3A_1788 : f32 to vector<1000x128xf32>
    %mul3A_1790 = arith.mulf %sub3A_1785, %mul3A_1789 : vector<1000x128xf32>
    %mul3A_1791 = arith.mulf %mul3A_1790, %add3A_1630 : vector<1000x128xf32>
    %sub3A_1792 = vector.broadcast %get3A_58 : f32 to vector<1000x128xf32>
    %sub3A_1793 = arith.subf %sub3A_1792, %add3A_28 : vector<1000x128xf32>
    %sub3A_1794 = arith.subf %get3A_58, %get3A_52 : f32
    %div3A_1795 = arith.constant 1.000000e+00 : f32
    %div3A_1796 = arith.divf %div3A_1795, %sub3A_1794 : f32
    %mul3A_1797 = vector.broadcast %div3A_1796 : f32 to vector<1000x128xf32>
    %mul3A_1798 = arith.mulf %sub3A_1793, %mul3A_1797 : vector<1000x128xf32>
    %mul3A_1799 = arith.mulf %mul3A_1798, %add3A_1647 : vector<1000x128xf32>
    %add3A_1800 = arith.addf %mul3A_1791, %mul3A_1799 : vector<1000x128xf32>
    %sub3A_1801 = vector.broadcast %get3A_52 : f32 to vector<1000x128xf32>
    %sub3A_1802 = arith.subf %add3A_28, %sub3A_1801 : vector<1000x128xf32>
    %sub3A_1803 = arith.subf %get3A_58, %get3A_52 : f32
    %div3A_1804 = arith.constant 1.000000e+00 : f32
    %div3A_1805 = arith.divf %div3A_1804, %sub3A_1803 : f32
    %mul3A_1806 = vector.broadcast %div3A_1805 : f32 to vector<1000x128xf32>
    %mul3A_1807 = arith.mulf %sub3A_1802, %mul3A_1806 : vector<1000x128xf32>
    %mul3A_1808 = arith.mulf %mul3A_1807, %add3A_1647 : vector<1000x128xf32>
    %sub3A_1809 = vector.broadcast %get3A_61 : f32 to vector<1000x128xf32>
    %sub3A_1810 = arith.subf %sub3A_1809, %add3A_28 : vector<1000x128xf32>
    %sub3A_1811 = arith.subf %get3A_61, %get3A_55 : f32
    %div3A_1812 = arith.constant 1.000000e+00 : f32
    %div3A_1813 = arith.divf %div3A_1812, %sub3A_1811 : f32
    %mul3A_1814 = vector.broadcast %div3A_1813 : f32 to vector<1000x128xf32>
    %mul3A_1815 = arith.mulf %sub3A_1810, %mul3A_1814 : vector<1000x128xf32>
    %mul3A_1816 = arith.mulf %mul3A_1815, %add3A_1664 : vector<1000x128xf32>
    %add3A_1817 = arith.addf %mul3A_1808, %mul3A_1816 : vector<1000x128xf32>
    %sub3A_1818 = vector.broadcast %get3A_55 : f32 to vector<1000x128xf32>
    %sub3A_1819 = arith.subf %add3A_28, %sub3A_1818 : vector<1000x128xf32>
    %sub3A_1820 = arith.subf %get3A_61, %get3A_55 : f32
    %div3A_1821 = arith.constant 1.000000e+00 : f32
    %div3A_1822 = arith.divf %div3A_1821, %sub3A_1820 : f32
    %mul3A_1823 = vector.broadcast %div3A_1822 : f32 to vector<1000x128xf32>
    %mul3A_1824 = arith.mulf %sub3A_1819, %mul3A_1823 : vector<1000x128xf32>
    %mul3A_1825 = arith.mulf %mul3A_1824, %add3A_1664 : vector<1000x128xf32>
    %sub3A_1826 = vector.broadcast %get3A_64 : f32 to vector<1000x128xf32>
    %sub3A_1827 = arith.subf %sub3A_1826, %add3A_28 : vector<1000x128xf32>
    %sub3A_1828 = arith.subf %get3A_64, %get3A_58 : f32
    %div3A_1829 = arith.constant 1.000000e+00 : f32
    %div3A_1830 = arith.divf %div3A_1829, %sub3A_1828 : f32
    %mul3A_1831 = vector.broadcast %div3A_1830 : f32 to vector<1000x128xf32>
    %mul3A_1832 = arith.mulf %sub3A_1827, %mul3A_1831 : vector<1000x128xf32>
    %mul3A_1833 = arith.mulf %mul3A_1832, %add3A_1681 : vector<1000x128xf32>
    %add3A_1834 = arith.addf %mul3A_1825, %mul3A_1833 : vector<1000x128xf32>
    %sub3A_1835 = vector.broadcast %get3A_31 : f32 to vector<1000x128xf32>
    %sub3A_1836 = arith.subf %add3A_28, %sub3A_1835 : vector<1000x128xf32>
    %sub3A_1837 = arith.subf %get3A_40, %get3A_31 : f32
    %div3A_1838 = arith.constant 1.000000e+00 : f32
    %div3A_1839 = arith.divf %div3A_1838, %sub3A_1837 : f32
    %mul3A_1840 = vector.broadcast %div3A_1839 : f32 to vector<1000x128xf32>
    %mul3A_1841 = arith.mulf %sub3A_1836, %mul3A_1840 : vector<1000x128xf32>
    %mul3A_1842 = arith.mulf %mul3A_1841, %add3A_1698 : vector<1000x128xf32>
    %sub3A_1843 = vector.broadcast %get3A_43 : f32 to vector<1000x128xf32>
    %sub3A_1844 = arith.subf %sub3A_1843, %add3A_28 : vector<1000x128xf32>
    %sub3A_1845 = arith.subf %get3A_43, %get3A_34 : f32
    %div3A_1846 = arith.constant 1.000000e+00 : f32
    %div3A_1847 = arith.divf %div3A_1846, %sub3A_1845 : f32
    %mul3A_1848 = vector.broadcast %div3A_1847 : f32 to vector<1000x128xf32>
    %mul3A_1849 = arith.mulf %sub3A_1844, %mul3A_1848 : vector<1000x128xf32>
    %mul3A_1850 = arith.mulf %mul3A_1849, %add3A_1715 : vector<1000x128xf32>
    %add3A_1851 = arith.addf %mul3A_1842, %mul3A_1850 : vector<1000x128xf32>
    %sub3A_1852 = vector.broadcast %get3A_34 : f32 to vector<1000x128xf32>
    %sub3A_1853 = arith.subf %add3A_28, %sub3A_1852 : vector<1000x128xf32>
    %sub3A_1854 = arith.subf %get3A_43, %get3A_34 : f32
    %div3A_1855 = arith.constant 1.000000e+00 : f32
    %div3A_1856 = arith.divf %div3A_1855, %sub3A_1854 : f32
    %mul3A_1857 = vector.broadcast %div3A_1856 : f32 to vector<1000x128xf32>
    %mul3A_1858 = arith.mulf %sub3A_1853, %mul3A_1857 : vector<1000x128xf32>
    %mul3A_1859 = arith.mulf %mul3A_1858, %add3A_1715 : vector<1000x128xf32>
    %sub3A_1860 = vector.broadcast %get3A_46 : f32 to vector<1000x128xf32>
    %sub3A_1861 = arith.subf %sub3A_1860, %add3A_28 : vector<1000x128xf32>
    %sub3A_1862 = arith.subf %get3A_46, %get3A_37 : f32
    %div3A_1863 = arith.constant 1.000000e+00 : f32
    %div3A_1864 = arith.divf %div3A_1863, %sub3A_1862 : f32
    %mul3A_1865 = vector.broadcast %div3A_1864 : f32 to vector<1000x128xf32>
    %mul3A_1866 = arith.mulf %sub3A_1861, %mul3A_1865 : vector<1000x128xf32>
    %mul3A_1867 = arith.mulf %mul3A_1866, %add3A_1732 : vector<1000x128xf32>
    %add3A_1868 = arith.addf %mul3A_1859, %mul3A_1867 : vector<1000x128xf32>
    %sub3A_1869 = vector.broadcast %get3A_37 : f32 to vector<1000x128xf32>
    %sub3A_1870 = arith.subf %add3A_28, %sub3A_1869 : vector<1000x128xf32>
    %sub3A_1871 = arith.subf %get3A_46, %get3A_37 : f32
    %div3A_1872 = arith.constant 1.000000e+00 : f32
    %div3A_1873 = arith.divf %div3A_1872, %sub3A_1871 : f32
    %mul3A_1874 = vector.broadcast %div3A_1873 : f32 to vector<1000x128xf32>
    %mul3A_1875 = arith.mulf %sub3A_1870, %mul3A_1874 : vector<1000x128xf32>
    %mul3A_1876 = arith.mulf %mul3A_1875, %add3A_1732 : vector<1000x128xf32>
    %sub3A_1877 = vector.broadcast %get3A_49 : f32 to vector<1000x128xf32>
    %sub3A_1878 = arith.subf %sub3A_1877, %add3A_28 : vector<1000x128xf32>
    %sub3A_1879 = arith.subf %get3A_49, %get3A_40 : f32
    %div3A_1880 = arith.constant 1.000000e+00 : f32
    %div3A_1881 = arith.divf %div3A_1880, %sub3A_1879 : f32
    %mul3A_1882 = vector.broadcast %div3A_1881 : f32 to vector<1000x128xf32>
    %mul3A_1883 = arith.mulf %sub3A_1878, %mul3A_1882 : vector<1000x128xf32>
    %mul3A_1884 = arith.mulf %mul3A_1883, %add3A_1749 : vector<1000x128xf32>
    %add3A_1885 = arith.addf %mul3A_1876, %mul3A_1884 : vector<1000x128xf32>
    %sub3A_1886 = vector.broadcast %get3A_40 : f32 to vector<1000x128xf32>
    %sub3A_1887 = arith.subf %add3A_28, %sub3A_1886 : vector<1000x128xf32>
    %sub3A_1888 = arith.subf %get3A_49, %get3A_40 : f32
    %div3A_1889 = arith.constant 1.000000e+00 : f32
    %div3A_1890 = arith.divf %div3A_1889, %sub3A_1888 : f32
    %mul3A_1891 = vector.broadcast %div3A_1890 : f32 to vector<1000x128xf32>
    %mul3A_1892 = arith.mulf %sub3A_1887, %mul3A_1891 : vector<1000x128xf32>
    %mul3A_1893 = arith.mulf %mul3A_1892, %add3A_1749 : vector<1000x128xf32>
    %sub3A_1894 = vector.broadcast %get3A_52 : f32 to vector<1000x128xf32>
    %sub3A_1895 = arith.subf %sub3A_1894, %add3A_28 : vector<1000x128xf32>
    %sub3A_1896 = arith.subf %get3A_52, %get3A_43 : f32
    %div3A_1897 = arith.constant 1.000000e+00 : f32
    %div3A_1898 = arith.divf %div3A_1897, %sub3A_1896 : f32
    %mul3A_1899 = vector.broadcast %div3A_1898 : f32 to vector<1000x128xf32>
    %mul3A_1900 = arith.mulf %sub3A_1895, %mul3A_1899 : vector<1000x128xf32>
    %mul3A_1901 = arith.mulf %mul3A_1900, %add3A_1766 : vector<1000x128xf32>
    %add3A_1902 = arith.addf %mul3A_1893, %mul3A_1901 : vector<1000x128xf32>
    %sub3A_1903 = vector.broadcast %get3A_43 : f32 to vector<1000x128xf32>
    %sub3A_1904 = arith.subf %add3A_28, %sub3A_1903 : vector<1000x128xf32>
    %sub3A_1905 = arith.subf %get3A_52, %get3A_43 : f32
    %div3A_1906 = arith.constant 1.000000e+00 : f32
    %div3A_1907 = arith.divf %div3A_1906, %sub3A_1905 : f32
    %mul3A_1908 = vector.broadcast %div3A_1907 : f32 to vector<1000x128xf32>
    %mul3A_1909 = arith.mulf %sub3A_1904, %mul3A_1908 : vector<1000x128xf32>
    %mul3A_1910 = arith.mulf %mul3A_1909, %add3A_1766 : vector<1000x128xf32>
    %sub3A_1911 = vector.broadcast %get3A_55 : f32 to vector<1000x128xf32>
    %sub3A_1912 = arith.subf %sub3A_1911, %add3A_28 : vector<1000x128xf32>
    %sub3A_1913 = arith.subf %get3A_55, %get3A_46 : f32
    %div3A_1914 = arith.constant 1.000000e+00 : f32
    %div3A_1915 = arith.divf %div3A_1914, %sub3A_1913 : f32
    %mul3A_1916 = vector.broadcast %div3A_1915 : f32 to vector<1000x128xf32>
    %mul3A_1917 = arith.mulf %sub3A_1912, %mul3A_1916 : vector<1000x128xf32>
    %mul3A_1918 = arith.mulf %mul3A_1917, %add3A_1783 : vector<1000x128xf32>
    %add3A_1919 = arith.addf %mul3A_1910, %mul3A_1918 : vector<1000x128xf32>
    %sub3A_1920 = vector.broadcast %get3A_46 : f32 to vector<1000x128xf32>
    %sub3A_1921 = arith.subf %add3A_28, %sub3A_1920 : vector<1000x128xf32>
    %sub3A_1922 = arith.subf %get3A_55, %get3A_46 : f32
    %div3A_1923 = arith.constant 1.000000e+00 : f32
    %div3A_1924 = arith.divf %div3A_1923, %sub3A_1922 : f32
    %mul3A_1925 = vector.broadcast %div3A_1924 : f32 to vector<1000x128xf32>
    %mul3A_1926 = arith.mulf %sub3A_1921, %mul3A_1925 : vector<1000x128xf32>
    %mul3A_1927 = arith.mulf %mul3A_1926, %add3A_1783 : vector<1000x128xf32>
    %sub3A_1928 = vector.broadcast %get3A_58 : f32 to vector<1000x128xf32>
    %sub3A_1929 = arith.subf %sub3A_1928, %add3A_28 : vector<1000x128xf32>
    %sub3A_1930 = arith.subf %get3A_58, %get3A_49 : f32
    %div3A_1931 = arith.constant 1.000000e+00 : f32
    %div3A_1932 = arith.divf %div3A_1931, %sub3A_1930 : f32
    %mul3A_1933 = vector.broadcast %div3A_1932 : f32 to vector<1000x128xf32>
    %mul3A_1934 = arith.mulf %sub3A_1929, %mul3A_1933 : vector<1000x128xf32>
    %mul3A_1935 = arith.mulf %mul3A_1934, %add3A_1800 : vector<1000x128xf32>
    %add3A_1936 = arith.addf %mul3A_1927, %mul3A_1935 : vector<1000x128xf32>
    %sub3A_1937 = vector.broadcast %get3A_49 : f32 to vector<1000x128xf32>
    %sub3A_1938 = arith.subf %add3A_28, %sub3A_1937 : vector<1000x128xf32>
    %sub3A_1939 = arith.subf %get3A_58, %get3A_49 : f32
    %div3A_1940 = arith.constant 1.000000e+00 : f32
    %div3A_1941 = arith.divf %div3A_1940, %sub3A_1939 : f32
    %mul3A_1942 = vector.broadcast %div3A_1941 : f32 to vector<1000x128xf32>
    %mul3A_1943 = arith.mulf %sub3A_1938, %mul3A_1942 : vector<1000x128xf32>
    %mul3A_1944 = arith.mulf %mul3A_1943, %add3A_1800 : vector<1000x128xf32>
    %sub3A_1945 = vector.broadcast %get3A_61 : f32 to vector<1000x128xf32>
    %sub3A_1946 = arith.subf %sub3A_1945, %add3A_28 : vector<1000x128xf32>
    %sub3A_1947 = arith.subf %get3A_61, %get3A_52 : f32
    %div3A_1948 = arith.constant 1.000000e+00 : f32
    %div3A_1949 = arith.divf %div3A_1948, %sub3A_1947 : f32
    %mul3A_1950 = vector.broadcast %div3A_1949 : f32 to vector<1000x128xf32>
    %mul3A_1951 = arith.mulf %sub3A_1946, %mul3A_1950 : vector<1000x128xf32>
    %mul3A_1952 = arith.mulf %mul3A_1951, %add3A_1817 : vector<1000x128xf32>
    %add3A_1953 = arith.addf %mul3A_1944, %mul3A_1952 : vector<1000x128xf32>
    %sub3A_1954 = vector.broadcast %get3A_52 : f32 to vector<1000x128xf32>
    %sub3A_1955 = arith.subf %add3A_28, %sub3A_1954 : vector<1000x128xf32>
    %sub3A_1956 = arith.subf %get3A_61, %get3A_52 : f32
    %div3A_1957 = arith.constant 1.000000e+00 : f32
    %div3A_1958 = arith.divf %div3A_1957, %sub3A_1956 : f32
    %mul3A_1959 = vector.broadcast %div3A_1958 : f32 to vector<1000x128xf32>
    %mul3A_1960 = arith.mulf %sub3A_1955, %mul3A_1959 : vector<1000x128xf32>
    %mul3A_1961 = arith.mulf %mul3A_1960, %add3A_1817 : vector<1000x128xf32>
    %sub3A_1962 = vector.broadcast %get3A_64 : f32 to vector<1000x128xf32>
    %sub3A_1963 = arith.subf %sub3A_1962, %add3A_28 : vector<1000x128xf32>
    %sub3A_1964 = arith.subf %get3A_64, %get3A_55 : f32
    %div3A_1965 = arith.constant 1.000000e+00 : f32
    %div3A_1966 = arith.divf %div3A_1965, %sub3A_1964 : f32
    %mul3A_1967 = vector.broadcast %div3A_1966 : f32 to vector<1000x128xf32>
    %mul3A_1968 = arith.mulf %sub3A_1963, %mul3A_1967 : vector<1000x128xf32>
    %mul3A_1969 = arith.mulf %mul3A_1968, %add3A_1834 : vector<1000x128xf32>
    %add3A_1970 = arith.addf %mul3A_1961, %mul3A_1969 : vector<1000x128xf32>
    %get3A_1971 = arith.constant 0 : index
    %get3A_1972 = arith.constant 0 : index
    %get3A_1973 = arith.constant 0 : index
    %get3A_1974 = vector.load %arg16[%get3A_1971, %get3A_1972, %get3A_1973] : memref<128x8x40xf32, #tpu.memory_space<vmem>>, vector<128x1x40xf32>
    %get3A_1975 = vector.shape_cast %get3A_1974 : vector<128x1x40xf32> to vector<128x40xf32>
    %mul3A_1976 = arith.mulf %get3A_1975, %get3A_1388 : vector<128x40xf32>
    %dot_general3A_1977 = arith.constant dense<0.000000e+00> : vector<1000x40xf32>
    %dot_general3A_1978 = tpu.matmul %add3A_1851, %mul3A_1976, %dot_general3A_1977 {dimension_numbers = #tpu.dot_dimension_numbers<[1], [0], [0], [1], [0, 0, 1, 1], [], []>, transpose_lhs_hint = false} : vector<1000x128xf32>, vector<128x40xf32>, vector<1000x40xf32> -> vector<1000x40xf32>
    %add3A_1979 = arith.addf %dot_general3A_1401, %dot_general3A_1978 : vector<1000x40xf32>
    %get3A_1980 = arith.constant 0 : index
    %get3A_1981 = arith.constant 1 : index
    %get3A_1982 = arith.constant 0 : index
    %get3A_1983 = vector.load %arg16[%get3A_1980, %get3A_1981, %get3A_1982] : memref<128x8x40xf32, #tpu.memory_space<vmem>>, vector<128x1x40xf32>
    %get3A_1984 = vector.shape_cast %get3A_1983 : vector<128x1x40xf32> to vector<128x40xf32>
    %mul3A_1985 = arith.mulf %get3A_1984, %get3A_1388 : vector<128x40xf32>
    %dot_general3A_1986 = arith.constant dense<0.000000e+00> : vector<1000x40xf32>
    %dot_general3A_1987 = tpu.matmul %add3A_1868, %mul3A_1985, %dot_general3A_1986 {dimension_numbers = #tpu.dot_dimension_numbers<[1], [0], [0], [1], [0, 0, 1, 1], [], []>, transpose_lhs_hint = false} : vector<1000x128xf32>, vector<128x40xf32>, vector<1000x40xf32> -> vector<1000x40xf32>
    %add3A_1988 = arith.addf %add3A_1979, %dot_general3A_1987 : vector<1000x40xf32>
    %get3A_1989 = arith.constant 0 : index
    %get3A_1990 = arith.constant 2 : index
    %get3A_1991 = arith.constant 0 : index
    %get3A_1992 = vector.load %arg16[%get3A_1989, %get3A_1990, %get3A_1991] : memref<128x8x40xf32, #tpu.memory_space<vmem>>, vector<128x1x40xf32>
    %get3A_1993 = vector.shape_cast %get3A_1992 : vector<128x1x40xf32> to vector<128x40xf32>
    %mul3A_1994 = arith.mulf %get3A_1993, %get3A_1388 : vector<128x40xf32>
    %dot_general3A_1995 = arith.constant dense<0.000000e+00> : vector<1000x40xf32>
    %dot_general3A_1996 = tpu.matmul %add3A_1885, %mul3A_1994, %dot_general3A_1995 {dimension_numbers = #tpu.dot_dimension_numbers<[1], [0], [0], [1], [0, 0, 1, 1], [], []>, transpose_lhs_hint = false} : vector<1000x128xf32>, vector<128x40xf32>, vector<1000x40xf32> -> vector<1000x40xf32>
    %add3A_1997 = arith.addf %add3A_1988, %dot_general3A_1996 : vector<1000x40xf32>
    %get3A_1998 = arith.constant 0 : index
    %get3A_1999 = arith.constant 3 : index
    %get3A_2000 = arith.constant 0 : index
    %get3A_2001 = vector.load %arg16[%get3A_1998, %get3A_1999, %get3A_2000] : memref<128x8x40xf32, #tpu.memory_space<vmem>>, vector<128x1x40xf32>
    %get3A_2002 = vector.shape_cast %get3A_2001 : vector<128x1x40xf32> to vector<128x40xf32>
    %mul3A_2003 = arith.mulf %get3A_2002, %get3A_1388 : vector<128x40xf32>
    %dot_general3A_2004 = arith.constant dense<0.000000e+00> : vector<1000x40xf32>
    %dot_general3A_2005 = tpu.matmul %add3A_1902, %mul3A_2003, %dot_general3A_2004 {dimension_numbers = #tpu.dot_dimension_numbers<[1], [0], [0], [1], [0, 0, 1, 1], [], []>, transpose_lhs_hint = false} : vector<1000x128xf32>, vector<128x40xf32>, vector<1000x40xf32> -> vector<1000x40xf32>
    %add3A_2006 = arith.addf %add3A_1997, %dot_general3A_2005 : vector<1000x40xf32>
    %get3A_2007 = arith.constant 0 : index
    %get3A_2008 = arith.constant 4 : index
    %get3A_2009 = arith.constant 0 : index
    %get3A_2010 = vector.load %arg16[%get3A_2007, %get3A_2008, %get3A_2009] : memref<128x8x40xf32, #tpu.memory_space<vmem>>, vector<128x1x40xf32>
    %get3A_2011 = vector.shape_cast %get3A_2010 : vector<128x1x40xf32> to vector<128x40xf32>
    %mul3A_2012 = arith.mulf %get3A_2011, %get3A_1388 : vector<128x40xf32>
    %dot_general3A_2013 = arith.constant dense<0.000000e+00> : vector<1000x40xf32>
    %dot_general3A_2014 = tpu.matmul %add3A_1919, %mul3A_2012, %dot_general3A_2013 {dimension_numbers = #tpu.dot_dimension_numbers<[1], [0], [0], [1], [0, 0, 1, 1], [], []>, transpose_lhs_hint = false} : vector<1000x128xf32>, vector<128x40xf32>, vector<1000x40xf32> -> vector<1000x40xf32>
    %add3A_2015 = arith.addf %add3A_2006, %dot_general3A_2014 : vector<1000x40xf32>
    %get3A_2016 = arith.constant 0 : index
    %get3A_2017 = arith.constant 5 : index
    %get3A_2018 = arith.constant 0 : index
    %get3A_2019 = vector.load %arg16[%get3A_2016, %get3A_2017, %get3A_2018] : memref<128x8x40xf32, #tpu.memory_space<vmem>>, vector<128x1x40xf32>
    %get3A_2020 = vector.shape_cast %get3A_2019 : vector<128x1x40xf32> to vector<128x40xf32>
    %mul3A_2021 = arith.mulf %get3A_2020, %get3A_1388 : vector<128x40xf32>
    %dot_general3A_2022 = arith.constant dense<0.000000e+00> : vector<1000x40xf32>
    %dot_general3A_2023 = tpu.matmul %add3A_1936, %mul3A_2021, %dot_general3A_2022 {dimension_numbers = #tpu.dot_dimension_numbers<[1], [0], [0], [1], [0, 0, 1, 1], [], []>, transpose_lhs_hint = false} : vector<1000x128xf32>, vector<128x40xf32>, vector<1000x40xf32> -> vector<1000x40xf32>
    %add3A_2024 = arith.addf %add3A_2015, %dot_general3A_2023 : vector<1000x40xf32>
    %get3A_2025 = arith.constant 0 : index
    %get3A_2026 = arith.constant 6 : index
    %get3A_2027 = arith.constant 0 : index
    %get3A_2028 = vector.load %arg16[%get3A_2025, %get3A_2026, %get3A_2027] : memref<128x8x40xf32, #tpu.memory_space<vmem>>, vector<128x1x40xf32>
    %get3A_2029 = vector.shape_cast %get3A_2028 : vector<128x1x40xf32> to vector<128x40xf32>
    %mul3A_2030 = arith.mulf %get3A_2029, %get3A_1388 : vector<128x40xf32>
    %dot_general3A_2031 = arith.constant dense<0.000000e+00> : vector<1000x40xf32>
    %dot_general3A_2032 = tpu.matmul %add3A_1953, %mul3A_2030, %dot_general3A_2031 {dimension_numbers = #tpu.dot_dimension_numbers<[1], [0], [0], [1], [0, 0, 1, 1], [], []>, transpose_lhs_hint = false} : vector<1000x128xf32>, vector<128x40xf32>, vector<1000x40xf32> -> vector<1000x40xf32>
    %add3A_2033 = arith.addf %add3A_2024, %dot_general3A_2032 : vector<1000x40xf32>
    %get3A_2034 = arith.constant 0 : index
    %get3A_2035 = arith.constant 7 : index
    %get3A_2036 = arith.constant 0 : index
    %get3A_2037 = vector.load %arg16[%get3A_2034, %get3A_2035, %get3A_2036] : memref<128x8x40xf32, #tpu.memory_space<vmem>>, vector<128x1x40xf32>
    %get3A_2038 = vector.shape_cast %get3A_2037 : vector<128x1x40xf32> to vector<128x40xf32>
    %mul3A_2039 = arith.mulf %get3A_2038, %get3A_1388 : vector<128x40xf32>
    %dot_general3A_2040 = arith.constant dense<0.000000e+00> : vector<1000x40xf32>
    %dot_general3A_2041 = tpu.matmul %add3A_1970, %mul3A_2039, %dot_general3A_2040 {dimension_numbers = #tpu.dot_dimension_numbers<[1], [0], [0], [1], [0, 0, 1, 1], [], []>, transpose_lhs_hint = false} : vector<1000x128xf32>, vector<128x40xf32>, vector<1000x40xf32> -> vector<1000x40xf32>
    %add3A_2042 = arith.addf %add3A_2033, %dot_general3A_2041 : vector<1000x40xf32>
    %add3A_2043 = arith.addf %add3A_1382, %add3A_2042 : vector<1000x40xf32>
    %reduce_max3A = arith.constant dense<0xFF800000> : vector<1000xf32>
    %reduce_max3A_2044 = vector.multi_reduction <maximumf>, %add3A_2043, %reduce_max3A [1] : vector<1000x40xf32> to vector<1000xf32>
    %broadcast_in_dim3A_2045 = vector.shape_cast %reduce_max3A_2044 : vector<1000xf32> to vector<1000x1xf32>
    %sub3A_2046 = vector.broadcast %broadcast_in_dim3A_2045 : vector<1000x1xf32> to vector<1000x40xf32>
    %sub3A_2047 = arith.subf %add3A_2043, %sub3A_2046 : vector<1000x40xf32>
    %exp3A_2048 = math.exp %sub3A_2047 : vector<1000x40xf32>
    %reduce_sum3A = arith.constant dense<0.000000e+00> : vector<1000xf32>
    %reduce_sum3A_2049 = vector.multi_reduction <add>, %exp3A_2048, %reduce_sum3A [1] : vector<1000x40xf32> to vector<1000xf32>
    %broadcast_in_dim3A_2050 = vector.shape_cast %reduce_sum3A_2049 : vector<1000xf32> to vector<1000x1xf32>
    %log3A = math.log %broadcast_in_dim3A_2050 : vector<1000x1xf32>
    %sub3A_2051 = vector.broadcast %log3A : vector<1000x1xf32> to vector<1000x40xf32>
    %sub3A_2052 = arith.subf %sub3A_2047, %sub3A_2051 : vector<1000x40xf32>
    %swap3A = arith.constant 0 : index
    %swap3A_2053 = arith.constant 0 : index
    %swap3A_2054 = vector.load %arg18[%swap3A, %swap3A_2053] : memref<1000x40xf32, #tpu.memory_space<vmem>>, vector<1000x40xf32>
    tpu.vector_store %arg18[%swap3A, %swap3A_2053], %sub3A_2052 {strides = array<i32>} : memref<1000x40xf32, #tpu.memory_space<vmem>>, vector<1000x40xf32>,
    return
  }
  func.func @transform_0(%arg0: i32) -> (i32, i32) {
    %c0_i32 = arith.constant 0 : i32
    %c0_i32_0 = arith.constant 0 : i32
    return %arg0, %c0_i32 : i32, i32
  }
  func.func @transform_1(%arg0: i32) -> (i32, i32) {
    %c0_i32 = arith.constant 0 : i32
    %c0_i32_0 = arith.constant 0 : i32
    %c0_i32_1 = arith.constant 0 : i32
    return %c0_i32, %c0_i32_0 : i32, i32
  }
  func.func @transform_2(%arg0: i32) -> (i32, i32) {
    %c0_i32 = arith.constant 0 : i32
    %c0_i32_0 = arith.constant 0 : i32
    %c0_i32_1 = arith.constant 0 : i32
    return %c0_i32, %c0_i32_0 : i32, i32
  }
  func.func @transform_3(%arg0: i32) -> (i32, i32) {
    %c0_i32 = arith.constant 0 : i32
    %c0_i32_0 = arith.constant 0 : i32
    %c0_i32_1 = arith.constant 0 : i32
    return %c0_i32, %c0_i32_0 : i32, i32
  }
  func.func @transform_4(%arg0: i32) -> (i32, i32) {
    %c0_i32 = arith.constant 0 : i32
    %c0_i32_0 = arith.constant 0 : i32
    %c0_i32_1 = arith.constant 0 : i32
    return %c0_i32, %c0_i32_0 : i32, i32
  }
  func.func @transform_5(%arg0: i32) -> (i32, i32) {
    %c0_i32 = arith.constant 0 : i32
    %c0_i32_0 = arith.constant 0 : i32
    return %arg0, %c0_i32 : i32, i32
  }
  func.func @transform_6(%arg0: i32) -> (i32, i32) {
    %c0_i32 = arith.constant 0 : i32
    %c0_i32_0 = arith.constant 0 : i32
    return %arg0, %c0_i32 : i32, i32
  }
  func.func @transform_7(%arg0: i32) -> (i32, i32) {
    %c0_i32 = arith.constant 0 : i32
    %c0_i32_0 = arith.constant 0 : i32
    %c0_i32_1 = arith.constant 0 : i32
    return %c0_i32, %c0_i32_0 : i32, i32
  }
  func.func @transform_8(%arg0: i32) -> (i32, i32) {
    %c0_i32 = arith.constant 0 : i32
    %c0_i32_0 = arith.constant 0 : i32
    %c0_i32_1 = arith.constant 0 : i32
    return %c0_i32, %c0_i32_0 : i32, i32
  }
  func.func @transform_9(%arg0: i32) -> (i32, i32, i32) {
    %c0_i32 = arith.constant 0 : i32
    %c0_i32_0 = arith.constant 0 : i32
    %c0_i32_1 = arith.constant 0 : i32
    %c0_i32_2 = arith.constant 0 : i32
    return %c0_i32, %c0_i32_0, %c0_i32_1 : i32, i32, i32
  }
  func.func @transform_10(%arg0: i32) -> (i32, i32) {
    %c0_i32 = arith.constant 0 : i32
    %c0_i32_0 = arith.constant 0 : i32
    %c0_i32_1 = arith.constant 0 : i32
    return %c0_i32, %c0_i32_0 : i32, i32
  }
  func.func @transform_11(%arg0: i32) -> (i32, i32) {
    %c0_i32 = arith.constant 0 : i32
    %c0_i32_0 = arith.constant 0 : i32
    %c0_i32_1 = arith.constant 0 : i32
    return %c0_i32, %c0_i32_0 : i32, i32
  }
  func.func @transform_12(%arg0: i32) -> (i32, i32, i32) {
    %c0_i32 = arith.constant 0 : i32
    %c0_i32_0 = arith.constant 0 : i32
    %c0_i32_1 = arith.constant 0 : i32
    %c0_i32_2 = arith.constant 0 : i32
    return %c0_i32, %c0_i32_0, %c0_i32_1 : i32, i32, i32
  }
  func.func @transform_13(%arg0: i32) -> (i32, i32) {
    %c0_i32 = arith.constant 0 : i32
    %c0_i32_0 = arith.constant 0 : i32
    %c0_i32_1 = arith.constant 0 : i32
    return %c0_i32, %c0_i32_0 : i32, i32
  }
  func.func @transform_14(%arg0: i32) -> (i32, i32) {
    %c0_i32 = arith.constant 0 : i32
    %c0_i32_0 = arith.constant 0 : i32
    %c0_i32_1 = arith.constant 0 : i32
    return %c0_i32, %c0_i32_0 : i32, i32
  }
  func.func @transform_15(%arg0: i32) -> (i32, i32, i32) {
    %c0_i32 = arith.constant 0 : i32
    %c0_i32_0 = arith.constant 0 : i32
    %c0_i32_1 = arith.constant 0 : i32
    %c0_i32_2 = arith.constant 0 : i32
    return %c0_i32, %c0_i32_0, %c0_i32_1 : i32, i32, i32
  }
  func.func @transform_16(%arg0: i32) -> (i32, i32) {
    %c0_i32 = arith.constant 0 : i32
    %c0_i32_0 = arith.constant 0 : i32
    %c0_i32_1 = arith.constant 0 : i32
    return %c0_i32, %c0_i32_0 : i32, i32
  }
  func.func @transform_17(%arg0: i32) -> (i32, i32) {
    %c0_i32 = arith.constant 0 : i32
    %c0_i32_0 = arith.constant 0 : i32
    return %arg0, %c0_i32 : i32, i32
  }
}

</mosaic_0001>

<sc_bundles>
// kernel: kernel.10.cloned.1.call-start
scs
__scs_entry_jumppad:
0x0: {  	(pc) =	sbr.rel $0x88, $3  }
0x1: {  	(tag) =	ssettag $0x0;
	lr =	simm.s32 $0x1  }
0x2: {  	[smem:$0x3F8D] =	sst lr;
	_ =	strace $0xD0000000  }
0x3: {  	_ = 	snop  }
0x4: {  	_ = 	snop  }
0x5: {  	_ = 	snop  }
0x6: {  	_ = 	snop  }
0x7: {  	_ = 	snop  }
__scs_overlays_trampoline_lowered:
0x8: {  	[smem:$0x3F9C] =	sst s0  }
0x9: {  	[smem:$0x3F9D] =	sst s1  }
0xa: {  	[smem:$0x3F9E] =	sst s2  }
0xb: {  	[smem:$0x3F9F] =	sst s3  }
0xc: {  	[smem:$0x3FA0] =	sst s4  }
0xd: {  	[smem:$0x3FA1] =	sst s5  }
0xe: {  	[smem:$0x3FA2] =	sst s6  }
0xf: {  	[smem:$0x3FA3] =	sst s7  }
0x10: {  	[smem:$0x3FA4] =	sst s8  }
0x11: {  	[smem:$0x3FA5] =	sst s9;
	s0 =	simm.s32 @!p0 $0x0  }
0x12: {  	s1 =	sld [smem:$0x3F8B];
	s0 =	simm.s32 @p0 $0x1  }
0x13: {  	[smem:$0x3FA6] =	sst s0;
	s0 =	simm.s32 @!p1 $0x0  }
0x14: {  	s2 =	sld [smem:$0x3F8A];
	s0 =	simm.s32 @p1 $0x1  }
0x15: {  	[smem:$0x3FA7] =	sst s0;
	s0 =	simm.s32 @!p2 $0x0  }
0x16: {  	s3 =	sld [smem:$0x3FDB];
	s0 =	simm.s32 @p2 $0x1  }
0x17: {  	s4 =	simm.s32 $0x1BF5;
	[smem:$0x3FA9] =	sst s0  }
0x18: {  	s0 =	sld [smem:$0x3F8C];
	_ =	swait.ge [sflag:s4], $0x0  }
0x19: {  	s7 =	sld [smem:$0x3F8D]  }
0x1a: {  	s8 =	sadd.s32 $0xFFFFE003, lr  }
0x1b: {  	s9 =	sadd.s32 $0xFFFFFEF7, lr;
	s5 =	simm.s32 $0xFFFFFFFF;
	p2 =	slt.u32 s8, $0xFFFFF086  }
0x1c: {  	p1 =	slt.u32 s9, $0xF7A;
	s5 =	simm.s32 @!p2 $0x0  }
0x1d: {  	s5 =	simm.s32 @p1 $0x1;
	p0 =	seq.s32 s7, s2  }
0x1e: {  	s7 =	smul.u32 @!p0 $0xF7A, s2;
	p2 =	seq.s32 @!p0 s5, $0x0  }
0x1f: {  	s9 =	smul.u32 $0xF7A, s1;
	s8 =	simm.s32 @!p0 $0x1BF5;
	p2 =	por !p2, p0  }
0x20: {  	[sflag:s8] =	ssyncset.s32 @!p0 $0xFFFFF086;
	s6 =	sadd.s32 @!p0 s3, s7;
	s7 =	simm.s32 @!p0 $0x108  }
0x21: {  	s3 =	sadd.s32 s3, s9;
	s6 =	sadd.s32 @!p0 $0x88, s6;
	s7 =	simm.s32 @p2 $0x1082  }
0x22: {  	[simem:s7], [sflag:s8] =	dma.local @!p0 [hbm:s6], $0xF7A  }
0x23: {  	s9 =	sor.u32 $0xD0000000, s2;
	s6 =	simm.s32 $0x108;
	_ =	swait.ge @!p0 [sflag:s8], $0x0  }
0x24: {  	s3 =	sadd.s32 $0x88, s3;
	s6 =	simm.s32 @!p1 $0x1082;
	[sflag:s4] =	ssyncset.s32 $0xFFFFF086  }
0x25: {  	[simem:s6], [sflag:s4] =	dma.local [hbm:s3], $0xF7A  }
0x26: {  	[smem:$0x3F8D] =	sst s1;
	(tag) =	ssettag s2;
	_ =	strace s9  }
0x27: {  	s1 =	sld [smem:$0x3F9D]  }
0x28: {  	s2 =	sld [smem:$0x3F9E]  }
0x29: {  	s4 =	sld [smem:$0x3FA0]  }
0x2a: {  	p0 =	seq.s32 s5, $0x0;
	s5 =	sld [smem:$0x3FA1]  }
0x2b: {  	s6 =	sld [smem:$0x3FA2]  }
0x2c: {  	s7 =	sld [smem:$0x3FA3]  }
0x2d: {  	s3 =	simm.s32 $0x108;
	s8 =	sld [smem:$0x3FA4]  }
0x2e: {  	s3 =	simm.s32 @!p0 $0x1082;
	s9 =	sld [smem:$0x3FA5]  }
0x2f: {  	lr =	sadd.s32 s0, s3;
	s0 =	sld [smem:$0x3F9C]  }
0x30: {  	s3 =	sld [smem:$0x3F9F]  }
0x31: {  	[smem:$0x3FA8] =	sst s10  }
0x32: {  	s10 =	sld [smem:$0x3FA6];
	_ =	sdelay $0x3  }
0x33: {  	p0 =	seq.s32 s10, $0x1;
	s10 =	sld [smem:$0x3FA8];
	_ =	sdelay $0x3  }
0x34: {  	[smem:$0x3FA8] =	sst s10  }
0x35: {  	s10 =	sld [smem:$0x3FA7];
	_ =	sdelay $0x3  }
0x36: {  	p1 =	seq.s32 s10, $0x1;
	s10 =	sld [smem:$0x3FA8];
	_ =	sdelay $0x3  }
0x37: {  	[smem:$0x3FA8] =	sst s10  }
0x38: {  	s10 =	sld [smem:$0x3FA9]  }
0x39: {  	_ = 	snop;
	(pc) =	sbr.ind lr, $3  }
0x3a: {  	_ = 	snop  }
0x3b: {  	_ = 	snop  }
0x3c: {  	p2 =	seq.s32 s10, $0x1;
	s10 =	sld [smem:$0x3FA8]  }
0x3d: {  	_ =	shalt  }
0x3e: {  	_ =	shalt  }
0x3f: {  	_ =	shalt  }
0x40: {  	_ =	shalt  }
0x41: {  	_ =	shalt  }
0x42: {  	_ =	shalt  }
0x43: {  	_ =	shalt  }
0x44: {  	_ =	shalt  }
0x45: {  	_ =	shalt  }
0x46: {  	_ =	shalt  }
0x47: {  	_ =	shalt  }
0x48: {  	_ =	shalt  }
0x49: {  	_ =	shalt  }
0x4a: {  	_ =	shalt  }
0x4b: {  	_ =	shalt  }
0x4c: {  	_ =	shalt  }
0x4d: {  	_ =	shalt  }
0x4e: {  	_ =	shalt  }
0x4f: {  	_ =	shalt  }
0x50: {  	_ =	shalt  }
0x51: {  	_ =	shalt  }
0x52: {  	_ =	shalt  }
0x53: {  	_ =	shalt  }
0x54: {  	_ =	shalt  }
0x55: {  	_ =	shalt  }
0x56: {  	_ =	shalt  }
0x57: {  	_ =	shalt  }
0x58: {  	_ =	shalt  }
0x59: {  	_ =	shalt  }
0x5a: {  	_ =	shalt  }
0x5b: {  	_ =	shalt  }
0x5c: {  	_ =	shalt  }
0x5d: {  	_ =	shalt  }
0x5e: {  	_ =	shalt  }
0x5f: {  	_ =	shalt  }
0x60: {  	_ =	shalt  }
0x61: {  	_ =	shalt  }
0x62: {  	_ =	shalt  }
0x63: {  	_ =	shalt  }
0x64: {  	_ =	shalt  }
0x65: {  	_ =	shalt  }
0x66: {  	_ =	shalt  }
0x67: {  	_ =	shalt  }
0x68: {  	_ =	shalt  }
0x69: {  	_ =	shalt  }
0x6a: {  	_ =	shalt  }
0x6b: {  	_ =	shalt  }
0x6c: {  	_ =	shalt  }
0x6d: {  	_ =	shalt  }
0x6e: {  	_ =	shalt  }
0x6f: {  	_ =	shalt  }
0x70: {  	_ =	shalt  }
0x71: {  	_ =	shalt  }
0x72: {  	_ =	shalt  }
0x73: {  	_ =	shalt  }
0x74: {  	_ =	shalt  }
0x75: {  	_ =	shalt  }
0x76: {  	_ =	shalt  }
0x77: {  	_ =	shalt  }
0x78: {  	_ =	shalt  }
0x79: {  	_ =	shalt  }
0x7a: {  	_ =	shalt  }
0x7b: {  	_ =	shalt  }
0x7c: {  	_ =	shalt  }
0x7d: {  	_ =	shalt  }
0x7e: {  	_ =	shalt  }
0x7f: {  	_ =	shalt  }
0x80: {  	_ =	shalt  }
0x81: {  	_ =	shalt  }
0x82: {  	_ =	shalt  }
0x83: {  	_ =	shalt  }
0x84: {  	_ =	shalt  }
0x85: {  	_ =	shalt  }
0x86: {  	_ =	shalt  }
0x87: {  	_ =	shalt  }
.Lfunc_end0:
.L_simem_size_0:
called_computation_lowered:
.L_overlay_start_0:
0x88: {  	s2 =	sld [smem:$0x3FD9]  }
0x89: {  	s3 =	sld [smem:$0x3FFE];
	_ =	sdelay $0x1  }
0x8a: {  	s1 =	srdreg.scid  }
0x8b: {  	s0 =	sand.u32 $0x1, s1  }
0x8c: {  	s17 =	sshll.u32 s0, $0xA;
	s2 =	sadd.s32 s3, s2  }
0x8d: {  	s2 =	sadd.s32 s2, s17  }
0x8e: {  	[smem:$0x3FB4] =	sst s2  }
0x8f: {  	_ = 	snop  }
0x90: {  	s2 =	sld [smem:$0x3FD0];
	(tm) =	ssettm $0x1  }
0x91: {  	s18 =	sld [smem:$0x3FFB];
	_ =	sdelay $0x3  }
0x92: {  	_ =	strace s18  }
0x93: {  	s3 =	sld [smem:$0x3FFC];
	_ =	sdelay $0x3  }
0x94: {  	_ =	strace s3  }
0x95: {  	s3 =	sld [smem:$0x3FFD];
	_ =	sdelay $0x3  }
0x96: {  	_ =	strace s3  }
0x97: {  	_ =	strace $0x8FFFFFFF  }
0x98: {  	s19 =	sld [smem:$0x3FDB];
	_ =	sdelay $0x1  }
0x99: {  	s4 =	simm.s32 $_scs_section_size  }
0x9a: {  	s5 =	simm.s32 $_size__tile_overlayer_lowered;
	s6 =	simm.s32 $_tile_overlayer_lowered  }
0x9b: {  	s22 =	simm.s32 $0x1BFF;
	s21 =	sshll.u32 s6, $0x1;
	s3 =	sadd.s32 s4, s19  }
0x9c: {  	s7 =	simm.s32 $0x0;
	s20 =	sshll.u32 s5, $0x1;
	s5 =	sadd.s32 s21, s3  }
0x9d: {  	[timem:s7], [sflag:s22] =	dma.local [hbm:s5], s20  }
0x9e: {  	_ =	swait.ge [sflag:s22], s20  }
0x9f: {  	s4 =	ssub.s32 $0x0, s20;
	[sflag:s22] =	ssyncset.done $0x0  }
0xa0: {  	[sflag:s22] =	ssyncadd.s32 s4;
	_ =	sdelay $0x1  }
0xa1: {  	s23 =	simm.s32 $0x1B8B  }
0xa2: {  	_ =	swait.ge [sflag:s23], $0x1  }
0xa3: {  	[sflag:s23] =	ssyncset.done $0x0  }
0xa4: {  	s25 =	simm.s32 $0x1B8E;
	s24 =	sld [smem:$0x3FFE];
	[sflag:s23] =	ssyncadd.s32 $0xFFFFFFFF  }
0xa5: {  	s26 =	simm.s32 $execute0_lowered;
	[smem:$0x3FD2] =	sst s25  }
0xa6: {  	s5 =	sshll.u32 s26, $0x1;
	_ =	strace $0x80000046;
	[dreg:$0x1] =	wrdreg $0xFFFFFFFF  }
0xa7: {  	s28 =	simm.s32 $_size_execute0_lowered;
	s3 =	sadd.s32 s3, s5;
	[dreg:$0x0] =	wrdreg $0x0  }
0xa8: {  	s5 =	sshll.u32 s28, $0x1;
	[dreg:$0x2] =	wrdreg s3  }
0xa9: {  	[dreg:$0x3] =	wrdreg s5  }
0xaa: {  	[dreg:$0x4] =	wrdreg $0xC0  }
0xab: {  	_ =	task [dreg:s7], $0x5FFFF  }
0xac: {  	[dreg:$0x1] =	wrdreg $0xFFFFFFFF  }
0xad: {  	[dreg:$0x0] =	wrdreg $0x60  }
0xae: {  	[dreg:$0x2] =	wrdreg s2  }
0xaf: {  	[dreg:$0x3] =	wrdreg s24  }
0xb0: {  	[dreg:$0x4] =	wrdreg $0x40800  }
0xb1: {  	[dreg:$0x5] =	wrdreg $0x9  }
0xb2: {  	_ =	task.clear_ibuf [dreg:s7], $0x6FFFF;
	_ =	strace $0x90000046  }
0xb3: {  	s29 =	simm.s32 $0x9;
	_ =	strace $0x80000048  }
0xb4: {  	_ =	swait.ge [sflag:s29], $0x1  }
0xb5: {  	[sflag:s29] =	ssyncadd.s32 $0xFFFFFFFF  }
0xb6: {  	_ =	strace $0x90000048  }
0xb7: {  	_ =	sfence  }
0xb8: {  	s30 =	sld [smem:$0x0];
	_ =	sdelay $0x2  }
0xb9: {  	s31 =	sshll.u32 s1, $0xD;
	s1 =	sshrl.u32 s1, $0x2  }
0xba: {  	s3 =	sand.u32 $0x4000, s31;
	s1 =	sadd.s32 s1, s30  }
0xbb: {  	s0 =	sor.u32 s3, s0;
	s1 =	sshll.u32 s1, $0x11  }
0xbc: {  	s0 =	sor.u32 s1, s0  }
0xbd: {  	s0 =	sadd.s32 $0x8F2B, s0  }
0xbe: {  	[sflag:s0] =	ssyncadd.remote.s32 $0x1  }
0xbf: {  	_ =	sfence.sel $0xFFFF  }
0xc0: {  	[dreg:$0x0] =	wrdreg $0xFFFFFFFF;
	(pc) =	sbr.abs _section_cstart, $3  }
0xc1: {  	[dreg:$0x1] =	wrdreg $0xFFFFFFFF  }
0xc2: {  	_ =	task.clear_ibuf [dreg:s7], $0x2FFFF;
	_ =	strace $0x9FFFFFFF  }
0xc3: {  	(tm) =	ssettm $0x7FFFFFFF  }
tec
execute0_lowered:
.L_overlay_start_1:
0x0: {  	(tag) =	ssettag $0x1  }
0x1: {  	s7 =	rddreg [dreg:$0x0]  }
0x2: {  	s5 =	rddreg [dreg:$0x1]  }
0x3: {  	s1 =	rddreg [dreg:$0x2]  }
0x4: {  	s0 =	rddreg [dreg:$0x3];
	s2 =	simm.s32 $0x0;
	s3 =	srdreg.scid  }
0x5: {  	s10 =	stileid.u32;
	[smem:$0x7FF] =	sst s2;
	s6 =	sand.u32 $0x1, s3  }
0x6: {  	s3 =	sadd.s32 $0x6200, s5;
	s4 =	sadd.s32 $0x19C00, s5;
	s30 =	smul.u32 $0x9E0, s10  }
0x7: {  	p0 =	sne.s32 s10, $0x0;
	s10 =	simm.s32 $0x1;
	s8 =	smul.u32 $0x13900, s6  }
0x8: {  	_ =	strace $0x80000047;
	s9 =	ssub.s32 $0x2, s6;
	s31 =	smul.u32 $0x1388, s6  }
0x9: {  	s11 =	sshrl.u32 s9, $0x1;
	s7 =	sadd.s32 s30, s7;
	s5 =	sadd.s32 s8, s5  }
0xa: {  	s29 =	ssub.s32 s9, s11;
	s8 =	sshrl.u32 @!p0 s1, $0x3;
	s9 =	simm.s32 $0x80  }
0xb: {  	v0 =	vmov s31;
	s11 =	simm.s32 $0x0;
	s5 =	sadd.s32 $0x1A400, s5;
	s6 =	smax.u32 s29, $0x1  }
.LBB2_1:
0xc: {  	s12 =	simm.s32 @!p0 $0x1C01  }
0xd: {  	[spmem:s8], [sflag:s12] =	dma.local @!p0 [hbm:s3], $0x13900  }
0xe: {  	s12 =	simm.s32 @!p0 $0x1  }
0xf: {  	_ =	swait.ge @!p0 [sflag:s12], $0x13900  }
0x10: {  	[sflag:s12] =	ssyncset.done @!p0 $0x0  }
0x11: {  	[sflag:s12] =	ssyncadd.s32 @!p0 $0xFFFEC700  }
0x12: {  	[tilespmem:s9], [sflag:$0x1] =	stream.linear.gather [hbm4b:s4+s2], $0x4000, $0x38;
	[tilespmem:$0xDD00] =	vst v63  }
0x13: {  	_ =	swait.ge [sflag:s10], $0x4000  }
0x14: {  	[sflag:s10] =	ssyncset.done $0x0  }
0x15: {  	[sflag:s10] =	ssyncadd.s32 $0xFFFFC000  }
0x16: {  	s31 =	sadd.s32 $0x0, s7;
	[bflag:$0x0] =	sbarrier.arrive $0xFFFF  }
0x17: {  	[tilespmem:s2], [sflag:$0x1] =	stream.linear.gather [hbm4b:s31+s2], $0x80, $0x38;
	[tilespmem:$0xDD00] =	vst v63  }
0x18: {  	_ =	swait.ge [sflag:s10], $0x80  }
0x19: {  	[sflag:s10] =	ssyncset.done $0x0  }
0x1a: {  	[sflag:s10] =	ssyncadd.s32 $0xFFFFFF80  }
0x1b: {  	v1 =	vld [tilespmem:$0x0]  }
0x1c: {  	v2 =	vld [tilespmem:$0x30]  }
0x1d: {  	v3 =	vld [tilespmem:$0x70];
	_ =	sdelay $0x1  }
0x1e: {  	v5 =	vld [tilespmem:$0x10]  }
0x1f: {  	v4 =	vld [tilespmem:$0x60]  }
0x20: {  	v6 =	vld [tilespmem:$0x50];
	v1 =	vsub.s32 v1, v0  }
0x21: {  	v7 =	vld [tilespmem:$0x20];
	v2 =	vsub.s32 v2, v0;
	v3 =	vsub.s32 v3, v0;
	v1 =	vmin.u32 v1, $0x1388  }
0x22: {  	v3 =	vmin.u32 v3, $0x1388;
	[tilespmem:$0x0] =	vst v1;
	v1 =	vmin.u32 v2, $0x1388;
	v2 =	vld [tilespmem:$0x40]  }
0x23: {  	v62 =	vsub.s32 v5, v0;
	[tilespmem:$0x70] =	vst v3  }
0x24: {  	v3 =	vmin.u32 v62, $0x1388;
	[tilespmem:$0x30] =	vst v1;
	v1 =	vsub.s32 v4, v0  }
0x25: {  	v63 =	vsub.s32 v6, v0;
	[tilespmem:$0x10] =	vst v3;
	v1 =	vmin.u32 v1, $0x1388  }
0x26: {  	v3 =	vmin.u32 v63, $0x1388;
	[tilespmem:$0x60] =	vst v1;
	v1 =	vsub.s32 v7, v0  }
0x27: {  	s13 =	simm.s32 $0x10;
	s14 =	simm.s32 $0x30;
	s12 =	simm.s32 $0x20;
	[tilespmem:$0x50] =	vst v3;
	v1 =	vmin.u32 v1, $0x1388;
	v2 =	vsub.s32 v2, v0  }
.LBB2_2:
0x28: {  	p1 =	sne.s32 s14, $0x9D0;
	[tilespmem:$0x20] =	vst v1;
	v1 =	vmin.u32 v2, $0x1388;
	s15 =	smov.u32 s14;
	s14 =	sadd.s32 $0x10, s14  }
0x29: {  	[tilespmem:$0x40] =	vst v1  }
0x2a: {  	[spmem:s1] =	stream.indirect.scatter.add.f32 [tilespmem:s9], [sflag:$0x1], $0x80, s2, s9, $0xb8;
	[tilespmem:$0xDD00] =	vst v63  }
0x2b: {  	_ =	swait.ge [sflag:s10], $0x4000  }
0x2c: {  	[sflag:s10] =	ssyncset.done $0x0  }
0x2d: {  	s16 =	sadd.s32 s13, s7;
	s13 =	smov.u32 s12;
	[sflag:s10] =	ssyncadd.s32 $0xFFFFC000  }
0x2e: {  	[tilespmem:s2], [sflag:$0x1] =	stream.linear.gather [hbm4b:s16+s2], $0x80, $0x38;
	[tilespmem:$0xDD00] =	vst v63  }
0x2f: {  	s12 =	smov.u32 s15;
	_ =	swait.ge [sflag:s10], $0x80  }
0x30: {  	[sflag:s10] =	ssyncset.done $0x0  }
0x31: {  	[sflag:s10] =	ssyncadd.s32 $0xFFFFFF80  }
0x32: {  	v1 =	vld [tilespmem:$0x0]  }
0x33: {  	v2 =	vld [tilespmem:$0x30]  }
0x34: {  	v3 =	vld [tilespmem:$0x70]  }
0x35: {  	v4 =	vld [tilespmem:$0x60]  }
0x36: {  	v5 =	vld [tilespmem:$0x10]  }
0x37: {  	v1 =	vsub.s32 v1, v0;
	v6 =	vld [tilespmem:$0x50]  }
0x38: {  	v1 =	vmin.u32 v1, $0x1388;
	v7 =	vld [tilespmem:$0x20];
	v2 =	vsub.s32 v2, v0  }
0x39: {  	[tilespmem:$0x0] =	vst v1;
	v1 =	vmin.u32 v2, $0x1388;
	v2 =	vld [tilespmem:$0x40];
	v3 =	vsub.s32 v3, v0  }
.Ltmp0:
0x3a: {  	[tilespmem:$0x30] =	vst v1;
	v1 =	vsub.s32 v4, v0;
	v3 =	vmin.u32 v3, $0x1388;
	(pc) =	sbr.rel @p1 .LBB2_2-.Ltmp0, $4  }
0x3b: {  	v4 =	vsub.s32 v5, v0;
	v1 =	vmin.u32 v1, $0x1388;
	[tilespmem:$0x70] =	vst v3  }
0x3c: {  	v3 =	vmin.u32 v4, $0x1388;
	v4 =	vsub.s32 v6, v0;
	[tilespmem:$0x60] =	vst v1  }
0x3d: {  	[tilespmem:$0x10] =	vst v3;
	v1 =	vsub.s32 v7, v0;
	v3 =	vmin.u32 v4, $0x1388  }
0x3e: {  	v1 =	vmin.u32 v1, $0x1388;
	v2 =	vsub.s32 v2, v0;
	[tilespmem:$0x50] =	vst v3  }
0x3f: {  	[tilespmem:$0x20] =	vst v1;
	v1 =	vmin.u32 v2, $0x1388  }
0x40: {  	[tilespmem:$0x40] =	vst v1  }
0x41: {  	[spmem:s1] =	stream.indirect.scatter.add.f32 [tilespmem:s9], [sflag:$0x1], $0x80, s2, s9, $0xb8;
	[tilespmem:$0xDD00] =	vst v63  }
0x42: {  	_ =	swait.ge [sflag:s10], $0x4000  }
0x43: {  	[sflag:s10] =	ssyncset.done $0x0  }
0x44: {  	s13 =	sadd.s32 s13, s7;
	[sflag:s10] =	ssyncadd.s32 $0xFFFFC000  }
0x45: {  	[tilespmem:s2], [sflag:$0x1] =	stream.linear.gather [hbm4b:s13+s2], $0x80, $0x38;
	[tilespmem:$0xDD00] =	vst v63  }
0x46: {  	_ =	swait.ge [sflag:s10], $0x80  }
0x47: {  	[sflag:s10] =	ssyncset.done $0x0  }
0x48: {  	[sflag:s10] =	ssyncadd.s32 $0xFFFFFF80  }
0x49: {  	v1 =	vld [tilespmem:$0x0]  }
0x4a: {  	v2 =	vld [tilespmem:$0x30]  }
0x4b: {  	v3 =	vld [tilespmem:$0x70];
	_ =	sdelay $0x1  }
0x4c: {  	v5 =	vld [tilespmem:$0x10]  }
0x4d: {  	v4 =	vld [tilespmem:$0x60]  }
0x4e: {  	v6 =	vld [tilespmem:$0x50];
	v1 =	vsub.s32 v1, v0  }
0x4f: {  	v7 =	vld [tilespmem:$0x20];
	v2 =	vsub.s32 v2, v0;
	v3 =	vsub.s32 v3, v0;
	v1 =	vmin.u32 v1, $0x1388  }
0x50: {  	v3 =	vmin.u32 v3, $0x1388;
	[tilespmem:$0x0] =	vst v1;
	v1 =	vmin.u32 v2, $0x1388;
	v2 =	vld [tilespmem:$0x40]  }
0x51: {  	v56 =	vsub.s32 v5, v0;
	[tilespmem:$0x70] =	vst v3  }
0x52: {  	v3 =	vmin.u32 v56, $0x1388;
	[tilespmem:$0x30] =	vst v1;
	v1 =	vsub.s32 v4, v0  }
0x53: {  	v57 =	vsub.s32 v6, v0;
	[tilespmem:$0x10] =	vst v3;
	v1 =	vmin.u32 v1, $0x1388  }
0x54: {  	v3 =	vmin.u32 v57, $0x1388;
	[tilespmem:$0x60] =	vst v1;
	v1 =	vsub.s32 v7, v0  }
0x55: {  	[tilespmem:$0x50] =	vst v3;
	v1 =	vmin.u32 v1, $0x1388;
	v2 =	vsub.s32 v2, v0  }
0x56: {  	[tilespmem:$0x20] =	vst v1;
	v1 =	vmin.u32 v2, $0x1388  }
0x57: {  	[tilespmem:$0x40] =	vst v1  }
0x58: {  	[spmem:s1] =	stream.indirect.scatter.add.f32 [tilespmem:s9], [sflag:$0x1], $0x80, s2, s9, $0xb8;
	[tilespmem:$0xDD00] =	vst v63  }
0x59: {  	_ =	swait.ge [sflag:s10], $0x4000  }
0x5a: {  	[sflag:s10] =	ssyncset.done $0x0  }
0x5b: {  	s12 =	sadd.s32 s12, s7;
	[sflag:s10] =	ssyncadd.s32 $0xFFFFC000  }
0x5c: {  	[tilespmem:s2], [sflag:$0x1] =	stream.linear.gather [hbm4b:s12+s2], $0x80, $0x38;
	[tilespmem:$0xDD00] =	vst v63  }
0x5d: {  	_ =	swait.ge [sflag:s10], $0x80  }
0x5e: {  	[sflag:s10] =	ssyncset.done $0x0  }
0x5f: {  	[sflag:s10] =	ssyncadd.s32 $0xFFFFFF80  }
0x60: {  	v1 =	vld [tilespmem:$0x0]  }
0x61: {  	v2 =	vld [tilespmem:$0x30]  }
0x62: {  	v3 =	vld [tilespmem:$0x70];
	_ =	sdelay $0x1  }
0x63: {  	v59 =	vld [tilespmem:$0x10]  }
0x64: {  	v58 =	vld [tilespmem:$0x60]  }
0x65: {  	v60 =	vld [tilespmem:$0x50];
	v1 =	vsub.s32 v1, v0  }
0x66: {  	v61 =	vld [tilespmem:$0x20];
	v2 =	vsub.s32 v2, v0;
	v3 =	vsub.s32 v3, v0;
	v1 =	vmin.u32 v1, $0x1388  }
0x67: {  	v3 =	vmin.u32 v3, $0x1388;
	[tilespmem:$0x0] =	vst v1;
	v1 =	vmin.u32 v2, $0x1388;
	v2 =	vld [tilespmem:$0x40]  }
0x68: {  	v62 =	vsub.s32 v59, v0;
	[tilespmem:$0x70] =	vst v3  }
0x69: {  	v3 =	vmin.u32 v62, $0x1388;
	[tilespmem:$0x30] =	vst v1;
	v1 =	vsub.s32 v58, v0  }
0x6a: {  	v63 =	vsub.s32 v60, v0;
	[tilespmem:$0x10] =	vst v3;
	v1 =	vmin.u32 v1, $0x1388  }
0x6b: {  	v3 =	vmin.u32 v63, $0x1388;
	[tilespmem:$0x60] =	vst v1;
	v1 =	vsub.s32 v61, v0  }
0x6c: {  	[tilespmem:$0x50] =	vst v3;
	v1 =	vmin.u32 v1, $0x1388;
	v2 =	vsub.s32 v2, v0  }
0x6d: {  	[tilespmem:$0x20] =	vst v1;
	v1 =	vmin.u32 v2, $0x1388  }
0x6e: {  	[tilespmem:$0x40] =	vst v1  }
0x6f: {  	[spmem:s1] =	stream.indirect.scatter.add.f32 [tilespmem:s9], [sflag:$0x1], $0x80, s2, s9, $0xb8;
	[tilespmem:$0xDD00] =	vst v63  }
0x70: {  	_ =	swait.ge [sflag:s10], $0x4000  }
0x71: {  	[sflag:s10] =	ssyncset.done $0x0  }
0x72: {  	s11 =	sadd.s32 $0x1, s11;
	[sflag:s10] =	ssyncadd.s32 $0xFFFFC000  }
0x73: {  	p1 =	sne.s32 s11, s6;
	s12 =	simm.s32 @!p0 $0x1C01;
	[bflag:$0x0] =	sbarrier.arrive $0xFFFF  }
0x74: {  	[hbm:s5], [sflag:s12] =	dma.local @!p0 [spmem:s8], $0x13900  }
.Ltmp1:
0x75: {  	_ = 	snop;
	(pc) =	sbr.rel @p1 .LBB2_1-.Ltmp1, $4  }
0x76: {  	s12 =	simm.s32 @!p0 $0x1  }
0x77: {  	_ =	swait.ge @!p0 [sflag:s12], $0x13900  }
0x78: {  	[sflag:s12] =	ssyncset.done @!p0 $0x0  }
0x79: {  	[sflag:s12] =	ssyncadd.s32 @!p0 $0xFFFEC700  }
0x7a: {  	_ =	sfence.sel $0x180000  }
0x7b: {  	[bflag:$0x0] =	sbarrier.arrive $0xFFFF  }
0x7c: {  	_ =	strace $0x90000047  }
0x7d: {  	s0 =	sadd.s32 @!p0 $0x100000, s0;
	[bflag:$0x2] =	sbarrier.arrive $0xFFFF  }
0x7e: {  	[sflag:s0] =	ssyncadd.tile.s32 @!p0 $0x1;
	_ =	shalt  }
.Lfunc_end2:
_tile_overlayer_lowered:
.L_overlay_start_2:
0x7f: {  	(tag) =	ssettag $0x2  }
0x80: {  	s0 =	rddreg [dreg:$0x0];
	s2 =	stileid.u32  }
0x81: {  	s1 =	rddreg [dreg:$0x1];
	p0 =	sne.s32 s2, $0x0  }
0x82: {  	s3 =	rddreg [dreg:$0x2];
	[bflag:$0x3] =	sbarrier.arrive $0xFFFF;
	s2 =	simm.s32 @!p0 $0x1C01  }
0x83: {  	[timem:s3], [sflag:s2] =	dma.local @!p0 [hbm:s0], s1  }
0x84: {  	s0 =	simm.s32 @!p0 $0x1  }
0x85: {  	_ =	swait.ge @!p0 [sflag:s0], s1  }
0x86: {  	s1 =	ssub.s32 @!p0 $0x0, s1;
	[sflag:s0] =	ssyncset.done @!p0 $0x0  }
0x87: {  	[sflag:s0] =	ssyncadd.s32 @!p0 s1  }
0x88: {  	[bflag:$0x3] =	sbarrier.arrive $0xFFFF  }
0x89: {  	_ =	shalt  }

// kernel: kernel.13.cloned.1.call-start
scs
__scs_entry_jumppad:
0x0: {  	(pc) =	sbr.rel $0x88, $3  }
0x1: {  	(tag) =	ssettag $0x0;
	lr =	simm.s32 $0x1  }
0x2: {  	[smem:$0x3F8D] =	sst lr;
	_ =	strace $0xD0000000  }
0x3: {  	_ = 	snop  }
0x4: {  	_ = 	snop  }
0x5: {  	_ = 	snop  }
0x6: {  	_ = 	snop  }
0x7: {  	_ = 	snop  }
__scs_overlays_trampoline_lowered:
0x8: {  	[smem:$0x3F9C] =	sst s0  }
0x9: {  	[smem:$0x3F9D] =	sst s1  }
0xa: {  	[smem:$0x3F9E] =	sst s2  }
0xb: {  	[smem:$0x3F9F] =	sst s3  }
0xc: {  	[smem:$0x3FA0] =	sst s4  }
0xd: {  	[smem:$0x3FA1] =	sst s5  }
0xe: {  	[smem:$0x3FA2] =	sst s6  }
0xf: {  	[smem:$0x3FA3] =	sst s7  }
0x10: {  	[smem:$0x3FA4] =	sst s8  }
0x11: {  	[smem:$0x3FA5] =	sst s9;
	s0 =	simm.s32 @!p0 $0x0  }
0x12: {  	s1 =	sld [smem:$0x3F8B];
	s0 =	simm.s32 @p0 $0x1  }
0x13: {  	[smem:$0x3FA6] =	sst s0;
	s0 =	simm.s32 @!p1 $0x0  }
0x14: {  	s2 =	sld [smem:$0x3F8A];
	s0 =	simm.s32 @p1 $0x1  }
0x15: {  	[smem:$0x3FA7] =	sst s0;
	s0 =	simm.s32 @!p2 $0x0  }
0x16: {  	s3 =	sld [smem:$0x3FDB];
	s0 =	simm.s32 @p2 $0x1  }
0x17: {  	s4 =	simm.s32 $0x1BF5;
	[smem:$0x3FA9] =	sst s0  }
0x18: {  	s0 =	sld [smem:$0x3F8C];
	_ =	swait.ge [sflag:s4], $0x0  }
0x19: {  	s7 =	sld [smem:$0x3F8D]  }
0x1a: {  	s8 =	sadd.s32 $0xFFFFE003, lr  }
0x1b: {  	s9 =	sadd.s32 $0xFFFFFEF7, lr;
	s5 =	simm.s32 $0xFFFFFFFF;
	p2 =	slt.u32 s8, $0xFFFFF086  }
0x1c: {  	p1 =	slt.u32 s9, $0xF7A;
	s5 =	simm.s32 @!p2 $0x0  }
0x1d: {  	s5 =	simm.s32 @p1 $0x1;
	p0 =	seq.s32 s7, s2  }
0x1e: {  	s7 =	smul.u32 @!p0 $0xF7A, s2;
	p2 =	seq.s32 @!p0 s5, $0x0  }
0x1f: {  	s9 =	smul.u32 $0xF7A, s1;
	s8 =	simm.s32 @!p0 $0x1BF5;
	p2 =	por !p2, p0  }
0x20: {  	[sflag:s8] =	ssyncset.s32 @!p0 $0xFFFFF086;
	s6 =	sadd.s32 @!p0 s3, s7;
	s7 =	simm.s32 @!p0 $0x108  }
0x21: {  	s3 =	sadd.s32 s3, s9;
	s6 =	sadd.s32 @!p0 $0x88, s6;
	s7 =	simm.s32 @p2 $0x1082  }
0x22: {  	[simem:s7], [sflag:s8] =	dma.local @!p0 [hbm:s6], $0xF7A  }
0x23: {  	s9 =	sor.u32 $0xD0000000, s2;
	s6 =	simm.s32 $0x108;
	_ =	swait.ge @!p0 [sflag:s8], $0x0  }
0x24: {  	s3 =	sadd.s32 $0x88, s3;
	s6 =	simm.s32 @!p1 $0x1082;
	[sflag:s4] =	ssyncset.s32 $0xFFFFF086  }
0x25: {  	[simem:s6], [sflag:s4] =	dma.local [hbm:s3], $0xF7A  }
0x26: {  	[smem:$0x3F8D] =	sst s1;
	(tag) =	ssettag s2;
	_ =	strace s9  }
0x27: {  	s1 =	sld [smem:$0x3F9D]  }
0x28: {  	s2 =	sld [smem:$0x3F9E]  }
0x29: {  	s4 =	sld [smem:$0x3FA0]  }
0x2a: {  	p0 =	seq.s32 s5, $0x0;
	s5 =	sld [smem:$0x3FA1]  }
0x2b: {  	s6 =	sld [smem:$0x3FA2]  }
0x2c: {  	s7 =	sld [smem:$0x3FA3]  }
0x2d: {  	s3 =	simm.s32 $0x108;
	s8 =	sld [smem:$0x3FA4]  }
0x2e: {  	s3 =	simm.s32 @!p0 $0x1082;
	s9 =	sld [smem:$0x3FA5]  }
0x2f: {  	lr =	sadd.s32 s0, s3;
	s0 =	sld [smem:$0x3F9C]  }
0x30: {  	s3 =	sld [smem:$0x3F9F]  }
0x31: {  	[smem:$0x3FA8] =	sst s10  }
0x32: {  	s10 =	sld [smem:$0x3FA6];
	_ =	sdelay $0x3  }
0x33: {  	p0 =	seq.s32 s10, $0x1;
	s10 =	sld [smem:$0x3FA8];
	_ =	sdelay $0x3  }
0x34: {  	[smem:$0x3FA8] =	sst s10  }
0x35: {  	s10 =	sld [smem:$0x3FA7];
	_ =	sdelay $0x3  }
0x36: {  	p1 =	seq.s32 s10, $0x1;
	s10 =	sld [smem:$0x3FA8];
	_ =	sdelay $0x3  }
0x37: {  	[smem:$0x3FA8] =	sst s10  }
0x38: {  	s10 =	sld [smem:$0x3FA9]  }
0x39: {  	_ = 	snop;
	(pc) =	sbr.ind lr, $3  }
0x3a: {  	_ = 	snop  }
0x3b: {  	_ = 	snop  }
0x3c: {  	p2 =	seq.s32 s10, $0x1;
	s10 =	sld [smem:$0x3FA8]  }
0x3d: {  	_ =	shalt  }
0x3e: {  	_ =	shalt  }
0x3f: {  	_ =	shalt  }
0x40: {  	_ =	shalt  }
0x41: {  	_ =	shalt  }
0x42: {  	_ =	shalt  }
0x43: {  	_ =	shalt  }
0x44: {  	_ =	shalt  }
0x45: {  	_ =	shalt  }
0x46: {  	_ =	shalt  }
0x47: {  	_ =	shalt  }
0x48: {  	_ =	shalt  }
0x49: {  	_ =	shalt  }
0x4a: {  	_ =	shalt  }
0x4b: {  	_ =	shalt  }
0x4c: {  	_ =	shalt  }
0x4d: {  	_ =	shalt  }
0x4e: {  	_ =	shalt  }
0x4f: {  	_ =	shalt  }
0x50: {  	_ =	shalt  }
0x51: {  	_ =	shalt  }
0x52: {  	_ =	shalt  }
0x53: {  	_ =	shalt  }
0x54: {  	_ =	shalt  }
0x55: {  	_ =	shalt  }
0x56: {  	_ =	shalt  }
0x57: {  	_ =	shalt  }
0x58: {  	_ =	shalt  }
0x59: {  	_ =	shalt  }
0x5a: {  	_ =	shalt  }
0x5b: {  	_ =	shalt  }
0x5c: {  	_ =	shalt  }
0x5d: {  	_ =	shalt  }
0x5e: {  	_ =	shalt  }
0x5f: {  	_ =	shalt  }
0x60: {  	_ =	shalt  }
0x61: {  	_ =	shalt  }
0x62: {  	_ =	shalt  }
0x63: {  	_ =	shalt  }
0x64: {  	_ =	shalt  }
0x65: {  	_ =	shalt  }
0x66: {  	_ =	shalt  }
0x67: {  	_ =	shalt  }
0x68: {  	_ =	shalt  }
0x69: {  	_ =	shalt  }
0x6a: {  	_ =	shalt  }
0x6b: {  	_ =	shalt  }
0x6c: {  	_ =	shalt  }
0x6d: {  	_ =	shalt  }
0x6e: {  	_ =	shalt  }
0x6f: {  	_ =	shalt  }
0x70: {  	_ =	shalt  }
0x71: {  	_ =	shalt  }
0x72: {  	_ =	shalt  }
0x73: {  	_ =	shalt  }
0x74: {  	_ =	shalt  }
0x75: {  	_ =	shalt  }
0x76: {  	_ =	shalt  }
0x77: {  	_ =	shalt  }
0x78: {  	_ =	shalt  }
0x79: {  	_ =	shalt  }
0x7a: {  	_ =	shalt  }
0x7b: {  	_ =	shalt  }
0x7c: {  	_ =	shalt  }
0x7d: {  	_ =	shalt  }
0x7e: {  	_ =	shalt  }
0x7f: {  	_ =	shalt  }
0x80: {  	_ =	shalt  }
0x81: {  	_ =	shalt  }
0x82: {  	_ =	shalt  }
0x83: {  	_ =	shalt  }
0x84: {  	_ =	shalt  }
0x85: {  	_ =	shalt  }
0x86: {  	_ =	shalt  }
0x87: {  	_ =	shalt  }
.Lfunc_end0:
.L_simem_size_0:
called_computation.1_lowered:
.L_overlay_start_0:
0x88: {  	s2 =	sld [smem:$0x3FD9]  }
0x89: {  	s3 =	sld [smem:$0x3FFE];
	_ =	sdelay $0x1  }
0x8a: {  	s1 =	srdreg.scid  }
0x8b: {  	s0 =	sand.u32 $0x1, s1  }
0x8c: {  	s17 =	sshll.u32 s0, $0xA;
	s2 =	sadd.s32 s3, s2  }
0x8d: {  	s2 =	sadd.s32 s2, s17  }
0x8e: {  	[smem:$0x3FB4] =	sst s2  }
0x8f: {  	_ = 	snop  }
0x90: {  	s2 =	sld [smem:$0x3FD0];
	(tm) =	ssettm $0x1  }
0x91: {  	s18 =	sld [smem:$0x3FFB];
	_ =	sdelay $0x3  }
0x92: {  	_ =	strace s18  }
0x93: {  	s3 =	sld [smem:$0x3FFC];
	_ =	sdelay $0x3  }
0x94: {  	_ =	strace s3  }
0x95: {  	s3 =	sld [smem:$0x3FFD];
	_ =	sdelay $0x3  }
0x96: {  	_ =	strace s3  }
0x97: {  	_ =	strace $0x8FFFFFFF  }
0x98: {  	s19 =	sld [smem:$0x3FDB];
	_ =	sdelay $0x1  }
0x99: {  	s4 =	simm.s32 $_scs_section_size  }
0x9a: {  	s5 =	simm.s32 $_size__tile_overlayer_lowered;
	s6 =	simm.s32 $_tile_overlayer_lowered  }
0x9b: {  	s22 =	simm.s32 $0x1BFF;
	s21 =	sshll.u32 s6, $0x1;
	s3 =	sadd.s32 s4, s19  }
0x9c: {  	s7 =	simm.s32 $0x0;
	s20 =	sshll.u32 s5, $0x1;
	s5 =	sadd.s32 s21, s3  }
0x9d: {  	[timem:s7], [sflag:s22] =	dma.local [hbm:s5], s20  }
0x9e: {  	_ =	swait.ge [sflag:s22], s20  }
0x9f: {  	s4 =	ssub.s32 $0x0, s20;
	[sflag:s22] =	ssyncset.done $0x0  }
0xa0: {  	[sflag:s22] =	ssyncadd.s32 s4;
	_ =	sdelay $0x1  }
0xa1: {  	s23 =	simm.s32 $0x1B8B  }
0xa2: {  	_ =	swait.ge [sflag:s23], $0x1  }
0xa3: {  	[sflag:s23] =	ssyncset.done $0x0  }
0xa4: {  	s25 =	simm.s32 $0x1B8E;
	s24 =	sld [smem:$0x3FFE];
	[sflag:s23] =	ssyncadd.s32 $0xFFFFFFFF  }
0xa5: {  	s26 =	simm.s32 $execute0_lowered;
	[smem:$0x3FD2] =	sst s25  }
0xa6: {  	s5 =	sshll.u32 s26, $0x1;
	_ =	strace $0x80000049;
	[dreg:$0x1] =	wrdreg $0xFFFFFFFF  }
0xa7: {  	s28 =	simm.s32 $_size_execute0_lowered;
	s3 =	sadd.s32 s3, s5;
	[dreg:$0x0] =	wrdreg $0x0  }
0xa8: {  	s5 =	sshll.u32 s28, $0x1;
	[dreg:$0x2] =	wrdreg s3  }
0xa9: {  	[dreg:$0x3] =	wrdreg s5  }
0xaa: {  	[dreg:$0x4] =	wrdreg $0xC0  }
0xab: {  	_ =	task [dreg:s7], $0x5FFFF  }
0xac: {  	[dreg:$0x1] =	wrdreg $0xFFFFFFFF  }
0xad: {  	[dreg:$0x0] =	wrdreg $0x60  }
0xae: {  	[dreg:$0x2] =	wrdreg s24  }
0xaf: {  	[dreg:$0x3] =	wrdreg s2  }
0xb0: {  	[dreg:$0x4] =	wrdreg $0x82000  }
0xb1: {  	[dreg:$0x5] =	wrdreg $0x9  }
0xb2: {  	_ =	task.clear_ibuf [dreg:s7], $0x6FFFF;
	_ =	strace $0x90000049  }
0xb3: {  	s29 =	simm.s32 $0x9;
	_ =	strace $0x8000004B  }
0xb4: {  	_ =	swait.ge [sflag:s29], $0x1  }
0xb5: {  	[sflag:s29] =	ssyncadd.s32 $0xFFFFFFFF  }
0xb6: {  	_ =	strace $0x9000004B  }
0xb7: {  	_ =	sfence  }
0xb8: {  	s30 =	sld [smem:$0x0];
	_ =	sdelay $0x2  }
0xb9: {  	s31 =	sshll.u32 s1, $0xD;
	s1 =	sshrl.u32 s1, $0x2  }
0xba: {  	s3 =	sand.u32 $0x4000, s31;
	s1 =	sadd.s32 s1, s30  }
0xbb: {  	s0 =	sor.u32 s3, s0;
	s1 =	sshll.u32 s1, $0x11  }
0xbc: {  	s0 =	sor.u32 s1, s0  }
0xbd: {  	s0 =	sadd.s32 $0x8F2B, s0  }
0xbe: {  	[sflag:s0] =	ssyncadd.remote.s32 $0x1  }
0xbf: {  	_ =	sfence.sel $0xFFFF  }
0xc0: {  	[dreg:$0x0] =	wrdreg $0xFFFFFFFF;
	(pc) =	sbr.abs _section_cstart, $3  }
0xc1: {  	[dreg:$0x1] =	wrdreg $0xFFFFFFFF  }
0xc2: {  	_ =	task.clear_ibuf [dreg:s7], $0x2FFFF;
	_ =	strace $0x9FFFFFFF  }
0xc3: {  	(tm) =	ssettm $0x7FFFFFFF  }
tec
execute0_lowered:
.L_overlay_start_1:
0x0: {  	(tag) =	ssettag $0x1  }
0x1: {  	s5 =	rddreg [dreg:$0x0]  }
0x2: {  	s11 =	rddreg [dreg:$0x1]  }
0x3: {  	s1 =	rddreg [dreg:$0x2]  }
0x4: {  	s0 =	rddreg [dreg:$0x3]  }
0x5: {  	s2 =	simm.s32 $0x0;
	s3 =	srdreg.scid;
	s12 =	stileid.u32  }
0x6: {  	s16 =	simm.s32 $0x80;
	s17 =	simm.s32 $0x200;
	s18 =	simm.s32 $0x180  }
0x7: {  	s19 =	simm.s32 $0x1;
	s21 =	simm.s32 $0x4200;
	s22 =	simm.s32 $0x0  }
0x8: {  	[smem:$0x7FF] =	sst s2;
	s6 =	sand.u32 $0x1, s3;
	s9 =	smul.u32 $0x4F00, s12  }
0x9: {  	s3 =	sadd.s32 $0x19C00, s5;
	s13 =	sadd.s32 $0x41600, s5;
	s15 =	smul.u32 $0x9E0, s12  }
0xa: {  	s4 =	sadd.s32 $0x6200, s5;
	p0 =	sne.s32 s12, $0x0;
	s7 =	smul.u32 $0x13900, s6  }
0xb: {  	_ =	strace $0x8000004A;
	s8 =	ssub.s32 $0x2, s6;
	s20 =	smul.u32 $0x1388, s6  }
0xc: {  	s29 =	sshrl.u32 s8, $0x1;
	s30 =	sshrl.u32 s9, $0x3;
	s12 =	sadd.s32 s15, s13  }
.Ltmp0:
0xd: {  	s10 =	sadd.s32 s7, s5;
	s14 =	ssub.s32 s8, s29;
	(pc) =	sbr.rel .LBB2_1-.Ltmp0, $4  }
0xe: {  	s5 =	sadd.s32 s13, s30;
	s6 =	sadd.s32 s11, s30;
	s31 =	sor.u32 $0x10, s30  }
0xf: {  	v0 =	vmov s20;
	s20 =	simm.s32 $0x3;
	s7 =	sadd.s32 s13, s31;
	s8 =	sadd.s32 s11, s31  }
0x10: {  	s9 =	sadd.s32 $0x4B400, s10;
	s10 =	smax.u32 s14, $0x1;
	s11 =	sadd.s32 s15, s11  }
0x11: {  	s13 =	sshrl.u32 @!p0 s1, $0x3;
	s14 =	simm.s32 $0x4;
	s15 =	simm.s32 $0x100  }
.LBB2_4:
0x12: {  	[bflag:$0x0] =	sbarrier.arrive $0xFFFF;
	s23 =	simm.s32 @!p0 $0x1C04;
	s22 =	sadd.s32 $0x1, s22  }
0x13: {  	[hbm:s9], [sflag:s23] =	dma.local @!p0 [spmem:s13], $0x13900  }
0x14: {  	p1 =	sne.s32 s22, s10  }
.Ltmp1:
0x15: {  	_ = 	snop;
	(pc) =	sbr.rel @!p1 .LBB2_5-.Ltmp1, $4  }
0x16: {  	s23 =	simm.s32 @!p0 $0x4  }
0x17: {  	_ =	swait.ge @!p0 [sflag:s23], $0x13900  }
0x18: {  	[sflag:s23] =	ssyncset.done @!p0 $0x0  }
0x19: {  	[sflag:s23] =	ssyncadd.s32 @!p0 $0xFFFEC700  }
.LBB2_1:
0x1a: {  	s23 =	simm.s32 @!p0 $0x1C04  }
0x1b: {  	[spmem:s13], [sflag:s23] =	dma.local @!p0 [hbm:s4], $0x13900  }
0x1c: {  	s23 =	simm.s32 @!p0 $0x4  }
0x1d: {  	_ =	swait.ge @!p0 [sflag:s23], $0x13900  }
0x1e: {  	[sflag:s23] =	ssyncset.done @!p0 $0x0  }
0x1f: {  	[sflag:s23] =	ssyncadd.s32 @!p0 $0xFFFEC700  }
0x20: {  	[tilespmem:s2], [sflag:$0x4] =	stream.linear.gather [hbm4b:s5+s2], $0x80, $0x38;
	[tilespmem:$0x11E80] =	vst v63  }
0x21: {  	_ =	swait.ge [sflag:s14], $0x80  }
0x22: {  	[sflag:s14] =	ssyncset.done $0x0  }
0x23: {  	[sflag:s14] =	ssyncadd.s32 $0xFFFFFF80  }
0x24: {  	[tilespmem:s15], [sflag:$0x4] =	stream.linear.gather [hbm4b:s6+s2], $0x80, $0x38;
	[tilespmem:$0x11E80] =	vst v63  }
0x25: {  	_ =	swait.ge [sflag:s14], $0x80  }
0x26: {  	[sflag:s14] =	ssyncset.done $0x0  }
0x27: {  	[sflag:s14] =	ssyncadd.s32 $0xFFFFFF80  }
0x28: {  	[tilespmem:s17], [sflag:$0x1] =	stream.indirect.gather [hbm4b:s3+s16], $0x80, s2, s16, $0xb8;
	[tilespmem:$0x11E80] =	vst v63  }
0x29: {  	_ = 	snop  }
0x2a: {  	[tilespmem:s16], [sflag:$0x3] =	stream.linear.gather [hbm4b:s7+s2], $0x80, $0x38;
	[tilespmem:$0x11E80] =	vst v63  }
0x2b: {  	_ = 	snop  }
0x2c: {  	[tilespmem:s18], [sflag:$0x3] =	stream.linear.gather [hbm4b:s8+s2], $0x80, $0x38;
	[tilespmem:$0x11E80] =	vst v63  }
0x2d: {  	s23 =	simm.s32 $0xFFFFF640;
	[bflag:$0x0] =	sbarrier.arrive $0xFFFF  }
.LBB2_2:
0x2e: {  	_ =	swait.ge [sflag:s19], $0x4000  }
0x2f: {  	[sflag:s19] =	ssyncset.done $0x0  }
0x30: {  	[sflag:s19] =	ssyncadd.s32 $0xFFFFC000  }
0x31: {  	_ =	swait.ge [sflag:s20], $0x80  }
0x32: {  	[sflag:s20] =	ssyncset.done $0x0  }
0x33: {  	[sflag:s20] =	ssyncadd.s32 $0xFFFFFF80  }
0x34: {  	_ =	swait.ge [sflag:s20], $0x80  }
0x35: {  	[sflag:s20] =	ssyncset.done $0x0  }
0x36: {  	[sflag:s20] =	ssyncadd.s32 $0xFFFFFF80  }
0x37: {  	[tilespmem:s21], [sflag:$0x2] =	stream.indirect.gather [hbm4b:s3+s16], $0x80, s16, s16, $0xb8;
	[tilespmem:$0x11E80] =	vst v63  }
0x38: {  	v1 =	vld [tilespmem:$0x100]  }
0x39: {  	v2 =	vld [tilespmem:$0x110]  }
0x3a: {  	v3 =	vld [tilespmem:$0x120]  }
0x3b: {  	v4 =	vld [tilespmem:$0x130]  }
0x3c: {  	v5 =	vld [tilespmem:$0x140]  }
0x3d: {  	v6 =	vld [tilespmem:$0x150];
	v1 =	vsub.s32 v1, v0  }
0x3e: {  	v7 =	vld [tilespmem:$0x160];
	v2 =	vsub.s32 v2, v0;
	v1 =	vmin.u32 v1, $0x1388  }
0x3f: {  	[tilespmem:$0x100] =	vst v1;
	v1 =	vmin.u32 v2, $0x1388;
	v2 =	vsub.s32 v3, v0;
	v3 =	vld [tilespmem:$0x170]  }
0x40: {  	[tilespmem:$0x110] =	vst v1;
	v1 =	vmin.u32 v2, $0x1388;
	v2 =	vsub.s32 v4, v0  }
0x41: {  	[tilespmem:$0x120] =	vst v1;
	v1 =	vmin.u32 v2, $0x1388;
	v2 =	vsub.s32 v5, v0  }
0x42: {  	[tilespmem:$0x130] =	vst v1;
	v1 =	vmin.u32 v2, $0x1388;
	v2 =	vsub.s32 v6, v0  }
0x43: {  	[tilespmem:$0x140] =	vst v1;
	v1 =	vmin.u32 v2, $0x1388;
	v2 =	vsub.s32 v7, v0  }
0x44: {  	[tilespmem:$0x150] =	vst v1;
	v1 =	vmin.u32 v2, $0x1388;
	v2 =	vsub.s32 v3, v0  }
0x45: {  	[tilespmem:$0x160] =	vst v1;
	v1 =	vmin.u32 v2, $0x1388  }
0x46: {  	[tilespmem:$0x170] =	vst v1  }
0x47: {  	[spmem:s1] =	stream.indirect.scatter.add.f32 [tilespmem:s17], [sflag:$0x4], $0x80, s15, s16, $0xb8;
	[tilespmem:$0x11E80] =	vst v63  }
0x48: {  	_ =	swait.ge [sflag:s14], $0x4000  }
0x49: {  	p1 =	seq.s32 s23, $0x0;
	[sflag:s14] =	ssyncset.done $0x0  }
0x4a: {  	s24 =	simm.s32 @p1 $0x2;
	[sflag:s14] =	ssyncadd.s32 $0xFFFFC000  }
0x4b: {  	_ =	swait.ge @p1 [sflag:s24], $0x4000  }
0x4c: {  	s25 =	sadd.s32 @!p1 s23, s12;
	[sflag:s24] =	ssyncset.done @p1 $0x0  }
0x4d: {  	[sflag:s24] =	ssyncadd.s32 @p1 $0xFFFFC000;
	s24 =	sadd.s32 @!p1 $0x9E0, s25;
	s25 =	simm.s32 @!p1 $0x0  }
0x4e: {  	[tilespmem:s25], [sflag:$0x3] =	stream.linear.gather @!p1 [hbm4b:s24+s25], $0x80, $0x38;
	[tilespmem:$0x11E80] =	vst v63  }
0x4f: {  	s24 =	sadd.s32 @!p1 s23, s11  }
0x50: {  	s26 =	simm.s32 @!p1 $0x100;
	s24 =	sadd.s32 @!p1 $0x9E0, s24  }
0x51: {  	[tilespmem:s26], [sflag:$0x3] =	stream.linear.gather @!p1 [hbm4b:s24+s25], $0x80, $0x38;
	[tilespmem:$0x11E80] =	vst v63  }
0x52: {  	s24 =	simm.s32 @!p1 $0x2  }
0x53: {  	_ =	swait.ge @!p1 [sflag:s24], $0x4000  }
0x54: {  	[sflag:s24] =	ssyncset.done @!p1 $0x0  }
0x55: {  	[sflag:s24] =	ssyncadd.s32 @!p1 $0xFFFFC000;
	s24 =	simm.s32 @!p1 $0x3  }
0x56: {  	_ =	swait.ge @!p1 [sflag:s24], $0x80  }
0x57: {  	[sflag:s24] =	ssyncset.done @!p1 $0x0  }
0x58: {  	[sflag:s24] =	ssyncadd.s32 @!p1 $0xFFFFFF80  }
0x59: {  	_ =	swait.ge @!p1 [sflag:s24], $0x80  }
0x5a: {  	[sflag:s24] =	ssyncset.done @!p1 $0x0  }
0x5b: {  	s26 =	simm.s32 @!p1 $0x200;
	[sflag:s24] =	ssyncadd.s32 @!p1 $0xFFFFFF80;
	s24 =	simm.s32 @!p1 $0x80  }
0x5c: {  	[tilespmem:s26], [sflag:$0x1] =	stream.indirect.gather @!p1 [hbm4b:s3+s24], $0x80, s25, s24, $0xb8;
	[tilespmem:$0x11E80] =	vst v63  }
0x5d: {  	v1 =	vld [tilespmem:$0x180]  }
0x5e: {  	v2 =	vld [tilespmem:$0x190]  }
0x5f: {  	v3 =	vld [tilespmem:$0x1A0]  }
0x60: {  	v60 =	vld [tilespmem:$0x1B0]  }
0x61: {  	v61 =	vld [tilespmem:$0x1C0]  }
0x62: {  	v62 =	vld [tilespmem:$0x1D0];
	v1 =	vsub.s32 v1, v0  }
0x63: {  	v63 =	vld [tilespmem:$0x1E0];
	v2 =	vsub.s32 v2, v0;
	v1 =	vmin.u32 v1, $0x1388  }
0x64: {  	[tilespmem:$0x180] =	vst v1;
	v1 =	vmin.u32 v2, $0x1388;
	v2 =	vsub.s32 v3, v0;
	v3 =	vld [tilespmem:$0x1F0]  }
0x65: {  	[tilespmem:$0x190] =	vst v1;
	v1 =	vmin.u32 v2, $0x1388;
	v2 =	vsub.s32 v60, v0  }
0x66: {  	[tilespmem:$0x1A0] =	vst v1;
	v1 =	vmin.u32 v2, $0x1388;
	v2 =	vsub.s32 v61, v0  }
0x67: {  	[tilespmem:$0x1B0] =	vst v1;
	v1 =	vmin.u32 v2, $0x1388;
	v2 =	vsub.s32 v62, v0  }
0x68: {  	[tilespmem:$0x1C0] =	vst v1;
	v1 =	vmin.u32 v2, $0x1388;
	v2 =	vsub.s32 v63, v0  }
0x69: {  	[tilespmem:$0x1D0] =	vst v1;
	v1 =	vmin.u32 v2, $0x1388;
	v2 =	vsub.s32 v3, v0  }
0x6a: {  	[tilespmem:$0x1E0] =	vst v1;
	v1 =	vmin.u32 v2, $0x1388  }
.Ltmp2:
0x6b: {  	[tilespmem:$0x1F0] =	vst v1;
	(pc) =	sbr.rel @p1 .LBB2_4-.Ltmp2, $4  }
0x6c: {  	[spmem:s1] =	stream.indirect.scatter.add.f32 [tilespmem:s21], [sflag:$0x4], $0x80, s18, s16, $0xb8;
	[tilespmem:$0x11E80] =	vst v63  }
0x6d: {  	_ =	swait.ge [sflag:s14], $0x4000  }
0x6e: {  	[sflag:s14] =	ssyncset.done $0x0  }
0x6f: {  	[sflag:s14] =	ssyncadd.s32 $0xFFFFC000  }
.Ltmp3:
0x70: {  	s24 =	sadd.s32 s23, s12;
	(pc) =	sbr.rel .LBB2_2-.Ltmp3, $4  }
0x71: {  	s31 =	sadd.s32 s23, s11;
	s24 =	sadd.s32 $0x9F0, s24  }
0x72: {  	[tilespmem:s16], [sflag:$0x3] =	stream.linear.gather [hbm4b:s24+s2], $0x80, $0x38;
	[tilespmem:$0x11E80] =	vst v63  }
0x73: {  	s23 =	sadd.s32 $0x20, s23;
	s24 =	sadd.s32 $0x9F0, s31  }
0x74: {  	[tilespmem:s18], [sflag:$0x3] =	stream.linear.gather [hbm4b:s24+s2], $0x80, $0x38;
	[tilespmem:$0x11E80] =	vst v63  }
.LBB2_5:
0x75: {  	_ =	sfence.sel $0x180000  }
0x76: {  	[bflag:$0x0] =	sbarrier.arrive $0xFFFF  }
0x77: {  	_ =	strace $0x9000004A  }
0x78: {  	s0 =	sadd.s32 @!p0 $0x100000, s0;
	[bflag:$0x2] =	sbarrier.arrive $0xFFFF  }
0x79: {  	[sflag:s0] =	ssyncadd.tile.s32 @!p0 $0x1;
	_ =	shalt  }
.Lfunc_end2:
_tile_overlayer_lowered:
.L_overlay_start_2:
0x7a: {  	(tag) =	ssettag $0x2  }
0x7b: {  	s0 =	rddreg [dreg:$0x0];
	s2 =	stileid.u32  }
0x7c: {  	s1 =	rddreg [dreg:$0x1];
	p0 =	sne.s32 s2, $0x0  }
0x7d: {  	s3 =	rddreg [dreg:$0x2];
	[bflag:$0x3] =	sbarrier.arrive $0xFFFF;
	s2 =	simm.s32 @!p0 $0x1C04  }
0x7e: {  	[timem:s3], [sflag:s2] =	dma.local @!p0 [hbm:s0], s1  }
0x7f: {  	s0 =	simm.s32 @!p0 $0x4  }
0x80: {  	_ =	swait.ge @!p0 [sflag:s0], s1  }
0x81: {  	s1 =	ssub.s32 @!p0 $0x0, s1;
	[sflag:s0] =	ssyncset.done @!p0 $0x0  }
0x82: {  	[sflag:s0] =	ssyncadd.s32 @!p0 s1  }
0x83: {  	[bflag:$0x3] =	sbarrier.arrive $0xFFFF  }
0x84: {  	_ =	shalt  }

// kernel: kernel.16.cloned.1.call-start
scs
__scs_entry_jumppad:
0x0: {  	(pc) =	sbr.rel $0x88, $3  }
0x1: {  	(tag) =	ssettag $0x0;
	lr =	simm.s32 $0x1  }
0x2: {  	[smem:$0x3F8D] =	sst lr;
	_ =	strace $0xD0000000  }
0x3: {  	_ = 	snop  }
0x4: {  	_ = 	snop  }
0x5: {  	_ = 	snop  }
0x6: {  	_ = 	snop  }
0x7: {  	_ = 	snop  }
__scs_overlays_trampoline_lowered:
0x8: {  	[smem:$0x3F9C] =	sst s0  }
0x9: {  	[smem:$0x3F9D] =	sst s1  }
0xa: {  	[smem:$0x3F9E] =	sst s2  }
0xb: {  	[smem:$0x3F9F] =	sst s3  }
0xc: {  	[smem:$0x3FA0] =	sst s4  }
0xd: {  	[smem:$0x3FA1] =	sst s5  }
0xe: {  	[smem:$0x3FA2] =	sst s6  }
0xf: {  	[smem:$0x3FA3] =	sst s7  }
0x10: {  	[smem:$0x3FA4] =	sst s8  }
0x11: {  	[smem:$0x3FA5] =	sst s9;
	s0 =	simm.s32 @!p0 $0x0  }
0x12: {  	s1 =	sld [smem:$0x3F8B];
	s0 =	simm.s32 @p0 $0x1  }
0x13: {  	[smem:$0x3FA6] =	sst s0;
	s0 =	simm.s32 @!p1 $0x0  }
0x14: {  	s2 =	sld [smem:$0x3F8A];
	s0 =	simm.s32 @p1 $0x1  }
0x15: {  	[smem:$0x3FA7] =	sst s0;
	s0 =	simm.s32 @!p2 $0x0  }
0x16: {  	s3 =	sld [smem:$0x3FDB];
	s0 =	simm.s32 @p2 $0x1  }
0x17: {  	s4 =	simm.s32 $0x1BF5;
	[smem:$0x3FA9] =	sst s0  }
0x18: {  	s0 =	sld [smem:$0x3F8C];
	_ =	swait.ge [sflag:s4], $0x0  }
0x19: {  	s7 =	sld [smem:$0x3F8D]  }
0x1a: {  	s8 =	sadd.s32 $0xFFFFE003, lr  }
0x1b: {  	s9 =	sadd.s32 $0xFFFFFEF7, lr;
	s5 =	simm.s32 $0xFFFFFFFF;
	p2 =	slt.u32 s8, $0xFFFFF086  }
0x1c: {  	p1 =	slt.u32 s9, $0xF7A;
	s5 =	simm.s32 @!p2 $0x0  }
0x1d: {  	s5 =	simm.s32 @p1 $0x1;
	p0 =	seq.s32 s7, s2  }
0x1e: {  	s7 =	smul.u32 @!p0 $0xF7A, s2;
	p2 =	seq.s32 @!p0 s5, $0x0  }
0x1f: {  	s9 =	smul.u32 $0xF7A, s1;
	s8 =	simm.s32 @!p0 $0x1BF5;
	p2 =	por !p2, p0  }
0x20: {  	[sflag:s8] =	ssyncset.s32 @!p0 $0xFFFFF086;
	s6 =	sadd.s32 @!p0 s3, s7;
	s7 =	simm.s32 @!p0 $0x108  }
0x21: {  	s3 =	sadd.s32 s3, s9;
	s6 =	sadd.s32 @!p0 $0x88, s6;
	s7 =	simm.s32 @p2 $0x1082  }
0x22: {  	[simem:s7], [sflag:s8] =	dma.local @!p0 [hbm:s6], $0xF7A  }
0x23: {  	s9 =	sor.u32 $0xD0000000, s2;
	s6 =	simm.s32 $0x108;
	_ =	swait.ge @!p0 [sflag:s8], $0x0  }
0x24: {  	s3 =	sadd.s32 $0x88, s3;
	s6 =	simm.s32 @!p1 $0x1082;
	[sflag:s4] =	ssyncset.s32 $0xFFFFF086  }
0x25: {  	[simem:s6], [sflag:s4] =	dma.local [hbm:s3], $0xF7A  }
0x26: {  	[smem:$0x3F8D] =	sst s1;
	(tag) =	ssettag s2;
	_ =	strace s9  }
0x27: {  	s1 =	sld [smem:$0x3F9D]  }
0x28: {  	s2 =	sld [smem:$0x3F9E]  }
0x29: {  	s4 =	sld [smem:$0x3FA0]  }
0x2a: {  	p0 =	seq.s32 s5, $0x0;
	s5 =	sld [smem:$0x3FA1]  }
0x2b: {  	s6 =	sld [smem:$0x3FA2]  }
0x2c: {  	s7 =	sld [smem:$0x3FA3]  }
0x2d: {  	s3 =	simm.s32 $0x108;
	s8 =	sld [smem:$0x3FA4]  }
0x2e: {  	s3 =	simm.s32 @!p0 $0x1082;
	s9 =	sld [smem:$0x3FA5]  }
0x2f: {  	lr =	sadd.s32 s0, s3;
	s0 =	sld [smem:$0x3F9C]  }
0x30: {  	s3 =	sld [smem:$0x3F9F]  }
0x31: {  	[smem:$0x3FA8] =	sst s10  }
0x32: {  	s10 =	sld [smem:$0x3FA6];
	_ =	sdelay $0x3  }
0x33: {  	p0 =	seq.s32 s10, $0x1;
	s10 =	sld [smem:$0x3FA8];
	_ =	sdelay $0x3  }
0x34: {  	[smem:$0x3FA8] =	sst s10  }
0x35: {  	s10 =	sld [smem:$0x3FA7];
	_ =	sdelay $0x3  }
0x36: {  	p1 =	seq.s32 s10, $0x1;
	s10 =	sld [smem:$0x3FA8];
	_ =	sdelay $0x3  }
0x37: {  	[smem:$0x3FA8] =	sst s10  }
0x38: {  	s10 =	sld [smem:$0x3FA9]  }
0x39: {  	_ = 	snop;
	(pc) =	sbr.ind lr, $3  }
0x3a: {  	_ = 	snop  }
0x3b: {  	_ = 	snop  }
0x3c: {  	p2 =	seq.s32 s10, $0x1;
	s10 =	sld [smem:$0x3FA8]  }
0x3d: {  	_ =	shalt  }
0x3e: {  	_ =	shalt  }
0x3f: {  	_ =	shalt  }
0x40: {  	_ =	shalt  }
0x41: {  	_ =	shalt  }
0x42: {  	_ =	shalt  }
0x43: {  	_ =	shalt  }
0x44: {  	_ =	shalt  }
0x45: {  	_ =	shalt  }
0x46: {  	_ =	shalt  }
0x47: {  	_ =	shalt  }
0x48: {  	_ =	shalt  }
0x49: {  	_ =	shalt  }
0x4a: {  	_ =	shalt  }
0x4b: {  	_ =	shalt  }
0x4c: {  	_ =	shalt  }
0x4d: {  	_ =	shalt  }
0x4e: {  	_ =	shalt  }
0x4f: {  	_ =	shalt  }
0x50: {  	_ =	shalt  }
0x51: {  	_ =	shalt  }
0x52: {  	_ =	shalt  }
0x53: {  	_ =	shalt  }
0x54: {  	_ =	shalt  }
0x55: {  	_ =	shalt  }
0x56: {  	_ =	shalt  }
0x57: {  	_ =	shalt  }
0x58: {  	_ =	shalt  }
0x59: {  	_ =	shalt  }
0x5a: {  	_ =	shalt  }
0x5b: {  	_ =	shalt  }
0x5c: {  	_ =	shalt  }
0x5d: {  	_ =	shalt  }
0x5e: {  	_ =	shalt  }
0x5f: {  	_ =	shalt  }
0x60: {  	_ =	shalt  }
0x61: {  	_ =	shalt  }
0x62: {  	_ =	shalt  }
0x63: {  	_ =	shalt  }
0x64: {  	_ =	shalt  }
0x65: {  	_ =	shalt  }
0x66: {  	_ =	shalt  }
0x67: {  	_ =	shalt  }
0x68: {  	_ =	shalt  }
0x69: {  	_ =	shalt  }
0x6a: {  	_ =	shalt  }
0x6b: {  	_ =	shalt  }
0x6c: {  	_ =	shalt  }
0x6d: {  	_ =	shalt  }
0x6e: {  	_ =	shalt  }
0x6f: {  	_ =	shalt  }
0x70: {  	_ =	shalt  }
0x71: {  	_ =	shalt  }
0x72: {  	_ =	shalt  }
0x73: {  	_ =	shalt  }
0x74: {  	_ =	shalt  }
0x75: {  	_ =	shalt  }
0x76: {  	_ =	shalt  }
0x77: {  	_ =	shalt  }
0x78: {  	_ =	shalt  }
0x79: {  	_ =	shalt  }
0x7a: {  	_ =	shalt  }
0x7b: {  	_ =	shalt  }
0x7c: {  	_ =	shalt  }
0x7d: {  	_ =	shalt  }
0x7e: {  	_ =	shalt  }
0x7f: {  	_ =	shalt  }
0x80: {  	_ =	shalt  }
0x81: {  	_ =	shalt  }
0x82: {  	_ =	shalt  }
0x83: {  	_ =	shalt  }
0x84: {  	_ =	shalt  }
0x85: {  	_ =	shalt  }
0x86: {  	_ =	shalt  }
0x87: {  	_ =	shalt  }
.Lfunc_end0:
.L_simem_size_0:
called_computation.2_lowered:
.L_overlay_start_0:
0x88: {  	s2 =	sld [smem:$0x3FD9]  }
0x89: {  	s3 =	sld [smem:$0x3FFE];
	_ =	sdelay $0x1  }
0x8a: {  	s1 =	srdreg.scid  }
0x8b: {  	s0 =	sand.u32 $0x1, s1  }
0x8c: {  	s17 =	sshll.u32 s0, $0xA;
	s2 =	sadd.s32 s3, s2  }
0x8d: {  	s2 =	sadd.s32 s2, s17  }
0x8e: {  	[smem:$0x3FB4] =	sst s2  }
0x8f: {  	_ = 	snop  }
0x90: {  	s2 =	sld [smem:$0x3FD0];
	(tm) =	ssettm $0x1  }
0x91: {  	s18 =	sld [smem:$0x3FFB];
	_ =	sdelay $0x3  }
0x92: {  	_ =	strace s18  }
0x93: {  	s3 =	sld [smem:$0x3FFC];
	_ =	sdelay $0x3  }
0x94: {  	_ =	strace s3  }
0x95: {  	s3 =	sld [smem:$0x3FFD];
	_ =	sdelay $0x3  }
0x96: {  	_ =	strace s3  }
0x97: {  	_ =	strace $0x8FFFFFFF  }
0x98: {  	s19 =	sld [smem:$0x3FDB];
	_ =	sdelay $0x1  }
0x99: {  	s4 =	simm.s32 $_scs_section_size  }
0x9a: {  	s5 =	simm.s32 $_size__tile_overlayer_lowered;
	s6 =	simm.s32 $_tile_overlayer_lowered  }
0x9b: {  	s22 =	simm.s32 $0x1BFF;
	s21 =	sshll.u32 s6, $0x1;
	s3 =	sadd.s32 s4, s19  }
0x9c: {  	s7 =	simm.s32 $0x0;
	s20 =	sshll.u32 s5, $0x1;
	s5 =	sadd.s32 s21, s3  }
0x9d: {  	[timem:s7], [sflag:s22] =	dma.local [hbm:s5], s20  }
0x9e: {  	_ =	swait.ge [sflag:s22], s20  }
0x9f: {  	s4 =	ssub.s32 $0x0, s20;
	[sflag:s22] =	ssyncset.done $0x0  }
0xa0: {  	[sflag:s22] =	ssyncadd.s32 s4;
	_ =	sdelay $0x1  }
0xa1: {  	s23 =	simm.s32 $0x1B8B  }
0xa2: {  	_ =	swait.ge [sflag:s23], $0x1  }
0xa3: {  	[sflag:s23] =	ssyncset.done $0x0  }
0xa4: {  	s25 =	simm.s32 $0x1B8E;
	s24 =	sld [smem:$0x3FFE];
	[sflag:s23] =	ssyncadd.s32 $0xFFFFFFFF  }
0xa5: {  	s26 =	simm.s32 $execute0_lowered;
	[smem:$0x3FD2] =	sst s25  }
0xa6: {  	s5 =	sshll.u32 s26, $0x1;
	_ =	strace $0x8000004C;
	[dreg:$0x1] =	wrdreg $0xFFFFFFFF  }
0xa7: {  	s28 =	simm.s32 $_size_execute0_lowered;
	s3 =	sadd.s32 s3, s5;
	[dreg:$0x0] =	wrdreg $0x0  }
0xa8: {  	s5 =	sshll.u32 s28, $0x1;
	[dreg:$0x2] =	wrdreg s3  }
0xa9: {  	[dreg:$0x3] =	wrdreg s5  }
0xaa: {  	[dreg:$0x4] =	wrdreg $0xC0  }
0xab: {  	_ =	task [dreg:s7], $0x5FFFF  }
0xac: {  	[dreg:$0x1] =	wrdreg $0xFFFFFFFF  }
0xad: {  	[dreg:$0x0] =	wrdreg $0x60  }
0xae: {  	[dreg:$0x2] =	wrdreg s24  }
0xaf: {  	[dreg:$0x3] =	wrdreg s2  }
0xb0: {  	[dreg:$0x4] =	wrdreg $0x82000  }
0xb1: {  	[dreg:$0x5] =	wrdreg $0x9  }
0xb2: {  	_ =	task.clear_ibuf [dreg:s7], $0x6FFFF;
	_ =	strace $0x9000004C  }
0xb3: {  	s29 =	simm.s32 $0x9;
	_ =	strace $0x8000004E  }
0xb4: {  	_ =	swait.ge [sflag:s29], $0x1  }
0xb5: {  	[sflag:s29] =	ssyncadd.s32 $0xFFFFFFFF  }
0xb6: {  	_ =	strace $0x9000004E  }
0xb7: {  	_ =	sfence  }
0xb8: {  	s30 =	sld [smem:$0x0];
	_ =	sdelay $0x2  }
0xb9: {  	s31 =	sshll.u32 s1, $0xD;
	s1 =	sshrl.u32 s1, $0x2  }
0xba: {  	s3 =	sand.u32 $0x4000, s31;
	s1 =	sadd.s32 s1, s30  }
0xbb: {  	s0 =	sor.u32 s3, s0;
	s1 =	sshll.u32 s1, $0x11  }
0xbc: {  	s0 =	sor.u32 s1, s0  }
0xbd: {  	s0 =	sadd.s32 $0x8F2B, s0  }
0xbe: {  	[sflag:s0] =	ssyncadd.remote.s32 $0x1  }
0xbf: {  	_ =	sfence.sel $0xFFFF  }
0xc0: {  	[dreg:$0x0] =	wrdreg $0xFFFFFFFF;
	(pc) =	sbr.abs _section_cstart, $3  }
0xc1: {  	[dreg:$0x1] =	wrdreg $0xFFFFFFFF  }
0xc2: {  	_ =	task.clear_ibuf [dreg:s7], $0x2FFFF;
	_ =	strace $0x9FFFFFFF  }
0xc3: {  	(tm) =	ssettm $0x7FFFFFFF  }
tec
execute0_lowered:
.L_overlay_start_1:
0x0: {  	(tag) =	ssettag $0x1  }
0x1: {  	s5 =	rddreg [dreg:$0x0]  }
0x2: {  	s11 =	rddreg [dreg:$0x1]  }
0x3: {  	s1 =	rddreg [dreg:$0x2]  }
0x4: {  	s0 =	rddreg [dreg:$0x3]  }
0x5: {  	s2 =	simm.s32 $0x0;
	s3 =	srdreg.scid;
	s12 =	stileid.u32  }
0x6: {  	s16 =	simm.s32 $0x80;
	s17 =	simm.s32 $0x200;
	s18 =	simm.s32 $0x180  }
0x7: {  	s19 =	simm.s32 $0x1;
	s21 =	simm.s32 $0x4200;
	s22 =	simm.s32 $0x0  }
0x8: {  	[smem:$0x7FF] =	sst s2;
	s6 =	sand.u32 $0x1, s3;
	s9 =	smul.u32 $0x4F00, s12  }
0x9: {  	s3 =	sadd.s32 $0x19C00, s5;
	s13 =	sadd.s32 $0x41600, s5;
	s15 =	smul.u32 $0x9E0, s12  }
0xa: {  	s4 =	sadd.s32 $0x6200, s5;
	p0 =	sne.s32 s12, $0x0;
	s7 =	smul.u32 $0x13900, s6  }
0xb: {  	_ =	strace $0x8000004D;
	s8 =	ssub.s32 $0x2, s6;
	s20 =	smul.u32 $0x1388, s6  }
0xc: {  	s29 =	sshrl.u32 s8, $0x1;
	s30 =	sshrl.u32 s9, $0x3;
	s12 =	sadd.s32 s15, s13  }
.Ltmp0:
0xd: {  	s10 =	sadd.s32 s7, s5;
	s14 =	ssub.s32 s8, s29;
	(pc) =	sbr.rel .LBB2_1-.Ltmp0, $4  }
0xe: {  	s5 =	sadd.s32 s13, s30;
	s6 =	sadd.s32 s11, s30;
	s31 =	sor.u32 $0x10, s30  }
0xf: {  	v0 =	vmov s20;
	s20 =	simm.s32 $0x3;
	s7 =	sadd.s32 s13, s31;
	s8 =	sadd.s32 s11, s31  }
0x10: {  	s9 =	sadd.s32 $0x4B400, s10;
	s10 =	smax.u32 s14, $0x1;
	s11 =	sadd.s32 s15, s11  }
0x11: {  	s13 =	sshrl.u32 @!p0 s1, $0x3;
	s14 =	simm.s32 $0x4;
	s15 =	simm.s32 $0x100  }
.LBB2_4:
0x12: {  	[bflag:$0x0] =	sbarrier.arrive $0xFFFF;
	s23 =	simm.s32 @!p0 $0x1C04;
	s22 =	sadd.s32 $0x1, s22  }
0x13: {  	[hbm:s9], [sflag:s23] =	dma.local @!p0 [spmem:s13], $0x13900  }
0x14: {  	p1 =	sne.s32 s22, s10  }
.Ltmp1:
0x15: {  	_ = 	snop;
	(pc) =	sbr.rel @!p1 .LBB2_5-.Ltmp1, $4  }
0x16: {  	s23 =	simm.s32 @!p0 $0x4  }
0x17: {  	_ =	swait.ge @!p0 [sflag:s23], $0x13900  }
0x18: {  	[sflag:s23] =	ssyncset.done @!p0 $0x0  }
0x19: {  	[sflag:s23] =	ssyncadd.s32 @!p0 $0xFFFEC700  }
.LBB2_1:
0x1a: {  	s23 =	simm.s32 @!p0 $0x1C04  }
0x1b: {  	[spmem:s13], [sflag:s23] =	dma.local @!p0 [hbm:s4], $0x13900  }
0x1c: {  	s23 =	simm.s32 @!p0 $0x4  }
0x1d: {  	_ =	swait.ge @!p0 [sflag:s23], $0x13900  }
0x1e: {  	[sflag:s23] =	ssyncset.done @!p0 $0x0  }
0x1f: {  	[sflag:s23] =	ssyncadd.s32 @!p0 $0xFFFEC700  }
0x20: {  	[tilespmem:s2], [sflag:$0x4] =	stream.linear.gather [hbm4b:s5+s2], $0x80, $0x38;
	[tilespmem:$0x11E80] =	vst v63  }
0x21: {  	_ =	swait.ge [sflag:s14], $0x80  }
0x22: {  	[sflag:s14] =	ssyncset.done $0x0  }
0x23: {  	[sflag:s14] =	ssyncadd.s32 $0xFFFFFF80  }
0x24: {  	[tilespmem:s15], [sflag:$0x4] =	stream.linear.gather [hbm4b:s6+s2], $0x80, $0x38;
	[tilespmem:$0x11E80] =	vst v63  }
0x25: {  	_ =	swait.ge [sflag:s14], $0x80  }
0x26: {  	[sflag:s14] =	ssyncset.done $0x0  }
0x27: {  	[sflag:s14] =	ssyncadd.s32 $0xFFFFFF80  }
0x28: {  	[tilespmem:s17], [sflag:$0x1] =	stream.indirect.gather [hbm4b:s3+s16], $0x80, s2, s16, $0xb8;
	[tilespmem:$0x11E80] =	vst v63  }
0x29: {  	_ = 	snop  }
0x2a: {  	[tilespmem:s16], [sflag:$0x3] =	stream.linear.gather [hbm4b:s7+s2], $0x80, $0x38;
	[tilespmem:$0x11E80] =	vst v63  }
0x2b: {  	_ = 	snop  }
0x2c: {  	[tilespmem:s18], [sflag:$0x3] =	stream.linear.gather [hbm4b:s8+s2], $0x80, $0x38;
	[tilespmem:$0x11E80] =	vst v63  }
0x2d: {  	s23 =	simm.s32 $0xFFFFF640;
	[bflag:$0x0] =	sbarrier.arrive $0xFFFF  }
.LBB2_2:
0x2e: {  	_ =	swait.ge [sflag:s19], $0x4000  }
0x2f: {  	[sflag:s19] =	ssyncset.done $0x0  }
0x30: {  	[sflag:s19] =	ssyncadd.s32 $0xFFFFC000  }
0x31: {  	_ =	swait.ge [sflag:s20], $0x80  }
0x32: {  	[sflag:s20] =	ssyncset.done $0x0  }
0x33: {  	[sflag:s20] =	ssyncadd.s32 $0xFFFFFF80  }
0x34: {  	_ =	swait.ge [sflag:s20], $0x80  }
0x35: {  	[sflag:s20] =	ssyncset.done $0x0  }
0x36: {  	[sflag:s20] =	ssyncadd.s32 $0xFFFFFF80  }
0x37: {  	[tilespmem:s21], [sflag:$0x2] =	stream.indirect.gather [hbm4b:s3+s16], $0x80, s16, s16, $0xb8;
	[tilespmem:$0x11E80] =	vst v63  }
0x38: {  	v1 =	vld [tilespmem:$0x100]  }
0x39: {  	v2 =	vld [tilespmem:$0x110]  }
0x3a: {  	v3 =	vld [tilespmem:$0x120]  }
0x3b: {  	v4 =	vld [tilespmem:$0x130]  }
0x3c: {  	v5 =	vld [tilespmem:$0x140]  }
0x3d: {  	v6 =	vld [tilespmem:$0x150];
	v1 =	vsub.s32 v1, v0  }
0x3e: {  	v7 =	vld [tilespmem:$0x160];
	v2 =	vsub.s32 v2, v0;
	v1 =	vmin.u32 v1, $0x1388  }
0x3f: {  	[tilespmem:$0x100] =	vst v1;
	v1 =	vmin.u32 v2, $0x1388;
	v2 =	vsub.s32 v3, v0;
	v3 =	vld [tilespmem:$0x170]  }
0x40: {  	[tilespmem:$0x110] =	vst v1;
	v1 =	vmin.u32 v2, $0x1388;
	v2 =	vsub.s32 v4, v0  }
0x41: {  	[tilespmem:$0x120] =	vst v1;
	v1 =	vmin.u32 v2, $0x1388;
	v2 =	vsub.s32 v5, v0  }
0x42: {  	[tilespmem:$0x130] =	vst v1;
	v1 =	vmin.u32 v2, $0x1388;
	v2 =	vsub.s32 v6, v0  }
0x43: {  	[tilespmem:$0x140] =	vst v1;
	v1 =	vmin.u32 v2, $0x1388;
	v2 =	vsub.s32 v7, v0  }
0x44: {  	[tilespmem:$0x150] =	vst v1;
	v1 =	vmin.u32 v2, $0x1388;
	v2 =	vsub.s32 v3, v0  }
0x45: {  	[tilespmem:$0x160] =	vst v1;
	v1 =	vmin.u32 v2, $0x1388  }
0x46: {  	[tilespmem:$0x170] =	vst v1  }
0x47: {  	[spmem:s1] =	stream.indirect.scatter.add.f32 [tilespmem:s17], [sflag:$0x4], $0x80, s15, s16, $0xb8;
	[tilespmem:$0x11E80] =	vst v63  }
0x48: {  	_ =	swait.ge [sflag:s14], $0x4000  }
0x49: {  	p1 =	seq.s32 s23, $0x0;
	[sflag:s14] =	ssyncset.done $0x0  }
0x4a: {  	s24 =	simm.s32 @p1 $0x2;
	[sflag:s14] =	ssyncadd.s32 $0xFFFFC000  }
0x4b: {  	_ =	swait.ge @p1 [sflag:s24], $0x4000  }
0x4c: {  	s25 =	sadd.s32 @!p1 s23, s12;
	[sflag:s24] =	ssyncset.done @p1 $0x0  }
0x4d: {  	[sflag:s24] =	ssyncadd.s32 @p1 $0xFFFFC000;
	s24 =	sadd.s32 @!p1 $0x9E0, s25;
	s25 =	simm.s32 @!p1 $0x0  }
0x4e: {  	[tilespmem:s25], [sflag:$0x3] =	stream.linear.gather @!p1 [hbm4b:s24+s25], $0x80, $0x38;
	[tilespmem:$0x11E80] =	vst v63  }
0x4f: {  	s24 =	sadd.s32 @!p1 s23, s11  }
0x50: {  	s26 =	simm.s32 @!p1 $0x100;
	s24 =	sadd.s32 @!p1 $0x9E0, s24  }
0x51: {  	[tilespmem:s26], [sflag:$0x3] =	stream.linear.gather @!p1 [hbm4b:s24+s25], $0x80, $0x38;
	[tilespmem:$0x11E80] =	vst v63  }
0x52: {  	s24 =	simm.s32 @!p1 $0x2  }
0x53: {  	_ =	swait.ge @!p1 [sflag:s24], $0x4000  }
0x54: {  	[sflag:s24] =	ssyncset.done @!p1 $0x0  }
0x55: {  	[sflag:s24] =	ssyncadd.s32 @!p1 $0xFFFFC000;
	s24 =	simm.s32 @!p1 $0x3  }
0x56: {  	_ =	swait.ge @!p1 [sflag:s24], $0x80  }
0x57: {  	[sflag:s24] =	ssyncset.done @!p1 $0x0  }
0x58: {  	[sflag:s24] =	ssyncadd.s32 @!p1 $0xFFFFFF80  }
0x59: {  	_ =	swait.ge @!p1 [sflag:s24], $0x80  }
0x5a: {  	[sflag:s24] =	ssyncset.done @!p1 $0x0  }
0x5b: {  	s26 =	simm.s32 @!p1 $0x200;
	[sflag:s24] =	ssyncadd.s32 @!p1 $0xFFFFFF80;
	s24 =	simm.s32 @!p1 $0x80  }
0x5c: {  	[tilespmem:s26], [sflag:$0x1] =	stream.indirect.gather @!p1 [hbm4b:s3+s24], $0x80, s25, s24, $0xb8;
	[tilespmem:$0x11E80] =	vst v63  }
0x5d: {  	v1 =	vld [tilespmem:$0x180]  }
0x5e: {  	v2 =	vld [tilespmem:$0x190]  }
0x5f: {  	v3 =	vld [tilespmem:$0x1A0]  }
0x60: {  	v60 =	vld [tilespmem:$0x1B0]  }
0x61: {  	v61 =	vld [tilespmem:$0x1C0]  }
0x62: {  	v62 =	vld [tilespmem:$0x1D0];
	v1 =	vsub.s32 v1, v0  }
0x63: {  	v63 =	vld [tilespmem:$0x1E0];
	v2 =	vsub.s32 v2, v0;
	v1 =	vmin.u32 v1, $0x1388  }
0x64: {  	[tilespmem:$0x180] =	vst v1;
	v1 =	vmin.u32 v2, $0x1388;
	v2 =	vsub.s32 v3, v0;
	v3 =	vld [tilespmem:$0x1F0]  }
0x65: {  	[tilespmem:$0x190] =	vst v1;
	v1 =	vmin.u32 v2, $0x1388;
	v2 =	vsub.s32 v60, v0  }
0x66: {  	[tilespmem:$0x1A0] =	vst v1;
	v1 =	vmin.u32 v2, $0x1388;
	v2 =	vsub.s32 v61, v0  }
0x67: {  	[tilespmem:$0x1B0] =	vst v1;
	v1 =	vmin.u32 v2, $0x1388;
	v2 =	vsub.s32 v62, v0  }
0x68: {  	[tilespmem:$0x1C0] =	vst v1;
	v1 =	vmin.u32 v2, $0x1388;
	v2 =	vsub.s32 v63, v0  }
0x69: {  	[tilespmem:$0x1D0] =	vst v1;
	v1 =	vmin.u32 v2, $0x1388;
	v2 =	vsub.s32 v3, v0  }
0x6a: {  	[tilespmem:$0x1E0] =	vst v1;
	v1 =	vmin.u32 v2, $0x1388  }
.Ltmp2:
0x6b: {  	[tilespmem:$0x1F0] =	vst v1;
	(pc) =	sbr.rel @p1 .LBB2_4-.Ltmp2, $4  }
0x6c: {  	[spmem:s1] =	stream.indirect.scatter.add.f32 [tilespmem:s21], [sflag:$0x4], $0x80, s18, s16, $0xb8;
	[tilespmem:$0x11E80] =	vst v63  }
0x6d: {  	_ =	swait.ge [sflag:s14], $0x4000  }
0x6e: {  	[sflag:s14] =	ssyncset.done $0x0  }
0x6f: {  	[sflag:s14] =	ssyncadd.s32 $0xFFFFC000  }
.Ltmp3:
0x70: {  	s24 =	sadd.s32 s23, s12;
	(pc) =	sbr.rel .LBB2_2-.Ltmp3, $4  }
0x71: {  	s31 =	sadd.s32 s23, s11;
	s24 =	sadd.s32 $0x9F0, s24  }
0x72: {  	[tilespmem:s16], [sflag:$0x3] =	stream.linear.gather [hbm4b:s24+s2], $0x80, $0x38;
	[tilespmem:$0x11E80] =	vst v63  }
0x73: {  	s23 =	sadd.s32 $0x20, s23;
	s24 =	sadd.s32 $0x9F0, s31  }
0x74: {  	[tilespmem:s18], [sflag:$0x3] =	stream.linear.gather [hbm4b:s24+s2], $0x80, $0x38;
	[tilespmem:$0x11E80] =	vst v63  }
.LBB2_5:
0x75: {  	_ =	sfence.sel $0x180000  }
0x76: {  	[bflag:$0x0] =	sbarrier.arrive $0xFFFF  }
0x77: {  	_ =	strace $0x9000004D  }
0x78: {  	s0 =	sadd.s32 @!p0 $0x100000, s0;
	[bflag:$0x2] =	sbarrier.arrive $0xFFFF  }
0x79: {  	[sflag:s0] =	ssyncadd.tile.s32 @!p0 $0x1;
	_ =	shalt  }
.Lfunc_end2:
_tile_overlayer_lowered:
.L_overlay_start_2:
0x7a: {  	(tag) =	ssettag $0x2  }
0x7b: {  	s0 =	rddreg [dreg:$0x0];
	s2 =	stileid.u32  }
0x7c: {  	s1 =	rddreg [dreg:$0x1];
	p0 =	sne.s32 s2, $0x0  }
0x7d: {  	s3 =	rddreg [dreg:$0x2];
	[bflag:$0x3] =	sbarrier.arrive $0xFFFF;
	s2 =	simm.s32 @!p0 $0x1C04  }
0x7e: {  	[timem:s3], [sflag:s2] =	dma.local @!p0 [hbm:s0], s1  }
0x7f: {  	s0 =	simm.s32 @!p0 $0x4  }
0x80: {  	_ =	swait.ge @!p0 [sflag:s0], s1  }
0x81: {  	s1 =	ssub.s32 @!p0 $0x0, s1;
	[sflag:s0] =	ssyncset.done @!p0 $0x0  }
0x82: {  	[sflag:s0] =	ssyncadd.s32 @!p0 s1  }
0x83: {  	[bflag:$0x3] =	sbarrier.arrive $0xFFFF  }
0x84: {  	_ =	shalt  }

</sc_bundles>
